<compile_context>
chip_gen: v7x
topology: tpu7x:2x2x1
jax: 0.10.2.dev20260603
libtpu: 0.0.44.dev20260713+nightly
codegen_flags: <defaults>
</compile_context>

<pallas_src>
import functools

import jax
import jax.numpy as jnp
from jax import lax
from jax.experimental import pallas as pl
from jax.experimental.pallas import tpu as pltpu
from jax.experimental.pallas import tpu_sc as plsc

DIMK = 64
JC = 4
IB = 128
L = 16


def _sc_body(xt_hbm, z_hbm, out_hbm,
             ixa0, ixa1, ixb0, ixb1, oh0, oh1,
             isa0, isa1, isb0, isb1, sem0, sem1):
    nc = 2
    wid = lax.axis_index("s") * nc + lax.axis_index("c")
    i0 = wid * IB
    n_chunks = xt_hbm.shape[0] // JC
    jmax = (n_chunks - 1) * JC

    ones = jnp.full((L,), 1.0, jnp.float32)
    zeros = jnp.zeros((L,), jnp.float32)
    lane = lax.iota(jnp.int32, L)

    def scatter_vals(oh, ix, vals):
        for jj in range(JC):
            for b in range(IB // L):
                xv = ix[jj, pl.ds(L * b, L)]
                plsc.store_scatter(oh.at[jj], [xv, lane + (L * b)], vals)

    def load_ix(g, ix, isem):
        j0 = jnp.minimum(g * JC, jmax)
        pltpu.async_copy(xt_hbm.at[pl.ds(j0, JC), pl.ds(i0, IB)], ix, isem)

    def run_chunk(g, ix, isem, ixo, isemo, oh, sem, first):
        dst = out_hbm.at[pl.ds(g * JC, JC), :, pl.ds(i0, IB)]
        if not first:
            pltpu.make_async_copy(oh, dst, sem).wait()
            scatter_vals(oh, ixo, zeros)
            load_ix(g + 2, ixo, isemo)
        pltpu.make_async_copy(xt_hbm.at[pl.ds(0, JC), pl.ds(i0, IB)],
                              ix, isem).wait()
        scatter_vals(oh, ix, ones)
        pltpu.async_copy(oh, dst, sem)

    load_ix(0, ixa0, isa0)
    load_ix(1, ixa1, isa1)
    load_ix(2, ixb0, isb0)
    load_ix(3, ixb1, isb1)
    pltpu.async_copy(z_hbm, oh0, sem0)
    pltpu.async_copy(z_hbm, oh1, sem1)
    pltpu.make_async_copy(z_hbm, oh0, sem0).wait()
    pltpu.make_async_copy(z_hbm, oh1, sem1).wait()
    run_chunk(0, ixa0, isa0, None, None, oh0, sem0, first=True)
    run_chunk(1, ixa1, isa1, None, None, oh1, sem1, first=True)

    def quad(m, carry):
        g = 4 * m + 2
        run_chunk(g, ixb0, isb0, ixa0, isa0, oh0, sem0, first=False)
        run_chunk(g + 1, ixb1, isb1, ixa1, isa1, oh1, sem1, first=False)
        run_chunk(g + 2, ixa0, isa0, ixb0, isb0, oh0, sem0, first=False)
        run_chunk(g + 3, ixa1, isa1, ixb1, isb1, oh1, sem1, first=False)
        return carry

    lax.fori_loop(0, (n_chunks - 2) // 4, quad, 0, unroll=False)

    dst0 = out_hbm.at[pl.ds(0, JC), :, pl.ds(i0, IB)]
    src0 = xt_hbm.at[pl.ds(0, JC), pl.ds(i0, IB)]
    pltpu.make_async_copy(oh0, dst0, sem0).wait()
    pltpu.make_async_copy(oh1, dst0, sem1).wait()
    pltpu.make_async_copy(src0, ixb0, isb0).wait()
    pltpu.make_async_copy(src0, ixb1, isb1).wait()


def kernel(x, I):
    nj = x.shape[1]
    ni = x.shape[0]
    xt = jnp.transpose(x)
    z = jnp.zeros((JC, DIMK, IB), jnp.float32)
    mesh = plsc.VectorSubcoreMesh(core_axis_name="c", subcore_axis_name="s")
    f = functools.partial(
        pl.kernel,
        mesh=mesh,
        out_type=jax.ShapeDtypeStruct((nj, DIMK, ni), jnp.float32),
        scratch_types=[
            pltpu.VMEM((JC, IB), jnp.int32),
            pltpu.VMEM((JC, IB), jnp.int32),
            pltpu.VMEM((JC, IB), jnp.int32),
            pltpu.VMEM((JC, IB), jnp.int32),
            pltpu.VMEM((JC, DIMK, IB), jnp.float32),
            pltpu.VMEM((JC, DIMK, IB), jnp.float32),
            pltpu.SemaphoreType.DMA,
            pltpu.SemaphoreType.DMA,
            pltpu.SemaphoreType.DMA,
            pltpu.SemaphoreType.DMA,
            pltpu.SemaphoreType.DMA,
            pltpu.SemaphoreType.DMA,
        ],
        compiler_params=pltpu.CompilerParams(
            needs_layout_passes=False,
        ),
    )(_sc_body)
    outT = f(xt, z)
    return jnp.transpose(outT, (2, 0, 1))

# --- scband reference (transcript-rebuilt; emitter-appended) ---
"""Pipeline reference for scband-positional-encoding-13108240188006 (READ-ONLY COPY).

The authoritative reference and input builder live on the scoring server;
editing this copy changes nothing except your own understanding.
"""

import jax, jax.numpy as jnp
import numpy as np

DIM = 64

def setup_inputs(seed: int = 0) -> dict:
    key = jax.random.key(seed)
    k1, _ = jax.random.split(key)
    x = jax.random.randint(k1, (4096, 200), 0, DIM, dtype=jnp.int32)
    I = jnp.eye(DIM, dtype=jnp.float32)  # identity 'codebook' (byte in torch, float here so the lookup math is identical after .float())
    return {"x": x, "I": I}

def reference(x, I):
    # torch: index_select(I, 0, x.reshape(-1)).reshape(*x.shape, dim).float()
    out_shape = tuple(x.shape) + (I.shape[0],)
    flat = jnp.take(I, x.reshape(-1), axis=0)
    return flat.reshape(out_shape).astype(jnp.float32)

if __name__ == "__main__":
    import jax
    _d = setup_inputs()
    print(jax.jit(kernel)(*tuple(_d.values())))

</pallas_src>

<mosaic_0001>
#map = affine_map<(d0, d1) -> (0, 0)>
#map1 = affine_map<(d0, d1) -> (0, 0, 0)>
module attributes {stable_mosaic.version = 14 : i64} {
  func.func @_sc_body(%arg0: i32, %arg1: i32, %arg2: memref<200x4096xi32, #tpu.memory_space<hbm>>, %arg3: memref<4x64x128xf32, #tpu.memory_space<hbm>>, %arg4: memref<200x64x4096xf32, #tpu.memory_space<hbm>>, %arg5: memref<4x128xi32, #tpu.memory_space<vmem>>, %arg6: memref<4x128xi32, #tpu.memory_space<vmem>>, %arg7: memref<4x128xi32, #tpu.memory_space<vmem>>, %arg8: memref<4x128xi32, #tpu.memory_space<vmem>>, %arg9: memref<4x64x128xf32, #tpu.memory_space<vmem>>, %arg10: memref<4x64x128xf32, #tpu.memory_space<vmem>>, %arg11: memref<!tpu.dma_semaphore, #tpu.memory_space<semaphore_mem>>, %arg12: memref<!tpu.dma_semaphore, #tpu.memory_space<semaphore_mem>>, %arg13: memref<!tpu.dma_semaphore, #tpu.memory_space<semaphore_mem>>, %arg14: memref<!tpu.dma_semaphore, #tpu.memory_space<semaphore_mem>>, %arg15: memref<!tpu.dma_semaphore, #tpu.memory_space<semaphore_mem>>, %arg16: memref<!tpu.dma_semaphore, #tpu.memory_space<semaphore_mem>>) attributes {dimension_semantics = [#tpu.dimension_semantics<core_parallel>, #tpu.dimension_semantics<subcore_parallel>], iteration_bounds = array<i64: 2, 16>, scalar_prefetch = 0 : i64, scratch_operands = 12 : i64, tpu.core_type = #tpu.core_type<sc_vector_subcore>, window_params = [{transform_indices = #map}, {transform_indices = #map1}, {transform_indices = #map1}]} {
    %mul3A = arith.constant 2 : i32
    %mul3A_0 = arith.muli %arg1, %mul3A : i32
    %add3A = arith.addi %mul3A_0, %arg0 : i32
    %mul3A_1 = arith.constant 128 : i32
    %mul3A_2 = arith.muli %add3A, %mul3A_1 : i32
    %broadcast_in_dim3A = arith.constant 1.000000e+00 : f32
    %broadcast_in_dim3A_3 = vector.broadcast %broadcast_in_dim3A : f32 to vector<16xf32>
    %broadcast_in_dim3A_4 = arith.constant 0.000000e+00 : f32
    %broadcast_in_dim3A_5 = vector.broadcast %broadcast_in_dim3A_4 : f32 to vector<16xf32>
    %iota3A = tpu.iota {dimensions = array<i32: 0>} : vector<16xi32>
    %min3A = arith.constant 0 : i32
    %min3A_6 = arith.constant 196 : i32
    %min3A_7 = arith.minsi %min3A, %min3A_6 : i32
    %dma_start3A = tpu.memref_slice %arg2[%min3A_7, %mul3A_2] : memref<200x4096xi32, #tpu.memory_space<hbm>> -> memref<4x128xi32, #tpu.memory_space<hbm>>
    %dma_start3A_8 = tpu.memref_slice %arg2[%min3A_7, %mul3A_2] : memref<200x4096xi32, #tpu.memory_space<hbm>> -> memref<4x128xi32, #tpu.memory_space<hbm>>
    tpu.enqueue_dma source(%dma_start3A_8 : memref<4x128xi32, #tpu.memory_space<hbm>>) target(%arg5 : memref<4x128xi32, #tpu.memory_space<vmem>>) target_semaphore(%arg11 : memref<!tpu.dma_semaphore, #tpu.memory_space<semaphore_mem>>)
    %min3A_9 = arith.constant 4 : i32
    %min3A_10 = arith.constant 196 : i32
    %min3A_11 = arith.minsi %min3A_9, %min3A_10 : i32
    %dma_start3A_12 = tpu.memref_slice %arg2[%min3A_11, %mul3A_2] : memref<200x4096xi32, #tpu.memory_space<hbm>> -> memref<4x128xi32, #tpu.memory_space<hbm>>
    %dma_start3A_13 = tpu.memref_slice %arg2[%min3A_11, %mul3A_2] : memref<200x4096xi32, #tpu.memory_space<hbm>> -> memref<4x128xi32, #tpu.memory_space<hbm>>
    tpu.enqueue_dma source(%dma_start3A_13 : memref<4x128xi32, #tpu.memory_space<hbm>>) target(%arg6 : memref<4x128xi32, #tpu.memory_space<vmem>>) target_semaphore(%arg12 : memref<!tpu.dma_semaphore, #tpu.memory_space<semaphore_mem>>)
    %min3A_14 = arith.constant 8 : i32
    %min3A_15 = arith.constant 196 : i32
    %min3A_16 = arith.minsi %min3A_14, %min3A_15 : i32
    %dma_start3A_17 = tpu.memref_slice %arg2[%min3A_16, %mul3A_2] : memref<200x4096xi32, #tpu.memory_space<hbm>> -> memref<4x128xi32, #tpu.memory_space<hbm>>
    %dma_start3A_18 = tpu.memref_slice %arg2[%min3A_16, %mul3A_2] : memref<200x4096xi32, #tpu.memory_space<hbm>> -> memref<4x128xi32, #tpu.memory_space<hbm>>
    tpu.enqueue_dma source(%dma_start3A_18 : memref<4x128xi32, #tpu.memory_space<hbm>>) target(%arg7 : memref<4x128xi32, #tpu.memory_space<vmem>>) target_semaphore(%arg13 : memref<!tpu.dma_semaphore, #tpu.memory_space<semaphore_mem>>)
    %min3A_19 = arith.constant 12 : i32
    %min3A_20 = arith.constant 196 : i32
    %min3A_21 = arith.minsi %min3A_19, %min3A_20 : i32
    %dma_start3A_22 = tpu.memref_slice %arg2[%min3A_21, %mul3A_2] : memref<200x4096xi32, #tpu.memory_space<hbm>> -> memref<4x128xi32, #tpu.memory_space<hbm>>
    %dma_start3A_23 = tpu.memref_slice %arg2[%min3A_21, %mul3A_2] : memref<200x4096xi32, #tpu.memory_space<hbm>> -> memref<4x128xi32, #tpu.memory_space<hbm>>
    tpu.enqueue_dma source(%dma_start3A_23 : memref<4x128xi32, #tpu.memory_space<hbm>>) target(%arg8 : memref<4x128xi32, #tpu.memory_space<vmem>>) target_semaphore(%arg14 : memref<!tpu.dma_semaphore, #tpu.memory_space<semaphore_mem>>)
    tpu.enqueue_dma source(%arg3 : memref<4x64x128xf32, #tpu.memory_space<hbm>>) target(%arg9 : memref<4x64x128xf32, #tpu.memory_space<vmem>>) target_semaphore(%arg15 : memref<!tpu.dma_semaphore, #tpu.memory_space<semaphore_mem>>)
    tpu.enqueue_dma source(%arg3 : memref<4x64x128xf32, #tpu.memory_space<hbm>>) target(%arg10 : memref<4x64x128xf32, #tpu.memory_space<vmem>>) target_semaphore(%arg16 : memref<!tpu.dma_semaphore, #tpu.memory_space<semaphore_mem>>)
    tpu.wait_dma2 semaphore(%arg15 : memref<!tpu.dma_semaphore, #tpu.memory_space<semaphore_mem>>) src(%arg3 : memref<4x64x128xf32, #tpu.memory_space<hbm>>) dst(%arg9 : memref<4x64x128xf32, #tpu.memory_space<vmem>>)
    tpu.wait_dma2 semaphore(%arg16 : memref<!tpu.dma_semaphore, #tpu.memory_space<semaphore_mem>>) src(%arg3 : memref<4x64x128xf32, #tpu.memory_space<hbm>>) dst(%arg10 : memref<4x64x128xf32, #tpu.memory_space<vmem>>)
    %dma_wait3A = arith.constant 0 : i32
    %dma_wait3A_24 = tpu.memref_slice %arg2[%dma_wait3A, %mul3A_2] : memref<200x4096xi32, #tpu.memory_space<hbm>> -> memref<4x128xi32, #tpu.memory_space<hbm>>
    %dma_wait3A_25 = arith.constant 0 : i32
    %dma_wait3A_26 = tpu.memref_slice %arg2[%dma_wait3A_25, %mul3A_2] : memref<200x4096xi32, #tpu.memory_space<hbm>> -> memref<4x128xi32, #tpu.memory_space<hbm>>
    tpu.wait_dma2 semaphore(%arg11 : memref<!tpu.dma_semaphore, #tpu.memory_space<semaphore_mem>>) src(%dma_wait3A_26 : memref<4x128xi32, #tpu.memory_space<hbm>>) dst(%arg5 : memref<4x128xi32, #tpu.memory_space<vmem>>)
    %get3A = arith.constant 0 : i32
    %get3A_27 = arith.index_cast %get3A : i32 to index
    %get3A_28 = arith.constant 0 : index
    %get3A_29 = tpu.vector_load %arg5[%get3A_27, %get3A_28] {strides = array<i32>} : memref<4x128xi32, #tpu.memory_space<vmem>>, vector<16xi32>,
    %add3A_30 = arith.constant 0 : i32
    %add3A_31 = vector.broadcast %add3A_30 : i32 to vector<16xi32>
    %add3A_32 = arith.addi %iota3A, %add3A_31 : vector<16xi32>
    %scatter3A = arith.constant 0 : i32
    %scatter3A_33 = arith.constant 0 : i32
    %scatter3A_34 = arith.constant 0 : i32
    %scatter3A_35 = tpu.memref_slice %arg9[%scatter3A, %scatter3A_33, %scatter3A_34] : memref<4x64x128xf32, #tpu.memory_space<vmem>> -> memref<1x64x128xf32, #tpu.memory_space<vmem>>
    %scatter3A_36 = tpu.memref_squeeze %scatter3A_35 : memref<1x64x128xf32, #tpu.memory_space<vmem>> -> memref<64x128xf32, #tpu.memory_space<vmem>>
    tpu.vector_store_idx %scatter3A_36[%get3A_29, %add3A_32], %broadcast_in_dim3A_3 : memref<64x128xf32, #tpu.memory_space<vmem>>[vector<16xi32>, vector<16xi32>], vector<16xf32>,
    %get3A_37 = arith.constant 0 : i32
    %get3A_38 = arith.index_cast %get3A_37 : i32 to index
    %get3A_39 = arith.constant 16 : index
    %get3A_40 = tpu.vector_load %arg5[%get3A_38, %get3A_39] {strides = array<i32>} : memref<4x128xi32, #tpu.memory_space<vmem>>, vector<16xi32>,
    %add3A_41 = arith.constant 16 : i32
    %add3A_42 = vector.broadcast %add3A_41 : i32 to vector<16xi32>
    %add3A_43 = arith.addi %iota3A, %add3A_42 : vector<16xi32>
    %scatter3A_44 = arith.constant 0 : i32
    %scatter3A_45 = arith.constant 0 : i32
    %scatter3A_46 = arith.constant 0 : i32
    %scatter3A_47 = tpu.memref_slice %arg9[%scatter3A_44, %scatter3A_45, %scatter3A_46] : memref<4x64x128xf32, #tpu.memory_space<vmem>> -> memref<1x64x128xf32, #tpu.memory_space<vmem>>
    %scatter3A_48 = tpu.memref_squeeze %scatter3A_47 : memref<1x64x128xf32, #tpu.memory_space<vmem>> -> memref<64x128xf32, #tpu.memory_space<vmem>>
    tpu.vector_store_idx %scatter3A_48[%get3A_40, %add3A_43], %broadcast_in_dim3A_3 : memref<64x128xf32, #tpu.memory_space<vmem>>[vector<16xi32>, vector<16xi32>], vector<16xf32>,
    %get3A_49 = arith.constant 0 : i32
    %get3A_50 = arith.index_cast %get3A_49 : i32 to index
    %get3A_51 = arith.constant 32 : index
    %get3A_52 = tpu.vector_load %arg5[%get3A_50, %get3A_51] {strides = array<i32>} : memref<4x128xi32, #tpu.memory_space<vmem>>, vector<16xi32>,
    %add3A_53 = arith.constant 32 : i32
    %add3A_54 = vector.broadcast %add3A_53 : i32 to vector<16xi32>
    %add3A_55 = arith.addi %iota3A, %add3A_54 : vector<16xi32>
    %scatter3A_56 = arith.constant 0 : i32
    %scatter3A_57 = arith.constant 0 : i32
    %scatter3A_58 = arith.constant 0 : i32
    %scatter3A_59 = tpu.memref_slice %arg9[%scatter3A_56, %scatter3A_57, %scatter3A_58] : memref<4x64x128xf32, #tpu.memory_space<vmem>> -> memref<1x64x128xf32, #tpu.memory_space<vmem>>
    %scatter3A_60 = tpu.memref_squeeze %scatter3A_59 : memref<1x64x128xf32, #tpu.memory_space<vmem>> -> memref<64x128xf32, #tpu.memory_space<vmem>>
    tpu.vector_store_idx %scatter3A_60[%get3A_52, %add3A_55], %broadcast_in_dim3A_3 : memref<64x128xf32, #tpu.memory_space<vmem>>[vector<16xi32>, vector<16xi32>], vector<16xf32>,
    %get3A_61 = arith.constant 0 : i32
    %get3A_62 = arith.index_cast %get3A_61 : i32 to index
    %get3A_63 = arith.constant 48 : index
    %get3A_64 = tpu.vector_load %arg5[%get3A_62, %get3A_63] {strides = array<i32>} : memref<4x128xi32, #tpu.memory_space<vmem>>, vector<16xi32>,
    %add3A_65 = arith.constant 48 : i32
    %add3A_66 = vector.broadcast %add3A_65 : i32 to vector<16xi32>
    %add3A_67 = arith.addi %iota3A, %add3A_66 : vector<16xi32>
    %scatter3A_68 = arith.constant 0 : i32
    %scatter3A_69 = arith.constant 0 : i32
    %scatter3A_70 = arith.constant 0 : i32
    %scatter3A_71 = tpu.memref_slice %arg9[%scatter3A_68, %scatter3A_69, %scatter3A_70] : memref<4x64x128xf32, #tpu.memory_space<vmem>> -> memref<1x64x128xf32, #tpu.memory_space<vmem>>
    %scatter3A_72 = tpu.memref_squeeze %scatter3A_71 : memref<1x64x128xf32, #tpu.memory_space<vmem>> -> memref<64x128xf32, #tpu.memory_space<vmem>>
    tpu.vector_store_idx %scatter3A_72[%get3A_64, %add3A_67], %broadcast_in_dim3A_3 : memref<64x128xf32, #tpu.memory_space<vmem>>[vector<16xi32>, vector<16xi32>], vector<16xf32>,
    %get3A_73 = arith.constant 0 : i32
    %get3A_74 = arith.index_cast %get3A_73 : i32 to index
    %get3A_75 = arith.constant 64 : index
    %get3A_76 = tpu.vector_load %arg5[%get3A_74, %get3A_75] {strides = array<i32>} : memref<4x128xi32, #tpu.memory_space<vmem>>, vector<16xi32>,
    %add3A_77 = arith.constant 64 : i32
    %add3A_78 = vector.broadcast %add3A_77 : i32 to vector<16xi32>
    %add3A_79 = arith.addi %iota3A, %add3A_78 : vector<16xi32>
    %scatter3A_80 = arith.constant 0 : i32
    %scatter3A_81 = arith.constant 0 : i32
    %scatter3A_82 = arith.constant 0 : i32
    %scatter3A_83 = tpu.memref_slice %arg9[%scatter3A_80, %scatter3A_81, %scatter3A_82] : memref<4x64x128xf32, #tpu.memory_space<vmem>> -> memref<1x64x128xf32, #tpu.memory_space<vmem>>
    %scatter3A_84 = tpu.memref_squeeze %scatter3A_83 : memref<1x64x128xf32, #tpu.memory_space<vmem>> -> memref<64x128xf32, #tpu.memory_space<vmem>>
    tpu.vector_store_idx %scatter3A_84[%get3A_76, %add3A_79], %broadcast_in_dim3A_3 : memref<64x128xf32, #tpu.memory_space<vmem>>[vector<16xi32>, vector<16xi32>], vector<16xf32>,
    %get3A_85 = arith.constant 0 : i32
    %get3A_86 = arith.index_cast %get3A_85 : i32 to index
    %get3A_87 = arith.constant 80 : index
    %get3A_88 = tpu.vector_load %arg5[%get3A_86, %get3A_87] {strides = array<i32>} : memref<4x128xi32, #tpu.memory_space<vmem>>, vector<16xi32>,
    %add3A_89 = arith.constant 80 : i32
    %add3A_90 = vector.broadcast %add3A_89 : i32 to vector<16xi32>
    %add3A_91 = arith.addi %iota3A, %add3A_90 : vector<16xi32>
    %scatter3A_92 = arith.constant 0 : i32
    %scatter3A_93 = arith.constant 0 : i32
    %scatter3A_94 = arith.constant 0 : i32
    %scatter3A_95 = tpu.memref_slice %arg9[%scatter3A_92, %scatter3A_93, %scatter3A_94] : memref<4x64x128xf32, #tpu.memory_space<vmem>> -> memref<1x64x128xf32, #tpu.memory_space<vmem>>
    %scatter3A_96 = tpu.memref_squeeze %scatter3A_95 : memref<1x64x128xf32, #tpu.memory_space<vmem>> -> memref<64x128xf32, #tpu.memory_space<vmem>>
    tpu.vector_store_idx %scatter3A_96[%get3A_88, %add3A_91], %broadcast_in_dim3A_3 : memref<64x128xf32, #tpu.memory_space<vmem>>[vector<16xi32>, vector<16xi32>], vector<16xf32>,
    %get3A_97 = arith.constant 0 : i32
    %get3A_98 = arith.index_cast %get3A_97 : i32 to index
    %get3A_99 = arith.constant 96 : index
    %get3A_100 = tpu.vector_load %arg5[%get3A_98, %get3A_99] {strides = array<i32>} : memref<4x128xi32, #tpu.memory_space<vmem>>, vector<16xi32>,
    %add3A_101 = arith.constant 96 : i32
    %add3A_102 = vector.broadcast %add3A_101 : i32 to vector<16xi32>
    %add3A_103 = arith.addi %iota3A, %add3A_102 : vector<16xi32>
    %scatter3A_104 = arith.constant 0 : i32
    %scatter3A_105 = arith.constant 0 : i32
    %scatter3A_106 = arith.constant 0 : i32
    %scatter3A_107 = tpu.memref_slice %arg9[%scatter3A_104, %scatter3A_105, %scatter3A_106] : memref<4x64x128xf32, #tpu.memory_space<vmem>> -> memref<1x64x128xf32, #tpu.memory_space<vmem>>
    %scatter3A_108 = tpu.memref_squeeze %scatter3A_107 : memref<1x64x128xf32, #tpu.memory_space<vmem>> -> memref<64x128xf32, #tpu.memory_space<vmem>>
    tpu.vector_store_idx %scatter3A_108[%get3A_100, %add3A_103], %broadcast_in_dim3A_3 : memref<64x128xf32, #tpu.memory_space<vmem>>[vector<16xi32>, vector<16xi32>], vector<16xf32>,
    %get3A_109 = arith.constant 0 : i32
    %get3A_110 = arith.index_cast %get3A_109 : i32 to index
    %get3A_111 = arith.constant 112 : index
    %get3A_112 = tpu.vector_load %arg5[%get3A_110, %get3A_111] {strides = array<i32>} : memref<4x128xi32, #tpu.memory_space<vmem>>, vector<16xi32>,
    %add3A_113 = arith.constant 112 : i32
    %add3A_114 = vector.broadcast %add3A_113 : i32 to vector<16xi32>
    %add3A_115 = arith.addi %iota3A, %add3A_114 : vector<16xi32>
    %scatter3A_116 = arith.constant 0 : i32
    %scatter3A_117 = arith.constant 0 : i32
    %scatter3A_118 = arith.constant 0 : i32
    %scatter3A_119 = tpu.memref_slice %arg9[%scatter3A_116, %scatter3A_117, %scatter3A_118] : memref<4x64x128xf32, #tpu.memory_space<vmem>> -> memref<1x64x128xf32, #tpu.memory_space<vmem>>
    %scatter3A_120 = tpu.memref_squeeze %scatter3A_119 : memref<1x64x128xf32, #tpu.memory_space<vmem>> -> memref<64x128xf32, #tpu.memory_space<vmem>>
    tpu.vector_store_idx %scatter3A_120[%get3A_112, %add3A_115], %broadcast_in_dim3A_3 : memref<64x128xf32, #tpu.memory_space<vmem>>[vector<16xi32>, vector<16xi32>], vector<16xf32>,
    %get3A_121 = arith.constant 1 : i32
    %get3A_122 = arith.index_cast %get3A_121 : i32 to index
    %get3A_123 = arith.constant 0 : index
    %get3A_124 = tpu.vector_load %arg5[%get3A_122, %get3A_123] {strides = array<i32>} : memref<4x128xi32, #tpu.memory_space<vmem>>, vector<16xi32>,
    %add3A_125 = arith.constant 0 : i32
    %add3A_126 = vector.broadcast %add3A_125 : i32 to vector<16xi32>
    %add3A_127 = arith.addi %iota3A, %add3A_126 : vector<16xi32>
    %scatter3A_128 = arith.constant 1 : i32
    %scatter3A_129 = arith.constant 0 : i32
    %scatter3A_130 = arith.constant 0 : i32
    %scatter3A_131 = tpu.memref_slice %arg9[%scatter3A_128, %scatter3A_129, %scatter3A_130] : memref<4x64x128xf32, #tpu.memory_space<vmem>> -> memref<1x64x128xf32, #tpu.memory_space<vmem>>
    %scatter3A_132 = tpu.memref_squeeze %scatter3A_131 : memref<1x64x128xf32, #tpu.memory_space<vmem>> -> memref<64x128xf32, #tpu.memory_space<vmem>>
    tpu.vector_store_idx %scatter3A_132[%get3A_124, %add3A_127], %broadcast_in_dim3A_3 : memref<64x128xf32, #tpu.memory_space<vmem>>[vector<16xi32>, vector<16xi32>], vector<16xf32>,
    %get3A_133 = arith.constant 1 : i32
    %get3A_134 = arith.index_cast %get3A_133 : i32 to index
    %get3A_135 = arith.constant 16 : index
    %get3A_136 = tpu.vector_load %arg5[%get3A_134, %get3A_135] {strides = array<i32>} : memref<4x128xi32, #tpu.memory_space<vmem>>, vector<16xi32>,
    %add3A_137 = arith.constant 16 : i32
    %add3A_138 = vector.broadcast %add3A_137 : i32 to vector<16xi32>
    %add3A_139 = arith.addi %iota3A, %add3A_138 : vector<16xi32>
    %scatter3A_140 = arith.constant 1 : i32
    %scatter3A_141 = arith.constant 0 : i32
    %scatter3A_142 = arith.constant 0 : i32
    %scatter3A_143 = tpu.memref_slice %arg9[%scatter3A_140, %scatter3A_141, %scatter3A_142] : memref<4x64x128xf32, #tpu.memory_space<vmem>> -> memref<1x64x128xf32, #tpu.memory_space<vmem>>
    %scatter3A_144 = tpu.memref_squeeze %scatter3A_143 : memref<1x64x128xf32, #tpu.memory_space<vmem>> -> memref<64x128xf32, #tpu.memory_space<vmem>>
    tpu.vector_store_idx %scatter3A_144[%get3A_136, %add3A_139], %broadcast_in_dim3A_3 : memref<64x128xf32, #tpu.memory_space<vmem>>[vector<16xi32>, vector<16xi32>], vector<16xf32>,
    %get3A_145 = arith.constant 1 : i32
    %get3A_146 = arith.index_cast %get3A_145 : i32 to index
    %get3A_147 = arith.constant 32 : index
    %get3A_148 = tpu.vector_load %arg5[%get3A_146, %get3A_147] {strides = array<i32>} : memref<4x128xi32, #tpu.memory_space<vmem>>, vector<16xi32>,
    %add3A_149 = arith.constant 32 : i32
    %add3A_150 = vector.broadcast %add3A_149 : i32 to vector<16xi32>
    %add3A_151 = arith.addi %iota3A, %add3A_150 : vector<16xi32>
    %scatter3A_152 = arith.constant 1 : i32
    %scatter3A_153 = arith.constant 0 : i32
    %scatter3A_154 = arith.constant 0 : i32
    %scatter3A_155 = tpu.memref_slice %arg9[%scatter3A_152, %scatter3A_153, %scatter3A_154] : memref<4x64x128xf32, #tpu.memory_space<vmem>> -> memref<1x64x128xf32, #tpu.memory_space<vmem>>
    %scatter3A_156 = tpu.memref_squeeze %scatter3A_155 : memref<1x64x128xf32, #tpu.memory_space<vmem>> -> memref<64x128xf32, #tpu.memory_space<vmem>>
    tpu.vector_store_idx %scatter3A_156[%get3A_148, %add3A_151], %broadcast_in_dim3A_3 : memref<64x128xf32, #tpu.memory_space<vmem>>[vector<16xi32>, vector<16xi32>], vector<16xf32>,
    %get3A_157 = arith.constant 1 : i32
    %get3A_158 = arith.index_cast %get3A_157 : i32 to index
    %get3A_159 = arith.constant 48 : index
    %get3A_160 = tpu.vector_load %arg5[%get3A_158, %get3A_159] {strides = array<i32>} : memref<4x128xi32, #tpu.memory_space<vmem>>, vector<16xi32>,
    %add3A_161 = arith.constant 48 : i32
    %add3A_162 = vector.broadcast %add3A_161 : i32 to vector<16xi32>
    %add3A_163 = arith.addi %iota3A, %add3A_162 : vector<16xi32>
    %scatter3A_164 = arith.constant 1 : i32
    %scatter3A_165 = arith.constant 0 : i32
    %scatter3A_166 = arith.constant 0 : i32
    %scatter3A_167 = tpu.memref_slice %arg9[%scatter3A_164, %scatter3A_165, %scatter3A_166] : memref<4x64x128xf32, #tpu.memory_space<vmem>> -> memref<1x64x128xf32, #tpu.memory_space<vmem>>
    %scatter3A_168 = tpu.memref_squeeze %scatter3A_167 : memref<1x64x128xf32, #tpu.memory_space<vmem>> -> memref<64x128xf32, #tpu.memory_space<vmem>>
    tpu.vector_store_idx %scatter3A_168[%get3A_160, %add3A_163], %broadcast_in_dim3A_3 : memref<64x128xf32, #tpu.memory_space<vmem>>[vector<16xi32>, vector<16xi32>], vector<16xf32>,
    %get3A_169 = arith.constant 1 : i32
    %get3A_170 = arith.index_cast %get3A_169 : i32 to index
    %get3A_171 = arith.constant 64 : index
    %get3A_172 = tpu.vector_load %arg5[%get3A_170, %get3A_171] {strides = array<i32>} : memref<4x128xi32, #tpu.memory_space<vmem>>, vector<16xi32>,
    %add3A_173 = arith.constant 64 : i32
    %add3A_174 = vector.broadcast %add3A_173 : i32 to vector<16xi32>
    %add3A_175 = arith.addi %iota3A, %add3A_174 : vector<16xi32>
    %scatter3A_176 = arith.constant 1 : i32
    %scatter3A_177 = arith.constant 0 : i32
    %scatter3A_178 = arith.constant 0 : i32
    %scatter3A_179 = tpu.memref_slice %arg9[%scatter3A_176, %scatter3A_177, %scatter3A_178] : memref<4x64x128xf32, #tpu.memory_space<vmem>> -> memref<1x64x128xf32, #tpu.memory_space<vmem>>
    %scatter3A_180 = tpu.memref_squeeze %scatter3A_179 : memref<1x64x128xf32, #tpu.memory_space<vmem>> -> memref<64x128xf32, #tpu.memory_space<vmem>>
    tpu.vector_store_idx %scatter3A_180[%get3A_172, %add3A_175], %broadcast_in_dim3A_3 : memref<64x128xf32, #tpu.memory_space<vmem>>[vector<16xi32>, vector<16xi32>], vector<16xf32>,
    %get3A_181 = arith.constant 1 : i32
    %get3A_182 = arith.index_cast %get3A_181 : i32 to index
    %get3A_183 = arith.constant 80 : index
    %get3A_184 = tpu.vector_load %arg5[%get3A_182, %get3A_183] {strides = array<i32>} : memref<4x128xi32, #tpu.memory_space<vmem>>, vector<16xi32>,
    %add3A_185 = arith.constant 80 : i32
    %add3A_186 = vector.broadcast %add3A_185 : i32 to vector<16xi32>
    %add3A_187 = arith.addi %iota3A, %add3A_186 : vector<16xi32>
    %scatter3A_188 = arith.constant 1 : i32
    %scatter3A_189 = arith.constant 0 : i32
    %scatter3A_190 = arith.constant 0 : i32
    %scatter3A_191 = tpu.memref_slice %arg9[%scatter3A_188, %scatter3A_189, %scatter3A_190] : memref<4x64x128xf32, #tpu.memory_space<vmem>> -> memref<1x64x128xf32, #tpu.memory_space<vmem>>
    %scatter3A_192 = tpu.memref_squeeze %scatter3A_191 : memref<1x64x128xf32, #tpu.memory_space<vmem>> -> memref<64x128xf32, #tpu.memory_space<vmem>>
    tpu.vector_store_idx %scatter3A_192[%get3A_184, %add3A_187], %broadcast_in_dim3A_3 : memref<64x128xf32, #tpu.memory_space<vmem>>[vector<16xi32>, vector<16xi32>], vector<16xf32>,
    %get3A_193 = arith.constant 1 : i32
    %get3A_194 = arith.index_cast %get3A_193 : i32 to index
    %get3A_195 = arith.constant 96 : index
    %get3A_196 = tpu.vector_load %arg5[%get3A_194, %get3A_195] {strides = array<i32>} : memref<4x128xi32, #tpu.memory_space<vmem>>, vector<16xi32>,
    %add3A_197 = arith.constant 96 : i32
    %add3A_198 = vector.broadcast %add3A_197 : i32 to vector<16xi32>
    %add3A_199 = arith.addi %iota3A, %add3A_198 : vector<16xi32>
    %scatter3A_200 = arith.constant 1 : i32
    %scatter3A_201 = arith.constant 0 : i32
    %scatter3A_202 = arith.constant 0 : i32
    %scatter3A_203 = tpu.memref_slice %arg9[%scatter3A_200, %scatter3A_201, %scatter3A_202] : memref<4x64x128xf32, #tpu.memory_space<vmem>> -> memref<1x64x128xf32, #tpu.memory_space<vmem>>
    %scatter3A_204 = tpu.memref_squeeze %scatter3A_203 : memref<1x64x128xf32, #tpu.memory_space<vmem>> -> memref<64x128xf32, #tpu.memory_space<vmem>>
    tpu.vector_store_idx %scatter3A_204[%get3A_196, %add3A_199], %broadcast_in_dim3A_3 : memref<64x128xf32, #tpu.memory_space<vmem>>[vector<16xi32>, vector<16xi32>], vector<16xf32>,
    %get3A_205 = arith.constant 1 : i32
    %get3A_206 = arith.index_cast %get3A_205 : i32 to index
    %get3A_207 = arith.constant 112 : index
    %get3A_208 = tpu.vector_load %arg5[%get3A_206, %get3A_207] {strides = array<i32>} : memref<4x128xi32, #tpu.memory_space<vmem>>, vector<16xi32>,
    %add3A_209 = arith.constant 112 : i32
    %add3A_210 = vector.broadcast %add3A_209 : i32 to vector<16xi32>
    %add3A_211 = arith.addi %iota3A, %add3A_210 : vector<16xi32>
    %scatter3A_212 = arith.constant 1 : i32
    %scatter3A_213 = arith.constant 0 : i32
    %scatter3A_214 = arith.constant 0 : i32
    %scatter3A_215 = tpu.memref_slice %arg9[%scatter3A_212, %scatter3A_213, %scatter3A_214] : memref<4x64x128xf32, #tpu.memory_space<vmem>> -> memref<1x64x128xf32, #tpu.memory_space<vmem>>
    %scatter3A_216 = tpu.memref_squeeze %scatter3A_215 : memref<1x64x128xf32, #tpu.memory_space<vmem>> -> memref<64x128xf32, #tpu.memory_space<vmem>>
    tpu.vector_store_idx %scatter3A_216[%get3A_208, %add3A_211], %broadcast_in_dim3A_3 : memref<64x128xf32, #tpu.memory_space<vmem>>[vector<16xi32>, vector<16xi32>], vector<16xf32>,
    %get3A_217 = arith.constant 2 : i32
    %get3A_218 = arith.index_cast %get3A_217 : i32 to index
    %get3A_219 = arith.constant 0 : index
    %get3A_220 = tpu.vector_load %arg5[%get3A_218, %get3A_219] {strides = array<i32>} : memref<4x128xi32, #tpu.memory_space<vmem>>, vector<16xi32>,
    %add3A_221 = arith.constant 0 : i32
    %add3A_222 = vector.broadcast %add3A_221 : i32 to vector<16xi32>
    %add3A_223 = arith.addi %iota3A, %add3A_222 : vector<16xi32>
    %scatter3A_224 = arith.constant 2 : i32
    %scatter3A_225 = arith.constant 0 : i32
    %scatter3A_226 = arith.constant 0 : i32
    %scatter3A_227 = tpu.memref_slice %arg9[%scatter3A_224, %scatter3A_225, %scatter3A_226] : memref<4x64x128xf32, #tpu.memory_space<vmem>> -> memref<1x64x128xf32, #tpu.memory_space<vmem>>
    %scatter3A_228 = tpu.memref_squeeze %scatter3A_227 : memref<1x64x128xf32, #tpu.memory_space<vmem>> -> memref<64x128xf32, #tpu.memory_space<vmem>>
    tpu.vector_store_idx %scatter3A_228[%get3A_220, %add3A_223], %broadcast_in_dim3A_3 : memref<64x128xf32, #tpu.memory_space<vmem>>[vector<16xi32>, vector<16xi32>], vector<16xf32>,
    %get3A_229 = arith.constant 2 : i32
    %get3A_230 = arith.index_cast %get3A_229 : i32 to index
    %get3A_231 = arith.constant 16 : index
    %get3A_232 = tpu.vector_load %arg5[%get3A_230, %get3A_231] {strides = array<i32>} : memref<4x128xi32, #tpu.memory_space<vmem>>, vector<16xi32>,
    %add3A_233 = arith.constant 16 : i32
    %add3A_234 = vector.broadcast %add3A_233 : i32 to vector<16xi32>
    %add3A_235 = arith.addi %iota3A, %add3A_234 : vector<16xi32>
    %scatter3A_236 = arith.constant 2 : i32
    %scatter3A_237 = arith.constant 0 : i32
    %scatter3A_238 = arith.constant 0 : i32
    %scatter3A_239 = tpu.memref_slice %arg9[%scatter3A_236, %scatter3A_237, %scatter3A_238] : memref<4x64x128xf32, #tpu.memory_space<vmem>> -> memref<1x64x128xf32, #tpu.memory_space<vmem>>
    %scatter3A_240 = tpu.memref_squeeze %scatter3A_239 : memref<1x64x128xf32, #tpu.memory_space<vmem>> -> memref<64x128xf32, #tpu.memory_space<vmem>>
    tpu.vector_store_idx %scatter3A_240[%get3A_232, %add3A_235], %broadcast_in_dim3A_3 : memref<64x128xf32, #tpu.memory_space<vmem>>[vector<16xi32>, vector<16xi32>], vector<16xf32>,
    %get3A_241 = arith.constant 2 : i32
    %get3A_242 = arith.index_cast %get3A_241 : i32 to index
    %get3A_243 = arith.constant 32 : index
    %get3A_244 = tpu.vector_load %arg5[%get3A_242, %get3A_243] {strides = array<i32>} : memref<4x128xi32, #tpu.memory_space<vmem>>, vector<16xi32>,
    %add3A_245 = arith.constant 32 : i32
    %add3A_246 = vector.broadcast %add3A_245 : i32 to vector<16xi32>
    %add3A_247 = arith.addi %iota3A, %add3A_246 : vector<16xi32>
    %scatter3A_248 = arith.constant 2 : i32
    %scatter3A_249 = arith.constant 0 : i32
    %scatter3A_250 = arith.constant 0 : i32
    %scatter3A_251 = tpu.memref_slice %arg9[%scatter3A_248, %scatter3A_249, %scatter3A_250] : memref<4x64x128xf32, #tpu.memory_space<vmem>> -> memref<1x64x128xf32, #tpu.memory_space<vmem>>
    %scatter3A_252 = tpu.memref_squeeze %scatter3A_251 : memref<1x64x128xf32, #tpu.memory_space<vmem>> -> memref<64x128xf32, #tpu.memory_space<vmem>>
    tpu.vector_store_idx %scatter3A_252[%get3A_244, %add3A_247], %broadcast_in_dim3A_3 : memref<64x128xf32, #tpu.memory_space<vmem>>[vector<16xi32>, vector<16xi32>], vector<16xf32>,
    %get3A_253 = arith.constant 2 : i32
    %get3A_254 = arith.index_cast %get3A_253 : i32 to index
    %get3A_255 = arith.constant 48 : index
    %get3A_256 = tpu.vector_load %arg5[%get3A_254, %get3A_255] {strides = array<i32>} : memref<4x128xi32, #tpu.memory_space<vmem>>, vector<16xi32>,
    %add3A_257 = arith.constant 48 : i32
    %add3A_258 = vector.broadcast %add3A_257 : i32 to vector<16xi32>
    %add3A_259 = arith.addi %iota3A, %add3A_258 : vector<16xi32>
    %scatter3A_260 = arith.constant 2 : i32
    %scatter3A_261 = arith.constant 0 : i32
    %scatter3A_262 = arith.constant 0 : i32
    %scatter3A_263 = tpu.memref_slice %arg9[%scatter3A_260, %scatter3A_261, %scatter3A_262] : memref<4x64x128xf32, #tpu.memory_space<vmem>> -> memref<1x64x128xf32, #tpu.memory_space<vmem>>
    %scatter3A_264 = tpu.memref_squeeze %scatter3A_263 : memref<1x64x128xf32, #tpu.memory_space<vmem>> -> memref<64x128xf32, #tpu.memory_space<vmem>>
    tpu.vector_store_idx %scatter3A_264[%get3A_256, %add3A_259], %broadcast_in_dim3A_3 : memref<64x128xf32, #tpu.memory_space<vmem>>[vector<16xi32>, vector<16xi32>], vector<16xf32>,
    %get3A_265 = arith.constant 2 : i32
    %get3A_266 = arith.index_cast %get3A_265 : i32 to index
    %get3A_267 = arith.constant 64 : index
    %get3A_268 = tpu.vector_load %arg5[%get3A_266, %get3A_267] {strides = array<i32>} : memref<4x128xi32, #tpu.memory_space<vmem>>, vector<16xi32>,
    %add3A_269 = arith.constant 64 : i32
    %add3A_270 = vector.broadcast %add3A_269 : i32 to vector<16xi32>
    %add3A_271 = arith.addi %iota3A, %add3A_270 : vector<16xi32>
    %scatter3A_272 = arith.constant 2 : i32
    %scatter3A_273 = arith.constant 0 : i32
    %scatter3A_274 = arith.constant 0 : i32
    %scatter3A_275 = tpu.memref_slice %arg9[%scatter3A_272, %scatter3A_273, %scatter3A_274] : memref<4x64x128xf32, #tpu.memory_space<vmem>> -> memref<1x64x128xf32, #tpu.memory_space<vmem>>
    %scatter3A_276 = tpu.memref_squeeze %scatter3A_275 : memref<1x64x128xf32, #tpu.memory_space<vmem>> -> memref<64x128xf32, #tpu.memory_space<vmem>>
    tpu.vector_store_idx %scatter3A_276[%get3A_268, %add3A_271], %broadcast_in_dim3A_3 : memref<64x128xf32, #tpu.memory_space<vmem>>[vector<16xi32>, vector<16xi32>], vector<16xf32>,
    %get3A_277 = arith.constant 2 : i32
    %get3A_278 = arith.index_cast %get3A_277 : i32 to index
    %get3A_279 = arith.constant 80 : index
    %get3A_280 = tpu.vector_load %arg5[%get3A_278, %get3A_279] {strides = array<i32>} : memref<4x128xi32, #tpu.memory_space<vmem>>, vector<16xi32>,
    %add3A_281 = arith.constant 80 : i32
    %add3A_282 = vector.broadcast %add3A_281 : i32 to vector<16xi32>
    %add3A_283 = arith.addi %iota3A, %add3A_282 : vector<16xi32>
    %scatter3A_284 = arith.constant 2 : i32
    %scatter3A_285 = arith.constant 0 : i32
    %scatter3A_286 = arith.constant 0 : i32
    %scatter3A_287 = tpu.memref_slice %arg9[%scatter3A_284, %scatter3A_285, %scatter3A_286] : memref<4x64x128xf32, #tpu.memory_space<vmem>> -> memref<1x64x128xf32, #tpu.memory_space<vmem>>
    %scatter3A_288 = tpu.memref_squeeze %scatter3A_287 : memref<1x64x128xf32, #tpu.memory_space<vmem>> -> memref<64x128xf32, #tpu.memory_space<vmem>>
    tpu.vector_store_idx %scatter3A_288[%get3A_280, %add3A_283], %broadcast_in_dim3A_3 : memref<64x128xf32, #tpu.memory_space<vmem>>[vector<16xi32>, vector<16xi32>], vector<16xf32>,
    %get3A_289 = arith.constant 2 : i32
    %get3A_290 = arith.index_cast %get3A_289 : i32 to index
    %get3A_291 = arith.constant 96 : index
    %get3A_292 = tpu.vector_load %arg5[%get3A_290, %get3A_291] {strides = array<i32>} : memref<4x128xi32, #tpu.memory_space<vmem>>, vector<16xi32>,
    %add3A_293 = arith.constant 96 : i32
    %add3A_294 = vector.broadcast %add3A_293 : i32 to vector<16xi32>
    %add3A_295 = arith.addi %iota3A, %add3A_294 : vector<16xi32>
    %scatter3A_296 = arith.constant 2 : i32
    %scatter3A_297 = arith.constant 0 : i32
    %scatter3A_298 = arith.constant 0 : i32
    %scatter3A_299 = tpu.memref_slice %arg9[%scatter3A_296, %scatter3A_297, %scatter3A_298] : memref<4x64x128xf32, #tpu.memory_space<vmem>> -> memref<1x64x128xf32, #tpu.memory_space<vmem>>
    %scatter3A_300 = tpu.memref_squeeze %scatter3A_299 : memref<1x64x128xf32, #tpu.memory_space<vmem>> -> memref<64x128xf32, #tpu.memory_space<vmem>>
    tpu.vector_store_idx %scatter3A_300[%get3A_292, %add3A_295], %broadcast_in_dim3A_3 : memref<64x128xf32, #tpu.memory_space<vmem>>[vector<16xi32>, vector<16xi32>], vector<16xf32>,
    %get3A_301 = arith.constant 2 : i32
    %get3A_302 = arith.index_cast %get3A_301 : i32 to index
    %get3A_303 = arith.constant 112 : index
    %get3A_304 = tpu.vector_load %arg5[%get3A_302, %get3A_303] {strides = array<i32>} : memref<4x128xi32, #tpu.memory_space<vmem>>, vector<16xi32>,
    %add3A_305 = arith.constant 112 : i32
    %add3A_306 = vector.broadcast %add3A_305 : i32 to vector<16xi32>
    %add3A_307 = arith.addi %iota3A, %add3A_306 : vector<16xi32>
    %scatter3A_308 = arith.constant 2 : i32
    %scatter3A_309 = arith.constant 0 : i32
    %scatter3A_310 = arith.constant 0 : i32
    %scatter3A_311 = tpu.memref_slice %arg9[%scatter3A_308, %scatter3A_309, %scatter3A_310] : memref<4x64x128xf32, #tpu.memory_space<vmem>> -> memref<1x64x128xf32, #tpu.memory_space<vmem>>
    %scatter3A_312 = tpu.memref_squeeze %scatter3A_311 : memref<1x64x128xf32, #tpu.memory_space<vmem>> -> memref<64x128xf32, #tpu.memory_space<vmem>>
    tpu.vector_store_idx %scatter3A_312[%get3A_304, %add3A_307], %broadcast_in_dim3A_3 : memref<64x128xf32, #tpu.memory_space<vmem>>[vector<16xi32>, vector<16xi32>], vector<16xf32>,
    %get3A_313 = arith.constant 3 : i32
    %get3A_314 = arith.index_cast %get3A_313 : i32 to index
    %get3A_315 = arith.constant 0 : index
    %get3A_316 = tpu.vector_load %arg5[%get3A_314, %get3A_315] {strides = array<i32>} : memref<4x128xi32, #tpu.memory_space<vmem>>, vector<16xi32>,
    %add3A_317 = arith.constant 0 : i32
    %add3A_318 = vector.broadcast %add3A_317 : i32 to vector<16xi32>
    %add3A_319 = arith.addi %iota3A, %add3A_318 : vector<16xi32>
    %scatter3A_320 = arith.constant 3 : i32
    %scatter3A_321 = arith.constant 0 : i32
    %scatter3A_322 = arith.constant 0 : i32
    %scatter3A_323 = tpu.memref_slice %arg9[%scatter3A_320, %scatter3A_321, %scatter3A_322] : memref<4x64x128xf32, #tpu.memory_space<vmem>> -> memref<1x64x128xf32, #tpu.memory_space<vmem>>
    %scatter3A_324 = tpu.memref_squeeze %scatter3A_323 : memref<1x64x128xf32, #tpu.memory_space<vmem>> -> memref<64x128xf32, #tpu.memory_space<vmem>>
    tpu.vector_store_idx %scatter3A_324[%get3A_316, %add3A_319], %broadcast_in_dim3A_3 : memref<64x128xf32, #tpu.memory_space<vmem>>[vector<16xi32>, vector<16xi32>], vector<16xf32>,
    %get3A_325 = arith.constant 3 : i32
    %get3A_326 = arith.index_cast %get3A_325 : i32 to index
    %get3A_327 = arith.constant 16 : index
    %get3A_328 = tpu.vector_load %arg5[%get3A_326, %get3A_327] {strides = array<i32>} : memref<4x128xi32, #tpu.memory_space<vmem>>, vector<16xi32>,
    %add3A_329 = arith.constant 16 : i32
    %add3A_330 = vector.broadcast %add3A_329 : i32 to vector<16xi32>
    %add3A_331 = arith.addi %iota3A, %add3A_330 : vector<16xi32>
    %scatter3A_332 = arith.constant 3 : i32
    %scatter3A_333 = arith.constant 0 : i32
    %scatter3A_334 = arith.constant 0 : i32
    %scatter3A_335 = tpu.memref_slice %arg9[%scatter3A_332, %scatter3A_333, %scatter3A_334] : memref<4x64x128xf32, #tpu.memory_space<vmem>> -> memref<1x64x128xf32, #tpu.memory_space<vmem>>
    %scatter3A_336 = tpu.memref_squeeze %scatter3A_335 : memref<1x64x128xf32, #tpu.memory_space<vmem>> -> memref<64x128xf32, #tpu.memory_space<vmem>>
    tpu.vector_store_idx %scatter3A_336[%get3A_328, %add3A_331], %broadcast_in_dim3A_3 : memref<64x128xf32, #tpu.memory_space<vmem>>[vector<16xi32>, vector<16xi32>], vector<16xf32>,
    %get3A_337 = arith.constant 3 : i32
    %get3A_338 = arith.index_cast %get3A_337 : i32 to index
    %get3A_339 = arith.constant 32 : index
    %get3A_340 = tpu.vector_load %arg5[%get3A_338, %get3A_339] {strides = array<i32>} : memref<4x128xi32, #tpu.memory_space<vmem>>, vector<16xi32>,
    %add3A_341 = arith.constant 32 : i32
    %add3A_342 = vector.broadcast %add3A_341 : i32 to vector<16xi32>
    %add3A_343 = arith.addi %iota3A, %add3A_342 : vector<16xi32>
    %scatter3A_344 = arith.constant 3 : i32
    %scatter3A_345 = arith.constant 0 : i32
    %scatter3A_346 = arith.constant 0 : i32
    %scatter3A_347 = tpu.memref_slice %arg9[%scatter3A_344, %scatter3A_345, %scatter3A_346] : memref<4x64x128xf32, #tpu.memory_space<vmem>> -> memref<1x64x128xf32, #tpu.memory_space<vmem>>
    %scatter3A_348 = tpu.memref_squeeze %scatter3A_347 : memref<1x64x128xf32, #tpu.memory_space<vmem>> -> memref<64x128xf32, #tpu.memory_space<vmem>>
    tpu.vector_store_idx %scatter3A_348[%get3A_340, %add3A_343], %broadcast_in_dim3A_3 : memref<64x128xf32, #tpu.memory_space<vmem>>[vector<16xi32>, vector<16xi32>], vector<16xf32>,
    %get3A_349 = arith.constant 3 : i32
    %get3A_350 = arith.index_cast %get3A_349 : i32 to index
    %get3A_351 = arith.constant 48 : index
    %get3A_352 = tpu.vector_load %arg5[%get3A_350, %get3A_351] {strides = array<i32>} : memref<4x128xi32, #tpu.memory_space<vmem>>, vector<16xi32>,
    %add3A_353 = arith.constant 48 : i32
    %add3A_354 = vector.broadcast %add3A_353 : i32 to vector<16xi32>
    %add3A_355 = arith.addi %iota3A, %add3A_354 : vector<16xi32>
    %scatter3A_356 = arith.constant 3 : i32
    %scatter3A_357 = arith.constant 0 : i32
    %scatter3A_358 = arith.constant 0 : i32
    %scatter3A_359 = tpu.memref_slice %arg9[%scatter3A_356, %scatter3A_357, %scatter3A_358] : memref<4x64x128xf32, #tpu.memory_space<vmem>> -> memref<1x64x128xf32, #tpu.memory_space<vmem>>
    %scatter3A_360 = tpu.memref_squeeze %scatter3A_359 : memref<1x64x128xf32, #tpu.memory_space<vmem>> -> memref<64x128xf32, #tpu.memory_space<vmem>>
    tpu.vector_store_idx %scatter3A_360[%get3A_352, %add3A_355], %broadcast_in_dim3A_3 : memref<64x128xf32, #tpu.memory_space<vmem>>[vector<16xi32>, vector<16xi32>], vector<16xf32>,
    %get3A_361 = arith.constant 3 : i32
    %get3A_362 = arith.index_cast %get3A_361 : i32 to index
    %get3A_363 = arith.constant 64 : index
    %get3A_364 = tpu.vector_load %arg5[%get3A_362, %get3A_363] {strides = array<i32>} : memref<4x128xi32, #tpu.memory_space<vmem>>, vector<16xi32>,
    %add3A_365 = arith.constant 64 : i32
    %add3A_366 = vector.broadcast %add3A_365 : i32 to vector<16xi32>
    %add3A_367 = arith.addi %iota3A, %add3A_366 : vector<16xi32>
    %scatter3A_368 = arith.constant 3 : i32
    %scatter3A_369 = arith.constant 0 : i32
    %scatter3A_370 = arith.constant 0 : i32
    %scatter3A_371 = tpu.memref_slice %arg9[%scatter3A_368, %scatter3A_369, %scatter3A_370] : memref<4x64x128xf32, #tpu.memory_space<vmem>> -> memref<1x64x128xf32, #tpu.memory_space<vmem>>
    %scatter3A_372 = tpu.memref_squeeze %scatter3A_371 : memref<1x64x128xf32, #tpu.memory_space<vmem>> -> memref<64x128xf32, #tpu.memory_space<vmem>>
    tpu.vector_store_idx %scatter3A_372[%get3A_364, %add3A_367], %broadcast_in_dim3A_3 : memref<64x128xf32, #tpu.memory_space<vmem>>[vector<16xi32>, vector<16xi32>], vector<16xf32>,
    %get3A_373 = arith.constant 3 : i32
    %get3A_374 = arith.index_cast %get3A_373 : i32 to index
    %get3A_375 = arith.constant 80 : index
    %get3A_376 = tpu.vector_load %arg5[%get3A_374, %get3A_375] {strides = array<i32>} : memref<4x128xi32, #tpu.memory_space<vmem>>, vector<16xi32>,
    %add3A_377 = arith.constant 80 : i32
    %add3A_378 = vector.broadcast %add3A_377 : i32 to vector<16xi32>
    %add3A_379 = arith.addi %iota3A, %add3A_378 : vector<16xi32>
    %scatter3A_380 = arith.constant 3 : i32
    %scatter3A_381 = arith.constant 0 : i32
    %scatter3A_382 = arith.constant 0 : i32
    %scatter3A_383 = tpu.memref_slice %arg9[%scatter3A_380, %scatter3A_381, %scatter3A_382] : memref<4x64x128xf32, #tpu.memory_space<vmem>> -> memref<1x64x128xf32, #tpu.memory_space<vmem>>
    %scatter3A_384 = tpu.memref_squeeze %scatter3A_383 : memref<1x64x128xf32, #tpu.memory_space<vmem>> -> memref<64x128xf32, #tpu.memory_space<vmem>>
    tpu.vector_store_idx %scatter3A_384[%get3A_376, %add3A_379], %broadcast_in_dim3A_3 : memref<64x128xf32, #tpu.memory_space<vmem>>[vector<16xi32>, vector<16xi32>], vector<16xf32>,
    %get3A_385 = arith.constant 3 : i32
    %get3A_386 = arith.index_cast %get3A_385 : i32 to index
    %get3A_387 = arith.constant 96 : index
    %get3A_388 = tpu.vector_load %arg5[%get3A_386, %get3A_387] {strides = array<i32>} : memref<4x128xi32, #tpu.memory_space<vmem>>, vector<16xi32>,
    %add3A_389 = arith.constant 96 : i32
    %add3A_390 = vector.broadcast %add3A_389 : i32 to vector<16xi32>
    %add3A_391 = arith.addi %iota3A, %add3A_390 : vector<16xi32>
    %scatter3A_392 = arith.constant 3 : i32
    %scatter3A_393 = arith.constant 0 : i32
    %scatter3A_394 = arith.constant 0 : i32
    %scatter3A_395 = tpu.memref_slice %arg9[%scatter3A_392, %scatter3A_393, %scatter3A_394] : memref<4x64x128xf32, #tpu.memory_space<vmem>> -> memref<1x64x128xf32, #tpu.memory_space<vmem>>
    %scatter3A_396 = tpu.memref_squeeze %scatter3A_395 : memref<1x64x128xf32, #tpu.memory_space<vmem>> -> memref<64x128xf32, #tpu.memory_space<vmem>>
    tpu.vector_store_idx %scatter3A_396[%get3A_388, %add3A_391], %broadcast_in_dim3A_3 : memref<64x128xf32, #tpu.memory_space<vmem>>[vector<16xi32>, vector<16xi32>], vector<16xf32>,
    %get3A_397 = arith.constant 3 : i32
    %get3A_398 = arith.index_cast %get3A_397 : i32 to index
    %get3A_399 = arith.constant 112 : index
    %get3A_400 = tpu.vector_load %arg5[%get3A_398, %get3A_399] {strides = array<i32>} : memref<4x128xi32, #tpu.memory_space<vmem>>, vector<16xi32>,
    %add3A_401 = arith.constant 112 : i32
    %add3A_402 = vector.broadcast %add3A_401 : i32 to vector<16xi32>
    %add3A_403 = arith.addi %iota3A, %add3A_402 : vector<16xi32>
    %scatter3A_404 = arith.constant 3 : i32
    %scatter3A_405 = arith.constant 0 : i32
    %scatter3A_406 = arith.constant 0 : i32
    %scatter3A_407 = tpu.memref_slice %arg9[%scatter3A_404, %scatter3A_405, %scatter3A_406] : memref<4x64x128xf32, #tpu.memory_space<vmem>> -> memref<1x64x128xf32, #tpu.memory_space<vmem>>
    %scatter3A_408 = tpu.memref_squeeze %scatter3A_407 : memref<1x64x128xf32, #tpu.memory_space<vmem>> -> memref<64x128xf32, #tpu.memory_space<vmem>>
    tpu.vector_store_idx %scatter3A_408[%get3A_400, %add3A_403], %broadcast_in_dim3A_3 : memref<64x128xf32, #tpu.memory_space<vmem>>[vector<16xi32>, vector<16xi32>], vector<16xf32>,
    %dma_start3A_409 = arith.constant 0 : i32
    %dma_start3A_410 = arith.constant 0 : i32
    %dma_start3A_411 = tpu.memref_slice %arg4[%dma_start3A_409, %dma_start3A_410, %mul3A_2] : memref<200x64x4096xf32, #tpu.memory_space<hbm>> -> memref<4x64x128xf32, #tpu.memory_space<hbm>>
    %dma_start3A_412 = arith.constant 0 : i32
    %dma_start3A_413 = arith.constant 0 : i32
    %dma_start3A_414 = tpu.memref_slice %arg4[%dma_start3A_412, %dma_start3A_413, %mul3A_2] : memref<200x64x4096xf32, #tpu.memory_space<hbm>> -> memref<4x64x128xf32, #tpu.memory_space<hbm>>
    tpu.enqueue_dma source(%arg9 : memref<4x64x128xf32, #tpu.memory_space<vmem>>) target(%dma_start3A_414 : memref<4x64x128xf32, #tpu.memory_space<hbm>>) target_semaphore(%arg15 : memref<!tpu.dma_semaphore, #tpu.memory_space<semaphore_mem>>)
    %dma_wait3A_415 = arith.constant 0 : i32
    %dma_wait3A_416 = tpu.memref_slice %arg2[%dma_wait3A_415, %mul3A_2] : memref<200x4096xi32, #tpu.memory_space<hbm>> -> memref<4x128xi32, #tpu.memory_space<hbm>>
    %dma_wait3A_417 = arith.constant 0 : i32
    %dma_wait3A_418 = tpu.memref_slice %arg2[%dma_wait3A_417, %mul3A_2] : memref<200x4096xi32, #tpu.memory_space<hbm>> -> memref<4x128xi32, #tpu.memory_space<hbm>>
    tpu.wait_dma2 semaphore(%arg12 : memref<!tpu.dma_semaphore, #tpu.memory_space<semaphore_mem>>) src(%dma_wait3A_418 : memref<4x128xi32, #tpu.memory_space<hbm>>) dst(%arg6 : memref<4x128xi32, #tpu.memory_space<vmem>>)
    %get3A_419 = arith.constant 0 : i32
    %get3A_420 = arith.index_cast %get3A_419 : i32 to index
    %get3A_421 = arith.constant 0 : index
    %get3A_422 = tpu.vector_load %arg6[%get3A_420, %get3A_421] {strides = array<i32>} : memref<4x128xi32, #tpu.memory_space<vmem>>, vector<16xi32>,
    %add3A_423 = arith.constant 0 : i32
    %add3A_424 = vector.broadcast %add3A_423 : i32 to vector<16xi32>
    %add3A_425 = arith.addi %iota3A, %add3A_424 : vector<16xi32>
    %scatter3A_426 = arith.constant 0 : i32
    %scatter3A_427 = arith.constant 0 : i32
    %scatter3A_428 = arith.constant 0 : i32
    %scatter3A_429 = tpu.memref_slice %arg10[%scatter3A_426, %scatter3A_427, %scatter3A_428] : memref<4x64x128xf32, #tpu.memory_space<vmem>> -> memref<1x64x128xf32, #tpu.memory_space<vmem>>
    %scatter3A_430 = tpu.memref_squeeze %scatter3A_429 : memref<1x64x128xf32, #tpu.memory_space<vmem>> -> memref<64x128xf32, #tpu.memory_space<vmem>>
    tpu.vector_store_idx %scatter3A_430[%get3A_422, %add3A_425], %broadcast_in_dim3A_3 : memref<64x128xf32, #tpu.memory_space<vmem>>[vector<16xi32>, vector<16xi32>], vector<16xf32>,
    %get3A_431 = arith.constant 0 : i32
    %get3A_432 = arith.index_cast %get3A_431 : i32 to index
    %get3A_433 = arith.constant 16 : index
    %get3A_434 = tpu.vector_load %arg6[%get3A_432, %get3A_433] {strides = array<i32>} : memref<4x128xi32, #tpu.memory_space<vmem>>, vector<16xi32>,
    %add3A_435 = arith.constant 16 : i32
    %add3A_436 = vector.broadcast %add3A_435 : i32 to vector<16xi32>
    %add3A_437 = arith.addi %iota3A, %add3A_436 : vector<16xi32>
    %scatter3A_438 = arith.constant 0 : i32
    %scatter3A_439 = arith.constant 0 : i32
    %scatter3A_440 = arith.constant 0 : i32
    %scatter3A_441 = tpu.memref_slice %arg10[%scatter3A_438, %scatter3A_439, %scatter3A_440] : memref<4x64x128xf32, #tpu.memory_space<vmem>> -> memref<1x64x128xf32, #tpu.memory_space<vmem>>
    %scatter3A_442 = tpu.memref_squeeze %scatter3A_441 : memref<1x64x128xf32, #tpu.memory_space<vmem>> -> memref<64x128xf32, #tpu.memory_space<vmem>>
    tpu.vector_store_idx %scatter3A_442[%get3A_434, %add3A_437], %broadcast_in_dim3A_3 : memref<64x128xf32, #tpu.memory_space<vmem>>[vector<16xi32>, vector<16xi32>], vector<16xf32>,
    %get3A_443 = arith.constant 0 : i32
    %get3A_444 = arith.index_cast %get3A_443 : i32 to index
    %get3A_445 = arith.constant 32 : index
    %get3A_446 = tpu.vector_load %arg6[%get3A_444, %get3A_445] {strides = array<i32>} : memref<4x128xi32, #tpu.memory_space<vmem>>, vector<16xi32>,
    %add3A_447 = arith.constant 32 : i32
    %add3A_448 = vector.broadcast %add3A_447 : i32 to vector<16xi32>
    %add3A_449 = arith.addi %iota3A, %add3A_448 : vector<16xi32>
    %scatter3A_450 = arith.constant 0 : i32
    %scatter3A_451 = arith.constant 0 : i32
    %scatter3A_452 = arith.constant 0 : i32
    %scatter3A_453 = tpu.memref_slice %arg10[%scatter3A_450, %scatter3A_451, %scatter3A_452] : memref<4x64x128xf32, #tpu.memory_space<vmem>> -> memref<1x64x128xf32, #tpu.memory_space<vmem>>
    %scatter3A_454 = tpu.memref_squeeze %scatter3A_453 : memref<1x64x128xf32, #tpu.memory_space<vmem>> -> memref<64x128xf32, #tpu.memory_space<vmem>>
    tpu.vector_store_idx %scatter3A_454[%get3A_446, %add3A_449], %broadcast_in_dim3A_3 : memref<64x128xf32, #tpu.memory_space<vmem>>[vector<16xi32>, vector<16xi32>], vector<16xf32>,
    %get3A_455 = arith.constant 0 : i32
    %get3A_456 = arith.index_cast %get3A_455 : i32 to index
    %get3A_457 = arith.constant 48 : index
    %get3A_458 = tpu.vector_load %arg6[%get3A_456, %get3A_457] {strides = array<i32>} : memref<4x128xi32, #tpu.memory_space<vmem>>, vector<16xi32>,
    %add3A_459 = arith.constant 48 : i32
    %add3A_460 = vector.broadcast %add3A_459 : i32 to vector<16xi32>
    %add3A_461 = arith.addi %iota3A, %add3A_460 : vector<16xi32>
    %scatter3A_462 = arith.constant 0 : i32
    %scatter3A_463 = arith.constant 0 : i32
    %scatter3A_464 = arith.constant 0 : i32
    %scatter3A_465 = tpu.memref_slice %arg10[%scatter3A_462, %scatter3A_463, %scatter3A_464] : memref<4x64x128xf32, #tpu.memory_space<vmem>> -> memref<1x64x128xf32, #tpu.memory_space<vmem>>
    %scatter3A_466 = tpu.memref_squeeze %scatter3A_465 : memref<1x64x128xf32, #tpu.memory_space<vmem>> -> memref<64x128xf32, #tpu.memory_space<vmem>>
    tpu.vector_store_idx %scatter3A_466[%get3A_458, %add3A_461], %broadcast_in_dim3A_3 : memref<64x128xf32, #tpu.memory_space<vmem>>[vector<16xi32>, vector<16xi32>], vector<16xf32>,
    %get3A_467 = arith.constant 0 : i32
    %get3A_468 = arith.index_cast %get3A_467 : i32 to index
    %get3A_469 = arith.constant 64 : index
    %get3A_470 = tpu.vector_load %arg6[%get3A_468, %get3A_469] {strides = array<i32>} : memref<4x128xi32, #tpu.memory_space<vmem>>, vector<16xi32>,
    %add3A_471 = arith.constant 64 : i32
    %add3A_472 = vector.broadcast %add3A_471 : i32 to vector<16xi32>
    %add3A_473 = arith.addi %iota3A, %add3A_472 : vector<16xi32>
    %scatter3A_474 = arith.constant 0 : i32
    %scatter3A_475 = arith.constant 0 : i32
    %scatter3A_476 = arith.constant 0 : i32
    %scatter3A_477 = tpu.memref_slice %arg10[%scatter3A_474, %scatter3A_475, %scatter3A_476] : memref<4x64x128xf32, #tpu.memory_space<vmem>> -> memref<1x64x128xf32, #tpu.memory_space<vmem>>
    %scatter3A_478 = tpu.memref_squeeze %scatter3A_477 : memref<1x64x128xf32, #tpu.memory_space<vmem>> -> memref<64x128xf32, #tpu.memory_space<vmem>>
    tpu.vector_store_idx %scatter3A_478[%get3A_470, %add3A_473], %broadcast_in_dim3A_3 : memref<64x128xf32, #tpu.memory_space<vmem>>[vector<16xi32>, vector<16xi32>], vector<16xf32>,
    %get3A_479 = arith.constant 0 : i32
    %get3A_480 = arith.index_cast %get3A_479 : i32 to index
    %get3A_481 = arith.constant 80 : index
    %get3A_482 = tpu.vector_load %arg6[%get3A_480, %get3A_481] {strides = array<i32>} : memref<4x128xi32, #tpu.memory_space<vmem>>, vector<16xi32>,
    %add3A_483 = arith.constant 80 : i32
    %add3A_484 = vector.broadcast %add3A_483 : i32 to vector<16xi32>
    %add3A_485 = arith.addi %iota3A, %add3A_484 : vector<16xi32>
    %scatter3A_486 = arith.constant 0 : i32
    %scatter3A_487 = arith.constant 0 : i32
    %scatter3A_488 = arith.constant 0 : i32
    %scatter3A_489 = tpu.memref_slice %arg10[%scatter3A_486, %scatter3A_487, %scatter3A_488] : memref<4x64x128xf32, #tpu.memory_space<vmem>> -> memref<1x64x128xf32, #tpu.memory_space<vmem>>
    %scatter3A_490 = tpu.memref_squeeze %scatter3A_489 : memref<1x64x128xf32, #tpu.memory_space<vmem>> -> memref<64x128xf32, #tpu.memory_space<vmem>>
    tpu.vector_store_idx %scatter3A_490[%get3A_482, %add3A_485], %broadcast_in_dim3A_3 : memref<64x128xf32, #tpu.memory_space<vmem>>[vector<16xi32>, vector<16xi32>], vector<16xf32>,
    %get3A_491 = arith.constant 0 : i32
    %get3A_492 = arith.index_cast %get3A_491 : i32 to index
    %get3A_493 = arith.constant 96 : index
    %get3A_494 = tpu.vector_load %arg6[%get3A_492, %get3A_493] {strides = array<i32>} : memref<4x128xi32, #tpu.memory_space<vmem>>, vector<16xi32>,
    %add3A_495 = arith.constant 96 : i32
    %add3A_496 = vector.broadcast %add3A_495 : i32 to vector<16xi32>
    %add3A_497 = arith.addi %iota3A, %add3A_496 : vector<16xi32>
    %scatter3A_498 = arith.constant 0 : i32
    %scatter3A_499 = arith.constant 0 : i32
    %scatter3A_500 = arith.constant 0 : i32
    %scatter3A_501 = tpu.memref_slice %arg10[%scatter3A_498, %scatter3A_499, %scatter3A_500] : memref<4x64x128xf32, #tpu.memory_space<vmem>> -> memref<1x64x128xf32, #tpu.memory_space<vmem>>
    %scatter3A_502 = tpu.memref_squeeze %scatter3A_501 : memref<1x64x128xf32, #tpu.memory_space<vmem>> -> memref<64x128xf32, #tpu.memory_space<vmem>>
    tpu.vector_store_idx %scatter3A_502[%get3A_494, %add3A_497], %broadcast_in_dim3A_3 : memref<64x128xf32, #tpu.memory_space<vmem>>[vector<16xi32>, vector<16xi32>], vector<16xf32>,
    %get3A_503 = arith.constant 0 : i32
    %get3A_504 = arith.index_cast %get3A_503 : i32 to index
    %get3A_505 = arith.constant 112 : index
    %get3A_506 = tpu.vector_load %arg6[%get3A_504, %get3A_505] {strides = array<i32>} : memref<4x128xi32, #tpu.memory_space<vmem>>, vector<16xi32>,
    %add3A_507 = arith.constant 112 : i32
    %add3A_508 = vector.broadcast %add3A_507 : i32 to vector<16xi32>
    %add3A_509 = arith.addi %iota3A, %add3A_508 : vector<16xi32>
    %scatter3A_510 = arith.constant 0 : i32
    %scatter3A_511 = arith.constant 0 : i32
    %scatter3A_512 = arith.constant 0 : i32
    %scatter3A_513 = tpu.memref_slice %arg10[%scatter3A_510, %scatter3A_511, %scatter3A_512] : memref<4x64x128xf32, #tpu.memory_space<vmem>> -> memref<1x64x128xf32, #tpu.memory_space<vmem>>
    %scatter3A_514 = tpu.memref_squeeze %scatter3A_513 : memref<1x64x128xf32, #tpu.memory_space<vmem>> -> memref<64x128xf32, #tpu.memory_space<vmem>>
    tpu.vector_store_idx %scatter3A_514[%get3A_506, %add3A_509], %broadcast_in_dim3A_3 : memref<64x128xf32, #tpu.memory_space<vmem>>[vector<16xi32>, vector<16xi32>], vector<16xf32>,
    %get3A_515 = arith.constant 1 : i32
    %get3A_516 = arith.index_cast %get3A_515 : i32 to index
    %get3A_517 = arith.constant 0 : index
    %get3A_518 = tpu.vector_load %arg6[%get3A_516, %get3A_517] {strides = array<i32>} : memref<4x128xi32, #tpu.memory_space<vmem>>, vector<16xi32>,
    %add3A_519 = arith.constant 0 : i32
    %add3A_520 = vector.broadcast %add3A_519 : i32 to vector<16xi32>
    %add3A_521 = arith.addi %iota3A, %add3A_520 : vector<16xi32>
    %scatter3A_522 = arith.constant 1 : i32
    %scatter3A_523 = arith.constant 0 : i32
    %scatter3A_524 = arith.constant 0 : i32
    %scatter3A_525 = tpu.memref_slice %arg10[%scatter3A_522, %scatter3A_523, %scatter3A_524] : memref<4x64x128xf32, #tpu.memory_space<vmem>> -> memref<1x64x128xf32, #tpu.memory_space<vmem>>
    %scatter3A_526 = tpu.memref_squeeze %scatter3A_525 : memref<1x64x128xf32, #tpu.memory_space<vmem>> -> memref<64x128xf32, #tpu.memory_space<vmem>>
    tpu.vector_store_idx %scatter3A_526[%get3A_518, %add3A_521], %broadcast_in_dim3A_3 : memref<64x128xf32, #tpu.memory_space<vmem>>[vector<16xi32>, vector<16xi32>], vector<16xf32>,
    %get3A_527 = arith.constant 1 : i32
    %get3A_528 = arith.index_cast %get3A_527 : i32 to index
    %get3A_529 = arith.constant 16 : index
    %get3A_530 = tpu.vector_load %arg6[%get3A_528, %get3A_529] {strides = array<i32>} : memref<4x128xi32, #tpu.memory_space<vmem>>, vector<16xi32>,
    %add3A_531 = arith.constant 16 : i32
    %add3A_532 = vector.broadcast %add3A_531 : i32 to vector<16xi32>
    %add3A_533 = arith.addi %iota3A, %add3A_532 : vector<16xi32>
    %scatter3A_534 = arith.constant 1 : i32
    %scatter3A_535 = arith.constant 0 : i32
    %scatter3A_536 = arith.constant 0 : i32
    %scatter3A_537 = tpu.memref_slice %arg10[%scatter3A_534, %scatter3A_535, %scatter3A_536] : memref<4x64x128xf32, #tpu.memory_space<vmem>> -> memref<1x64x128xf32, #tpu.memory_space<vmem>>
    %scatter3A_538 = tpu.memref_squeeze %scatter3A_537 : memref<1x64x128xf32, #tpu.memory_space<vmem>> -> memref<64x128xf32, #tpu.memory_space<vmem>>
    tpu.vector_store_idx %scatter3A_538[%get3A_530, %add3A_533], %broadcast_in_dim3A_3 : memref<64x128xf32, #tpu.memory_space<vmem>>[vector<16xi32>, vector<16xi32>], vector<16xf32>,
    %get3A_539 = arith.constant 1 : i32
    %get3A_540 = arith.index_cast %get3A_539 : i32 to index
    %get3A_541 = arith.constant 32 : index
    %get3A_542 = tpu.vector_load %arg6[%get3A_540, %get3A_541] {strides = array<i32>} : memref<4x128xi32, #tpu.memory_space<vmem>>, vector<16xi32>,
    %add3A_543 = arith.constant 32 : i32
    %add3A_544 = vector.broadcast %add3A_543 : i32 to vector<16xi32>
    %add3A_545 = arith.addi %iota3A, %add3A_544 : vector<16xi32>
    %scatter3A_546 = arith.constant 1 : i32
    %scatter3A_547 = arith.constant 0 : i32
    %scatter3A_548 = arith.constant 0 : i32
    %scatter3A_549 = tpu.memref_slice %arg10[%scatter3A_546, %scatter3A_547, %scatter3A_548] : memref<4x64x128xf32, #tpu.memory_space<vmem>> -> memref<1x64x128xf32, #tpu.memory_space<vmem>>
    %scatter3A_550 = tpu.memref_squeeze %scatter3A_549 : memref<1x64x128xf32, #tpu.memory_space<vmem>> -> memref<64x128xf32, #tpu.memory_space<vmem>>
    tpu.vector_store_idx %scatter3A_550[%get3A_542, %add3A_545], %broadcast_in_dim3A_3 : memref<64x128xf32, #tpu.memory_space<vmem>>[vector<16xi32>, vector<16xi32>], vector<16xf32>,
    %get3A_551 = arith.constant 1 : i32
    %get3A_552 = arith.index_cast %get3A_551 : i32 to index
    %get3A_553 = arith.constant 48 : index
    %get3A_554 = tpu.vector_load %arg6[%get3A_552, %get3A_553] {strides = array<i32>} : memref<4x128xi32, #tpu.memory_space<vmem>>, vector<16xi32>,
    %add3A_555 = arith.constant 48 : i32
    %add3A_556 = vector.broadcast %add3A_555 : i32 to vector<16xi32>
    %add3A_557 = arith.addi %iota3A, %add3A_556 : vector<16xi32>
    %scatter3A_558 = arith.constant 1 : i32
    %scatter3A_559 = arith.constant 0 : i32
    %scatter3A_560 = arith.constant 0 : i32
    %scatter3A_561 = tpu.memref_slice %arg10[%scatter3A_558, %scatter3A_559, %scatter3A_560] : memref<4x64x128xf32, #tpu.memory_space<vmem>> -> memref<1x64x128xf32, #tpu.memory_space<vmem>>
    %scatter3A_562 = tpu.memref_squeeze %scatter3A_561 : memref<1x64x128xf32, #tpu.memory_space<vmem>> -> memref<64x128xf32, #tpu.memory_space<vmem>>
    tpu.vector_store_idx %scatter3A_562[%get3A_554, %add3A_557], %broadcast_in_dim3A_3 : memref<64x128xf32, #tpu.memory_space<vmem>>[vector<16xi32>, vector<16xi32>], vector<16xf32>,
    %get3A_563 = arith.constant 1 : i32
    %get3A_564 = arith.index_cast %get3A_563 : i32 to index
    %get3A_565 = arith.constant 64 : index
    %get3A_566 = tpu.vector_load %arg6[%get3A_564, %get3A_565] {strides = array<i32>} : memref<4x128xi32, #tpu.memory_space<vmem>>, vector<16xi32>,
    %add3A_567 = arith.constant 64 : i32
    %add3A_568 = vector.broadcast %add3A_567 : i32 to vector<16xi32>
    %add3A_569 = arith.addi %iota3A, %add3A_568 : vector<16xi32>
    %scatter3A_570 = arith.constant 1 : i32
    %scatter3A_571 = arith.constant 0 : i32
    %scatter3A_572 = arith.constant 0 : i32
    %scatter3A_573 = tpu.memref_slice %arg10[%scatter3A_570, %scatter3A_571, %scatter3A_572] : memref<4x64x128xf32, #tpu.memory_space<vmem>> -> memref<1x64x128xf32, #tpu.memory_space<vmem>>
    %scatter3A_574 = tpu.memref_squeeze %scatter3A_573 : memref<1x64x128xf32, #tpu.memory_space<vmem>> -> memref<64x128xf32, #tpu.memory_space<vmem>>
    tpu.vector_store_idx %scatter3A_574[%get3A_566, %add3A_569], %broadcast_in_dim3A_3 : memref<64x128xf32, #tpu.memory_space<vmem>>[vector<16xi32>, vector<16xi32>], vector<16xf32>,
    %get3A_575 = arith.constant 1 : i32
    %get3A_576 = arith.index_cast %get3A_575 : i32 to index
    %get3A_577 = arith.constant 80 : index
    %get3A_578 = tpu.vector_load %arg6[%get3A_576, %get3A_577] {strides = array<i32>} : memref<4x128xi32, #tpu.memory_space<vmem>>, vector<16xi32>,
    %add3A_579 = arith.constant 80 : i32
    %add3A_580 = vector.broadcast %add3A_579 : i32 to vector<16xi32>
    %add3A_581 = arith.addi %iota3A, %add3A_580 : vector<16xi32>
    %scatter3A_582 = arith.constant 1 : i32
    %scatter3A_583 = arith.constant 0 : i32
    %scatter3A_584 = arith.constant 0 : i32
    %scatter3A_585 = tpu.memref_slice %arg10[%scatter3A_582, %scatter3A_583, %scatter3A_584] : memref<4x64x128xf32, #tpu.memory_space<vmem>> -> memref<1x64x128xf32, #tpu.memory_space<vmem>>
    %scatter3A_586 = tpu.memref_squeeze %scatter3A_585 : memref<1x64x128xf32, #tpu.memory_space<vmem>> -> memref<64x128xf32, #tpu.memory_space<vmem>>
    tpu.vector_store_idx %scatter3A_586[%get3A_578, %add3A_581], %broadcast_in_dim3A_3 : memref<64x128xf32, #tpu.memory_space<vmem>>[vector<16xi32>, vector<16xi32>], vector<16xf32>,
    %get3A_587 = arith.constant 1 : i32
    %get3A_588 = arith.index_cast %get3A_587 : i32 to index
    %get3A_589 = arith.constant 96 : index
    %get3A_590 = tpu.vector_load %arg6[%get3A_588, %get3A_589] {strides = array<i32>} : memref<4x128xi32, #tpu.memory_space<vmem>>, vector<16xi32>,
    %add3A_591 = arith.constant 96 : i32
    %add3A_592 = vector.broadcast %add3A_591 : i32 to vector<16xi32>
    %add3A_593 = arith.addi %iota3A, %add3A_592 : vector<16xi32>
    %scatter3A_594 = arith.constant 1 : i32
    %scatter3A_595 = arith.constant 0 : i32
    %scatter3A_596 = arith.constant 0 : i32
    %scatter3A_597 = tpu.memref_slice %arg10[%scatter3A_594, %scatter3A_595, %scatter3A_596] : memref<4x64x128xf32, #tpu.memory_space<vmem>> -> memref<1x64x128xf32, #tpu.memory_space<vmem>>
    %scatter3A_598 = tpu.memref_squeeze %scatter3A_597 : memref<1x64x128xf32, #tpu.memory_space<vmem>> -> memref<64x128xf32, #tpu.memory_space<vmem>>
    tpu.vector_store_idx %scatter3A_598[%get3A_590, %add3A_593], %broadcast_in_dim3A_3 : memref<64x128xf32, #tpu.memory_space<vmem>>[vector<16xi32>, vector<16xi32>], vector<16xf32>,
    %get3A_599 = arith.constant 1 : i32
    %get3A_600 = arith.index_cast %get3A_599 : i32 to index
    %get3A_601 = arith.constant 112 : index
    %get3A_602 = tpu.vector_load %arg6[%get3A_600, %get3A_601] {strides = array<i32>} : memref<4x128xi32, #tpu.memory_space<vmem>>, vector<16xi32>,
    %add3A_603 = arith.constant 112 : i32
    %add3A_604 = vector.broadcast %add3A_603 : i32 to vector<16xi32>
    %add3A_605 = arith.addi %iota3A, %add3A_604 : vector<16xi32>
    %scatter3A_606 = arith.constant 1 : i32
    %scatter3A_607 = arith.constant 0 : i32
    %scatter3A_608 = arith.constant 0 : i32
    %scatter3A_609 = tpu.memref_slice %arg10[%scatter3A_606, %scatter3A_607, %scatter3A_608] : memref<4x64x128xf32, #tpu.memory_space<vmem>> -> memref<1x64x128xf32, #tpu.memory_space<vmem>>
    %scatter3A_610 = tpu.memref_squeeze %scatter3A_609 : memref<1x64x128xf32, #tpu.memory_space<vmem>> -> memref<64x128xf32, #tpu.memory_space<vmem>>
    tpu.vector_store_idx %scatter3A_610[%get3A_602, %add3A_605], %broadcast_in_dim3A_3 : memref<64x128xf32, #tpu.memory_space<vmem>>[vector<16xi32>, vector<16xi32>], vector<16xf32>,
    %get3A_611 = arith.constant 2 : i32
    %get3A_612 = arith.index_cast %get3A_611 : i32 to index
    %get3A_613 = arith.constant 0 : index
    %get3A_614 = tpu.vector_load %arg6[%get3A_612, %get3A_613] {strides = array<i32>} : memref<4x128xi32, #tpu.memory_space<vmem>>, vector<16xi32>,
    %add3A_615 = arith.constant 0 : i32
    %add3A_616 = vector.broadcast %add3A_615 : i32 to vector<16xi32>
    %add3A_617 = arith.addi %iota3A, %add3A_616 : vector<16xi32>
    %scatter3A_618 = arith.constant 2 : i32
    %scatter3A_619 = arith.constant 0 : i32
    %scatter3A_620 = arith.constant 0 : i32
    %scatter3A_621 = tpu.memref_slice %arg10[%scatter3A_618, %scatter3A_619, %scatter3A_620] : memref<4x64x128xf32, #tpu.memory_space<vmem>> -> memref<1x64x128xf32, #tpu.memory_space<vmem>>
    %scatter3A_622 = tpu.memref_squeeze %scatter3A_621 : memref<1x64x128xf32, #tpu.memory_space<vmem>> -> memref<64x128xf32, #tpu.memory_space<vmem>>
    tpu.vector_store_idx %scatter3A_622[%get3A_614, %add3A_617], %broadcast_in_dim3A_3 : memref<64x128xf32, #tpu.memory_space<vmem>>[vector<16xi32>, vector<16xi32>], vector<16xf32>,
    %get3A_623 = arith.constant 2 : i32
    %get3A_624 = arith.index_cast %get3A_623 : i32 to index
    %get3A_625 = arith.constant 16 : index
    %get3A_626 = tpu.vector_load %arg6[%get3A_624, %get3A_625] {strides = array<i32>} : memref<4x128xi32, #tpu.memory_space<vmem>>, vector<16xi32>,
    %add3A_627 = arith.constant 16 : i32
    %add3A_628 = vector.broadcast %add3A_627 : i32 to vector<16xi32>
    %add3A_629 = arith.addi %iota3A, %add3A_628 : vector<16xi32>
    %scatter3A_630 = arith.constant 2 : i32
    %scatter3A_631 = arith.constant 0 : i32
    %scatter3A_632 = arith.constant 0 : i32
    %scatter3A_633 = tpu.memref_slice %arg10[%scatter3A_630, %scatter3A_631, %scatter3A_632] : memref<4x64x128xf32, #tpu.memory_space<vmem>> -> memref<1x64x128xf32, #tpu.memory_space<vmem>>
    %scatter3A_634 = tpu.memref_squeeze %scatter3A_633 : memref<1x64x128xf32, #tpu.memory_space<vmem>> -> memref<64x128xf32, #tpu.memory_space<vmem>>
    tpu.vector_store_idx %scatter3A_634[%get3A_626, %add3A_629], %broadcast_in_dim3A_3 : memref<64x128xf32, #tpu.memory_space<vmem>>[vector<16xi32>, vector<16xi32>], vector<16xf32>,
    %get3A_635 = arith.constant 2 : i32
    %get3A_636 = arith.index_cast %get3A_635 : i32 to index
    %get3A_637 = arith.constant 32 : index
    %get3A_638 = tpu.vector_load %arg6[%get3A_636, %get3A_637] {strides = array<i32>} : memref<4x128xi32, #tpu.memory_space<vmem>>, vector<16xi32>,
    %add3A_639 = arith.constant 32 : i32
    %add3A_640 = vector.broadcast %add3A_639 : i32 to vector<16xi32>
    %add3A_641 = arith.addi %iota3A, %add3A_640 : vector<16xi32>
    %scatter3A_642 = arith.constant 2 : i32
    %scatter3A_643 = arith.constant 0 : i32
    %scatter3A_644 = arith.constant 0 : i32
    %scatter3A_645 = tpu.memref_slice %arg10[%scatter3A_642, %scatter3A_643, %scatter3A_644] : memref<4x64x128xf32, #tpu.memory_space<vmem>> -> memref<1x64x128xf32, #tpu.memory_space<vmem>>
    %scatter3A_646 = tpu.memref_squeeze %scatter3A_645 : memref<1x64x128xf32, #tpu.memory_space<vmem>> -> memref<64x128xf32, #tpu.memory_space<vmem>>
    tpu.vector_store_idx %scatter3A_646[%get3A_638, %add3A_641], %broadcast_in_dim3A_3 : memref<64x128xf32, #tpu.memory_space<vmem>>[vector<16xi32>, vector<16xi32>], vector<16xf32>,
    %get3A_647 = arith.constant 2 : i32
    %get3A_648 = arith.index_cast %get3A_647 : i32 to index
    %get3A_649 = arith.constant 48 : index
    %get3A_650 = tpu.vector_load %arg6[%get3A_648, %get3A_649] {strides = array<i32>} : memref<4x128xi32, #tpu.memory_space<vmem>>, vector<16xi32>,
    %add3A_651 = arith.constant 48 : i32
    %add3A_652 = vector.broadcast %add3A_651 : i32 to vector<16xi32>
    %add3A_653 = arith.addi %iota3A, %add3A_652 : vector<16xi32>
    %scatter3A_654 = arith.constant 2 : i32
    %scatter3A_655 = arith.constant 0 : i32
    %scatter3A_656 = arith.constant 0 : i32
    %scatter3A_657 = tpu.memref_slice %arg10[%scatter3A_654, %scatter3A_655, %scatter3A_656] : memref<4x64x128xf32, #tpu.memory_space<vmem>> -> memref<1x64x128xf32, #tpu.memory_space<vmem>>
    %scatter3A_658 = tpu.memref_squeeze %scatter3A_657 : memref<1x64x128xf32, #tpu.memory_space<vmem>> -> memref<64x128xf32, #tpu.memory_space<vmem>>
    tpu.vector_store_idx %scatter3A_658[%get3A_650, %add3A_653], %broadcast_in_dim3A_3 : memref<64x128xf32, #tpu.memory_space<vmem>>[vector<16xi32>, vector<16xi32>], vector<16xf32>,
    %get3A_659 = arith.constant 2 : i32
    %get3A_660 = arith.index_cast %get3A_659 : i32 to index
    %get3A_661 = arith.constant 64 : index
    %get3A_662 = tpu.vector_load %arg6[%get3A_660, %get3A_661] {strides = array<i32>} : memref<4x128xi32, #tpu.memory_space<vmem>>, vector<16xi32>,
    %add3A_663 = arith.constant 64 : i32
    %add3A_664 = vector.broadcast %add3A_663 : i32 to vector<16xi32>
    %add3A_665 = arith.addi %iota3A, %add3A_664 : vector<16xi32>
    %scatter3A_666 = arith.constant 2 : i32
    %scatter3A_667 = arith.constant 0 : i32
    %scatter3A_668 = arith.constant 0 : i32
    %scatter3A_669 = tpu.memref_slice %arg10[%scatter3A_666, %scatter3A_667, %scatter3A_668] : memref<4x64x128xf32, #tpu.memory_space<vmem>> -> memref<1x64x128xf32, #tpu.memory_space<vmem>>
    %scatter3A_670 = tpu.memref_squeeze %scatter3A_669 : memref<1x64x128xf32, #tpu.memory_space<vmem>> -> memref<64x128xf32, #tpu.memory_space<vmem>>
    tpu.vector_store_idx %scatter3A_670[%get3A_662, %add3A_665], %broadcast_in_dim3A_3 : memref<64x128xf32, #tpu.memory_space<vmem>>[vector<16xi32>, vector<16xi32>], vector<16xf32>,
    %get3A_671 = arith.constant 2 : i32
    %get3A_672 = arith.index_cast %get3A_671 : i32 to index
    %get3A_673 = arith.constant 80 : index
    %get3A_674 = tpu.vector_load %arg6[%get3A_672, %get3A_673] {strides = array<i32>} : memref<4x128xi32, #tpu.memory_space<vmem>>, vector<16xi32>,
    %add3A_675 = arith.constant 80 : i32
    %add3A_676 = vector.broadcast %add3A_675 : i32 to vector<16xi32>
    %add3A_677 = arith.addi %iota3A, %add3A_676 : vector<16xi32>
    %scatter3A_678 = arith.constant 2 : i32
    %scatter3A_679 = arith.constant 0 : i32
    %scatter3A_680 = arith.constant 0 : i32
    %scatter3A_681 = tpu.memref_slice %arg10[%scatter3A_678, %scatter3A_679, %scatter3A_680] : memref<4x64x128xf32, #tpu.memory_space<vmem>> -> memref<1x64x128xf32, #tpu.memory_space<vmem>>
    %scatter3A_682 = tpu.memref_squeeze %scatter3A_681 : memref<1x64x128xf32, #tpu.memory_space<vmem>> -> memref<64x128xf32, #tpu.memory_space<vmem>>
    tpu.vector_store_idx %scatter3A_682[%get3A_674, %add3A_677], %broadcast_in_dim3A_3 : memref<64x128xf32, #tpu.memory_space<vmem>>[vector<16xi32>, vector<16xi32>], vector<16xf32>,
    %get3A_683 = arith.constant 2 : i32
    %get3A_684 = arith.index_cast %get3A_683 : i32 to index
    %get3A_685 = arith.constant 96 : index
    %get3A_686 = tpu.vector_load %arg6[%get3A_684, %get3A_685] {strides = array<i32>} : memref<4x128xi32, #tpu.memory_space<vmem>>, vector<16xi32>,
    %add3A_687 = arith.constant 96 : i32
    %add3A_688 = vector.broadcast %add3A_687 : i32 to vector<16xi32>
    %add3A_689 = arith.addi %iota3A, %add3A_688 : vector<16xi32>
    %scatter3A_690 = arith.constant 2 : i32
    %scatter3A_691 = arith.constant 0 : i32
    %scatter3A_692 = arith.constant 0 : i32
    %scatter3A_693 = tpu.memref_slice %arg10[%scatter3A_690, %scatter3A_691, %scatter3A_692] : memref<4x64x128xf32, #tpu.memory_space<vmem>> -> memref<1x64x128xf32, #tpu.memory_space<vmem>>
    %scatter3A_694 = tpu.memref_squeeze %scatter3A_693 : memref<1x64x128xf32, #tpu.memory_space<vmem>> -> memref<64x128xf32, #tpu.memory_space<vmem>>
    tpu.vector_store_idx %scatter3A_694[%get3A_686, %add3A_689], %broadcast_in_dim3A_3 : memref<64x128xf32, #tpu.memory_space<vmem>>[vector<16xi32>, vector<16xi32>], vector<16xf32>,
    %get3A_695 = arith.constant 2 : i32
    %get3A_696 = arith.index_cast %get3A_695 : i32 to index
    %get3A_697 = arith.constant 112 : index
    %get3A_698 = tpu.vector_load %arg6[%get3A_696, %get3A_697] {strides = array<i32>} : memref<4x128xi32, #tpu.memory_space<vmem>>, vector<16xi32>,
    %add3A_699 = arith.constant 112 : i32
    %add3A_700 = vector.broadcast %add3A_699 : i32 to vector<16xi32>
    %add3A_701 = arith.addi %iota3A, %add3A_700 : vector<16xi32>
    %scatter3A_702 = arith.constant 2 : i32
    %scatter3A_703 = arith.constant 0 : i32
    %scatter3A_704 = arith.constant 0 : i32
    %scatter3A_705 = tpu.memref_slice %arg10[%scatter3A_702, %scatter3A_703, %scatter3A_704] : memref<4x64x128xf32, #tpu.memory_space<vmem>> -> memref<1x64x128xf32, #tpu.memory_space<vmem>>
    %scatter3A_706 = tpu.memref_squeeze %scatter3A_705 : memref<1x64x128xf32, #tpu.memory_space<vmem>> -> memref<64x128xf32, #tpu.memory_space<vmem>>
    tpu.vector_store_idx %scatter3A_706[%get3A_698, %add3A_701], %broadcast_in_dim3A_3 : memref<64x128xf32, #tpu.memory_space<vmem>>[vector<16xi32>, vector<16xi32>], vector<16xf32>,
    %get3A_707 = arith.constant 3 : i32
    %get3A_708 = arith.index_cast %get3A_707 : i32 to index
    %get3A_709 = arith.constant 0 : index
    %get3A_710 = tpu.vector_load %arg6[%get3A_708, %get3A_709] {strides = array<i32>} : memref<4x128xi32, #tpu.memory_space<vmem>>, vector<16xi32>,
    %add3A_711 = arith.constant 0 : i32
    %add3A_712 = vector.broadcast %add3A_711 : i32 to vector<16xi32>
    %add3A_713 = arith.addi %iota3A, %add3A_712 : vector<16xi32>
    %scatter3A_714 = arith.constant 3 : i32
    %scatter3A_715 = arith.constant 0 : i32
    %scatter3A_716 = arith.constant 0 : i32
    %scatter3A_717 = tpu.memref_slice %arg10[%scatter3A_714, %scatter3A_715, %scatter3A_716] : memref<4x64x128xf32, #tpu.memory_space<vmem>> -> memref<1x64x128xf32, #tpu.memory_space<vmem>>
    %scatter3A_718 = tpu.memref_squeeze %scatter3A_717 : memref<1x64x128xf32, #tpu.memory_space<vmem>> -> memref<64x128xf32, #tpu.memory_space<vmem>>
    tpu.vector_store_idx %scatter3A_718[%get3A_710, %add3A_713], %broadcast_in_dim3A_3 : memref<64x128xf32, #tpu.memory_space<vmem>>[vector<16xi32>, vector<16xi32>], vector<16xf32>,
    %get3A_719 = arith.constant 3 : i32
    %get3A_720 = arith.index_cast %get3A_719 : i32 to index
    %get3A_721 = arith.constant 16 : index
    %get3A_722 = tpu.vector_load %arg6[%get3A_720, %get3A_721] {strides = array<i32>} : memref<4x128xi32, #tpu.memory_space<vmem>>, vector<16xi32>,
    %add3A_723 = arith.constant 16 : i32
    %add3A_724 = vector.broadcast %add3A_723 : i32 to vector<16xi32>
    %add3A_725 = arith.addi %iota3A, %add3A_724 : vector<16xi32>
    %scatter3A_726 = arith.constant 3 : i32
    %scatter3A_727 = arith.constant 0 : i32
    %scatter3A_728 = arith.constant 0 : i32
    %scatter3A_729 = tpu.memref_slice %arg10[%scatter3A_726, %scatter3A_727, %scatter3A_728] : memref<4x64x128xf32, #tpu.memory_space<vmem>> -> memref<1x64x128xf32, #tpu.memory_space<vmem>>
    %scatter3A_730 = tpu.memref_squeeze %scatter3A_729 : memref<1x64x128xf32, #tpu.memory_space<vmem>> -> memref<64x128xf32, #tpu.memory_space<vmem>>
    tpu.vector_store_idx %scatter3A_730[%get3A_722, %add3A_725], %broadcast_in_dim3A_3 : memref<64x128xf32, #tpu.memory_space<vmem>>[vector<16xi32>, vector<16xi32>], vector<16xf32>,
    %get3A_731 = arith.constant 3 : i32
    %get3A_732 = arith.index_cast %get3A_731 : i32 to index
    %get3A_733 = arith.constant 32 : index
    %get3A_734 = tpu.vector_load %arg6[%get3A_732, %get3A_733] {strides = array<i32>} : memref<4x128xi32, #tpu.memory_space<vmem>>, vector<16xi32>,
    %add3A_735 = arith.constant 32 : i32
    %add3A_736 = vector.broadcast %add3A_735 : i32 to vector<16xi32>
    %add3A_737 = arith.addi %iota3A, %add3A_736 : vector<16xi32>
    %scatter3A_738 = arith.constant 3 : i32
    %scatter3A_739 = arith.constant 0 : i32
    %scatter3A_740 = arith.constant 0 : i32
    %scatter3A_741 = tpu.memref_slice %arg10[%scatter3A_738, %scatter3A_739, %scatter3A_740] : memref<4x64x128xf32, #tpu.memory_space<vmem>> -> memref<1x64x128xf32, #tpu.memory_space<vmem>>
    %scatter3A_742 = tpu.memref_squeeze %scatter3A_741 : memref<1x64x128xf32, #tpu.memory_space<vmem>> -> memref<64x128xf32, #tpu.memory_space<vmem>>
    tpu.vector_store_idx %scatter3A_742[%get3A_734, %add3A_737], %broadcast_in_dim3A_3 : memref<64x128xf32, #tpu.memory_space<vmem>>[vector<16xi32>, vector<16xi32>], vector<16xf32>,
    %get3A_743 = arith.constant 3 : i32
    %get3A_744 = arith.index_cast %get3A_743 : i32 to index
    %get3A_745 = arith.constant 48 : index
    %get3A_746 = tpu.vector_load %arg6[%get3A_744, %get3A_745] {strides = array<i32>} : memref<4x128xi32, #tpu.memory_space<vmem>>, vector<16xi32>,
    %add3A_747 = arith.constant 48 : i32
    %add3A_748 = vector.broadcast %add3A_747 : i32 to vector<16xi32>
    %add3A_749 = arith.addi %iota3A, %add3A_748 : vector<16xi32>
    %scatter3A_750 = arith.constant 3 : i32
    %scatter3A_751 = arith.constant 0 : i32
    %scatter3A_752 = arith.constant 0 : i32
    %scatter3A_753 = tpu.memref_slice %arg10[%scatter3A_750, %scatter3A_751, %scatter3A_752] : memref<4x64x128xf32, #tpu.memory_space<vmem>> -> memref<1x64x128xf32, #tpu.memory_space<vmem>>
    %scatter3A_754 = tpu.memref_squeeze %scatter3A_753 : memref<1x64x128xf32, #tpu.memory_space<vmem>> -> memref<64x128xf32, #tpu.memory_space<vmem>>
    tpu.vector_store_idx %scatter3A_754[%get3A_746, %add3A_749], %broadcast_in_dim3A_3 : memref<64x128xf32, #tpu.memory_space<vmem>>[vector<16xi32>, vector<16xi32>], vector<16xf32>,
    %get3A_755 = arith.constant 3 : i32
    %get3A_756 = arith.index_cast %get3A_755 : i32 to index
    %get3A_757 = arith.constant 64 : index
    %get3A_758 = tpu.vector_load %arg6[%get3A_756, %get3A_757] {strides = array<i32>} : memref<4x128xi32, #tpu.memory_space<vmem>>, vector<16xi32>,
    %add3A_759 = arith.constant 64 : i32
    %add3A_760 = vector.broadcast %add3A_759 : i32 to vector<16xi32>
    %add3A_761 = arith.addi %iota3A, %add3A_760 : vector<16xi32>
    %scatter3A_762 = arith.constant 3 : i32
    %scatter3A_763 = arith.constant 0 : i32
    %scatter3A_764 = arith.constant 0 : i32
    %scatter3A_765 = tpu.memref_slice %arg10[%scatter3A_762, %scatter3A_763, %scatter3A_764] : memref<4x64x128xf32, #tpu.memory_space<vmem>> -> memref<1x64x128xf32, #tpu.memory_space<vmem>>
    %scatter3A_766 = tpu.memref_squeeze %scatter3A_765 : memref<1x64x128xf32, #tpu.memory_space<vmem>> -> memref<64x128xf32, #tpu.memory_space<vmem>>
    tpu.vector_store_idx %scatter3A_766[%get3A_758, %add3A_761], %broadcast_in_dim3A_3 : memref<64x128xf32, #tpu.memory_space<vmem>>[vector<16xi32>, vector<16xi32>], vector<16xf32>,
    %get3A_767 = arith.constant 3 : i32
    %get3A_768 = arith.index_cast %get3A_767 : i32 to index
    %get3A_769 = arith.constant 80 : index
    %get3A_770 = tpu.vector_load %arg6[%get3A_768, %get3A_769] {strides = array<i32>} : memref<4x128xi32, #tpu.memory_space<vmem>>, vector<16xi32>,
    %add3A_771 = arith.constant 80 : i32
    %add3A_772 = vector.broadcast %add3A_771 : i32 to vector<16xi32>
    %add3A_773 = arith.addi %iota3A, %add3A_772 : vector<16xi32>
    %scatter3A_774 = arith.constant 3 : i32
    %scatter3A_775 = arith.constant 0 : i32
    %scatter3A_776 = arith.constant 0 : i32
    %scatter3A_777 = tpu.memref_slice %arg10[%scatter3A_774, %scatter3A_775, %scatter3A_776] : memref<4x64x128xf32, #tpu.memory_space<vmem>> -> memref<1x64x128xf32, #tpu.memory_space<vmem>>
    %scatter3A_778 = tpu.memref_squeeze %scatter3A_777 : memref<1x64x128xf32, #tpu.memory_space<vmem>> -> memref<64x128xf32, #tpu.memory_space<vmem>>
    tpu.vector_store_idx %scatter3A_778[%get3A_770, %add3A_773], %broadcast_in_dim3A_3 : memref<64x128xf32, #tpu.memory_space<vmem>>[vector<16xi32>, vector<16xi32>], vector<16xf32>,
    %get3A_779 = arith.constant 3 : i32
    %get3A_780 = arith.index_cast %get3A_779 : i32 to index
    %get3A_781 = arith.constant 96 : index
    %get3A_782 = tpu.vector_load %arg6[%get3A_780, %get3A_781] {strides = array<i32>} : memref<4x128xi32, #tpu.memory_space<vmem>>, vector<16xi32>,
    %add3A_783 = arith.constant 96 : i32
    %add3A_784 = vector.broadcast %add3A_783 : i32 to vector<16xi32>
    %add3A_785 = arith.addi %iota3A, %add3A_784 : vector<16xi32>
    %scatter3A_786 = arith.constant 3 : i32
    %scatter3A_787 = arith.constant 0 : i32
    %scatter3A_788 = arith.constant 0 : i32
    %scatter3A_789 = tpu.memref_slice %arg10[%scatter3A_786, %scatter3A_787, %scatter3A_788] : memref<4x64x128xf32, #tpu.memory_space<vmem>> -> memref<1x64x128xf32, #tpu.memory_space<vmem>>
    %scatter3A_790 = tpu.memref_squeeze %scatter3A_789 : memref<1x64x128xf32, #tpu.memory_space<vmem>> -> memref<64x128xf32, #tpu.memory_space<vmem>>
    tpu.vector_store_idx %scatter3A_790[%get3A_782, %add3A_785], %broadcast_in_dim3A_3 : memref<64x128xf32, #tpu.memory_space<vmem>>[vector<16xi32>, vector<16xi32>], vector<16xf32>,
    %get3A_791 = arith.constant 3 : i32
    %get3A_792 = arith.index_cast %get3A_791 : i32 to index
    %get3A_793 = arith.constant 112 : index
    %get3A_794 = tpu.vector_load %arg6[%get3A_792, %get3A_793] {strides = array<i32>} : memref<4x128xi32, #tpu.memory_space<vmem>>, vector<16xi32>,
    %add3A_795 = arith.constant 112 : i32
    %add3A_796 = vector.broadcast %add3A_795 : i32 to vector<16xi32>
    %add3A_797 = arith.addi %iota3A, %add3A_796 : vector<16xi32>
    %scatter3A_798 = arith.constant 3 : i32
    %scatter3A_799 = arith.constant 0 : i32
    %scatter3A_800 = arith.constant 0 : i32
    %scatter3A_801 = tpu.memref_slice %arg10[%scatter3A_798, %scatter3A_799, %scatter3A_800] : memref<4x64x128xf32, #tpu.memory_space<vmem>> -> memref<1x64x128xf32, #tpu.memory_space<vmem>>
    %scatter3A_802 = tpu.memref_squeeze %scatter3A_801 : memref<1x64x128xf32, #tpu.memory_space<vmem>> -> memref<64x128xf32, #tpu.memory_space<vmem>>
    tpu.vector_store_idx %scatter3A_802[%get3A_794, %add3A_797], %broadcast_in_dim3A_3 : memref<64x128xf32, #tpu.memory_space<vmem>>[vector<16xi32>, vector<16xi32>], vector<16xf32>,
    %dma_start3A_803 = arith.constant 4 : i32
    %dma_start3A_804 = arith.constant 0 : i32
    %dma_start3A_805 = tpu.memref_slice %arg4[%dma_start3A_803, %dma_start3A_804, %mul3A_2] : memref<200x64x4096xf32, #tpu.memory_space<hbm>> -> memref<4x64x128xf32, #tpu.memory_space<hbm>>
    %dma_start3A_806 = arith.constant 4 : i32
    %dma_start3A_807 = arith.constant 0 : i32
    %dma_start3A_808 = tpu.memref_slice %arg4[%dma_start3A_806, %dma_start3A_807, %mul3A_2] : memref<200x64x4096xf32, #tpu.memory_space<hbm>> -> memref<4x64x128xf32, #tpu.memory_space<hbm>>
    tpu.enqueue_dma source(%arg10 : memref<4x64x128xf32, #tpu.memory_space<vmem>>) target(%dma_start3A_808 : memref<4x64x128xf32, #tpu.memory_space<hbm>>) target_semaphore(%arg16 : memref<!tpu.dma_semaphore, #tpu.memory_space<semaphore_mem>>)
    %scan3A = arith.constant 0 : i32
    %scan3A_809 = arith.constant 0 : i32
    %scan3A_810 = arith.constant 12 : i32
    %scan3A_811 = arith.addi %scan3A_809, %scan3A_810 : i32
    %scan3A_812 = arith.constant 1 : i32
    scf.for %scan3A_834 = %scan3A_809 to %scan3A_811 step %scan3A_812  : i32 {
      %mul3A_835 = arith.constant 4 : i32
      %mul3A_836 = arith.muli %mul3A_835, %scan3A_834 : i32
      %add3A_837 = arith.constant 2 : i32
      %add3A_838 = arith.addi %mul3A_836, %add3A_837 : i32
      %mul3A_839 = arith.constant 4 : i32
      %mul3A_840 = arith.muli %add3A_838, %mul3A_839 : i32
      %dma_wait3A_841 = arith.constant 0 : i32
      %dma_wait3A_842 = tpu.memref_slice %arg4[%mul3A_840, %dma_wait3A_841, %mul3A_2] : memref<200x64x4096xf32, #tpu.memory_space<hbm>> -> memref<4x64x128xf32, #tpu.memory_space<hbm>>
      %dma_wait3A_843 = arith.constant 0 : i32
      %dma_wait3A_844 = tpu.memref_slice %arg4[%mul3A_840, %dma_wait3A_843, %mul3A_2] : memref<200x64x4096xf32, #tpu.memory_space<hbm>> -> memref<4x64x128xf32, #tpu.memory_space<hbm>>
      tpu.wait_dma2 semaphore(%arg15 : memref<!tpu.dma_semaphore, #tpu.memory_space<semaphore_mem>>) src(%arg9 : memref<4x64x128xf32, #tpu.memory_space<vmem>>) dst(%dma_wait3A_844 : memref<4x64x128xf32, #tpu.memory_space<hbm>>)
      %get3A_845 = arith.constant 0 : i32
      %get3A_846 = arith.index_cast %get3A_845 : i32 to index
      %get3A_847 = arith.constant 0 : index
      %get3A_848 = tpu.vector_load %arg5[%get3A_846, %get3A_847] {strides = array<i32>} : memref<4x128xi32, #tpu.memory_space<vmem>>, vector<16xi32>,
      %add3A_849 = arith.constant 0 : i32
      %add3A_850 = vector.broadcast %add3A_849 : i32 to vector<16xi32>
      %add3A_851 = arith.addi %iota3A, %add3A_850 : vector<16xi32>
      %scatter3A_852 = arith.constant 0 : i32
      %scatter3A_853 = arith.constant 0 : i32
      %scatter3A_854 = arith.constant 0 : i32
      %scatter3A_855 = tpu.memref_slice %arg9[%scatter3A_852, %scatter3A_853, %scatter3A_854] : memref<4x64x128xf32, #tpu.memory_space<vmem>> -> memref<1x64x128xf32, #tpu.memory_space<vmem>>
      %scatter3A_856 = tpu.memref_squeeze %scatter3A_855 : memref<1x64x128xf32, #tpu.memory_space<vmem>> -> memref<64x128xf32, #tpu.memory_space<vmem>>
      tpu.vector_store_idx %scatter3A_856[%get3A_848, %add3A_851], %broadcast_in_dim3A_5 : memref<64x128xf32, #tpu.memory_space<vmem>>[vector<16xi32>, vector<16xi32>], vector<16xf32>,
      %get3A_857 = arith.constant 0 : i32
      %get3A_858 = arith.index_cast %get3A_857 : i32 to index
      %get3A_859 = arith.constant 16 : index
      %get3A_860 = tpu.vector_load %arg5[%get3A_858, %get3A_859] {strides = array<i32>} : memref<4x128xi32, #tpu.memory_space<vmem>>, vector<16xi32>,
      %add3A_861 = arith.constant 16 : i32
      %add3A_862 = vector.broadcast %add3A_861 : i32 to vector<16xi32>
      %add3A_863 = arith.addi %iota3A, %add3A_862 : vector<16xi32>
      %scatter3A_864 = arith.constant 0 : i32
      %scatter3A_865 = arith.constant 0 : i32
      %scatter3A_866 = arith.constant 0 : i32
      %scatter3A_867 = tpu.memref_slice %arg9[%scatter3A_864, %scatter3A_865, %scatter3A_866] : memref<4x64x128xf32, #tpu.memory_space<vmem>> -> memref<1x64x128xf32, #tpu.memory_space<vmem>>
      %scatter3A_868 = tpu.memref_squeeze %scatter3A_867 : memref<1x64x128xf32, #tpu.memory_space<vmem>> -> memref<64x128xf32, #tpu.memory_space<vmem>>
      tpu.vector_store_idx %scatter3A_868[%get3A_860, %add3A_863], %broadcast_in_dim3A_5 : memref<64x128xf32, #tpu.memory_space<vmem>>[vector<16xi32>, vector<16xi32>], vector<16xf32>,
      %get3A_869 = arith.constant 0 : i32
      %get3A_870 = arith.index_cast %get3A_869 : i32 to index
      %get3A_871 = arith.constant 32 : index
      %get3A_872 = tpu.vector_load %arg5[%get3A_870, %get3A_871] {strides = array<i32>} : memref<4x128xi32, #tpu.memory_space<vmem>>, vector<16xi32>,
      %add3A_873 = arith.constant 32 : i32
      %add3A_874 = vector.broadcast %add3A_873 : i32 to vector<16xi32>
      %add3A_875 = arith.addi %iota3A, %add3A_874 : vector<16xi32>
      %scatter3A_876 = arith.constant 0 : i32
      %scatter3A_877 = arith.constant 0 : i32
      %scatter3A_878 = arith.constant 0 : i32
      %scatter3A_879 = tpu.memref_slice %arg9[%scatter3A_876, %scatter3A_877, %scatter3A_878] : memref<4x64x128xf32, #tpu.memory_space<vmem>> -> memref<1x64x128xf32, #tpu.memory_space<vmem>>
      %scatter3A_880 = tpu.memref_squeeze %scatter3A_879 : memref<1x64x128xf32, #tpu.memory_space<vmem>> -> memref<64x128xf32, #tpu.memory_space<vmem>>
      tpu.vector_store_idx %scatter3A_880[%get3A_872, %add3A_875], %broadcast_in_dim3A_5 : memref<64x128xf32, #tpu.memory_space<vmem>>[vector<16xi32>, vector<16xi32>], vector<16xf32>,
      %get3A_881 = arith.constant 0 : i32
      %get3A_882 = arith.index_cast %get3A_881 : i32 to index
      %get3A_883 = arith.constant 48 : index
      %get3A_884 = tpu.vector_load %arg5[%get3A_882, %get3A_883] {strides = array<i32>} : memref<4x128xi32, #tpu.memory_space<vmem>>, vector<16xi32>,
      %add3A_885 = arith.constant 48 : i32
      %add3A_886 = vector.broadcast %add3A_885 : i32 to vector<16xi32>
      %add3A_887 = arith.addi %iota3A, %add3A_886 : vector<16xi32>
      %scatter3A_888 = arith.constant 0 : i32
      %scatter3A_889 = arith.constant 0 : i32
      %scatter3A_890 = arith.constant 0 : i32
      %scatter3A_891 = tpu.memref_slice %arg9[%scatter3A_888, %scatter3A_889, %scatter3A_890] : memref<4x64x128xf32, #tpu.memory_space<vmem>> -> memref<1x64x128xf32, #tpu.memory_space<vmem>>
      %scatter3A_892 = tpu.memref_squeeze %scatter3A_891 : memref<1x64x128xf32, #tpu.memory_space<vmem>> -> memref<64x128xf32, #tpu.memory_space<vmem>>
      tpu.vector_store_idx %scatter3A_892[%get3A_884, %add3A_887], %broadcast_in_dim3A_5 : memref<64x128xf32, #tpu.memory_space<vmem>>[vector<16xi32>, vector<16xi32>], vector<16xf32>,
      %get3A_893 = arith.constant 0 : i32
      %get3A_894 = arith.index_cast %get3A_893 : i32 to index
      %get3A_895 = arith.constant 64 : index
      %get3A_896 = tpu.vector_load %arg5[%get3A_894, %get3A_895] {strides = array<i32>} : memref<4x128xi32, #tpu.memory_space<vmem>>, vector<16xi32>,
      %add3A_897 = arith.constant 64 : i32
      %add3A_898 = vector.broadcast %add3A_897 : i32 to vector<16xi32>
      %add3A_899 = arith.addi %iota3A, %add3A_898 : vector<16xi32>
      %scatter3A_900 = arith.constant 0 : i32
      %scatter3A_901 = arith.constant 0 : i32
      %scatter3A_902 = arith.constant 0 : i32
      %scatter3A_903 = tpu.memref_slice %arg9[%scatter3A_900, %scatter3A_901, %scatter3A_902] : memref<4x64x128xf32, #tpu.memory_space<vmem>> -> memref<1x64x128xf32, #tpu.memory_space<vmem>>
      %scatter3A_904 = tpu.memref_squeeze %scatter3A_903 : memref<1x64x128xf32, #tpu.memory_space<vmem>> -> memref<64x128xf32, #tpu.memory_space<vmem>>
      tpu.vector_store_idx %scatter3A_904[%get3A_896, %add3A_899], %broadcast_in_dim3A_5 : memref<64x128xf32, #tpu.memory_space<vmem>>[vector<16xi32>, vector<16xi32>], vector<16xf32>,
      %get3A_905 = arith.constant 0 : i32
      %get3A_906 = arith.index_cast %get3A_905 : i32 to index
      %get3A_907 = arith.constant 80 : index
      %get3A_908 = tpu.vector_load %arg5[%get3A_906, %get3A_907] {strides = array<i32>} : memref<4x128xi32, #tpu.memory_space<vmem>>, vector<16xi32>,
      %add3A_909 = arith.constant 80 : i32
      %add3A_910 = vector.broadcast %add3A_909 : i32 to vector<16xi32>
      %add3A_911 = arith.addi %iota3A, %add3A_910 : vector<16xi32>
      %scatter3A_912 = arith.constant 0 : i32
      %scatter3A_913 = arith.constant 0 : i32
      %scatter3A_914 = arith.constant 0 : i32
      %scatter3A_915 = tpu.memref_slice %arg9[%scatter3A_912, %scatter3A_913, %scatter3A_914] : memref<4x64x128xf32, #tpu.memory_space<vmem>> -> memref<1x64x128xf32, #tpu.memory_space<vmem>>
      %scatter3A_916 = tpu.memref_squeeze %scatter3A_915 : memref<1x64x128xf32, #tpu.memory_space<vmem>> -> memref<64x128xf32, #tpu.memory_space<vmem>>
      tpu.vector_store_idx %scatter3A_916[%get3A_908, %add3A_911], %broadcast_in_dim3A_5 : memref<64x128xf32, #tpu.memory_space<vmem>>[vector<16xi32>, vector<16xi32>], vector<16xf32>,
      %get3A_917 = arith.constant 0 : i32
      %get3A_918 = arith.index_cast %get3A_917 : i32 to index
      %get3A_919 = arith.constant 96 : index
      %get3A_920 = tpu.vector_load %arg5[%get3A_918, %get3A_919] {strides = array<i32>} : memref<4x128xi32, #tpu.memory_space<vmem>>, vector<16xi32>,
      %add3A_921 = arith.constant 96 : i32
      %add3A_922 = vector.broadcast %add3A_921 : i32 to vector<16xi32>
      %add3A_923 = arith.addi %iota3A, %add3A_922 : vector<16xi32>
      %scatter3A_924 = arith.constant 0 : i32
      %scatter3A_925 = arith.constant 0 : i32
      %scatter3A_926 = arith.constant 0 : i32
      %scatter3A_927 = tpu.memref_slice %arg9[%scatter3A_924, %scatter3A_925, %scatter3A_926] : memref<4x64x128xf32, #tpu.memory_space<vmem>> -> memref<1x64x128xf32, #tpu.memory_space<vmem>>
      %scatter3A_928 = tpu.memref_squeeze %scatter3A_927 : memref<1x64x128xf32, #tpu.memory_space<vmem>> -> memref<64x128xf32, #tpu.memory_space<vmem>>
      tpu.vector_store_idx %scatter3A_928[%get3A_920, %add3A_923], %broadcast_in_dim3A_5 : memref<64x128xf32, #tpu.memory_space<vmem>>[vector<16xi32>, vector<16xi32>], vector<16xf32>,
      %get3A_929 = arith.constant 0 : i32
      %get3A_930 = arith.index_cast %get3A_929 : i32 to index
      %get3A_931 = arith.constant 112 : index
      %get3A_932 = tpu.vector_load %arg5[%get3A_930, %get3A_931] {strides = array<i32>} : memref<4x128xi32, #tpu.memory_space<vmem>>, vector<16xi32>,
      %add3A_933 = arith.constant 112 : i32
      %add3A_934 = vector.broadcast %add3A_933 : i32 to vector<16xi32>
      %add3A_935 = arith.addi %iota3A, %add3A_934 : vector<16xi32>
      %scatter3A_936 = arith.constant 0 : i32
      %scatter3A_937 = arith.constant 0 : i32
      %scatter3A_938 = arith.constant 0 : i32
      %scatter3A_939 = tpu.memref_slice %arg9[%scatter3A_936, %scatter3A_937, %scatter3A_938] : memref<4x64x128xf32, #tpu.memory_space<vmem>> -> memref<1x64x128xf32, #tpu.memory_space<vmem>>
      %scatter3A_940 = tpu.memref_squeeze %scatter3A_939 : memref<1x64x128xf32, #tpu.memory_space<vmem>> -> memref<64x128xf32, #tpu.memory_space<vmem>>
      tpu.vector_store_idx %scatter3A_940[%get3A_932, %add3A_935], %broadcast_in_dim3A_5 : memref<64x128xf32, #tpu.memory_space<vmem>>[vector<16xi32>, vector<16xi32>], vector<16xf32>,
      %get3A_941 = arith.constant 1 : i32
      %get3A_942 = arith.index_cast %get3A_941 : i32 to index
      %get3A_943 = arith.constant 0 : index
      %get3A_944 = tpu.vector_load %arg5[%get3A_942, %get3A_943] {strides = array<i32>} : memref<4x128xi32, #tpu.memory_space<vmem>>, vector<16xi32>,
      %add3A_945 = arith.constant 0 : i32
      %add3A_946 = vector.broadcast %add3A_945 : i32 to vector<16xi32>
      %add3A_947 = arith.addi %iota3A, %add3A_946 : vector<16xi32>
      %scatter3A_948 = arith.constant 1 : i32
      %scatter3A_949 = arith.constant 0 : i32
      %scatter3A_950 = arith.constant 0 : i32
      %scatter3A_951 = tpu.memref_slice %arg9[%scatter3A_948, %scatter3A_949, %scatter3A_950] : memref<4x64x128xf32, #tpu.memory_space<vmem>> -> memref<1x64x128xf32, #tpu.memory_space<vmem>>
      %scatter3A_952 = tpu.memref_squeeze %scatter3A_951 : memref<1x64x128xf32, #tpu.memory_space<vmem>> -> memref<64x128xf32, #tpu.memory_space<vmem>>
      tpu.vector_store_idx %scatter3A_952[%get3A_944, %add3A_947], %broadcast_in_dim3A_5 : memref<64x128xf32, #tpu.memory_space<vmem>>[vector<16xi32>, vector<16xi32>], vector<16xf32>,
      %get3A_953 = arith.constant 1 : i32
      %get3A_954 = arith.index_cast %get3A_953 : i32 to index
      %get3A_955 = arith.constant 16 : index
      %get3A_956 = tpu.vector_load %arg5[%get3A_954, %get3A_955] {strides = array<i32>} : memref<4x128xi32, #tpu.memory_space<vmem>>, vector<16xi32>,
      %add3A_957 = arith.constant 16 : i32
      %add3A_958 = vector.broadcast %add3A_957 : i32 to vector<16xi32>
      %add3A_959 = arith.addi %iota3A, %add3A_958 : vector<16xi32>
      %scatter3A_960 = arith.constant 1 : i32
      %scatter3A_961 = arith.constant 0 : i32
      %scatter3A_962 = arith.constant 0 : i32
      %scatter3A_963 = tpu.memref_slice %arg9[%scatter3A_960, %scatter3A_961, %scatter3A_962] : memref<4x64x128xf32, #tpu.memory_space<vmem>> -> memref<1x64x128xf32, #tpu.memory_space<vmem>>
      %scatter3A_964 = tpu.memref_squeeze %scatter3A_963 : memref<1x64x128xf32, #tpu.memory_space<vmem>> -> memref<64x128xf32, #tpu.memory_space<vmem>>
      tpu.vector_store_idx %scatter3A_964[%get3A_956, %add3A_959], %broadcast_in_dim3A_5 : memref<64x128xf32, #tpu.memory_space<vmem>>[vector<16xi32>, vector<16xi32>], vector<16xf32>,
      %get3A_965 = arith.constant 1 : i32
      %get3A_966 = arith.index_cast %get3A_965 : i32 to index
      %get3A_967 = arith.constant 32 : index
      %get3A_968 = tpu.vector_load %arg5[%get3A_966, %get3A_967] {strides = array<i32>} : memref<4x128xi32, #tpu.memory_space<vmem>>, vector<16xi32>,
      %add3A_969 = arith.constant 32 : i32
      %add3A_970 = vector.broadcast %add3A_969 : i32 to vector<16xi32>
      %add3A_971 = arith.addi %iota3A, %add3A_970 : vector<16xi32>
      %scatter3A_972 = arith.constant 1 : i32
      %scatter3A_973 = arith.constant 0 : i32
      %scatter3A_974 = arith.constant 0 : i32
      %scatter3A_975 = tpu.memref_slice %arg9[%scatter3A_972, %scatter3A_973, %scatter3A_974] : memref<4x64x128xf32, #tpu.memory_space<vmem>> -> memref<1x64x128xf32, #tpu.memory_space<vmem>>
      %scatter3A_976 = tpu.memref_squeeze %scatter3A_975 : memref<1x64x128xf32, #tpu.memory_space<vmem>> -> memref<64x128xf32, #tpu.memory_space<vmem>>
      tpu.vector_store_idx %scatter3A_976[%get3A_968, %add3A_971], %broadcast_in_dim3A_5 : memref<64x128xf32, #tpu.memory_space<vmem>>[vector<16xi32>, vector<16xi32>], vector<16xf32>,
      %get3A_977 = arith.constant 1 : i32
      %get3A_978 = arith.index_cast %get3A_977 : i32 to index
      %get3A_979 = arith.constant 48 : index
      %get3A_980 = tpu.vector_load %arg5[%get3A_978, %get3A_979] {strides = array<i32>} : memref<4x128xi32, #tpu.memory_space<vmem>>, vector<16xi32>,
      %add3A_981 = arith.constant 48 : i32
      %add3A_982 = vector.broadcast %add3A_981 : i32 to vector<16xi32>
      %add3A_983 = arith.addi %iota3A, %add3A_982 : vector<16xi32>
      %scatter3A_984 = arith.constant 1 : i32
      %scatter3A_985 = arith.constant 0 : i32
      %scatter3A_986 = arith.constant 0 : i32
      %scatter3A_987 = tpu.memref_slice %arg9[%scatter3A_984, %scatter3A_985, %scatter3A_986] : memref<4x64x128xf32, #tpu.memory_space<vmem>> -> memref<1x64x128xf32, #tpu.memory_space<vmem>>
      %scatter3A_988 = tpu.memref_squeeze %scatter3A_987 : memref<1x64x128xf32, #tpu.memory_space<vmem>> -> memref<64x128xf32, #tpu.memory_space<vmem>>
      tpu.vector_store_idx %scatter3A_988[%get3A_980, %add3A_983], %broadcast_in_dim3A_5 : memref<64x128xf32, #tpu.memory_space<vmem>>[vector<16xi32>, vector<16xi32>], vector<16xf32>,
      %get3A_989 = arith.constant 1 : i32
      %get3A_990 = arith.index_cast %get3A_989 : i32 to index
      %get3A_991 = arith.constant 64 : index
      %get3A_992 = tpu.vector_load %arg5[%get3A_990, %get3A_991] {strides = array<i32>} : memref<4x128xi32, #tpu.memory_space<vmem>>, vector<16xi32>,
      %add3A_993 = arith.constant 64 : i32
      %add3A_994 = vector.broadcast %add3A_993 : i32 to vector<16xi32>
      %add3A_995 = arith.addi %iota3A, %add3A_994 : vector<16xi32>
      %scatter3A_996 = arith.constant 1 : i32
      %scatter3A_997 = arith.constant 0 : i32
      %scatter3A_998 = arith.constant 0 : i32
      %scatter3A_999 = tpu.memref_slice %arg9[%scatter3A_996, %scatter3A_997, %scatter3A_998] : memref<4x64x128xf32, #tpu.memory_space<vmem>> -> memref<1x64x128xf32, #tpu.memory_space<vmem>>
      %scatter3A_1000 = tpu.memref_squeeze %scatter3A_999 : memref<1x64x128xf32, #tpu.memory_space<vmem>> -> memref<64x128xf32, #tpu.memory_space<vmem>>
      tpu.vector_store_idx %scatter3A_1000[%get3A_992, %add3A_995], %broadcast_in_dim3A_5 : memref<64x128xf32, #tpu.memory_space<vmem>>[vector<16xi32>, vector<16xi32>], vector<16xf32>,
      %get3A_1001 = arith.constant 1 : i32
      %get3A_1002 = arith.index_cast %get3A_1001 : i32 to index
      %get3A_1003 = arith.constant 80 : index
      %get3A_1004 = tpu.vector_load %arg5[%get3A_1002, %get3A_1003] {strides = array<i32>} : memref<4x128xi32, #tpu.memory_space<vmem>>, vector<16xi32>,
      %add3A_1005 = arith.constant 80 : i32
      %add3A_1006 = vector.broadcast %add3A_1005 : i32 to vector<16xi32>
      %add3A_1007 = arith.addi %iota3A, %add3A_1006 : vector<16xi32>
      %scatter3A_1008 = arith.constant 1 : i32
      %scatter3A_1009 = arith.constant 0 : i32
      %scatter3A_1010 = arith.constant 0 : i32
      %scatter3A_1011 = tpu.memref_slice %arg9[%scatter3A_1008, %scatter3A_1009, %scatter3A_1010] : memref<4x64x128xf32, #tpu.memory_space<vmem>> -> memref<1x64x128xf32, #tpu.memory_space<vmem>>
      %scatter3A_1012 = tpu.memref_squeeze %scatter3A_1011 : memref<1x64x128xf32, #tpu.memory_space<vmem>> -> memref<64x128xf32, #tpu.memory_space<vmem>>
      tpu.vector_store_idx %scatter3A_1012[%get3A_1004, %add3A_1007], %broadcast_in_dim3A_5 : memref<64x128xf32, #tpu.memory_space<vmem>>[vector<16xi32>, vector<16xi32>], vector<16xf32>,
      %get3A_1013 = arith.constant 1 : i32
      %get3A_1014 = arith.index_cast %get3A_1013 : i32 to index
      %get3A_1015 = arith.constant 96 : index
      %get3A_1016 = tpu.vector_load %arg5[%get3A_1014, %get3A_1015] {strides = array<i32>} : memref<4x128xi32, #tpu.memory_space<vmem>>, vector<16xi32>,
      %add3A_1017 = arith.constant 96 : i32
      %add3A_1018 = vector.broadcast %add3A_1017 : i32 to vector<16xi32>
      %add3A_1019 = arith.addi %iota3A, %add3A_1018 : vector<16xi32>
      %scatter3A_1020 = arith.constant 1 : i32
      %scatter3A_1021 = arith.constant 0 : i32
      %scatter3A_1022 = arith.constant 0 : i32
      %scatter3A_1023 = tpu.memref_slice %arg9[%scatter3A_1020, %scatter3A_1021, %scatter3A_1022] : memref<4x64x128xf32, #tpu.memory_space<vmem>> -> memref<1x64x128xf32, #tpu.memory_space<vmem>>
      %scatter3A_1024 = tpu.memref_squeeze %scatter3A_1023 : memref<1x64x128xf32, #tpu.memory_space<vmem>> -> memref<64x128xf32, #tpu.memory_space<vmem>>
      tpu.vector_store_idx %scatter3A_1024[%get3A_1016, %add3A_1019], %broadcast_in_dim3A_5 : memref<64x128xf32, #tpu.memory_space<vmem>>[vector<16xi32>, vector<16xi32>], vector<16xf32>,
      %get3A_1025 = arith.constant 1 : i32
      %get3A_1026 = arith.index_cast %get3A_1025 : i32 to index
      %get3A_1027 = arith.constant 112 : index
      %get3A_1028 = tpu.vector_load %arg5[%get3A_1026, %get3A_1027] {strides = array<i32>} : memref<4x128xi32, #tpu.memory_space<vmem>>, vector<16xi32>,
      %add3A_1029 = arith.constant 112 : i32
      %add3A_1030 = vector.broadcast %add3A_1029 : i32 to vector<16xi32>
      %add3A_1031 = arith.addi %iota3A, %add3A_1030 : vector<16xi32>
      %scatter3A_1032 = arith.constant 1 : i32
      %scatter3A_1033 = arith.constant 0 : i32
      %scatter3A_1034 = arith.constant 0 : i32
      %scatter3A_1035 = tpu.memref_slice %arg9[%scatter3A_1032, %scatter3A_1033, %scatter3A_1034] : memref<4x64x128xf32, #tpu.memory_space<vmem>> -> memref<1x64x128xf32, #tpu.memory_space<vmem>>
      %scatter3A_1036 = tpu.memref_squeeze %scatter3A_1035 : memref<1x64x128xf32, #tpu.memory_space<vmem>> -> memref<64x128xf32, #tpu.memory_space<vmem>>
      tpu.vector_store_idx %scatter3A_1036[%get3A_1028, %add3A_1031], %broadcast_in_dim3A_5 : memref<64x128xf32, #tpu.memory_space<vmem>>[vector<16xi32>, vector<16xi32>], vector<16xf32>,
      %get3A_1037 = arith.constant 2 : i32
      %get3A_1038 = arith.index_cast %get3A_1037 : i32 to index
      %get3A_1039 = arith.constant 0 : index
      %get3A_1040 = tpu.vector_load %arg5[%get3A_1038, %get3A_1039] {strides = array<i32>} : memref<4x128xi32, #tpu.memory_space<vmem>>, vector<16xi32>,
      %add3A_1041 = arith.constant 0 : i32
      %add3A_1042 = vector.broadcast %add3A_1041 : i32 to vector<16xi32>
      %add3A_1043 = arith.addi %iota3A, %add3A_1042 : vector<16xi32>
      %scatter3A_1044 = arith.constant 2 : i32
      %scatter3A_1045 = arith.constant 0 : i32
      %scatter3A_1046 = arith.constant 0 : i32
      %scatter3A_1047 = tpu.memref_slice %arg9[%scatter3A_1044, %scatter3A_1045, %scatter3A_1046] : memref<4x64x128xf32, #tpu.memory_space<vmem>> -> memref<1x64x128xf32, #tpu.memory_space<vmem>>
      %scatter3A_1048 = tpu.memref_squeeze %scatter3A_1047 : memref<1x64x128xf32, #tpu.memory_space<vmem>> -> memref<64x128xf32, #tpu.memory_space<vmem>>
      tpu.vector_store_idx %scatter3A_1048[%get3A_1040, %add3A_1043], %broadcast_in_dim3A_5 : memref<64x128xf32, #tpu.memory_space<vmem>>[vector<16xi32>, vector<16xi32>], vector<16xf32>,
      %get3A_1049 = arith.constant 2 : i32
      %get3A_1050 = arith.index_cast %get3A_1049 : i32 to index
      %get3A_1051 = arith.constant 16 : index
      %get3A_1052 = tpu.vector_load %arg5[%get3A_1050, %get3A_1051] {strides = array<i32>} : memref<4x128xi32, #tpu.memory_space<vmem>>, vector<16xi32>,
      %add3A_1053 = arith.constant 16 : i32
      %add3A_1054 = vector.broadcast %add3A_1053 : i32 to vector<16xi32>
      %add3A_1055 = arith.addi %iota3A, %add3A_1054 : vector<16xi32>
      %scatter3A_1056 = arith.constant 2 : i32
      %scatter3A_1057 = arith.constant 0 : i32
      %scatter3A_1058 = arith.constant 0 : i32
      %scatter3A_1059 = tpu.memref_slice %arg9[%scatter3A_1056, %scatter3A_1057, %scatter3A_1058] : memref<4x64x128xf32, #tpu.memory_space<vmem>> -> memref<1x64x128xf32, #tpu.memory_space<vmem>>
      %scatter3A_1060 = tpu.memref_squeeze %scatter3A_1059 : memref<1x64x128xf32, #tpu.memory_space<vmem>> -> memref<64x128xf32, #tpu.memory_space<vmem>>
      tpu.vector_store_idx %scatter3A_1060[%get3A_1052, %add3A_1055], %broadcast_in_dim3A_5 : memref<64x128xf32, #tpu.memory_space<vmem>>[vector<16xi32>, vector<16xi32>], vector<16xf32>,
      %get3A_1061 = arith.constant 2 : i32
      %get3A_1062 = arith.index_cast %get3A_1061 : i32 to index
      %get3A_1063 = arith.constant 32 : index
      %get3A_1064 = tpu.vector_load %arg5[%get3A_1062, %get3A_1063] {strides = array<i32>} : memref<4x128xi32, #tpu.memory_space<vmem>>, vector<16xi32>,
      %add3A_1065 = arith.constant 32 : i32
      %add3A_1066 = vector.broadcast %add3A_1065 : i32 to vector<16xi32>
      %add3A_1067 = arith.addi %iota3A, %add3A_1066 : vector<16xi32>
      %scatter3A_1068 = arith.constant 2 : i32
      %scatter3A_1069 = arith.constant 0 : i32
      %scatter3A_1070 = arith.constant 0 : i32
      %scatter3A_1071 = tpu.memref_slice %arg9[%scatter3A_1068, %scatter3A_1069, %scatter3A_1070] : memref<4x64x128xf32, #tpu.memory_space<vmem>> -> memref<1x64x128xf32, #tpu.memory_space<vmem>>
      %scatter3A_1072 = tpu.memref_squeeze %scatter3A_1071 : memref<1x64x128xf32, #tpu.memory_space<vmem>> -> memref<64x128xf32, #tpu.memory_space<vmem>>
      tpu.vector_store_idx %scatter3A_1072[%get3A_1064, %add3A_1067], %broadcast_in_dim3A_5 : memref<64x128xf32, #tpu.memory_space<vmem>>[vector<16xi32>, vector<16xi32>], vector<16xf32>,
      %get3A_1073 = arith.constant 2 : i32
      %get3A_1074 = arith.index_cast %get3A_1073 : i32 to index
      %get3A_1075 = arith.constant 48 : index
      %get3A_1076 = tpu.vector_load %arg5[%get3A_1074, %get3A_1075] {strides = array<i32>} : memref<4x128xi32, #tpu.memory_space<vmem>>, vector<16xi32>,
      %add3A_1077 = arith.constant 48 : i32
      %add3A_1078 = vector.broadcast %add3A_1077 : i32 to vector<16xi32>
      %add3A_1079 = arith.addi %iota3A, %add3A_1078 : vector<16xi32>
      %scatter3A_1080 = arith.constant 2 : i32
      %scatter3A_1081 = arith.constant 0 : i32
      %scatter3A_1082 = arith.constant 0 : i32
      %scatter3A_1083 = tpu.memref_slice %arg9[%scatter3A_1080, %scatter3A_1081, %scatter3A_1082] : memref<4x64x128xf32, #tpu.memory_space<vmem>> -> memref<1x64x128xf32, #tpu.memory_space<vmem>>
      %scatter3A_1084 = tpu.memref_squeeze %scatter3A_1083 : memref<1x64x128xf32, #tpu.memory_space<vmem>> -> memref<64x128xf32, #tpu.memory_space<vmem>>
      tpu.vector_store_idx %scatter3A_1084[%get3A_1076, %add3A_1079], %broadcast_in_dim3A_5 : memref<64x128xf32, #tpu.memory_space<vmem>>[vector<16xi32>, vector<16xi32>], vector<16xf32>,
      %get3A_1085 = arith.constant 2 : i32
      %get3A_1086 = arith.index_cast %get3A_1085 : i32 to index
      %get3A_1087 = arith.constant 64 : index
      %get3A_1088 = tpu.vector_load %arg5[%get3A_1086, %get3A_1087] {strides = array<i32>} : memref<4x128xi32, #tpu.memory_space<vmem>>, vector<16xi32>,
      %add3A_1089 = arith.constant 64 : i32
      %add3A_1090 = vector.broadcast %add3A_1089 : i32 to vector<16xi32>
      %add3A_1091 = arith.addi %iota3A, %add3A_1090 : vector<16xi32>
      %scatter3A_1092 = arith.constant 2 : i32
      %scatter3A_1093 = arith.constant 0 : i32
      %scatter3A_1094 = arith.constant 0 : i32
      %scatter3A_1095 = tpu.memref_slice %arg9[%scatter3A_1092, %scatter3A_1093, %scatter3A_1094] : memref<4x64x128xf32, #tpu.memory_space<vmem>> -> memref<1x64x128xf32, #tpu.memory_space<vmem>>
      %scatter3A_1096 = tpu.memref_squeeze %scatter3A_1095 : memref<1x64x128xf32, #tpu.memory_space<vmem>> -> memref<64x128xf32, #tpu.memory_space<vmem>>
      tpu.vector_store_idx %scatter3A_1096[%get3A_1088, %add3A_1091], %broadcast_in_dim3A_5 : memref<64x128xf32, #tpu.memory_space<vmem>>[vector<16xi32>, vector<16xi32>], vector<16xf32>,
      %get3A_1097 = arith.constant 2 : i32
      %get3A_1098 = arith.index_cast %get3A_1097 : i32 to index
      %get3A_1099 = arith.constant 80 : index
      %get3A_1100 = tpu.vector_load %arg5[%get3A_1098, %get3A_1099] {strides = array<i32>} : memref<4x128xi32, #tpu.memory_space<vmem>>, vector<16xi32>,
      %add3A_1101 = arith.constant 80 : i32
      %add3A_1102 = vector.broadcast %add3A_1101 : i32 to vector<16xi32>
      %add3A_1103 = arith.addi %iota3A, %add3A_1102 : vector<16xi32>
      %scatter3A_1104 = arith.constant 2 : i32
      %scatter3A_1105 = arith.constant 0 : i32
      %scatter3A_1106 = arith.constant 0 : i32
      %scatter3A_1107 = tpu.memref_slice %arg9[%scatter3A_1104, %scatter3A_1105, %scatter3A_1106] : memref<4x64x128xf32, #tpu.memory_space<vmem>> -> memref<1x64x128xf32, #tpu.memory_space<vmem>>
      %scatter3A_1108 = tpu.memref_squeeze %scatter3A_1107 : memref<1x64x128xf32, #tpu.memory_space<vmem>> -> memref<64x128xf32, #tpu.memory_space<vmem>>
      tpu.vector_store_idx %scatter3A_1108[%get3A_1100, %add3A_1103], %broadcast_in_dim3A_5 : memref<64x128xf32, #tpu.memory_space<vmem>>[vector<16xi32>, vector<16xi32>], vector<16xf32>,
      %get3A_1109 = arith.constant 2 : i32
      %get3A_1110 = arith.index_cast %get3A_1109 : i32 to index
      %get3A_1111 = arith.constant 96 : index
      %get3A_1112 = tpu.vector_load %arg5[%get3A_1110, %get3A_1111] {strides = array<i32>} : memref<4x128xi32, #tpu.memory_space<vmem>>, vector<16xi32>,
      %add3A_1113 = arith.constant 96 : i32
      %add3A_1114 = vector.broadcast %add3A_1113 : i32 to vector<16xi32>
      %add3A_1115 = arith.addi %iota3A, %add3A_1114 : vector<16xi32>
      %scatter3A_1116 = arith.constant 2 : i32
      %scatter3A_1117 = arith.constant 0 : i32
      %scatter3A_1118 = arith.constant 0 : i32
      %scatter3A_1119 = tpu.memref_slice %arg9[%scatter3A_1116, %scatter3A_1117, %scatter3A_1118] : memref<4x64x128xf32, #tpu.memory_space<vmem>> -> memref<1x64x128xf32, #tpu.memory_space<vmem>>
      %scatter3A_1120 = tpu.memref_squeeze %scatter3A_1119 : memref<1x64x128xf32, #tpu.memory_space<vmem>> -> memref<64x128xf32, #tpu.memory_space<vmem>>
      tpu.vector_store_idx %scatter3A_1120[%get3A_1112, %add3A_1115], %broadcast_in_dim3A_5 : memref<64x128xf32, #tpu.memory_space<vmem>>[vector<16xi32>, vector<16xi32>], vector<16xf32>,
      %get3A_1121 = arith.constant 2 : i32
      %get3A_1122 = arith.index_cast %get3A_1121 : i32 to index
      %get3A_1123 = arith.constant 112 : index
      %get3A_1124 = tpu.vector_load %arg5[%get3A_1122, %get3A_1123] {strides = array<i32>} : memref<4x128xi32, #tpu.memory_space<vmem>>, vector<16xi32>,
      %add3A_1125 = arith.constant 112 : i32
      %add3A_1126 = vector.broadcast %add3A_1125 : i32 to vector<16xi32>
      %add3A_1127 = arith.addi %iota3A, %add3A_1126 : vector<16xi32>
      %scatter3A_1128 = arith.constant 2 : i32
      %scatter3A_1129 = arith.constant 0 : i32
      %scatter3A_1130 = arith.constant 0 : i32
      %scatter3A_1131 = tpu.memref_slice %arg9[%scatter3A_1128, %scatter3A_1129, %scatter3A_1130] : memref<4x64x128xf32, #tpu.memory_space<vmem>> -> memref<1x64x128xf32, #tpu.memory_space<vmem>>
      %scatter3A_1132 = tpu.memref_squeeze %scatter3A_1131 : memref<1x64x128xf32, #tpu.memory_space<vmem>> -> memref<64x128xf32, #tpu.memory_space<vmem>>
      tpu.vector_store_idx %scatter3A_1132[%get3A_1124, %add3A_1127], %broadcast_in_dim3A_5 : memref<64x128xf32, #tpu.memory_space<vmem>>[vector<16xi32>, vector<16xi32>], vector<16xf32>,
      %get3A_1133 = arith.constant 3 : i32
      %get3A_1134 = arith.index_cast %get3A_1133 : i32 to index
      %get3A_1135 = arith.constant 0 : index
      %get3A_1136 = tpu.vector_load %arg5[%get3A_1134, %get3A_1135] {strides = array<i32>} : memref<4x128xi32, #tpu.memory_space<vmem>>, vector<16xi32>,
      %add3A_1137 = arith.constant 0 : i32
      %add3A_1138 = vector.broadcast %add3A_1137 : i32 to vector<16xi32>
      %add3A_1139 = arith.addi %iota3A, %add3A_1138 : vector<16xi32>
      %scatter3A_1140 = arith.constant 3 : i32
      %scatter3A_1141 = arith.constant 0 : i32
      %scatter3A_1142 = arith.constant 0 : i32
      %scatter3A_1143 = tpu.memref_slice %arg9[%scatter3A_1140, %scatter3A_1141, %scatter3A_1142] : memref<4x64x128xf32, #tpu.memory_space<vmem>> -> memref<1x64x128xf32, #tpu.memory_space<vmem>>
      %scatter3A_1144 = tpu.memref_squeeze %scatter3A_1143 : memref<1x64x128xf32, #tpu.memory_space<vmem>> -> memref<64x128xf32, #tpu.memory_space<vmem>>
      tpu.vector_store_idx %scatter3A_1144[%get3A_1136, %add3A_1139], %broadcast_in_dim3A_5 : memref<64x128xf32, #tpu.memory_space<vmem>>[vector<16xi32>, vector<16xi32>], vector<16xf32>,
      %get3A_1145 = arith.constant 3 : i32
      %get3A_1146 = arith.index_cast %get3A_1145 : i32 to index
      %get3A_1147 = arith.constant 16 : index
      %get3A_1148 = tpu.vector_load %arg5[%get3A_1146, %get3A_1147] {strides = array<i32>} : memref<4x128xi32, #tpu.memory_space<vmem>>, vector<16xi32>,
      %add3A_1149 = arith.constant 16 : i32
      %add3A_1150 = vector.broadcast %add3A_1149 : i32 to vector<16xi32>
      %add3A_1151 = arith.addi %iota3A, %add3A_1150 : vector<16xi32>
      %scatter3A_1152 = arith.constant 3 : i32
      %scatter3A_1153 = arith.constant 0 : i32
      %scatter3A_1154 = arith.constant 0 : i32
      %scatter3A_1155 = tpu.memref_slice %arg9[%scatter3A_1152, %scatter3A_1153, %scatter3A_1154] : memref<4x64x128xf32, #tpu.memory_space<vmem>> -> memref<1x64x128xf32, #tpu.memory_space<vmem>>
      %scatter3A_1156 = tpu.memref_squeeze %scatter3A_1155 : memref<1x64x128xf32, #tpu.memory_space<vmem>> -> memref<64x128xf32, #tpu.memory_space<vmem>>
      tpu.vector_store_idx %scatter3A_1156[%get3A_1148, %add3A_1151], %broadcast_in_dim3A_5 : memref<64x128xf32, #tpu.memory_space<vmem>>[vector<16xi32>, vector<16xi32>], vector<16xf32>,
      %get3A_1157 = arith.constant 3 : i32
      %get3A_1158 = arith.index_cast %get3A_1157 : i32 to index
      %get3A_1159 = arith.constant 32 : index
      %get3A_1160 = tpu.vector_load %arg5[%get3A_1158, %get3A_1159] {strides = array<i32>} : memref<4x128xi32, #tpu.memory_space<vmem>>, vector<16xi32>,
      %add3A_1161 = arith.constant 32 : i32
      %add3A_1162 = vector.broadcast %add3A_1161 : i32 to vector<16xi32>
      %add3A_1163 = arith.addi %iota3A, %add3A_1162 : vector<16xi32>
      %scatter3A_1164 = arith.constant 3 : i32
      %scatter3A_1165 = arith.constant 0 : i32
      %scatter3A_1166 = arith.constant 0 : i32
      %scatter3A_1167 = tpu.memref_slice %arg9[%scatter3A_1164, %scatter3A_1165, %scatter3A_1166] : memref<4x64x128xf32, #tpu.memory_space<vmem>> -> memref<1x64x128xf32, #tpu.memory_space<vmem>>
      %scatter3A_1168 = tpu.memref_squeeze %scatter3A_1167 : memref<1x64x128xf32, #tpu.memory_space<vmem>> -> memref<64x128xf32, #tpu.memory_space<vmem>>
      tpu.vector_store_idx %scatter3A_1168[%get3A_1160, %add3A_1163], %broadcast_in_dim3A_5 : memref<64x128xf32, #tpu.memory_space<vmem>>[vector<16xi32>, vector<16xi32>], vector<16xf32>,
      %get3A_1169 = arith.constant 3 : i32
      %get3A_1170 = arith.index_cast %get3A_1169 : i32 to index
      %get3A_1171 = arith.constant 48 : index
      %get3A_1172 = tpu.vector_load %arg5[%get3A_1170, %get3A_1171] {strides = array<i32>} : memref<4x128xi32, #tpu.memory_space<vmem>>, vector<16xi32>,
      %add3A_1173 = arith.constant 48 : i32
      %add3A_1174 = vector.broadcast %add3A_1173 : i32 to vector<16xi32>
      %add3A_1175 = arith.addi %iota3A, %add3A_1174 : vector<16xi32>
      %scatter3A_1176 = arith.constant 3 : i32
      %scatter3A_1177 = arith.constant 0 : i32
      %scatter3A_1178 = arith.constant 0 : i32
      %scatter3A_1179 = tpu.memref_slice %arg9[%scatter3A_1176, %scatter3A_1177, %scatter3A_1178] : memref<4x64x128xf32, #tpu.memory_space<vmem>> -> memref<1x64x128xf32, #tpu.memory_space<vmem>>
      %scatter3A_1180 = tpu.memref_squeeze %scatter3A_1179 : memref<1x64x128xf32, #tpu.memory_space<vmem>> -> memref<64x128xf32, #tpu.memory_space<vmem>>
      tpu.vector_store_idx %scatter3A_1180[%get3A_1172, %add3A_1175], %broadcast_in_dim3A_5 : memref<64x128xf32, #tpu.memory_space<vmem>>[vector<16xi32>, vector<16xi32>], vector<16xf32>,
      %get3A_1181 = arith.constant 3 : i32
      %get3A_1182 = arith.index_cast %get3A_1181 : i32 to index
      %get3A_1183 = arith.constant 64 : index
      %get3A_1184 = tpu.vector_load %arg5[%get3A_1182, %get3A_1183] {strides = array<i32>} : memref<4x128xi32, #tpu.memory_space<vmem>>, vector<16xi32>,
      %add3A_1185 = arith.constant 64 : i32
      %add3A_1186 = vector.broadcast %add3A_1185 : i32 to vector<16xi32>
      %add3A_1187 = arith.addi %iota3A, %add3A_1186 : vector<16xi32>
      %scatter3A_1188 = arith.constant 3 : i32
      %scatter3A_1189 = arith.constant 0 : i32
      %scatter3A_1190 = arith.constant 0 : i32
      %scatter3A_1191 = tpu.memref_slice %arg9[%scatter3A_1188, %scatter3A_1189, %scatter3A_1190] : memref<4x64x128xf32, #tpu.memory_space<vmem>> -> memref<1x64x128xf32, #tpu.memory_space<vmem>>
      %scatter3A_1192 = tpu.memref_squeeze %scatter3A_1191 : memref<1x64x128xf32, #tpu.memory_space<vmem>> -> memref<64x128xf32, #tpu.memory_space<vmem>>
      tpu.vector_store_idx %scatter3A_1192[%get3A_1184, %add3A_1187], %broadcast_in_dim3A_5 : memref<64x128xf32, #tpu.memory_space<vmem>>[vector<16xi32>, vector<16xi32>], vector<16xf32>,
      %get3A_1193 = arith.constant 3 : i32
      %get3A_1194 = arith.index_cast %get3A_1193 : i32 to index
      %get3A_1195 = arith.constant 80 : index
      %get3A_1196 = tpu.vector_load %arg5[%get3A_1194, %get3A_1195] {strides = array<i32>} : memref<4x128xi32, #tpu.memory_space<vmem>>, vector<16xi32>,
      %add3A_1197 = arith.constant 80 : i32
      %add3A_1198 = vector.broadcast %add3A_1197 : i32 to vector<16xi32>
      %add3A_1199 = arith.addi %iota3A, %add3A_1198 : vector<16xi32>
      %scatter3A_1200 = arith.constant 3 : i32
      %scatter3A_1201 = arith.constant 0 : i32
      %scatter3A_1202 = arith.constant 0 : i32
      %scatter3A_1203 = tpu.memref_slice %arg9[%scatter3A_1200, %scatter3A_1201, %scatter3A_1202] : memref<4x64x128xf32, #tpu.memory_space<vmem>> -> memref<1x64x128xf32, #tpu.memory_space<vmem>>
      %scatter3A_1204 = tpu.memref_squeeze %scatter3A_1203 : memref<1x64x128xf32, #tpu.memory_space<vmem>> -> memref<64x128xf32, #tpu.memory_space<vmem>>
      tpu.vector_store_idx %scatter3A_1204[%get3A_1196, %add3A_1199], %broadcast_in_dim3A_5 : memref<64x128xf32, #tpu.memory_space<vmem>>[vector<16xi32>, vector<16xi32>], vector<16xf32>,
      %get3A_1205 = arith.constant 3 : i32
      %get3A_1206 = arith.index_cast %get3A_1205 : i32 to index
      %get3A_1207 = arith.constant 96 : index
      %get3A_1208 = tpu.vector_load %arg5[%get3A_1206, %get3A_1207] {strides = array<i32>} : memref<4x128xi32, #tpu.memory_space<vmem>>, vector<16xi32>,
      %add3A_1209 = arith.constant 96 : i32
      %add3A_1210 = vector.broadcast %add3A_1209 : i32 to vector<16xi32>
      %add3A_1211 = arith.addi %iota3A, %add3A_1210 : vector<16xi32>
      %scatter3A_1212 = arith.constant 3 : i32
      %scatter3A_1213 = arith.constant 0 : i32
      %scatter3A_1214 = arith.constant 0 : i32
      %scatter3A_1215 = tpu.memref_slice %arg9[%scatter3A_1212, %scatter3A_1213, %scatter3A_1214] : memref<4x64x128xf32, #tpu.memory_space<vmem>> -> memref<1x64x128xf32, #tpu.memory_space<vmem>>
      %scatter3A_1216 = tpu.memref_squeeze %scatter3A_1215 : memref<1x64x128xf32, #tpu.memory_space<vmem>> -> memref<64x128xf32, #tpu.memory_space<vmem>>
      tpu.vector_store_idx %scatter3A_1216[%get3A_1208, %add3A_1211], %broadcast_in_dim3A_5 : memref<64x128xf32, #tpu.memory_space<vmem>>[vector<16xi32>, vector<16xi32>], vector<16xf32>,
      %get3A_1217 = arith.constant 3 : i32
      %get3A_1218 = arith.index_cast %get3A_1217 : i32 to index
      %get3A_1219 = arith.constant 112 : index
      %get3A_1220 = tpu.vector_load %arg5[%get3A_1218, %get3A_1219] {strides = array<i32>} : memref<4x128xi32, #tpu.memory_space<vmem>>, vector<16xi32>,
      %add3A_1221 = arith.constant 112 : i32
      %add3A_1222 = vector.broadcast %add3A_1221 : i32 to vector<16xi32>
      %add3A_1223 = arith.addi %iota3A, %add3A_1222 : vector<16xi32>
      %scatter3A_1224 = arith.constant 3 : i32
      %scatter3A_1225 = arith.constant 0 : i32
      %scatter3A_1226 = arith.constant 0 : i32
      %scatter3A_1227 = tpu.memref_slice %arg9[%scatter3A_1224, %scatter3A_1225, %scatter3A_1226] : memref<4x64x128xf32, #tpu.memory_space<vmem>> -> memref<1x64x128xf32, #tpu.memory_space<vmem>>
      %scatter3A_1228 = tpu.memref_squeeze %scatter3A_1227 : memref<1x64x128xf32, #tpu.memory_space<vmem>> -> memref<64x128xf32, #tpu.memory_space<vmem>>
      tpu.vector_store_idx %scatter3A_1228[%get3A_1220, %add3A_1223], %broadcast_in_dim3A_5 : memref<64x128xf32, #tpu.memory_space<vmem>>[vector<16xi32>, vector<16xi32>], vector<16xf32>,
      %add3A_1229 = arith.constant 2 : i32
      %add3A_1230 = arith.addi %add3A_838, %add3A_1229 : i32
      %mul3A_1231 = arith.constant 4 : i32
      %mul3A_1232 = arith.muli %add3A_1230, %mul3A_1231 : i32
      %min3A_1233 = arith.constant 196 : i32
      %min3A_1234 = arith.minsi %mul3A_1232, %min3A_1233 : i32
      %dma_start3A_1235 = tpu.memref_slice %arg2[%min3A_1234, %mul3A_2] : memref<200x4096xi32, #tpu.memory_space<hbm>> -> memref<4x128xi32, #tpu.memory_space<hbm>>
      %dma_start3A_1236 = tpu.memref_slice %arg2[%min3A_1234, %mul3A_2] : memref<200x4096xi32, #tpu.memory_space<hbm>> -> memref<4x128xi32, #tpu.memory_space<hbm>>
      tpu.enqueue_dma source(%dma_start3A_1236 : memref<4x128xi32, #tpu.memory_space<hbm>>) target(%arg5 : memref<4x128xi32, #tpu.memory_space<vmem>>) target_semaphore(%arg11 : memref<!tpu.dma_semaphore, #tpu.memory_space<semaphore_mem>>)
      %dma_wait3A_1237 = arith.constant 0 : i32
      %dma_wait3A_1238 = tpu.memref_slice %arg2[%dma_wait3A_1237, %mul3A_2] : memref<200x4096xi32, #tpu.memory_space<hbm>> -> memref<4x128xi32, #tpu.memory_space<hbm>>
      %dma_wait3A_1239 = arith.constant 0 : i32
      %dma_wait3A_1240 = tpu.memref_slice %arg2[%dma_wait3A_1239, %mul3A_2] : memref<200x4096xi32, #tpu.memory_space<hbm>> -> memref<4x128xi32, #tpu.memory_space<hbm>>
      tpu.wait_dma2 semaphore(%arg13 : memref<!tpu.dma_semaphore, #tpu.memory_space<semaphore_mem>>) src(%dma_wait3A_1240 : memref<4x128xi32, #tpu.memory_space<hbm>>) dst(%arg7 : memref<4x128xi32, #tpu.memory_space<vmem>>)
      %get3A_1241 = arith.constant 0 : i32
      %get3A_1242 = arith.index_cast %get3A_1241 : i32 to index
      %get3A_1243 = arith.constant 0 : index
      %get3A_1244 = tpu.vector_load %arg7[%get3A_1242, %get3A_1243] {strides = array<i32>} : memref<4x128xi32, #tpu.memory_space<vmem>>, vector<16xi32>,
      %add3A_1245 = arith.constant 0 : i32
      %add3A_1246 = vector.broadcast %add3A_1245 : i32 to vector<16xi32>
      %add3A_1247 = arith.addi %iota3A, %add3A_1246 : vector<16xi32>
      %scatter3A_1248 = arith.constant 0 : i32
      %scatter3A_1249 = arith.constant 0 : i32
      %scatter3A_1250 = arith.constant 0 : i32
      %scatter3A_1251 = tpu.memref_slice %arg9[%scatter3A_1248, %scatter3A_1249, %scatter3A_1250] : memref<4x64x128xf32, #tpu.memory_space<vmem>> -> memref<1x64x128xf32, #tpu.memory_space<vmem>>
      %scatter3A_1252 = tpu.memref_squeeze %scatter3A_1251 : memref<1x64x128xf32, #tpu.memory_space<vmem>> -> memref<64x128xf32, #tpu.memory_space<vmem>>
      tpu.vector_store_idx %scatter3A_1252[%get3A_1244, %add3A_1247], %broadcast_in_dim3A_3 : memref<64x128xf32, #tpu.memory_space<vmem>>[vector<16xi32>, vector<16xi32>], vector<16xf32>,
      %get3A_1253 = arith.constant 0 : i32
      %get3A_1254 = arith.index_cast %get3A_1253 : i32 to index
      %get3A_1255 = arith.constant 16 : index
      %get3A_1256 = tpu.vector_load %arg7[%get3A_1254, %get3A_1255] {strides = array<i32>} : memref<4x128xi32, #tpu.memory_space<vmem>>, vector<16xi32>,
      %add3A_1257 = arith.constant 16 : i32
      %add3A_1258 = vector.broadcast %add3A_1257 : i32 to vector<16xi32>
      %add3A_1259 = arith.addi %iota3A, %add3A_1258 : vector<16xi32>
      %scatter3A_1260 = arith.constant 0 : i32
      %scatter3A_1261 = arith.constant 0 : i32
      %scatter3A_1262 = arith.constant 0 : i32
      %scatter3A_1263 = tpu.memref_slice %arg9[%scatter3A_1260, %scatter3A_1261, %scatter3A_1262] : memref<4x64x128xf32, #tpu.memory_space<vmem>> -> memref<1x64x128xf32, #tpu.memory_space<vmem>>
      %scatter3A_1264 = tpu.memref_squeeze %scatter3A_1263 : memref<1x64x128xf32, #tpu.memory_space<vmem>> -> memref<64x128xf32, #tpu.memory_space<vmem>>
      tpu.vector_store_idx %scatter3A_1264[%get3A_1256, %add3A_1259], %broadcast_in_dim3A_3 : memref<64x128xf32, #tpu.memory_space<vmem>>[vector<16xi32>, vector<16xi32>], vector<16xf32>,
      %get3A_1265 = arith.constant 0 : i32
      %get3A_1266 = arith.index_cast %get3A_1265 : i32 to index
      %get3A_1267 = arith.constant 32 : index
      %get3A_1268 = tpu.vector_load %arg7[%get3A_1266, %get3A_1267] {strides = array<i32>} : memref<4x128xi32, #tpu.memory_space<vmem>>, vector<16xi32>,
      %add3A_1269 = arith.constant 32 : i32
      %add3A_1270 = vector.broadcast %add3A_1269 : i32 to vector<16xi32>
      %add3A_1271 = arith.addi %iota3A, %add3A_1270 : vector<16xi32>
      %scatter3A_1272 = arith.constant 0 : i32
      %scatter3A_1273 = arith.constant 0 : i32
      %scatter3A_1274 = arith.constant 0 : i32
      %scatter3A_1275 = tpu.memref_slice %arg9[%scatter3A_1272, %scatter3A_1273, %scatter3A_1274] : memref<4x64x128xf32, #tpu.memory_space<vmem>> -> memref<1x64x128xf32, #tpu.memory_space<vmem>>
      %scatter3A_1276 = tpu.memref_squeeze %scatter3A_1275 : memref<1x64x128xf32, #tpu.memory_space<vmem>> -> memref<64x128xf32, #tpu.memory_space<vmem>>
      tpu.vector_store_idx %scatter3A_1276[%get3A_1268, %add3A_1271], %broadcast_in_dim3A_3 : memref<64x128xf32, #tpu.memory_space<vmem>>[vector<16xi32>, vector<16xi32>], vector<16xf32>,
      %get3A_1277 = arith.constant 0 : i32
      %get3A_1278 = arith.index_cast %get3A_1277 : i32 to index
      %get3A_1279 = arith.constant 48 : index
      %get3A_1280 = tpu.vector_load %arg7[%get3A_1278, %get3A_1279] {strides = array<i32>} : memref<4x128xi32, #tpu.memory_space<vmem>>, vector<16xi32>,
      %add3A_1281 = arith.constant 48 : i32
      %add3A_1282 = vector.broadcast %add3A_1281 : i32 to vector<16xi32>
      %add3A_1283 = arith.addi %iota3A, %add3A_1282 : vector<16xi32>
      %scatter3A_1284 = arith.constant 0 : i32
      %scatter3A_1285 = arith.constant 0 : i32
      %scatter3A_1286 = arith.constant 0 : i32
      %scatter3A_1287 = tpu.memref_slice %arg9[%scatter3A_1284, %scatter3A_1285, %scatter3A_1286] : memref<4x64x128xf32, #tpu.memory_space<vmem>> -> memref<1x64x128xf32, #tpu.memory_space<vmem>>
      %scatter3A_1288 = tpu.memref_squeeze %scatter3A_1287 : memref<1x64x128xf32, #tpu.memory_space<vmem>> -> memref<64x128xf32, #tpu.memory_space<vmem>>
      tpu.vector_store_idx %scatter3A_1288[%get3A_1280, %add3A_1283], %broadcast_in_dim3A_3 : memref<64x128xf32, #tpu.memory_space<vmem>>[vector<16xi32>, vector<16xi32>], vector<16xf32>,
      %get3A_1289 = arith.constant 0 : i32
      %get3A_1290 = arith.index_cast %get3A_1289 : i32 to index
      %get3A_1291 = arith.constant 64 : index
      %get3A_1292 = tpu.vector_load %arg7[%get3A_1290, %get3A_1291] {strides = array<i32>} : memref<4x128xi32, #tpu.memory_space<vmem>>, vector<16xi32>,
      %add3A_1293 = arith.constant 64 : i32
      %add3A_1294 = vector.broadcast %add3A_1293 : i32 to vector<16xi32>
      %add3A_1295 = arith.addi %iota3A, %add3A_1294 : vector<16xi32>
      %scatter3A_1296 = arith.constant 0 : i32
      %scatter3A_1297 = arith.constant 0 : i32
      %scatter3A_1298 = arith.constant 0 : i32
      %scatter3A_1299 = tpu.memref_slice %arg9[%scatter3A_1296, %scatter3A_1297, %scatter3A_1298] : memref<4x64x128xf32, #tpu.memory_space<vmem>> -> memref<1x64x128xf32, #tpu.memory_space<vmem>>
      %scatter3A_1300 = tpu.memref_squeeze %scatter3A_1299 : memref<1x64x128xf32, #tpu.memory_space<vmem>> -> memref<64x128xf32, #tpu.memory_space<vmem>>
      tpu.vector_store_idx %scatter3A_1300[%get3A_1292, %add3A_1295], %broadcast_in_dim3A_3 : memref<64x128xf32, #tpu.memory_space<vmem>>[vector<16xi32>, vector<16xi32>], vector<16xf32>,
      %get3A_1301 = arith.constant 0 : i32
      %get3A_1302 = arith.index_cast %get3A_1301 : i32 to index
      %get3A_1303 = arith.constant 80 : index
      %get3A_1304 = tpu.vector_load %arg7[%get3A_1302, %get3A_1303] {strides = array<i32>} : memref<4x128xi32, #tpu.memory_space<vmem>>, vector<16xi32>,
      %add3A_1305 = arith.constant 80 : i32
      %add3A_1306 = vector.broadcast %add3A_1305 : i32 to vector<16xi32>
      %add3A_1307 = arith.addi %iota3A, %add3A_1306 : vector<16xi32>
      %scatter3A_1308 = arith.constant 0 : i32
      %scatter3A_1309 = arith.constant 0 : i32
      %scatter3A_1310 = arith.constant 0 : i32
      %scatter3A_1311 = tpu.memref_slice %arg9[%scatter3A_1308, %scatter3A_1309, %scatter3A_1310] : memref<4x64x128xf32, #tpu.memory_space<vmem>> -> memref<1x64x128xf32, #tpu.memory_space<vmem>>
      %scatter3A_1312 = tpu.memref_squeeze %scatter3A_1311 : memref<1x64x128xf32, #tpu.memory_space<vmem>> -> memref<64x128xf32, #tpu.memory_space<vmem>>
      tpu.vector_store_idx %scatter3A_1312[%get3A_1304, %add3A_1307], %broadcast_in_dim3A_3 : memref<64x128xf32, #tpu.memory_space<vmem>>[vector<16xi32>, vector<16xi32>], vector<16xf32>,
      %get3A_1313 = arith.constant 0 : i32
      %get3A_1314 = arith.index_cast %get3A_1313 : i32 to index
      %get3A_1315 = arith.constant 96 : index
      %get3A_1316 = tpu.vector_load %arg7[%get3A_1314, %get3A_1315] {strides = array<i32>} : memref<4x128xi32, #tpu.memory_space<vmem>>, vector<16xi32>,
      %add3A_1317 = arith.constant 96 : i32
      %add3A_1318 = vector.broadcast %add3A_1317 : i32 to vector<16xi32>
      %add3A_1319 = arith.addi %iota3A, %add3A_1318 : vector<16xi32>
      %scatter3A_1320 = arith.constant 0 : i32
      %scatter3A_1321 = arith.constant 0 : i32
      %scatter3A_1322 = arith.constant 0 : i32
      %scatter3A_1323 = tpu.memref_slice %arg9[%scatter3A_1320, %scatter3A_1321, %scatter3A_1322] : memref<4x64x128xf32, #tpu.memory_space<vmem>> -> memref<1x64x128xf32, #tpu.memory_space<vmem>>
      %scatter3A_1324 = tpu.memref_squeeze %scatter3A_1323 : memref<1x64x128xf32, #tpu.memory_space<vmem>> -> memref<64x128xf32, #tpu.memory_space<vmem>>
      tpu.vector_store_idx %scatter3A_1324[%get3A_1316, %add3A_1319], %broadcast_in_dim3A_3 : memref<64x128xf32, #tpu.memory_space<vmem>>[vector<16xi32>, vector<16xi32>], vector<16xf32>,
      %get3A_1325 = arith.constant 0 : i32
      %get3A_1326 = arith.index_cast %get3A_1325 : i32 to index
      %get3A_1327 = arith.constant 112 : index
      %get3A_1328 = tpu.vector_load %arg7[%get3A_1326, %get3A_1327] {strides = array<i32>} : memref<4x128xi32, #tpu.memory_space<vmem>>, vector<16xi32>,
      %add3A_1329 = arith.constant 112 : i32
      %add3A_1330 = vector.broadcast %add3A_1329 : i32 to vector<16xi32>
      %add3A_1331 = arith.addi %iota3A, %add3A_1330 : vector<16xi32>
      %scatter3A_1332 = arith.constant 0 : i32
      %scatter3A_1333 = arith.constant 0 : i32
      %scatter3A_1334 = arith.constant 0 : i32
      %scatter3A_1335 = tpu.memref_slice %arg9[%scatter3A_1332, %scatter3A_1333, %scatter3A_1334] : memref<4x64x128xf32, #tpu.memory_space<vmem>> -> memref<1x64x128xf32, #tpu.memory_space<vmem>>
      %scatter3A_1336 = tpu.memref_squeeze %scatter3A_1335 : memref<1x64x128xf32, #tpu.memory_space<vmem>> -> memref<64x128xf32, #tpu.memory_space<vmem>>
      tpu.vector_store_idx %scatter3A_1336[%get3A_1328, %add3A_1331], %broadcast_in_dim3A_3 : memref<64x128xf32, #tpu.memory_space<vmem>>[vector<16xi32>, vector<16xi32>], vector<16xf32>,
      %get3A_1337 = arith.constant 1 : i32
      %get3A_1338 = arith.index_cast %get3A_1337 : i32 to index
      %get3A_1339 = arith.constant 0 : index
      %get3A_1340 = tpu.vector_load %arg7[%get3A_1338, %get3A_1339] {strides = array<i32>} : memref<4x128xi32, #tpu.memory_space<vmem>>, vector<16xi32>,
      %add3A_1341 = arith.constant 0 : i32
      %add3A_1342 = vector.broadcast %add3A_1341 : i32 to vector<16xi32>
      %add3A_1343 = arith.addi %iota3A, %add3A_1342 : vector<16xi32>
      %scatter3A_1344 = arith.constant 1 : i32
      %scatter3A_1345 = arith.constant 0 : i32
      %scatter3A_1346 = arith.constant 0 : i32
      %scatter3A_1347 = tpu.memref_slice %arg9[%scatter3A_1344, %scatter3A_1345, %scatter3A_1346] : memref<4x64x128xf32, #tpu.memory_space<vmem>> -> memref<1x64x128xf32, #tpu.memory_space<vmem>>
      %scatter3A_1348 = tpu.memref_squeeze %scatter3A_1347 : memref<1x64x128xf32, #tpu.memory_space<vmem>> -> memref<64x128xf32, #tpu.memory_space<vmem>>
      tpu.vector_store_idx %scatter3A_1348[%get3A_1340, %add3A_1343], %broadcast_in_dim3A_3 : memref<64x128xf32, #tpu.memory_space<vmem>>[vector<16xi32>, vector<16xi32>], vector<16xf32>,
      %get3A_1349 = arith.constant 1 : i32
      %get3A_1350 = arith.index_cast %get3A_1349 : i32 to index
      %get3A_1351 = arith.constant 16 : index
      %get3A_1352 = tpu.vector_load %arg7[%get3A_1350, %get3A_1351] {strides = array<i32>} : memref<4x128xi32, #tpu.memory_space<vmem>>, vector<16xi32>,
      %add3A_1353 = arith.constant 16 : i32
      %add3A_1354 = vector.broadcast %add3A_1353 : i32 to vector<16xi32>
      %add3A_1355 = arith.addi %iota3A, %add3A_1354 : vector<16xi32>
      %scatter3A_1356 = arith.constant 1 : i32
      %scatter3A_1357 = arith.constant 0 : i32
      %scatter3A_1358 = arith.constant 0 : i32
      %scatter3A_1359 = tpu.memref_slice %arg9[%scatter3A_1356, %scatter3A_1357, %scatter3A_1358] : memref<4x64x128xf32, #tpu.memory_space<vmem>> -> memref<1x64x128xf32, #tpu.memory_space<vmem>>
      %scatter3A_1360 = tpu.memref_squeeze %scatter3A_1359 : memref<1x64x128xf32, #tpu.memory_space<vmem>> -> memref<64x128xf32, #tpu.memory_space<vmem>>
      tpu.vector_store_idx %scatter3A_1360[%get3A_1352, %add3A_1355], %broadcast_in_dim3A_3 : memref<64x128xf32, #tpu.memory_space<vmem>>[vector<16xi32>, vector<16xi32>], vector<16xf32>,
      %get3A_1361 = arith.constant 1 : i32
      %get3A_1362 = arith.index_cast %get3A_1361 : i32 to index
      %get3A_1363 = arith.constant 32 : index
      %get3A_1364 = tpu.vector_load %arg7[%get3A_1362, %get3A_1363] {strides = array<i32>} : memref<4x128xi32, #tpu.memory_space<vmem>>, vector<16xi32>,
      %add3A_1365 = arith.constant 32 : i32
      %add3A_1366 = vector.broadcast %add3A_1365 : i32 to vector<16xi32>
      %add3A_1367 = arith.addi %iota3A, %add3A_1366 : vector<16xi32>
      %scatter3A_1368 = arith.constant 1 : i32
      %scatter3A_1369 = arith.constant 0 : i32
      %scatter3A_1370 = arith.constant 0 : i32
      %scatter3A_1371 = tpu.memref_slice %arg9[%scatter3A_1368, %scatter3A_1369, %scatter3A_1370] : memref<4x64x128xf32, #tpu.memory_space<vmem>> -> memref<1x64x128xf32, #tpu.memory_space<vmem>>
      %scatter3A_1372 = tpu.memref_squeeze %scatter3A_1371 : memref<1x64x128xf32, #tpu.memory_space<vmem>> -> memref<64x128xf32, #tpu.memory_space<vmem>>
      tpu.vector_store_idx %scatter3A_1372[%get3A_1364, %add3A_1367], %broadcast_in_dim3A_3 : memref<64x128xf32, #tpu.memory_space<vmem>>[vector<16xi32>, vector<16xi32>], vector<16xf32>,
      %get3A_1373 = arith.constant 1 : i32
      %get3A_1374 = arith.index_cast %get3A_1373 : i32 to index
      %get3A_1375 = arith.constant 48 : index
      %get3A_1376 = tpu.vector_load %arg7[%get3A_1374, %get3A_1375] {strides = array<i32>} : memref<4x128xi32, #tpu.memory_space<vmem>>, vector<16xi32>,
      %add3A_1377 = arith.constant 48 : i32
      %add3A_1378 = vector.broadcast %add3A_1377 : i32 to vector<16xi32>
      %add3A_1379 = arith.addi %iota3A, %add3A_1378 : vector<16xi32>
      %scatter3A_1380 = arith.constant 1 : i32
      %scatter3A_1381 = arith.constant 0 : i32
      %scatter3A_1382 = arith.constant 0 : i32
      %scatter3A_1383 = tpu.memref_slice %arg9[%scatter3A_1380, %scatter3A_1381, %scatter3A_1382] : memref<4x64x128xf32, #tpu.memory_space<vmem>> -> memref<1x64x128xf32, #tpu.memory_space<vmem>>
      %scatter3A_1384 = tpu.memref_squeeze %scatter3A_1383 : memref<1x64x128xf32, #tpu.memory_space<vmem>> -> memref<64x128xf32, #tpu.memory_space<vmem>>
      tpu.vector_store_idx %scatter3A_1384[%get3A_1376, %add3A_1379], %broadcast_in_dim3A_3 : memref<64x128xf32, #tpu.memory_space<vmem>>[vector<16xi32>, vector<16xi32>], vector<16xf32>,
      %get3A_1385 = arith.constant 1 : i32
      %get3A_1386 = arith.index_cast %get3A_1385 : i32 to index
      %get3A_1387 = arith.constant 64 : index
      %get3A_1388 = tpu.vector_load %arg7[%get3A_1386, %get3A_1387] {strides = array<i32>} : memref<4x128xi32, #tpu.memory_space<vmem>>, vector<16xi32>,
      %add3A_1389 = arith.constant 64 : i32
      %add3A_1390 = vector.broadcast %add3A_1389 : i32 to vector<16xi32>
      %add3A_1391 = arith.addi %iota3A, %add3A_1390 : vector<16xi32>
      %scatter3A_1392 = arith.constant 1 : i32
      %scatter3A_1393 = arith.constant 0 : i32
      %scatter3A_1394 = arith.constant 0 : i32
      %scatter3A_1395 = tpu.memref_slice %arg9[%scatter3A_1392, %scatter3A_1393, %scatter3A_1394] : memref<4x64x128xf32, #tpu.memory_space<vmem>> -> memref<1x64x128xf32, #tpu.memory_space<vmem>>
      %scatter3A_1396 = tpu.memref_squeeze %scatter3A_1395 : memref<1x64x128xf32, #tpu.memory_space<vmem>> -> memref<64x128xf32, #tpu.memory_space<vmem>>
      tpu.vector_store_idx %scatter3A_1396[%get3A_1388, %add3A_1391], %broadcast_in_dim3A_3 : memref<64x128xf32, #tpu.memory_space<vmem>>[vector<16xi32>, vector<16xi32>], vector<16xf32>,
      %get3A_1397 = arith.constant 1 : i32
      %get3A_1398 = arith.index_cast %get3A_1397 : i32 to index
      %get3A_1399 = arith.constant 80 : index
      %get3A_1400 = tpu.vector_load %arg7[%get3A_1398, %get3A_1399] {strides = array<i32>} : memref<4x128xi32, #tpu.memory_space<vmem>>, vector<16xi32>,
      %add3A_1401 = arith.constant 80 : i32
      %add3A_1402 = vector.broadcast %add3A_1401 : i32 to vector<16xi32>
      %add3A_1403 = arith.addi %iota3A, %add3A_1402 : vector<16xi32>
      %scatter3A_1404 = arith.constant 1 : i32
      %scatter3A_1405 = arith.constant 0 : i32
      %scatter3A_1406 = arith.constant 0 : i32
      %scatter3A_1407 = tpu.memref_slice %arg9[%scatter3A_1404, %scatter3A_1405, %scatter3A_1406] : memref<4x64x128xf32, #tpu.memory_space<vmem>> -> memref<1x64x128xf32, #tpu.memory_space<vmem>>
      %scatter3A_1408 = tpu.memref_squeeze %scatter3A_1407 : memref<1x64x128xf32, #tpu.memory_space<vmem>> -> memref<64x128xf32, #tpu.memory_space<vmem>>
      tpu.vector_store_idx %scatter3A_1408[%get3A_1400, %add3A_1403], %broadcast_in_dim3A_3 : memref<64x128xf32, #tpu.memory_space<vmem>>[vector<16xi32>, vector<16xi32>], vector<16xf32>,
      %get3A_1409 = arith.constant 1 : i32
      %get3A_1410 = arith.index_cast %get3A_1409 : i32 to index
      %get3A_1411 = arith.constant 96 : index
      %get3A_1412 = tpu.vector_load %arg7[%get3A_1410, %get3A_1411] {strides = array<i32>} : memref<4x128xi32, #tpu.memory_space<vmem>>, vector<16xi32>,
      %add3A_1413 = arith.constant 96 : i32
      %add3A_1414 = vector.broadcast %add3A_1413 : i32 to vector<16xi32>
      %add3A_1415 = arith.addi %iota3A, %add3A_1414 : vector<16xi32>
      %scatter3A_1416 = arith.constant 1 : i32
      %scatter3A_1417 = arith.constant 0 : i32
      %scatter3A_1418 = arith.constant 0 : i32
      %scatter3A_1419 = tpu.memref_slice %arg9[%scatter3A_1416, %scatter3A_1417, %scatter3A_1418] : memref<4x64x128xf32, #tpu.memory_space<vmem>> -> memref<1x64x128xf32, #tpu.memory_space<vmem>>
      %scatter3A_1420 = tpu.memref_squeeze %scatter3A_1419 : memref<1x64x128xf32, #tpu.memory_space<vmem>> -> memref<64x128xf32, #tpu.memory_space<vmem>>
      tpu.vector_store_idx %scatter3A_1420[%get3A_1412, %add3A_1415], %broadcast_in_dim3A_3 : memref<64x128xf32, #tpu.memory_space<vmem>>[vector<16xi32>, vector<16xi32>], vector<16xf32>,
      %get3A_1421 = arith.constant 1 : i32
      %get3A_1422 = arith.index_cast %get3A_1421 : i32 to index
      %get3A_1423 = arith.constant 112 : index
      %get3A_1424 = tpu.vector_load %arg7[%get3A_1422, %get3A_1423] {strides = array<i32>} : memref<4x128xi32, #tpu.memory_space<vmem>>, vector<16xi32>,
      %add3A_1425 = arith.constant 112 : i32
      %add3A_1426 = vector.broadcast %add3A_1425 : i32 to vector<16xi32>
      %add3A_1427 = arith.addi %iota3A, %add3A_1426 : vector<16xi32>
      %scatter3A_1428 = arith.constant 1 : i32
      %scatter3A_1429 = arith.constant 0 : i32
      %scatter3A_1430 = arith.constant 0 : i32
      %scatter3A_1431 = tpu.memref_slice %arg9[%scatter3A_1428, %scatter3A_1429, %scatter3A_1430] : memref<4x64x128xf32, #tpu.memory_space<vmem>> -> memref<1x64x128xf32, #tpu.memory_space<vmem>>
      %scatter3A_1432 = tpu.memref_squeeze %scatter3A_1431 : memref<1x64x128xf32, #tpu.memory_space<vmem>> -> memref<64x128xf32, #tpu.memory_space<vmem>>
      tpu.vector_store_idx %scatter3A_1432[%get3A_1424, %add3A_1427], %broadcast_in_dim3A_3 : memref<64x128xf32, #tpu.memory_space<vmem>>[vector<16xi32>, vector<16xi32>], vector<16xf32>,
      %get3A_1433 = arith.constant 2 : i32
      %get3A_1434 = arith.index_cast %get3A_1433 : i32 to index
      %get3A_1435 = arith.constant 0 : index
      %get3A_1436 = tpu.vector_load %arg7[%get3A_1434, %get3A_1435] {strides = array<i32>} : memref<4x128xi32, #tpu.memory_space<vmem>>, vector<16xi32>,
      %add3A_1437 = arith.constant 0 : i32
      %add3A_1438 = vector.broadcast %add3A_1437 : i32 to vector<16xi32>
      %add3A_1439 = arith.addi %iota3A, %add3A_1438 : vector<16xi32>
      %scatter3A_1440 = arith.constant 2 : i32
      %scatter3A_1441 = arith.constant 0 : i32
      %scatter3A_1442 = arith.constant 0 : i32
      %scatter3A_1443 = tpu.memref_slice %arg9[%scatter3A_1440, %scatter3A_1441, %scatter3A_1442] : memref<4x64x128xf32, #tpu.memory_space<vmem>> -> memref<1x64x128xf32, #tpu.memory_space<vmem>>
      %scatter3A_1444 = tpu.memref_squeeze %scatter3A_1443 : memref<1x64x128xf32, #tpu.memory_space<vmem>> -> memref<64x128xf32, #tpu.memory_space<vmem>>
      tpu.vector_store_idx %scatter3A_1444[%get3A_1436, %add3A_1439], %broadcast_in_dim3A_3 : memref<64x128xf32, #tpu.memory_space<vmem>>[vector<16xi32>, vector<16xi32>], vector<16xf32>,
      %get3A_1445 = arith.constant 2 : i32
      %get3A_1446 = arith.index_cast %get3A_1445 : i32 to index
      %get3A_1447 = arith.constant 16 : index
      %get3A_1448 = tpu.vector_load %arg7[%get3A_1446, %get3A_1447] {strides = array<i32>} : memref<4x128xi32, #tpu.memory_space<vmem>>, vector<16xi32>,
      %add3A_1449 = arith.constant 16 : i32
      %add3A_1450 = vector.broadcast %add3A_1449 : i32 to vector<16xi32>
      %add3A_1451 = arith.addi %iota3A, %add3A_1450 : vector<16xi32>
      %scatter3A_1452 = arith.constant 2 : i32
      %scatter3A_1453 = arith.constant 0 : i32
      %scatter3A_1454 = arith.constant 0 : i32
      %scatter3A_1455 = tpu.memref_slice %arg9[%scatter3A_1452, %scatter3A_1453, %scatter3A_1454] : memref<4x64x128xf32, #tpu.memory_space<vmem>> -> memref<1x64x128xf32, #tpu.memory_space<vmem>>
      %scatter3A_1456 = tpu.memref_squeeze %scatter3A_1455 : memref<1x64x128xf32, #tpu.memory_space<vmem>> -> memref<64x128xf32, #tpu.memory_space<vmem>>
      tpu.vector_store_idx %scatter3A_1456[%get3A_1448, %add3A_1451], %broadcast_in_dim3A_3 : memref<64x128xf32, #tpu.memory_space<vmem>>[vector<16xi32>, vector<16xi32>], vector<16xf32>,
      %get3A_1457 = arith.constant 2 : i32
      %get3A_1458 = arith.index_cast %get3A_1457 : i32 to index
      %get3A_1459 = arith.constant 32 : index
      %get3A_1460 = tpu.vector_load %arg7[%get3A_1458, %get3A_1459] {strides = array<i32>} : memref<4x128xi32, #tpu.memory_space<vmem>>, vector<16xi32>,
      %add3A_1461 = arith.constant 32 : i32
      %add3A_1462 = vector.broadcast %add3A_1461 : i32 to vector<16xi32>
      %add3A_1463 = arith.addi %iota3A, %add3A_1462 : vector<16xi32>
      %scatter3A_1464 = arith.constant 2 : i32
      %scatter3A_1465 = arith.constant 0 : i32
      %scatter3A_1466 = arith.constant 0 : i32
      %scatter3A_1467 = tpu.memref_slice %arg9[%scatter3A_1464, %scatter3A_1465, %scatter3A_1466] : memref<4x64x128xf32, #tpu.memory_space<vmem>> -> memref<1x64x128xf32, #tpu.memory_space<vmem>>
      %scatter3A_1468 = tpu.memref_squeeze %scatter3A_1467 : memref<1x64x128xf32, #tpu.memory_space<vmem>> -> memref<64x128xf32, #tpu.memory_space<vmem>>
      tpu.vector_store_idx %scatter3A_1468[%get3A_1460, %add3A_1463], %broadcast_in_dim3A_3 : memref<64x128xf32, #tpu.memory_space<vmem>>[vector<16xi32>, vector<16xi32>], vector<16xf32>,
      %get3A_1469 = arith.constant 2 : i32
      %get3A_1470 = arith.index_cast %get3A_1469 : i32 to index
      %get3A_1471 = arith.constant 48 : index
      %get3A_1472 = tpu.vector_load %arg7[%get3A_1470, %get3A_1471] {strides = array<i32>} : memref<4x128xi32, #tpu.memory_space<vmem>>, vector<16xi32>,
      %add3A_1473 = arith.constant 48 : i32
      %add3A_1474 = vector.broadcast %add3A_1473 : i32 to vector<16xi32>
      %add3A_1475 = arith.addi %iota3A, %add3A_1474 : vector<16xi32>
      %scatter3A_1476 = arith.constant 2 : i32
      %scatter3A_1477 = arith.constant 0 : i32
      %scatter3A_1478 = arith.constant 0 : i32
      %scatter3A_1479 = tpu.memref_slice %arg9[%scatter3A_1476, %scatter3A_1477, %scatter3A_1478] : memref<4x64x128xf32, #tpu.memory_space<vmem>> -> memref<1x64x128xf32, #tpu.memory_space<vmem>>
      %scatter3A_1480 = tpu.memref_squeeze %scatter3A_1479 : memref<1x64x128xf32, #tpu.memory_space<vmem>> -> memref<64x128xf32, #tpu.memory_space<vmem>>
      tpu.vector_store_idx %scatter3A_1480[%get3A_1472, %add3A_1475], %broadcast_in_dim3A_3 : memref<64x128xf32, #tpu.memory_space<vmem>>[vector<16xi32>, vector<16xi32>], vector<16xf32>,
      %get3A_1481 = arith.constant 2 : i32
      %get3A_1482 = arith.index_cast %get3A_1481 : i32 to index
      %get3A_1483 = arith.constant 64 : index
      %get3A_1484 = tpu.vector_load %arg7[%get3A_1482, %get3A_1483] {strides = array<i32>} : memref<4x128xi32, #tpu.memory_space<vmem>>, vector<16xi32>,
      %add3A_1485 = arith.constant 64 : i32
      %add3A_1486 = vector.broadcast %add3A_1485 : i32 to vector<16xi32>
      %add3A_1487 = arith.addi %iota3A, %add3A_1486 : vector<16xi32>
      %scatter3A_1488 = arith.constant 2 : i32
      %scatter3A_1489 = arith.constant 0 : i32
      %scatter3A_1490 = arith.constant 0 : i32
      %scatter3A_1491 = tpu.memref_slice %arg9[%scatter3A_1488, %scatter3A_1489, %scatter3A_1490] : memref<4x64x128xf32, #tpu.memory_space<vmem>> -> memref<1x64x128xf32, #tpu.memory_space<vmem>>
      %scatter3A_1492 = tpu.memref_squeeze %scatter3A_1491 : memref<1x64x128xf32, #tpu.memory_space<vmem>> -> memref<64x128xf32, #tpu.memory_space<vmem>>
      tpu.vector_store_idx %scatter3A_1492[%get3A_1484, %add3A_1487], %broadcast_in_dim3A_3 : memref<64x128xf32, #tpu.memory_space<vmem>>[vector<16xi32>, vector<16xi32>], vector<16xf32>,
      %get3A_1493 = arith.constant 2 : i32
      %get3A_1494 = arith.index_cast %get3A_1493 : i32 to index
      %get3A_1495 = arith.constant 80 : index
      %get3A_1496 = tpu.vector_load %arg7[%get3A_1494, %get3A_1495] {strides = array<i32>} : memref<4x128xi32, #tpu.memory_space<vmem>>, vector<16xi32>,
      %add3A_1497 = arith.constant 80 : i32
      %add3A_1498 = vector.broadcast %add3A_1497 : i32 to vector<16xi32>
      %add3A_1499 = arith.addi %iota3A, %add3A_1498 : vector<16xi32>
      %scatter3A_1500 = arith.constant 2 : i32
      %scatter3A_1501 = arith.constant 0 : i32
      %scatter3A_1502 = arith.constant 0 : i32
      %scatter3A_1503 = tpu.memref_slice %arg9[%scatter3A_1500, %scatter3A_1501, %scatter3A_1502] : memref<4x64x128xf32, #tpu.memory_space<vmem>> -> memref<1x64x128xf32, #tpu.memory_space<vmem>>
      %scatter3A_1504 = tpu.memref_squeeze %scatter3A_1503 : memref<1x64x128xf32, #tpu.memory_space<vmem>> -> memref<64x128xf32, #tpu.memory_space<vmem>>
      tpu.vector_store_idx %scatter3A_1504[%get3A_1496, %add3A_1499], %broadcast_in_dim3A_3 : memref<64x128xf32, #tpu.memory_space<vmem>>[vector<16xi32>, vector<16xi32>], vector<16xf32>,
      %get3A_1505 = arith.constant 2 : i32
      %get3A_1506 = arith.index_cast %get3A_1505 : i32 to index
      %get3A_1507 = arith.constant 96 : index
      %get3A_1508 = tpu.vector_load %arg7[%get3A_1506, %get3A_1507] {strides = array<i32>} : memref<4x128xi32, #tpu.memory_space<vmem>>, vector<16xi32>,
      %add3A_1509 = arith.constant 96 : i32
      %add3A_1510 = vector.broadcast %add3A_1509 : i32 to vector<16xi32>
      %add3A_1511 = arith.addi %iota3A, %add3A_1510 : vector<16xi32>
      %scatter3A_1512 = arith.constant 2 : i32
      %scatter3A_1513 = arith.constant 0 : i32
      %scatter3A_1514 = arith.constant 0 : i32
      %scatter3A_1515 = tpu.memref_slice %arg9[%scatter3A_1512, %scatter3A_1513, %scatter3A_1514] : memref<4x64x128xf32, #tpu.memory_space<vmem>> -> memref<1x64x128xf32, #tpu.memory_space<vmem>>
      %scatter3A_1516 = tpu.memref_squeeze %scatter3A_1515 : memref<1x64x128xf32, #tpu.memory_space<vmem>> -> memref<64x128xf32, #tpu.memory_space<vmem>>
      tpu.vector_store_idx %scatter3A_1516[%get3A_1508, %add3A_1511], %broadcast_in_dim3A_3 : memref<64x128xf32, #tpu.memory_space<vmem>>[vector<16xi32>, vector<16xi32>], vector<16xf32>,
      %get3A_1517 = arith.constant 2 : i32
      %get3A_1518 = arith.index_cast %get3A_1517 : i32 to index
      %get3A_1519 = arith.constant 112 : index
      %get3A_1520 = tpu.vector_load %arg7[%get3A_1518, %get3A_1519] {strides = array<i32>} : memref<4x128xi32, #tpu.memory_space<vmem>>, vector<16xi32>,
      %add3A_1521 = arith.constant 112 : i32
      %add3A_1522 = vector.broadcast %add3A_1521 : i32 to vector<16xi32>
      %add3A_1523 = arith.addi %iota3A, %add3A_1522 : vector<16xi32>
      %scatter3A_1524 = arith.constant 2 : i32
      %scatter3A_1525 = arith.constant 0 : i32
      %scatter3A_1526 = arith.constant 0 : i32
      %scatter3A_1527 = tpu.memref_slice %arg9[%scatter3A_1524, %scatter3A_1525, %scatter3A_1526] : memref<4x64x128xf32, #tpu.memory_space<vmem>> -> memref<1x64x128xf32, #tpu.memory_space<vmem>>
      %scatter3A_1528 = tpu.memref_squeeze %scatter3A_1527 : memref<1x64x128xf32, #tpu.memory_space<vmem>> -> memref<64x128xf32, #tpu.memory_space<vmem>>
      tpu.vector_store_idx %scatter3A_1528[%get3A_1520, %add3A_1523], %broadcast_in_dim3A_3 : memref<64x128xf32, #tpu.memory_space<vmem>>[vector<16xi32>, vector<16xi32>], vector<16xf32>,
      %get3A_1529 = arith.constant 3 : i32
      %get3A_1530 = arith.index_cast %get3A_1529 : i32 to index
      %get3A_1531 = arith.constant 0 : index
      %get3A_1532 = tpu.vector_load %arg7[%get3A_1530, %get3A_1531] {strides = array<i32>} : memref<4x128xi32, #tpu.memory_space<vmem>>, vector<16xi32>,
      %add3A_1533 = arith.constant 0 : i32
      %add3A_1534 = vector.broadcast %add3A_1533 : i32 to vector<16xi32>
      %add3A_1535 = arith.addi %iota3A, %add3A_1534 : vector<16xi32>
      %scatter3A_1536 = arith.constant 3 : i32
      %scatter3A_1537 = arith.constant 0 : i32
      %scatter3A_1538 = arith.constant 0 : i32
      %scatter3A_1539 = tpu.memref_slice %arg9[%scatter3A_1536, %scatter3A_1537, %scatter3A_1538] : memref<4x64x128xf32, #tpu.memory_space<vmem>> -> memref<1x64x128xf32, #tpu.memory_space<vmem>>
      %scatter3A_1540 = tpu.memref_squeeze %scatter3A_1539 : memref<1x64x128xf32, #tpu.memory_space<vmem>> -> memref<64x128xf32, #tpu.memory_space<vmem>>
      tpu.vector_store_idx %scatter3A_1540[%get3A_1532, %add3A_1535], %broadcast_in_dim3A_3 : memref<64x128xf32, #tpu.memory_space<vmem>>[vector<16xi32>, vector<16xi32>], vector<16xf32>,
      %get3A_1541 = arith.constant 3 : i32
      %get3A_1542 = arith.index_cast %get3A_1541 : i32 to index
      %get3A_1543 = arith.constant 16 : index
      %get3A_1544 = tpu.vector_load %arg7[%get3A_1542, %get3A_1543] {strides = array<i32>} : memref<4x128xi32, #tpu.memory_space<vmem>>, vector<16xi32>,
      %add3A_1545 = arith.constant 16 : i32
      %add3A_1546 = vector.broadcast %add3A_1545 : i32 to vector<16xi32>
      %add3A_1547 = arith.addi %iota3A, %add3A_1546 : vector<16xi32>
      %scatter3A_1548 = arith.constant 3 : i32
      %scatter3A_1549 = arith.constant 0 : i32
      %scatter3A_1550 = arith.constant 0 : i32
      %scatter3A_1551 = tpu.memref_slice %arg9[%scatter3A_1548, %scatter3A_1549, %scatter3A_1550] : memref<4x64x128xf32, #tpu.memory_space<vmem>> -> memref<1x64x128xf32, #tpu.memory_space<vmem>>
      %scatter3A_1552 = tpu.memref_squeeze %scatter3A_1551 : memref<1x64x128xf32, #tpu.memory_space<vmem>> -> memref<64x128xf32, #tpu.memory_space<vmem>>
      tpu.vector_store_idx %scatter3A_1552[%get3A_1544, %add3A_1547], %broadcast_in_dim3A_3 : memref<64x128xf32, #tpu.memory_space<vmem>>[vector<16xi32>, vector<16xi32>], vector<16xf32>,
      %get3A_1553 = arith.constant 3 : i32
      %get3A_1554 = arith.index_cast %get3A_1553 : i32 to index
      %get3A_1555 = arith.constant 32 : index
      %get3A_1556 = tpu.vector_load %arg7[%get3A_1554, %get3A_1555] {strides = array<i32>} : memref<4x128xi32, #tpu.memory_space<vmem>>, vector<16xi32>,
      %add3A_1557 = arith.constant 32 : i32
      %add3A_1558 = vector.broadcast %add3A_1557 : i32 to vector<16xi32>
      %add3A_1559 = arith.addi %iota3A, %add3A_1558 : vector<16xi32>
      %scatter3A_1560 = arith.constant 3 : i32
      %scatter3A_1561 = arith.constant 0 : i32
      %scatter3A_1562 = arith.constant 0 : i32
      %scatter3A_1563 = tpu.memref_slice %arg9[%scatter3A_1560, %scatter3A_1561, %scatter3A_1562] : memref<4x64x128xf32, #tpu.memory_space<vmem>> -> memref<1x64x128xf32, #tpu.memory_space<vmem>>
      %scatter3A_1564 = tpu.memref_squeeze %scatter3A_1563 : memref<1x64x128xf32, #tpu.memory_space<vmem>> -> memref<64x128xf32, #tpu.memory_space<vmem>>
      tpu.vector_store_idx %scatter3A_1564[%get3A_1556, %add3A_1559], %broadcast_in_dim3A_3 : memref<64x128xf32, #tpu.memory_space<vmem>>[vector<16xi32>, vector<16xi32>], vector<16xf32>,
      %get3A_1565 = arith.constant 3 : i32
      %get3A_1566 = arith.index_cast %get3A_1565 : i32 to index
      %get3A_1567 = arith.constant 48 : index
      %get3A_1568 = tpu.vector_load %arg7[%get3A_1566, %get3A_1567] {strides = array<i32>} : memref<4x128xi32, #tpu.memory_space<vmem>>, vector<16xi32>,
      %add3A_1569 = arith.constant 48 : i32
      %add3A_1570 = vector.broadcast %add3A_1569 : i32 to vector<16xi32>
      %add3A_1571 = arith.addi %iota3A, %add3A_1570 : vector<16xi32>
      %scatter3A_1572 = arith.constant 3 : i32
      %scatter3A_1573 = arith.constant 0 : i32
      %scatter3A_1574 = arith.constant 0 : i32
      %scatter3A_1575 = tpu.memref_slice %arg9[%scatter3A_1572, %scatter3A_1573, %scatter3A_1574] : memref<4x64x128xf32, #tpu.memory_space<vmem>> -> memref<1x64x128xf32, #tpu.memory_space<vmem>>
      %scatter3A_1576 = tpu.memref_squeeze %scatter3A_1575 : memref<1x64x128xf32, #tpu.memory_space<vmem>> -> memref<64x128xf32, #tpu.memory_space<vmem>>
      tpu.vector_store_idx %scatter3A_1576[%get3A_1568, %add3A_1571], %broadcast_in_dim3A_3 : memref<64x128xf32, #tpu.memory_space<vmem>>[vector<16xi32>, vector<16xi32>], vector<16xf32>,
      %get3A_1577 = arith.constant 3 : i32
      %get3A_1578 = arith.index_cast %get3A_1577 : i32 to index
      %get3A_1579 = arith.constant 64 : index
      %get3A_1580 = tpu.vector_load %arg7[%get3A_1578, %get3A_1579] {strides = array<i32>} : memref<4x128xi32, #tpu.memory_space<vmem>>, vector<16xi32>,
      %add3A_1581 = arith.constant 64 : i32
      %add3A_1582 = vector.broadcast %add3A_1581 : i32 to vector<16xi32>
      %add3A_1583 = arith.addi %iota3A, %add3A_1582 : vector<16xi32>
      %scatter3A_1584 = arith.constant 3 : i32
      %scatter3A_1585 = arith.constant 0 : i32
      %scatter3A_1586 = arith.constant 0 : i32
      %scatter3A_1587 = tpu.memref_slice %arg9[%scatter3A_1584, %scatter3A_1585, %scatter3A_1586] : memref<4x64x128xf32, #tpu.memory_space<vmem>> -> memref<1x64x128xf32, #tpu.memory_space<vmem>>
      %scatter3A_1588 = tpu.memref_squeeze %scatter3A_1587 : memref<1x64x128xf32, #tpu.memory_space<vmem>> -> memref<64x128xf32, #tpu.memory_space<vmem>>
      tpu.vector_store_idx %scatter3A_1588[%get3A_1580, %add3A_1583], %broadcast_in_dim3A_3 : memref<64x128xf32, #tpu.memory_space<vmem>>[vector<16xi32>, vector<16xi32>], vector<16xf32>,
      %get3A_1589 = arith.constant 3 : i32
      %get3A_1590 = arith.index_cast %get3A_1589 : i32 to index
      %get3A_1591 = arith.constant 80 : index
      %get3A_1592 = tpu.vector_load %arg7[%get3A_1590, %get3A_1591] {strides = array<i32>} : memref<4x128xi32, #tpu.memory_space<vmem>>, vector<16xi32>,
      %add3A_1593 = arith.constant 80 : i32
      %add3A_1594 = vector.broadcast %add3A_1593 : i32 to vector<16xi32>
      %add3A_1595 = arith.addi %iota3A, %add3A_1594 : vector<16xi32>
      %scatter3A_1596 = arith.constant 3 : i32
      %scatter3A_1597 = arith.constant 0 : i32
      %scatter3A_1598 = arith.constant 0 : i32
      %scatter3A_1599 = tpu.memref_slice %arg9[%scatter3A_1596, %scatter3A_1597, %scatter3A_1598] : memref<4x64x128xf32, #tpu.memory_space<vmem>> -> memref<1x64x128xf32, #tpu.memory_space<vmem>>
      %scatter3A_1600 = tpu.memref_squeeze %scatter3A_1599 : memref<1x64x128xf32, #tpu.memory_space<vmem>> -> memref<64x128xf32, #tpu.memory_space<vmem>>
      tpu.vector_store_idx %scatter3A_1600[%get3A_1592, %add3A_1595], %broadcast_in_dim3A_3 : memref<64x128xf32, #tpu.memory_space<vmem>>[vector<16xi32>, vector<16xi32>], vector<16xf32>,
      %get3A_1601 = arith.constant 3 : i32
      %get3A_1602 = arith.index_cast %get3A_1601 : i32 to index
      %get3A_1603 = arith.constant 96 : index
      %get3A_1604 = tpu.vector_load %arg7[%get3A_1602, %get3A_1603] {strides = array<i32>} : memref<4x128xi32, #tpu.memory_space<vmem>>, vector<16xi32>,
      %add3A_1605 = arith.constant 96 : i32
      %add3A_1606 = vector.broadcast %add3A_1605 : i32 to vector<16xi32>
      %add3A_1607 = arith.addi %iota3A, %add3A_1606 : vector<16xi32>
      %scatter3A_1608 = arith.constant 3 : i32
      %scatter3A_1609 = arith.constant 0 : i32
      %scatter3A_1610 = arith.constant 0 : i32
      %scatter3A_1611 = tpu.memref_slice %arg9[%scatter3A_1608, %scatter3A_1609, %scatter3A_1610] : memref<4x64x128xf32, #tpu.memory_space<vmem>> -> memref<1x64x128xf32, #tpu.memory_space<vmem>>
      %scatter3A_1612 = tpu.memref_squeeze %scatter3A_1611 : memref<1x64x128xf32, #tpu.memory_space<vmem>> -> memref<64x128xf32, #tpu.memory_space<vmem>>
      tpu.vector_store_idx %scatter3A_1612[%get3A_1604, %add3A_1607], %broadcast_in_dim3A_3 : memref<64x128xf32, #tpu.memory_space<vmem>>[vector<16xi32>, vector<16xi32>], vector<16xf32>,
      %get3A_1613 = arith.constant 3 : i32
      %get3A_1614 = arith.index_cast %get3A_1613 : i32 to index
      %get3A_1615 = arith.constant 112 : index
      %get3A_1616 = tpu.vector_load %arg7[%get3A_1614, %get3A_1615] {strides = array<i32>} : memref<4x128xi32, #tpu.memory_space<vmem>>, vector<16xi32>,
      %add3A_1617 = arith.constant 112 : i32
      %add3A_1618 = vector.broadcast %add3A_1617 : i32 to vector<16xi32>
      %add3A_1619 = arith.addi %iota3A, %add3A_1618 : vector<16xi32>
      %scatter3A_1620 = arith.constant 3 : i32
      %scatter3A_1621 = arith.constant 0 : i32
      %scatter3A_1622 = arith.constant 0 : i32
      %scatter3A_1623 = tpu.memref_slice %arg9[%scatter3A_1620, %scatter3A_1621, %scatter3A_1622] : memref<4x64x128xf32, #tpu.memory_space<vmem>> -> memref<1x64x128xf32, #tpu.memory_space<vmem>>
      %scatter3A_1624 = tpu.memref_squeeze %scatter3A_1623 : memref<1x64x128xf32, #tpu.memory_space<vmem>> -> memref<64x128xf32, #tpu.memory_space<vmem>>
      tpu.vector_store_idx %scatter3A_1624[%get3A_1616, %add3A_1619], %broadcast_in_dim3A_3 : memref<64x128xf32, #tpu.memory_space<vmem>>[vector<16xi32>, vector<16xi32>], vector<16xf32>,
      %dma_start3A_1625 = arith.constant 0 : i32
      %dma_start3A_1626 = tpu.memref_slice %arg4[%mul3A_840, %dma_start3A_1625, %mul3A_2] : memref<200x64x4096xf32, #tpu.memory_space<hbm>> -> memref<4x64x128xf32, #tpu.memory_space<hbm>>
      %dma_start3A_1627 = arith.constant 0 : i32
      %dma_start3A_1628 = tpu.memref_slice %arg4[%mul3A_840, %dma_start3A_1627, %mul3A_2] : memref<200x64x4096xf32, #tpu.memory_space<hbm>> -> memref<4x64x128xf32, #tpu.memory_space<hbm>>
      tpu.enqueue_dma source(%arg9 : memref<4x64x128xf32, #tpu.memory_space<vmem>>) target(%dma_start3A_1628 : memref<4x64x128xf32, #tpu.memory_space<hbm>>) target_semaphore(%arg15 : memref<!tpu.dma_semaphore, #tpu.memory_space<semaphore_mem>>)
      %add3A_1629 = arith.constant 1 : i32
      %add3A_1630 = arith.addi %add3A_838, %add3A_1629 : i32
      %mul3A_1631 = arith.constant 4 : i32
      %mul3A_1632 = arith.muli %add3A_1630, %mul3A_1631 : i32
      %dma_wait3A_1633 = arith.constant 0 : i32
      %dma_wait3A_1634 = tpu.memref_slice %arg4[%mul3A_1632, %dma_wait3A_1633, %mul3A_2] : memref<200x64x4096xf32, #tpu.memory_space<hbm>> -> memref<4x64x128xf32, #tpu.memory_space<hbm>>
      %dma_wait3A_1635 = arith.constant 0 : i32
      %dma_wait3A_1636 = tpu.memref_slice %arg4[%mul3A_1632, %dma_wait3A_1635, %mul3A_2] : memref<200x64x4096xf32, #tpu.memory_space<hbm>> -> memref<4x64x128xf32, #tpu.memory_space<hbm>>
      tpu.wait_dma2 semaphore(%arg16 : memref<!tpu.dma_semaphore, #tpu.memory_space<semaphore_mem>>) src(%arg10 : memref<4x64x128xf32, #tpu.memory_space<vmem>>) dst(%dma_wait3A_1636 : memref<4x64x128xf32, #tpu.memory_space<hbm>>)
      %get3A_1637 = arith.constant 0 : i32
      %get3A_1638 = arith.index_cast %get3A_1637 : i32 to index
      %get3A_1639 = arith.constant 0 : index
      %get3A_1640 = tpu.vector_load %arg6[%get3A_1638, %get3A_1639] {strides = array<i32>} : memref<4x128xi32, #tpu.memory_space<vmem>>, vector<16xi32>,
      %add3A_1641 = arith.constant 0 : i32
      %add3A_1642 = vector.broadcast %add3A_1641 : i32 to vector<16xi32>
      %add3A_1643 = arith.addi %iota3A, %add3A_1642 : vector<16xi32>
      %scatter3A_1644 = arith.constant 0 : i32
      %scatter3A_1645 = arith.constant 0 : i32
      %scatter3A_1646 = arith.constant 0 : i32
      %scatter3A_1647 = tpu.memref_slice %arg10[%scatter3A_1644, %scatter3A_1645, %scatter3A_1646] : memref<4x64x128xf32, #tpu.memory_space<vmem>> -> memref<1x64x128xf32, #tpu.memory_space<vmem>>
      %scatter3A_1648 = tpu.memref_squeeze %scatter3A_1647 : memref<1x64x128xf32, #tpu.memory_space<vmem>> -> memref<64x128xf32, #tpu.memory_space<vmem>>
      tpu.vector_store_idx %scatter3A_1648[%get3A_1640, %add3A_1643], %broadcast_in_dim3A_5 : memref<64x128xf32, #tpu.memory_space<vmem>>[vector<16xi32>, vector<16xi32>], vector<16xf32>,
      %get3A_1649 = arith.constant 0 : i32
      %get3A_1650 = arith.index_cast %get3A_1649 : i32 to index
      %get3A_1651 = arith.constant 16 : index
      %get3A_1652 = tpu.vector_load %arg6[%get3A_1650, %get3A_1651] {strides = array<i32>} : memref<4x128xi32, #tpu.memory_space<vmem>>, vector<16xi32>,
      %add3A_1653 = arith.constant 16 : i32
      %add3A_1654 = vector.broadcast %add3A_1653 : i32 to vector<16xi32>
      %add3A_1655 = arith.addi %iota3A, %add3A_1654 : vector<16xi32>
      %scatter3A_1656 = arith.constant 0 : i32
      %scatter3A_1657 = arith.constant 0 : i32
      %scatter3A_1658 = arith.constant 0 : i32
      %scatter3A_1659 = tpu.memref_slice %arg10[%scatter3A_1656, %scatter3A_1657, %scatter3A_1658] : memref<4x64x128xf32, #tpu.memory_space<vmem>> -> memref<1x64x128xf32, #tpu.memory_space<vmem>>
      %scatter3A_1660 = tpu.memref_squeeze %scatter3A_1659 : memref<1x64x128xf32, #tpu.memory_space<vmem>> -> memref<64x128xf32, #tpu.memory_space<vmem>>
      tpu.vector_store_idx %scatter3A_1660[%get3A_1652, %add3A_1655], %broadcast_in_dim3A_5 : memref<64x128xf32, #tpu.memory_space<vmem>>[vector<16xi32>, vector<16xi32>], vector<16xf32>,
      %get3A_1661 = arith.constant 0 : i32
      %get3A_1662 = arith.index_cast %get3A_1661 : i32 to index
      %get3A_1663 = arith.constant 32 : index
      %get3A_1664 = tpu.vector_load %arg6[%get3A_1662, %get3A_1663] {strides = array<i32>} : memref<4x128xi32, #tpu.memory_space<vmem>>, vector<16xi32>,
      %add3A_1665 = arith.constant 32 : i32
      %add3A_1666 = vector.broadcast %add3A_1665 : i32 to vector<16xi32>
      %add3A_1667 = arith.addi %iota3A, %add3A_1666 : vector<16xi32>
      %scatter3A_1668 = arith.constant 0 : i32
      %scatter3A_1669 = arith.constant 0 : i32
      %scatter3A_1670 = arith.constant 0 : i32
      %scatter3A_1671 = tpu.memref_slice %arg10[%scatter3A_1668, %scatter3A_1669, %scatter3A_1670] : memref<4x64x128xf32, #tpu.memory_space<vmem>> -> memref<1x64x128xf32, #tpu.memory_space<vmem>>
      %scatter3A_1672 = tpu.memref_squeeze %scatter3A_1671 : memref<1x64x128xf32, #tpu.memory_space<vmem>> -> memref<64x128xf32, #tpu.memory_space<vmem>>
      tpu.vector_store_idx %scatter3A_1672[%get3A_1664, %add3A_1667], %broadcast_in_dim3A_5 : memref<64x128xf32, #tpu.memory_space<vmem>>[vector<16xi32>, vector<16xi32>], vector<16xf32>,
      %get3A_1673 = arith.constant 0 : i32
      %get3A_1674 = arith.index_cast %get3A_1673 : i32 to index
      %get3A_1675 = arith.constant 48 : index
      %get3A_1676 = tpu.vector_load %arg6[%get3A_1674, %get3A_1675] {strides = array<i32>} : memref<4x128xi32, #tpu.memory_space<vmem>>, vector<16xi32>,
      %add3A_1677 = arith.constant 48 : i32
      %add3A_1678 = vector.broadcast %add3A_1677 : i32 to vector<16xi32>
      %add3A_1679 = arith.addi %iota3A, %add3A_1678 : vector<16xi32>
      %scatter3A_1680 = arith.constant 0 : i32
      %scatter3A_1681 = arith.constant 0 : i32
      %scatter3A_1682 = arith.constant 0 : i32
      %scatter3A_1683 = tpu.memref_slice %arg10[%scatter3A_1680, %scatter3A_1681, %scatter3A_1682] : memref<4x64x128xf32, #tpu.memory_space<vmem>> -> memref<1x64x128xf32, #tpu.memory_space<vmem>>
      %scatter3A_1684 = tpu.memref_squeeze %scatter3A_1683 : memref<1x64x128xf32, #tpu.memory_space<vmem>> -> memref<64x128xf32, #tpu.memory_space<vmem>>
      tpu.vector_store_idx %scatter3A_1684[%get3A_1676, %add3A_1679], %broadcast_in_dim3A_5 : memref<64x128xf32, #tpu.memory_space<vmem>>[vector<16xi32>, vector<16xi32>], vector<16xf32>,
      %get3A_1685 = arith.constant 0 : i32
      %get3A_1686 = arith.index_cast %get3A_1685 : i32 to index
      %get3A_1687 = arith.constant 64 : index
      %get3A_1688 = tpu.vector_load %arg6[%get3A_1686, %get3A_1687] {strides = array<i32>} : memref<4x128xi32, #tpu.memory_space<vmem>>, vector<16xi32>,
      %add3A_1689 = arith.constant 64 : i32
      %add3A_1690 = vector.broadcast %add3A_1689 : i32 to vector<16xi32>
      %add3A_1691 = arith.addi %iota3A, %add3A_1690 : vector<16xi32>
      %scatter3A_1692 = arith.constant 0 : i32
      %scatter3A_1693 = arith.constant 0 : i32
      %scatter3A_1694 = arith.constant 0 : i32
      %scatter3A_1695 = tpu.memref_slice %arg10[%scatter3A_1692, %scatter3A_1693, %scatter3A_1694] : memref<4x64x128xf32, #tpu.memory_space<vmem>> -> memref<1x64x128xf32, #tpu.memory_space<vmem>>
      %scatter3A_1696 = tpu.memref_squeeze %scatter3A_1695 : memref<1x64x128xf32, #tpu.memory_space<vmem>> -> memref<64x128xf32, #tpu.memory_space<vmem>>
      tpu.vector_store_idx %scatter3A_1696[%get3A_1688, %add3A_1691], %broadcast_in_dim3A_5 : memref<64x128xf32, #tpu.memory_space<vmem>>[vector<16xi32>, vector<16xi32>], vector<16xf32>,
      %get3A_1697 = arith.constant 0 : i32
      %get3A_1698 = arith.index_cast %get3A_1697 : i32 to index
      %get3A_1699 = arith.constant 80 : index
      %get3A_1700 = tpu.vector_load %arg6[%get3A_1698, %get3A_1699] {strides = array<i32>} : memref<4x128xi32, #tpu.memory_space<vmem>>, vector<16xi32>,
      %add3A_1701 = arith.constant 80 : i32
      %add3A_1702 = vector.broadcast %add3A_1701 : i32 to vector<16xi32>
      %add3A_1703 = arith.addi %iota3A, %add3A_1702 : vector<16xi32>
      %scatter3A_1704 = arith.constant 0 : i32
      %scatter3A_1705 = arith.constant 0 : i32
      %scatter3A_1706 = arith.constant 0 : i32
      %scatter3A_1707 = tpu.memref_slice %arg10[%scatter3A_1704, %scatter3A_1705, %scatter3A_1706] : memref<4x64x128xf32, #tpu.memory_space<vmem>> -> memref<1x64x128xf32, #tpu.memory_space<vmem>>
      %scatter3A_1708 = tpu.memref_squeeze %scatter3A_1707 : memref<1x64x128xf32, #tpu.memory_space<vmem>> -> memref<64x128xf32, #tpu.memory_space<vmem>>
      tpu.vector_store_idx %scatter3A_1708[%get3A_1700, %add3A_1703], %broadcast_in_dim3A_5 : memref<64x128xf32, #tpu.memory_space<vmem>>[vector<16xi32>, vector<16xi32>], vector<16xf32>,
      %get3A_1709 = arith.constant 0 : i32
      %get3A_1710 = arith.index_cast %get3A_1709 : i32 to index
      %get3A_1711 = arith.constant 96 : index
      %get3A_1712 = tpu.vector_load %arg6[%get3A_1710, %get3A_1711] {strides = array<i32>} : memref<4x128xi32, #tpu.memory_space<vmem>>, vector<16xi32>,
      %add3A_1713 = arith.constant 96 : i32
      %add3A_1714 = vector.broadcast %add3A_1713 : i32 to vector<16xi32>
      %add3A_1715 = arith.addi %iota3A, %add3A_1714 : vector<16xi32>
      %scatter3A_1716 = arith.constant 0 : i32
      %scatter3A_1717 = arith.constant 0 : i32
      %scatter3A_1718 = arith.constant 0 : i32
      %scatter3A_1719 = tpu.memref_slice %arg10[%scatter3A_1716, %scatter3A_1717, %scatter3A_1718] : memref<4x64x128xf32, #tpu.memory_space<vmem>> -> memref<1x64x128xf32, #tpu.memory_space<vmem>>
      %scatter3A_1720 = tpu.memref_squeeze %scatter3A_1719 : memref<1x64x128xf32, #tpu.memory_space<vmem>> -> memref<64x128xf32, #tpu.memory_space<vmem>>
      tpu.vector_store_idx %scatter3A_1720[%get3A_1712, %add3A_1715], %broadcast_in_dim3A_5 : memref<64x128xf32, #tpu.memory_space<vmem>>[vector<16xi32>, vector<16xi32>], vector<16xf32>,
      %get3A_1721 = arith.constant 0 : i32
      %get3A_1722 = arith.index_cast %get3A_1721 : i32 to index
      %get3A_1723 = arith.constant 112 : index
      %get3A_1724 = tpu.vector_load %arg6[%get3A_1722, %get3A_1723] {strides = array<i32>} : memref<4x128xi32, #tpu.memory_space<vmem>>, vector<16xi32>,
      %add3A_1725 = arith.constant 112 : i32
      %add3A_1726 = vector.broadcast %add3A_1725 : i32 to vector<16xi32>
      %add3A_1727 = arith.addi %iota3A, %add3A_1726 : vector<16xi32>
      %scatter3A_1728 = arith.constant 0 : i32
      %scatter3A_1729 = arith.constant 0 : i32
      %scatter3A_1730 = arith.constant 0 : i32
      %scatter3A_1731 = tpu.memref_slice %arg10[%scatter3A_1728, %scatter3A_1729, %scatter3A_1730] : memref<4x64x128xf32, #tpu.memory_space<vmem>> -> memref<1x64x128xf32, #tpu.memory_space<vmem>>
      %scatter3A_1732 = tpu.memref_squeeze %scatter3A_1731 : memref<1x64x128xf32, #tpu.memory_space<vmem>> -> memref<64x128xf32, #tpu.memory_space<vmem>>
      tpu.vector_store_idx %scatter3A_1732[%get3A_1724, %add3A_1727], %broadcast_in_dim3A_5 : memref<64x128xf32, #tpu.memory_space<vmem>>[vector<16xi32>, vector<16xi32>], vector<16xf32>,
      %get3A_1733 = arith.constant 1 : i32
      %get3A_1734 = arith.index_cast %get3A_1733 : i32 to index
      %get3A_1735 = arith.constant 0 : index
      %get3A_1736 = tpu.vector_load %arg6[%get3A_1734, %get3A_1735] {strides = array<i32>} : memref<4x128xi32, #tpu.memory_space<vmem>>, vector<16xi32>,
      %add3A_1737 = arith.constant 0 : i32
      %add3A_1738 = vector.broadcast %add3A_1737 : i32 to vector<16xi32>
      %add3A_1739 = arith.addi %iota3A, %add3A_1738 : vector<16xi32>
      %scatter3A_1740 = arith.constant 1 : i32
      %scatter3A_1741 = arith.constant 0 : i32
      %scatter3A_1742 = arith.constant 0 : i32
      %scatter3A_1743 = tpu.memref_slice %arg10[%scatter3A_1740, %scatter3A_1741, %scatter3A_1742] : memref<4x64x128xf32, #tpu.memory_space<vmem>> -> memref<1x64x128xf32, #tpu.memory_space<vmem>>
      %scatter3A_1744 = tpu.memref_squeeze %scatter3A_1743 : memref<1x64x128xf32, #tpu.memory_space<vmem>> -> memref<64x128xf32, #tpu.memory_space<vmem>>
      tpu.vector_store_idx %scatter3A_1744[%get3A_1736, %add3A_1739], %broadcast_in_dim3A_5 : memref<64x128xf32, #tpu.memory_space<vmem>>[vector<16xi32>, vector<16xi32>], vector<16xf32>,
      %get3A_1745 = arith.constant 1 : i32
      %get3A_1746 = arith.index_cast %get3A_1745 : i32 to index
      %get3A_1747 = arith.constant 16 : index
      %get3A_1748 = tpu.vector_load %arg6[%get3A_1746, %get3A_1747] {strides = array<i32>} : memref<4x128xi32, #tpu.memory_space<vmem>>, vector<16xi32>,
      %add3A_1749 = arith.constant 16 : i32
      %add3A_1750 = vector.broadcast %add3A_1749 : i32 to vector<16xi32>
      %add3A_1751 = arith.addi %iota3A, %add3A_1750 : vector<16xi32>
      %scatter3A_1752 = arith.constant 1 : i32
      %scatter3A_1753 = arith.constant 0 : i32
      %scatter3A_1754 = arith.constant 0 : i32
      %scatter3A_1755 = tpu.memref_slice %arg10[%scatter3A_1752, %scatter3A_1753, %scatter3A_1754] : memref<4x64x128xf32, #tpu.memory_space<vmem>> -> memref<1x64x128xf32, #tpu.memory_space<vmem>>
      %scatter3A_1756 = tpu.memref_squeeze %scatter3A_1755 : memref<1x64x128xf32, #tpu.memory_space<vmem>> -> memref<64x128xf32, #tpu.memory_space<vmem>>
      tpu.vector_store_idx %scatter3A_1756[%get3A_1748, %add3A_1751], %broadcast_in_dim3A_5 : memref<64x128xf32, #tpu.memory_space<vmem>>[vector<16xi32>, vector<16xi32>], vector<16xf32>,
      %get3A_1757 = arith.constant 1 : i32
      %get3A_1758 = arith.index_cast %get3A_1757 : i32 to index
      %get3A_1759 = arith.constant 32 : index
      %get3A_1760 = tpu.vector_load %arg6[%get3A_1758, %get3A_1759] {strides = array<i32>} : memref<4x128xi32, #tpu.memory_space<vmem>>, vector<16xi32>,
      %add3A_1761 = arith.constant 32 : i32
      %add3A_1762 = vector.broadcast %add3A_1761 : i32 to vector<16xi32>
      %add3A_1763 = arith.addi %iota3A, %add3A_1762 : vector<16xi32>
      %scatter3A_1764 = arith.constant 1 : i32
      %scatter3A_1765 = arith.constant 0 : i32
      %scatter3A_1766 = arith.constant 0 : i32
      %scatter3A_1767 = tpu.memref_slice %arg10[%scatter3A_1764, %scatter3A_1765, %scatter3A_1766] : memref<4x64x128xf32, #tpu.memory_space<vmem>> -> memref<1x64x128xf32, #tpu.memory_space<vmem>>
      %scatter3A_1768 = tpu.memref_squeeze %scatter3A_1767 : memref<1x64x128xf32, #tpu.memory_space<vmem>> -> memref<64x128xf32, #tpu.memory_space<vmem>>
      tpu.vector_store_idx %scatter3A_1768[%get3A_1760, %add3A_1763], %broadcast_in_dim3A_5 : memref<64x128xf32, #tpu.memory_space<vmem>>[vector<16xi32>, vector<16xi32>], vector<16xf32>,
      %get3A_1769 = arith.constant 1 : i32
      %get3A_1770 = arith.index_cast %get3A_1769 : i32 to index
      %get3A_1771 = arith.constant 48 : index
      %get3A_1772 = tpu.vector_load %arg6[%get3A_1770, %get3A_1771] {strides = array<i32>} : memref<4x128xi32, #tpu.memory_space<vmem>>, vector<16xi32>,
      %add3A_1773 = arith.constant 48 : i32
      %add3A_1774 = vector.broadcast %add3A_1773 : i32 to vector<16xi32>
      %add3A_1775 = arith.addi %iota3A, %add3A_1774 : vector<16xi32>
      %scatter3A_1776 = arith.constant 1 : i32
      %scatter3A_1777 = arith.constant 0 : i32
      %scatter3A_1778 = arith.constant 0 : i32
      %scatter3A_1779 = tpu.memref_slice %arg10[%scatter3A_1776, %scatter3A_1777, %scatter3A_1778] : memref<4x64x128xf32, #tpu.memory_space<vmem>> -> memref<1x64x128xf32, #tpu.memory_space<vmem>>
      %scatter3A_1780 = tpu.memref_squeeze %scatter3A_1779 : memref<1x64x128xf32, #tpu.memory_space<vmem>> -> memref<64x128xf32, #tpu.memory_space<vmem>>
      tpu.vector_store_idx %scatter3A_1780[%get3A_1772, %add3A_1775], %broadcast_in_dim3A_5 : memref<64x128xf32, #tpu.memory_space<vmem>>[vector<16xi32>, vector<16xi32>], vector<16xf32>,
      %get3A_1781 = arith.constant 1 : i32
      %get3A_1782 = arith.index_cast %get3A_1781 : i32 to index
      %get3A_1783 = arith.constant 64 : index
      %get3A_1784 = tpu.vector_load %arg6[%get3A_1782, %get3A_1783] {strides = array<i32>} : memref<4x128xi32, #tpu.memory_space<vmem>>, vector<16xi32>,
      %add3A_1785 = arith.constant 64 : i32
      %add3A_1786 = vector.broadcast %add3A_1785 : i32 to vector<16xi32>
      %add3A_1787 = arith.addi %iota3A, %add3A_1786 : vector<16xi32>
      %scatter3A_1788 = arith.constant 1 : i32
      %scatter3A_1789 = arith.constant 0 : i32
      %scatter3A_1790 = arith.constant 0 : i32
      %scatter3A_1791 = tpu.memref_slice %arg10[%scatter3A_1788, %scatter3A_1789, %scatter3A_1790] : memref<4x64x128xf32, #tpu.memory_space<vmem>> -> memref<1x64x128xf32, #tpu.memory_space<vmem>>
      %scatter3A_1792 = tpu.memref_squeeze %scatter3A_1791 : memref<1x64x128xf32, #tpu.memory_space<vmem>> -> memref<64x128xf32, #tpu.memory_space<vmem>>
      tpu.vector_store_idx %scatter3A_1792[%get3A_1784, %add3A_1787], %broadcast_in_dim3A_5 : memref<64x128xf32, #tpu.memory_space<vmem>>[vector<16xi32>, vector<16xi32>], vector<16xf32>,
      %get3A_1793 = arith.constant 1 : i32
      %get3A_1794 = arith.index_cast %get3A_1793 : i32 to index
      %get3A_1795 = arith.constant 80 : index
      %get3A_1796 = tpu.vector_load %arg6[%get3A_1794, %get3A_1795] {strides = array<i32>} : memref<4x128xi32, #tpu.memory_space<vmem>>, vector<16xi32>,
      %add3A_1797 = arith.constant 80 : i32
      %add3A_1798 = vector.broadcast %add3A_1797 : i32 to vector<16xi32>
      %add3A_1799 = arith.addi %iota3A, %add3A_1798 : vector<16xi32>
      %scatter3A_1800 = arith.constant 1 : i32
      %scatter3A_1801 = arith.constant 0 : i32
      %scatter3A_1802 = arith.constant 0 : i32
      %scatter3A_1803 = tpu.memref_slice %arg10[%scatter3A_1800, %scatter3A_1801, %scatter3A_1802] : memref<4x64x128xf32, #tpu.memory_space<vmem>> -> memref<1x64x128xf32, #tpu.memory_space<vmem>>
      %scatter3A_1804 = tpu.memref_squeeze %scatter3A_1803 : memref<1x64x128xf32, #tpu.memory_space<vmem>> -> memref<64x128xf32, #tpu.memory_space<vmem>>
      tpu.vector_store_idx %scatter3A_1804[%get3A_1796, %add3A_1799], %broadcast_in_dim3A_5 : memref<64x128xf32, #tpu.memory_space<vmem>>[vector<16xi32>, vector<16xi32>], vector<16xf32>,
      %get3A_1805 = arith.constant 1 : i32
      %get3A_1806 = arith.index_cast %get3A_1805 : i32 to index
      %get3A_1807 = arith.constant 96 : index
      %get3A_1808 = tpu.vector_load %arg6[%get3A_1806, %get3A_1807] {strides = array<i32>} : memref<4x128xi32, #tpu.memory_space<vmem>>, vector<16xi32>,
      %add3A_1809 = arith.constant 96 : i32
      %add3A_1810 = vector.broadcast %add3A_1809 : i32 to vector<16xi32>
      %add3A_1811 = arith.addi %iota3A, %add3A_1810 : vector<16xi32>
      %scatter3A_1812 = arith.constant 1 : i32
      %scatter3A_1813 = arith.constant 0 : i32
      %scatter3A_1814 = arith.constant 0 : i32
      %scatter3A_1815 = tpu.memref_slice %arg10[%scatter3A_1812, %scatter3A_1813, %scatter3A_1814] : memref<4x64x128xf32, #tpu.memory_space<vmem>> -> memref<1x64x128xf32, #tpu.memory_space<vmem>>
      %scatter3A_1816 = tpu.memref_squeeze %scatter3A_1815 : memref<1x64x128xf32, #tpu.memory_space<vmem>> -> memref<64x128xf32, #tpu.memory_space<vmem>>
      tpu.vector_store_idx %scatter3A_1816[%get3A_1808, %add3A_1811], %broadcast_in_dim3A_5 : memref<64x128xf32, #tpu.memory_space<vmem>>[vector<16xi32>, vector<16xi32>], vector<16xf32>,
      %get3A_1817 = arith.constant 1 : i32
      %get3A_1818 = arith.index_cast %get3A_1817 : i32 to index
      %get3A_1819 = arith.constant 112 : index
      %get3A_1820 = tpu.vector_load %arg6[%get3A_1818, %get3A_1819] {strides = array<i32>} : memref<4x128xi32, #tpu.memory_space<vmem>>, vector<16xi32>,
      %add3A_1821 = arith.constant 112 : i32
      %add3A_1822 = vector.broadcast %add3A_1821 : i32 to vector<16xi32>
      %add3A_1823 = arith.addi %iota3A, %add3A_1822 : vector<16xi32>
      %scatter3A_1824 = arith.constant 1 : i32
      %scatter3A_1825 = arith.constant 0 : i32
      %scatter3A_1826 = arith.constant 0 : i32
      %scatter3A_1827 = tpu.memref_slice %arg10[%scatter3A_1824, %scatter3A_1825, %scatter3A_1826] : memref<4x64x128xf32, #tpu.memory_space<vmem>> -> memref<1x64x128xf32, #tpu.memory_space<vmem>>
      %scatter3A_1828 = tpu.memref_squeeze %scatter3A_1827 : memref<1x64x128xf32, #tpu.memory_space<vmem>> -> memref<64x128xf32, #tpu.memory_space<vmem>>
      tpu.vector_store_idx %scatter3A_1828[%get3A_1820, %add3A_1823], %broadcast_in_dim3A_5 : memref<64x128xf32, #tpu.memory_space<vmem>>[vector<16xi32>, vector<16xi32>], vector<16xf32>,
      %get3A_1829 = arith.constant 2 : i32
      %get3A_1830 = arith.index_cast %get3A_1829 : i32 to index
      %get3A_1831 = arith.constant 0 : index
      %get3A_1832 = tpu.vector_load %arg6[%get3A_1830, %get3A_1831] {strides = array<i32>} : memref<4x128xi32, #tpu.memory_space<vmem>>, vector<16xi32>,
      %add3A_1833 = arith.constant 0 : i32
      %add3A_1834 = vector.broadcast %add3A_1833 : i32 to vector<16xi32>
      %add3A_1835 = arith.addi %iota3A, %add3A_1834 : vector<16xi32>
      %scatter3A_1836 = arith.constant 2 : i32
      %scatter3A_1837 = arith.constant 0 : i32
      %scatter3A_1838 = arith.constant 0 : i32
      %scatter3A_1839 = tpu.memref_slice %arg10[%scatter3A_1836, %scatter3A_1837, %scatter3A_1838] : memref<4x64x128xf32, #tpu.memory_space<vmem>> -> memref<1x64x128xf32, #tpu.memory_space<vmem>>
      %scatter3A_1840 = tpu.memref_squeeze %scatter3A_1839 : memref<1x64x128xf32, #tpu.memory_space<vmem>> -> memref<64x128xf32, #tpu.memory_space<vmem>>
      tpu.vector_store_idx %scatter3A_1840[%get3A_1832, %add3A_1835], %broadcast_in_dim3A_5 : memref<64x128xf32, #tpu.memory_space<vmem>>[vector<16xi32>, vector<16xi32>], vector<16xf32>,
      %get3A_1841 = arith.constant 2 : i32
      %get3A_1842 = arith.index_cast %get3A_1841 : i32 to index
      %get3A_1843 = arith.constant 16 : index
      %get3A_1844 = tpu.vector_load %arg6[%get3A_1842, %get3A_1843] {strides = array<i32>} : memref<4x128xi32, #tpu.memory_space<vmem>>, vector<16xi32>,
      %add3A_1845 = arith.constant 16 : i32
      %add3A_1846 = vector.broadcast %add3A_1845 : i32 to vector<16xi32>
      %add3A_1847 = arith.addi %iota3A, %add3A_1846 : vector<16xi32>
      %scatter3A_1848 = arith.constant 2 : i32
      %scatter3A_1849 = arith.constant 0 : i32
      %scatter3A_1850 = arith.constant 0 : i32
      %scatter3A_1851 = tpu.memref_slice %arg10[%scatter3A_1848, %scatter3A_1849, %scatter3A_1850] : memref<4x64x128xf32, #tpu.memory_space<vmem>> -> memref<1x64x128xf32, #tpu.memory_space<vmem>>
      %scatter3A_1852 = tpu.memref_squeeze %scatter3A_1851 : memref<1x64x128xf32, #tpu.memory_space<vmem>> -> memref<64x128xf32, #tpu.memory_space<vmem>>
      tpu.vector_store_idx %scatter3A_1852[%get3A_1844, %add3A_1847], %broadcast_in_dim3A_5 : memref<64x128xf32, #tpu.memory_space<vmem>>[vector<16xi32>, vector<16xi32>], vector<16xf32>,
      %get3A_1853 = arith.constant 2 : i32
      %get3A_1854 = arith.index_cast %get3A_1853 : i32 to index
      %get3A_1855 = arith.constant 32 : index
      %get3A_1856 = tpu.vector_load %arg6[%get3A_1854, %get3A_1855] {strides = array<i32>} : memref<4x128xi32, #tpu.memory_space<vmem>>, vector<16xi32>,
      %add3A_1857 = arith.constant 32 : i32
      %add3A_1858 = vector.broadcast %add3A_1857 : i32 to vector<16xi32>
      %add3A_1859 = arith.addi %iota3A, %add3A_1858 : vector<16xi32>
      %scatter3A_1860 = arith.constant 2 : i32
      %scatter3A_1861 = arith.constant 0 : i32
      %scatter3A_1862 = arith.constant 0 : i32
      %scatter3A_1863 = tpu.memref_slice %arg10[%scatter3A_1860, %scatter3A_1861, %scatter3A_1862] : memref<4x64x128xf32, #tpu.memory_space<vmem>> -> memref<1x64x128xf32, #tpu.memory_space<vmem>>
      %scatter3A_1864 = tpu.memref_squeeze %scatter3A_1863 : memref<1x64x128xf32, #tpu.memory_space<vmem>> -> memref<64x128xf32, #tpu.memory_space<vmem>>
      tpu.vector_store_idx %scatter3A_1864[%get3A_1856, %add3A_1859], %broadcast_in_dim3A_5 : memref<64x128xf32, #tpu.memory_space<vmem>>[vector<16xi32>, vector<16xi32>], vector<16xf32>,
      %get3A_1865 = arith.constant 2 : i32
      %get3A_1866 = arith.index_cast %get3A_1865 : i32 to index
      %get3A_1867 = arith.constant 48 : index
      %get3A_1868 = tpu.vector_load %arg6[%get3A_1866, %get3A_1867] {strides = array<i32>} : memref<4x128xi32, #tpu.memory_space<vmem>>, vector<16xi32>,
      %add3A_1869 = arith.constant 48 : i32
      %add3A_1870 = vector.broadcast %add3A_1869 : i32 to vector<16xi32>
      %add3A_1871 = arith.addi %iota3A, %add3A_1870 : vector<16xi32>
      %scatter3A_1872 = arith.constant 2 : i32
      %scatter3A_1873 = arith.constant 0 : i32
      %scatter3A_1874 = arith.constant 0 : i32
      %scatter3A_1875 = tpu.memref_slice %arg10[%scatter3A_1872, %scatter3A_1873, %scatter3A_1874] : memref<4x64x128xf32, #tpu.memory_space<vmem>> -> memref<1x64x128xf32, #tpu.memory_space<vmem>>
      %scatter3A_1876 = tpu.memref_squeeze %scatter3A_1875 : memref<1x64x128xf32, #tpu.memory_space<vmem>> -> memref<64x128xf32, #tpu.memory_space<vmem>>
      tpu.vector_store_idx %scatter3A_1876[%get3A_1868, %add3A_1871], %broadcast_in_dim3A_5 : memref<64x128xf32, #tpu.memory_space<vmem>>[vector<16xi32>, vector<16xi32>], vector<16xf32>,
      %get3A_1877 = arith.constant 2 : i32
      %get3A_1878 = arith.index_cast %get3A_1877 : i32 to index
      %get3A_1879 = arith.constant 64 : index
      %get3A_1880 = tpu.vector_load %arg6[%get3A_1878, %get3A_1879] {strides = array<i32>} : memref<4x128xi32, #tpu.memory_space<vmem>>, vector<16xi32>,
      %add3A_1881 = arith.constant 64 : i32
      %add3A_1882 = vector.broadcast %add3A_1881 : i32 to vector<16xi32>
      %add3A_1883 = arith.addi %iota3A, %add3A_1882 : vector<16xi32>
      %scatter3A_1884 = arith.constant 2 : i32
      %scatter3A_1885 = arith.constant 0 : i32
      %scatter3A_1886 = arith.constant 0 : i32
      %scatter3A_1887 = tpu.memref_slice %arg10[%scatter3A_1884, %scatter3A_1885, %scatter3A_1886] : memref<4x64x128xf32, #tpu.memory_space<vmem>> -> memref<1x64x128xf32, #tpu.memory_space<vmem>>
      %scatter3A_1888 = tpu.memref_squeeze %scatter3A_1887 : memref<1x64x128xf32, #tpu.memory_space<vmem>> -> memref<64x128xf32, #tpu.memory_space<vmem>>
      tpu.vector_store_idx %scatter3A_1888[%get3A_1880, %add3A_1883], %broadcast_in_dim3A_5 : memref<64x128xf32, #tpu.memory_space<vmem>>[vector<16xi32>, vector<16xi32>], vector<16xf32>,
      %get3A_1889 = arith.constant 2 : i32
      %get3A_1890 = arith.index_cast %get3A_1889 : i32 to index
      %get3A_1891 = arith.constant 80 : index
      %get3A_1892 = tpu.vector_load %arg6[%get3A_1890, %get3A_1891] {strides = array<i32>} : memref<4x128xi32, #tpu.memory_space<vmem>>, vector<16xi32>,
      %add3A_1893 = arith.constant 80 : i32
      %add3A_1894 = vector.broadcast %add3A_1893 : i32 to vector<16xi32>
      %add3A_1895 = arith.addi %iota3A, %add3A_1894 : vector<16xi32>
      %scatter3A_1896 = arith.constant 2 : i32
      %scatter3A_1897 = arith.constant 0 : i32
      %scatter3A_1898 = arith.constant 0 : i32
      %scatter3A_1899 = tpu.memref_slice %arg10[%scatter3A_1896, %scatter3A_1897, %scatter3A_1898] : memref<4x64x128xf32, #tpu.memory_space<vmem>> -> memref<1x64x128xf32, #tpu.memory_space<vmem>>
      %scatter3A_1900 = tpu.memref_squeeze %scatter3A_1899 : memref<1x64x128xf32, #tpu.memory_space<vmem>> -> memref<64x128xf32, #tpu.memory_space<vmem>>
      tpu.vector_store_idx %scatter3A_1900[%get3A_1892, %add3A_1895], %broadcast_in_dim3A_5 : memref<64x128xf32, #tpu.memory_space<vmem>>[vector<16xi32>, vector<16xi32>], vector<16xf32>,
      %get3A_1901 = arith.constant 2 : i32
      %get3A_1902 = arith.index_cast %get3A_1901 : i32 to index
      %get3A_1903 = arith.constant 96 : index
      %get3A_1904 = tpu.vector_load %arg6[%get3A_1902, %get3A_1903] {strides = array<i32>} : memref<4x128xi32, #tpu.memory_space<vmem>>, vector<16xi32>,
      %add3A_1905 = arith.constant 96 : i32
      %add3A_1906 = vector.broadcast %add3A_1905 : i32 to vector<16xi32>
      %add3A_1907 = arith.addi %iota3A, %add3A_1906 : vector<16xi32>
      %scatter3A_1908 = arith.constant 2 : i32
      %scatter3A_1909 = arith.constant 0 : i32
      %scatter3A_1910 = arith.constant 0 : i32
      %scatter3A_1911 = tpu.memref_slice %arg10[%scatter3A_1908, %scatter3A_1909, %scatter3A_1910] : memref<4x64x128xf32, #tpu.memory_space<vmem>> -> memref<1x64x128xf32, #tpu.memory_space<vmem>>
      %scatter3A_1912 = tpu.memref_squeeze %scatter3A_1911 : memref<1x64x128xf32, #tpu.memory_space<vmem>> -> memref<64x128xf32, #tpu.memory_space<vmem>>
      tpu.vector_store_idx %scatter3A_1912[%get3A_1904, %add3A_1907], %broadcast_in_dim3A_5 : memref<64x128xf32, #tpu.memory_space<vmem>>[vector<16xi32>, vector<16xi32>], vector<16xf32>,
      %get3A_1913 = arith.constant 2 : i32
      %get3A_1914 = arith.index_cast %get3A_1913 : i32 to index
      %get3A_1915 = arith.constant 112 : index
      %get3A_1916 = tpu.vector_load %arg6[%get3A_1914, %get3A_1915] {strides = array<i32>} : memref<4x128xi32, #tpu.memory_space<vmem>>, vector<16xi32>,
      %add3A_1917 = arith.constant 112 : i32
      %add3A_1918 = vector.broadcast %add3A_1917 : i32 to vector<16xi32>
      %add3A_1919 = arith.addi %iota3A, %add3A_1918 : vector<16xi32>
      %scatter3A_1920 = arith.constant 2 : i32
      %scatter3A_1921 = arith.constant 0 : i32
      %scatter3A_1922 = arith.constant 0 : i32
      %scatter3A_1923 = tpu.memref_slice %arg10[%scatter3A_1920, %scatter3A_1921, %scatter3A_1922] : memref<4x64x128xf32, #tpu.memory_space<vmem>> -> memref<1x64x128xf32, #tpu.memory_space<vmem>>
      %scatter3A_1924 = tpu.memref_squeeze %scatter3A_1923 : memref<1x64x128xf32, #tpu.memory_space<vmem>> -> memref<64x128xf32, #tpu.memory_space<vmem>>
      tpu.vector_store_idx %scatter3A_1924[%get3A_1916, %add3A_1919], %broadcast_in_dim3A_5 : memref<64x128xf32, #tpu.memory_space<vmem>>[vector<16xi32>, vector<16xi32>], vector<16xf32>,
      %get3A_1925 = arith.constant 3 : i32
      %get3A_1926 = arith.index_cast %get3A_1925 : i32 to index
      %get3A_1927 = arith.constant 0 : index
      %get3A_1928 = tpu.vector_load %arg6[%get3A_1926, %get3A_1927] {strides = array<i32>} : memref<4x128xi32, #tpu.memory_space<vmem>>, vector<16xi32>,
      %add3A_1929 = arith.constant 0 : i32
      %add3A_1930 = vector.broadcast %add3A_1929 : i32 to vector<16xi32>
      %add3A_1931 = arith.addi %iota3A, %add3A_1930 : vector<16xi32>
      %scatter3A_1932 = arith.constant 3 : i32
      %scatter3A_1933 = arith.constant 0 : i32
      %scatter3A_1934 = arith.constant 0 : i32
      %scatter3A_1935 = tpu.memref_slice %arg10[%scatter3A_1932, %scatter3A_1933, %scatter3A_1934] : memref<4x64x128xf32, #tpu.memory_space<vmem>> -> memref<1x64x128xf32, #tpu.memory_space<vmem>>
      %scatter3A_1936 = tpu.memref_squeeze %scatter3A_1935 : memref<1x64x128xf32, #tpu.memory_space<vmem>> -> memref<64x128xf32, #tpu.memory_space<vmem>>
      tpu.vector_store_idx %scatter3A_1936[%get3A_1928, %add3A_1931], %broadcast_in_dim3A_5 : memref<64x128xf32, #tpu.memory_space<vmem>>[vector<16xi32>, vector<16xi32>], vector<16xf32>,
      %get3A_1937 = arith.constant 3 : i32
      %get3A_1938 = arith.index_cast %get3A_1937 : i32 to index
      %get3A_1939 = arith.constant 16 : index
      %get3A_1940 = tpu.vector_load %arg6[%get3A_1938, %get3A_1939] {strides = array<i32>} : memref<4x128xi32, #tpu.memory_space<vmem>>, vector<16xi32>,
      %add3A_1941 = arith.constant 16 : i32
      %add3A_1942 = vector.broadcast %add3A_1941 : i32 to vector<16xi32>
      %add3A_1943 = arith.addi %iota3A, %add3A_1942 : vector<16xi32>
      %scatter3A_1944 = arith.constant 3 : i32
      %scatter3A_1945 = arith.constant 0 : i32
      %scatter3A_1946 = arith.constant 0 : i32
      %scatter3A_1947 = tpu.memref_slice %arg10[%scatter3A_1944, %scatter3A_1945, %scatter3A_1946] : memref<4x64x128xf32, #tpu.memory_space<vmem>> -> memref<1x64x128xf32, #tpu.memory_space<vmem>>
      %scatter3A_1948 = tpu.memref_squeeze %scatter3A_1947 : memref<1x64x128xf32, #tpu.memory_space<vmem>> -> memref<64x128xf32, #tpu.memory_space<vmem>>
      tpu.vector_store_idx %scatter3A_1948[%get3A_1940, %add3A_1943], %broadcast_in_dim3A_5 : memref<64x128xf32, #tpu.memory_space<vmem>>[vector<16xi32>, vector<16xi32>], vector<16xf32>,
      %get3A_1949 = arith.constant 3 : i32
      %get3A_1950 = arith.index_cast %get3A_1949 : i32 to index
      %get3A_1951 = arith.constant 32 : index
      %get3A_1952 = tpu.vector_load %arg6[%get3A_1950, %get3A_1951] {strides = array<i32>} : memref<4x128xi32, #tpu.memory_space<vmem>>, vector<16xi32>,
      %add3A_1953 = arith.constant 32 : i32
      %add3A_1954 = vector.broadcast %add3A_1953 : i32 to vector<16xi32>
      %add3A_1955 = arith.addi %iota3A, %add3A_1954 : vector<16xi32>
      %scatter3A_1956 = arith.constant 3 : i32
      %scatter3A_1957 = arith.constant 0 : i32
      %scatter3A_1958 = arith.constant 0 : i32
      %scatter3A_1959 = tpu.memref_slice %arg10[%scatter3A_1956, %scatter3A_1957, %scatter3A_1958] : memref<4x64x128xf32, #tpu.memory_space<vmem>> -> memref<1x64x128xf32, #tpu.memory_space<vmem>>
      %scatter3A_1960 = tpu.memref_squeeze %scatter3A_1959 : memref<1x64x128xf32, #tpu.memory_space<vmem>> -> memref<64x128xf32, #tpu.memory_space<vmem>>
      tpu.vector_store_idx %scatter3A_1960[%get3A_1952, %add3A_1955], %broadcast_in_dim3A_5 : memref<64x128xf32, #tpu.memory_space<vmem>>[vector<16xi32>, vector<16xi32>], vector<16xf32>,
      %get3A_1961 = arith.constant 3 : i32
      %get3A_1962 = arith.index_cast %get3A_1961 : i32 to index
      %get3A_1963 = arith.constant 48 : index
      %get3A_1964 = tpu.vector_load %arg6[%get3A_1962, %get3A_1963] {strides = array<i32>} : memref<4x128xi32, #tpu.memory_space<vmem>>, vector<16xi32>,
      %add3A_1965 = arith.constant 48 : i32
      %add3A_1966 = vector.broadcast %add3A_1965 : i32 to vector<16xi32>
      %add3A_1967 = arith.addi %iota3A, %add3A_1966 : vector<16xi32>
      %scatter3A_1968 = arith.constant 3 : i32
      %scatter3A_1969 = arith.constant 0 : i32
      %scatter3A_1970 = arith.constant 0 : i32
      %scatter3A_1971 = tpu.memref_slice %arg10[%scatter3A_1968, %scatter3A_1969, %scatter3A_1970] : memref<4x64x128xf32, #tpu.memory_space<vmem>> -> memref<1x64x128xf32, #tpu.memory_space<vmem>>
      %scatter3A_1972 = tpu.memref_squeeze %scatter3A_1971 : memref<1x64x128xf32, #tpu.memory_space<vmem>> -> memref<64x128xf32, #tpu.memory_space<vmem>>
      tpu.vector_store_idx %scatter3A_1972[%get3A_1964, %add3A_1967], %broadcast_in_dim3A_5 : memref<64x128xf32, #tpu.memory_space<vmem>>[vector<16xi32>, vector<16xi32>], vector<16xf32>,
      %get3A_1973 = arith.constant 3 : i32
      %get3A_1974 = arith.index_cast %get3A_1973 : i32 to index
      %get3A_1975 = arith.constant 64 : index
      %get3A_1976 = tpu.vector_load %arg6[%get3A_1974, %get3A_1975] {strides = array<i32>} : memref<4x128xi32, #tpu.memory_space<vmem>>, vector<16xi32>,
      %add3A_1977 = arith.constant 64 : i32
      %add3A_1978 = vector.broadcast %add3A_1977 : i32 to vector<16xi32>
      %add3A_1979 = arith.addi %iota3A, %add3A_1978 : vector<16xi32>
      %scatter3A_1980 = arith.constant 3 : i32
      %scatter3A_1981 = arith.constant 0 : i32
      %scatter3A_1982 = arith.constant 0 : i32
      %scatter3A_1983 = tpu.memref_slice %arg10[%scatter3A_1980, %scatter3A_1981, %scatter3A_1982] : memref<4x64x128xf32, #tpu.memory_space<vmem>> -> memref<1x64x128xf32, #tpu.memory_space<vmem>>
      %scatter3A_1984 = tpu.memref_squeeze %scatter3A_1983 : memref<1x64x128xf32, #tpu.memory_space<vmem>> -> memref<64x128xf32, #tpu.memory_space<vmem>>
      tpu.vector_store_idx %scatter3A_1984[%get3A_1976, %add3A_1979], %broadcast_in_dim3A_5 : memref<64x128xf32, #tpu.memory_space<vmem>>[vector<16xi32>, vector<16xi32>], vector<16xf32>,
      %get3A_1985 = arith.constant 3 : i32
      %get3A_1986 = arith.index_cast %get3A_1985 : i32 to index
      %get3A_1987 = arith.constant 80 : index
      %get3A_1988 = tpu.vector_load %arg6[%get3A_1986, %get3A_1987] {strides = array<i32>} : memref<4x128xi32, #tpu.memory_space<vmem>>, vector<16xi32>,
      %add3A_1989 = arith.constant 80 : i32
      %add3A_1990 = vector.broadcast %add3A_1989 : i32 to vector<16xi32>
      %add3A_1991 = arith.addi %iota3A, %add3A_1990 : vector<16xi32>
      %scatter3A_1992 = arith.constant 3 : i32
      %scatter3A_1993 = arith.constant 0 : i32
      %scatter3A_1994 = arith.constant 0 : i32
      %scatter3A_1995 = tpu.memref_slice %arg10[%scatter3A_1992, %scatter3A_1993, %scatter3A_1994] : memref<4x64x128xf32, #tpu.memory_space<vmem>> -> memref<1x64x128xf32, #tpu.memory_space<vmem>>
      %scatter3A_1996 = tpu.memref_squeeze %scatter3A_1995 : memref<1x64x128xf32, #tpu.memory_space<vmem>> -> memref<64x128xf32, #tpu.memory_space<vmem>>
      tpu.vector_store_idx %scatter3A_1996[%get3A_1988, %add3A_1991], %broadcast_in_dim3A_5 : memref<64x128xf32, #tpu.memory_space<vmem>>[vector<16xi32>, vector<16xi32>], vector<16xf32>,
      %get3A_1997 = arith.constant 3 : i32
      %get3A_1998 = arith.index_cast %get3A_1997 : i32 to index
      %get3A_1999 = arith.constant 96 : index
      %get3A_2000 = tpu.vector_load %arg6[%get3A_1998, %get3A_1999] {strides = array<i32>} : memref<4x128xi32, #tpu.memory_space<vmem>>, vector<16xi32>,
      %add3A_2001 = arith.constant 96 : i32
      %add3A_2002 = vector.broadcast %add3A_2001 : i32 to vector<16xi32>
      %add3A_2003 = arith.addi %iota3A, %add3A_2002 : vector<16xi32>
      %scatter3A_2004 = arith.constant 3 : i32
      %scatter3A_2005 = arith.constant 0 : i32
      %scatter3A_2006 = arith.constant 0 : i32
      %scatter3A_2007 = tpu.memref_slice %arg10[%scatter3A_2004, %scatter3A_2005, %scatter3A_2006] : memref<4x64x128xf32, #tpu.memory_space<vmem>> -> memref<1x64x128xf32, #tpu.memory_space<vmem>>
      %scatter3A_2008 = tpu.memref_squeeze %scatter3A_2007 : memref<1x64x128xf32, #tpu.memory_space<vmem>> -> memref<64x128xf32, #tpu.memory_space<vmem>>
      tpu.vector_store_idx %scatter3A_2008[%get3A_2000, %add3A_2003], %broadcast_in_dim3A_5 : memref<64x128xf32, #tpu.memory_space<vmem>>[vector<16xi32>, vector<16xi32>], vector<16xf32>,
      %get3A_2009 = arith.constant 3 : i32
      %get3A_2010 = arith.index_cast %get3A_2009 : i32 to index
      %get3A_2011 = arith.constant 112 : index
      %get3A_2012 = tpu.vector_load %arg6[%get3A_2010, %get3A_2011] {strides = array<i32>} : memref<4x128xi32, #tpu.memory_space<vmem>>, vector<16xi32>,
      %add3A_2013 = arith.constant 112 : i32
      %add3A_2014 = vector.broadcast %add3A_2013 : i32 to vector<16xi32>
      %add3A_2015 = arith.addi %iota3A, %add3A_2014 : vector<16xi32>
      %scatter3A_2016 = arith.constant 3 : i32
      %scatter3A_2017 = arith.constant 0 : i32
      %scatter3A_2018 = arith.constant 0 : i32
      %scatter3A_2019 = tpu.memref_slice %arg10[%scatter3A_2016, %scatter3A_2017, %scatter3A_2018] : memref<4x64x128xf32, #tpu.memory_space<vmem>> -> memref<1x64x128xf32, #tpu.memory_space<vmem>>
      %scatter3A_2020 = tpu.memref_squeeze %scatter3A_2019 : memref<1x64x128xf32, #tpu.memory_space<vmem>> -> memref<64x128xf32, #tpu.memory_space<vmem>>
      tpu.vector_store_idx %scatter3A_2020[%get3A_2012, %add3A_2015], %broadcast_in_dim3A_5 : memref<64x128xf32, #tpu.memory_space<vmem>>[vector<16xi32>, vector<16xi32>], vector<16xf32>,
      %add3A_2021 = arith.constant 2 : i32
      %add3A_2022 = arith.addi %add3A_1630, %add3A_2021 : i32
      %mul3A_2023 = arith.constant 4 : i32
      %mul3A_2024 = arith.muli %add3A_2022, %mul3A_2023 : i32
      %min3A_2025 = arith.constant 196 : i32
      %min3A_2026 = arith.minsi %mul3A_2024, %min3A_2025 : i32
      %dma_start3A_2027 = tpu.memref_slice %arg2[%min3A_2026, %mul3A_2] : memref<200x4096xi32, #tpu.memory_space<hbm>> -> memref<4x128xi32, #tpu.memory_space<hbm>>
      %dma_start3A_2028 = tpu.memref_slice %arg2[%min3A_2026, %mul3A_2] : memref<200x4096xi32, #tpu.memory_space<hbm>> -> memref<4x128xi32, #tpu.memory_space<hbm>>
      tpu.enqueue_dma source(%dma_start3A_2028 : memref<4x128xi32, #tpu.memory_space<hbm>>) target(%arg6 : memref<4x128xi32, #tpu.memory_space<vmem>>) target_semaphore(%arg12 : memref<!tpu.dma_semaphore, #tpu.memory_space<semaphore_mem>>)
      %dma_wait3A_2029 = arith.constant 0 : i32
      %dma_wait3A_2030 = tpu.memref_slice %arg2[%dma_wait3A_2029, %mul3A_2] : memref<200x4096xi32, #tpu.memory_space<hbm>> -> memref<4x128xi32, #tpu.memory_space<hbm>>
      %dma_wait3A_2031 = arith.constant 0 : i32
      %dma_wait3A_2032 = tpu.memref_slice %arg2[%dma_wait3A_2031, %mul3A_2] : memref<200x4096xi32, #tpu.memory_space<hbm>> -> memref<4x128xi32, #tpu.memory_space<hbm>>
      tpu.wait_dma2 semaphore(%arg14 : memref<!tpu.dma_semaphore, #tpu.memory_space<semaphore_mem>>) src(%dma_wait3A_2032 : memref<4x128xi32, #tpu.memory_space<hbm>>) dst(%arg8 : memref<4x128xi32, #tpu.memory_space<vmem>>)
      %get3A_2033 = arith.constant 0 : i32
      %get3A_2034 = arith.index_cast %get3A_2033 : i32 to index
      %get3A_2035 = arith.constant 0 : index
      %get3A_2036 = tpu.vector_load %arg8[%get3A_2034, %get3A_2035] {strides = array<i32>} : memref<4x128xi32, #tpu.memory_space<vmem>>, vector<16xi32>,
      %add3A_2037 = arith.constant 0 : i32
      %add3A_2038 = vector.broadcast %add3A_2037 : i32 to vector<16xi32>
      %add3A_2039 = arith.addi %iota3A, %add3A_2038 : vector<16xi32>
      %scatter3A_2040 = arith.constant 0 : i32
      %scatter3A_2041 = arith.constant 0 : i32
      %scatter3A_2042 = arith.constant 0 : i32
      %scatter3A_2043 = tpu.memref_slice %arg10[%scatter3A_2040, %scatter3A_2041, %scatter3A_2042] : memref<4x64x128xf32, #tpu.memory_space<vmem>> -> memref<1x64x128xf32, #tpu.memory_space<vmem>>
      %scatter3A_2044 = tpu.memref_squeeze %scatter3A_2043 : memref<1x64x128xf32, #tpu.memory_space<vmem>> -> memref<64x128xf32, #tpu.memory_space<vmem>>
      tpu.vector_store_idx %scatter3A_2044[%get3A_2036, %add3A_2039], %broadcast_in_dim3A_3 : memref<64x128xf32, #tpu.memory_space<vmem>>[vector<16xi32>, vector<16xi32>], vector<16xf32>,
      %get3A_2045 = arith.constant 0 : i32
      %get3A_2046 = arith.index_cast %get3A_2045 : i32 to index
      %get3A_2047 = arith.constant 16 : index
      %get3A_2048 = tpu.vector_load %arg8[%get3A_2046, %get3A_2047] {strides = array<i32>} : memref<4x128xi32, #tpu.memory_space<vmem>>, vector<16xi32>,
      %add3A_2049 = arith.constant 16 : i32
      %add3A_2050 = vector.broadcast %add3A_2049 : i32 to vector<16xi32>
      %add3A_2051 = arith.addi %iota3A, %add3A_2050 : vector<16xi32>
      %scatter3A_2052 = arith.constant 0 : i32
      %scatter3A_2053 = arith.constant 0 : i32
      %scatter3A_2054 = arith.constant 0 : i32
      %scatter3A_2055 = tpu.memref_slice %arg10[%scatter3A_2052, %scatter3A_2053, %scatter3A_2054] : memref<4x64x128xf32, #tpu.memory_space<vmem>> -> memref<1x64x128xf32, #tpu.memory_space<vmem>>
      %scatter3A_2056 = tpu.memref_squeeze %scatter3A_2055 : memref<1x64x128xf32, #tpu.memory_space<vmem>> -> memref<64x128xf32, #tpu.memory_space<vmem>>
      tpu.vector_store_idx %scatter3A_2056[%get3A_2048, %add3A_2051], %broadcast_in_dim3A_3 : memref<64x128xf32, #tpu.memory_space<vmem>>[vector<16xi32>, vector<16xi32>], vector<16xf32>,
      %get3A_2057 = arith.constant 0 : i32
      %get3A_2058 = arith.index_cast %get3A_2057 : i32 to index
      %get3A_2059 = arith.constant 32 : index
      %get3A_2060 = tpu.vector_load %arg8[%get3A_2058, %get3A_2059] {strides = array<i32>} : memref<4x128xi32, #tpu.memory_space<vmem>>, vector<16xi32>,
      %add3A_2061 = arith.constant 32 : i32
      %add3A_2062 = vector.broadcast %add3A_2061 : i32 to vector<16xi32>
      %add3A_2063 = arith.addi %iota3A, %add3A_2062 : vector<16xi32>
      %scatter3A_2064 = arith.constant 0 : i32
      %scatter3A_2065 = arith.constant 0 : i32
      %scatter3A_2066 = arith.constant 0 : i32
      %scatter3A_2067 = tpu.memref_slice %arg10[%scatter3A_2064, %scatter3A_2065, %scatter3A_2066] : memref<4x64x128xf32, #tpu.memory_space<vmem>> -> memref<1x64x128xf32, #tpu.memory_space<vmem>>
      %scatter3A_2068 = tpu.memref_squeeze %scatter3A_2067 : memref<1x64x128xf32, #tpu.memory_space<vmem>> -> memref<64x128xf32, #tpu.memory_space<vmem>>
      tpu.vector_store_idx %scatter3A_2068[%get3A_2060, %add3A_2063], %broadcast_in_dim3A_3 : memref<64x128xf32, #tpu.memory_space<vmem>>[vector<16xi32>, vector<16xi32>], vector<16xf32>,
      %get3A_2069 = arith.constant 0 : i32
      %get3A_2070 = arith.index_cast %get3A_2069 : i32 to index
      %get3A_2071 = arith.constant 48 : index
      %get3A_2072 = tpu.vector_load %arg8[%get3A_2070, %get3A_2071] {strides = array<i32>} : memref<4x128xi32, #tpu.memory_space<vmem>>, vector<16xi32>,
      %add3A_2073 = arith.constant 48 : i32
      %add3A_2074 = vector.broadcast %add3A_2073 : i32 to vector<16xi32>
      %add3A_2075 = arith.addi %iota3A, %add3A_2074 : vector<16xi32>
      %scatter3A_2076 = arith.constant 0 : i32
      %scatter3A_2077 = arith.constant 0 : i32
      %scatter3A_2078 = arith.constant 0 : i32
      %scatter3A_2079 = tpu.memref_slice %arg10[%scatter3A_2076, %scatter3A_2077, %scatter3A_2078] : memref<4x64x128xf32, #tpu.memory_space<vmem>> -> memref<1x64x128xf32, #tpu.memory_space<vmem>>
      %scatter3A_2080 = tpu.memref_squeeze %scatter3A_2079 : memref<1x64x128xf32, #tpu.memory_space<vmem>> -> memref<64x128xf32, #tpu.memory_space<vmem>>
      tpu.vector_store_idx %scatter3A_2080[%get3A_2072, %add3A_2075], %broadcast_in_dim3A_3 : memref<64x128xf32, #tpu.memory_space<vmem>>[vector<16xi32>, vector<16xi32>], vector<16xf32>,
      %get3A_2081 = arith.constant 0 : i32
      %get3A_2082 = arith.index_cast %get3A_2081 : i32 to index
      %get3A_2083 = arith.constant 64 : index
      %get3A_2084 = tpu.vector_load %arg8[%get3A_2082, %get3A_2083] {strides = array<i32>} : memref<4x128xi32, #tpu.memory_space<vmem>>, vector<16xi32>,
      %add3A_2085 = arith.constant 64 : i32
      %add3A_2086 = vector.broadcast %add3A_2085 : i32 to vector<16xi32>
      %add3A_2087 = arith.addi %iota3A, %add3A_2086 : vector<16xi32>
      %scatter3A_2088 = arith.constant 0 : i32
      %scatter3A_2089 = arith.constant 0 : i32
      %scatter3A_2090 = arith.constant 0 : i32
      %scatter3A_2091 = tpu.memref_slice %arg10[%scatter3A_2088, %scatter3A_2089, %scatter3A_2090] : memref<4x64x128xf32, #tpu.memory_space<vmem>> -> memref<1x64x128xf32, #tpu.memory_space<vmem>>
      %scatter3A_2092 = tpu.memref_squeeze %scatter3A_2091 : memref<1x64x128xf32, #tpu.memory_space<vmem>> -> memref<64x128xf32, #tpu.memory_space<vmem>>
      tpu.vector_store_idx %scatter3A_2092[%get3A_2084, %add3A_2087], %broadcast_in_dim3A_3 : memref<64x128xf32, #tpu.memory_space<vmem>>[vector<16xi32>, vector<16xi32>], vector<16xf32>,
      %get3A_2093 = arith.constant 0 : i32
      %get3A_2094 = arith.index_cast %get3A_2093 : i32 to index
      %get3A_2095 = arith.constant 80 : index
      %get3A_2096 = tpu.vector_load %arg8[%get3A_2094, %get3A_2095] {strides = array<i32>} : memref<4x128xi32, #tpu.memory_space<vmem>>, vector<16xi32>,
      %add3A_2097 = arith.constant 80 : i32
      %add3A_2098 = vector.broadcast %add3A_2097 : i32 to vector<16xi32>
      %add3A_2099 = arith.addi %iota3A, %add3A_2098 : vector<16xi32>
      %scatter3A_2100 = arith.constant 0 : i32
      %scatter3A_2101 = arith.constant 0 : i32
      %scatter3A_2102 = arith.constant 0 : i32
      %scatter3A_2103 = tpu.memref_slice %arg10[%scatter3A_2100, %scatter3A_2101, %scatter3A_2102] : memref<4x64x128xf32, #tpu.memory_space<vmem>> -> memref<1x64x128xf32, #tpu.memory_space<vmem>>
      %scatter3A_2104 = tpu.memref_squeeze %scatter3A_2103 : memref<1x64x128xf32, #tpu.memory_space<vmem>> -> memref<64x128xf32, #tpu.memory_space<vmem>>
      tpu.vector_store_idx %scatter3A_2104[%get3A_2096, %add3A_2099], %broadcast_in_dim3A_3 : memref<64x128xf32, #tpu.memory_space<vmem>>[vector<16xi32>, vector<16xi32>], vector<16xf32>,
      %get3A_2105 = arith.constant 0 : i32
      %get3A_2106 = arith.index_cast %get3A_2105 : i32 to index
      %get3A_2107 = arith.constant 96 : index
      %get3A_2108 = tpu.vector_load %arg8[%get3A_2106, %get3A_2107] {strides = array<i32>} : memref<4x128xi32, #tpu.memory_space<vmem>>, vector<16xi32>,
      %add3A_2109 = arith.constant 96 : i32
      %add3A_2110 = vector.broadcast %add3A_2109 : i32 to vector<16xi32>
      %add3A_2111 = arith.addi %iota3A, %add3A_2110 : vector<16xi32>
      %scatter3A_2112 = arith.constant 0 : i32
      %scatter3A_2113 = arith.constant 0 : i32
      %scatter3A_2114 = arith.constant 0 : i32
      %scatter3A_2115 = tpu.memref_slice %arg10[%scatter3A_2112, %scatter3A_2113, %scatter3A_2114] : memref<4x64x128xf32, #tpu.memory_space<vmem>> -> memref<1x64x128xf32, #tpu.memory_space<vmem>>
      %scatter3A_2116 = tpu.memref_squeeze %scatter3A_2115 : memref<1x64x128xf32, #tpu.memory_space<vmem>> -> memref<64x128xf32, #tpu.memory_space<vmem>>
      tpu.vector_store_idx %scatter3A_2116[%get3A_2108, %add3A_2111], %broadcast_in_dim3A_3 : memref<64x128xf32, #tpu.memory_space<vmem>>[vector<16xi32>, vector<16xi32>], vector<16xf32>,
      %get3A_2117 = arith.constant 0 : i32
      %get3A_2118 = arith.index_cast %get3A_2117 : i32 to index
      %get3A_2119 = arith.constant 112 : index
      %get3A_2120 = tpu.vector_load %arg8[%get3A_2118, %get3A_2119] {strides = array<i32>} : memref<4x128xi32, #tpu.memory_space<vmem>>, vector<16xi32>,
      %add3A_2121 = arith.constant 112 : i32
      %add3A_2122 = vector.broadcast %add3A_2121 : i32 to vector<16xi32>
      %add3A_2123 = arith.addi %iota3A, %add3A_2122 : vector<16xi32>
      %scatter3A_2124 = arith.constant 0 : i32
      %scatter3A_2125 = arith.constant 0 : i32
      %scatter3A_2126 = arith.constant 0 : i32
      %scatter3A_2127 = tpu.memref_slice %arg10[%scatter3A_2124, %scatter3A_2125, %scatter3A_2126] : memref<4x64x128xf32, #tpu.memory_space<vmem>> -> memref<1x64x128xf32, #tpu.memory_space<vmem>>
      %scatter3A_2128 = tpu.memref_squeeze %scatter3A_2127 : memref<1x64x128xf32, #tpu.memory_space<vmem>> -> memref<64x128xf32, #tpu.memory_space<vmem>>
      tpu.vector_store_idx %scatter3A_2128[%get3A_2120, %add3A_2123], %broadcast_in_dim3A_3 : memref<64x128xf32, #tpu.memory_space<vmem>>[vector<16xi32>, vector<16xi32>], vector<16xf32>,
      %get3A_2129 = arith.constant 1 : i32
      %get3A_2130 = arith.index_cast %get3A_2129 : i32 to index
      %get3A_2131 = arith.constant 0 : index
      %get3A_2132 = tpu.vector_load %arg8[%get3A_2130, %get3A_2131] {strides = array<i32>} : memref<4x128xi32, #tpu.memory_space<vmem>>, vector<16xi32>,
      %add3A_2133 = arith.constant 0 : i32
      %add3A_2134 = vector.broadcast %add3A_2133 : i32 to vector<16xi32>
      %add3A_2135 = arith.addi %iota3A, %add3A_2134 : vector<16xi32>
      %scatter3A_2136 = arith.constant 1 : i32
      %scatter3A_2137 = arith.constant 0 : i32
      %scatter3A_2138 = arith.constant 0 : i32
      %scatter3A_2139 = tpu.memref_slice %arg10[%scatter3A_2136, %scatter3A_2137, %scatter3A_2138] : memref<4x64x128xf32, #tpu.memory_space<vmem>> -> memref<1x64x128xf32, #tpu.memory_space<vmem>>
      %scatter3A_2140 = tpu.memref_squeeze %scatter3A_2139 : memref<1x64x128xf32, #tpu.memory_space<vmem>> -> memref<64x128xf32, #tpu.memory_space<vmem>>
      tpu.vector_store_idx %scatter3A_2140[%get3A_2132, %add3A_2135], %broadcast_in_dim3A_3 : memref<64x128xf32, #tpu.memory_space<vmem>>[vector<16xi32>, vector<16xi32>], vector<16xf32>,
      %get3A_2141 = arith.constant 1 : i32
      %get3A_2142 = arith.index_cast %get3A_2141 : i32 to index
      %get3A_2143 = arith.constant 16 : index
      %get3A_2144 = tpu.vector_load %arg8[%get3A_2142, %get3A_2143] {strides = array<i32>} : memref<4x128xi32, #tpu.memory_space<vmem>>, vector<16xi32>,
      %add3A_2145 = arith.constant 16 : i32
      %add3A_2146 = vector.broadcast %add3A_2145 : i32 to vector<16xi32>
      %add3A_2147 = arith.addi %iota3A, %add3A_2146 : vector<16xi32>
      %scatter3A_2148 = arith.constant 1 : i32
      %scatter3A_2149 = arith.constant 0 : i32
      %scatter3A_2150 = arith.constant 0 : i32
      %scatter3A_2151 = tpu.memref_slice %arg10[%scatter3A_2148, %scatter3A_2149, %scatter3A_2150] : memref<4x64x128xf32, #tpu.memory_space<vmem>> -> memref<1x64x128xf32, #tpu.memory_space<vmem>>
      %scatter3A_2152 = tpu.memref_squeeze %scatter3A_2151 : memref<1x64x128xf32, #tpu.memory_space<vmem>> -> memref<64x128xf32, #tpu.memory_space<vmem>>
      tpu.vector_store_idx %scatter3A_2152[%get3A_2144, %add3A_2147], %broadcast_in_dim3A_3 : memref<64x128xf32, #tpu.memory_space<vmem>>[vector<16xi32>, vector<16xi32>], vector<16xf32>,
      %get3A_2153 = arith.constant 1 : i32
      %get3A_2154 = arith.index_cast %get3A_2153 : i32 to index
      %get3A_2155 = arith.constant 32 : index
      %get3A_2156 = tpu.vector_load %arg8[%get3A_2154, %get3A_2155] {strides = array<i32>} : memref<4x128xi32, #tpu.memory_space<vmem>>, vector<16xi32>,
      %add3A_2157 = arith.constant 32 : i32
      %add3A_2158 = vector.broadcast %add3A_2157 : i32 to vector<16xi32>
      %add3A_2159 = arith.addi %iota3A, %add3A_2158 : vector<16xi32>
      %scatter3A_2160 = arith.constant 1 : i32
      %scatter3A_2161 = arith.constant 0 : i32
      %scatter3A_2162 = arith.constant 0 : i32
      %scatter3A_2163 = tpu.memref_slice %arg10[%scatter3A_2160, %scatter3A_2161, %scatter3A_2162] : memref<4x64x128xf32, #tpu.memory_space<vmem>> -> memref<1x64x128xf32, #tpu.memory_space<vmem>>
      %scatter3A_2164 = tpu.memref_squeeze %scatter3A_2163 : memref<1x64x128xf32, #tpu.memory_space<vmem>> -> memref<64x128xf32, #tpu.memory_space<vmem>>
      tpu.vector_store_idx %scatter3A_2164[%get3A_2156, %add3A_2159], %broadcast_in_dim3A_3 : memref<64x128xf32, #tpu.memory_space<vmem>>[vector<16xi32>, vector<16xi32>], vector<16xf32>,
      %get3A_2165 = arith.constant 1 : i32
      %get3A_2166 = arith.index_cast %get3A_2165 : i32 to index
      %get3A_2167 = arith.constant 48 : index
      %get3A_2168 = tpu.vector_load %arg8[%get3A_2166, %get3A_2167] {strides = array<i32>} : memref<4x128xi32, #tpu.memory_space<vmem>>, vector<16xi32>,
      %add3A_2169 = arith.constant 48 : i32
      %add3A_2170 = vector.broadcast %add3A_2169 : i32 to vector<16xi32>
      %add3A_2171 = arith.addi %iota3A, %add3A_2170 : vector<16xi32>
      %scatter3A_2172 = arith.constant 1 : i32
      %scatter3A_2173 = arith.constant 0 : i32
      %scatter3A_2174 = arith.constant 0 : i32
      %scatter3A_2175 = tpu.memref_slice %arg10[%scatter3A_2172, %scatter3A_2173, %scatter3A_2174] : memref<4x64x128xf32, #tpu.memory_space<vmem>> -> memref<1x64x128xf32, #tpu.memory_space<vmem>>
      %scatter3A_2176 = tpu.memref_squeeze %scatter3A_2175 : memref<1x64x128xf32, #tpu.memory_space<vmem>> -> memref<64x128xf32, #tpu.memory_space<vmem>>
      tpu.vector_store_idx %scatter3A_2176[%get3A_2168, %add3A_2171], %broadcast_in_dim3A_3 : memref<64x128xf32, #tpu.memory_space<vmem>>[vector<16xi32>, vector<16xi32>], vector<16xf32>,
      %get3A_2177 = arith.constant 1 : i32
      %get3A_2178 = arith.index_cast %get3A_2177 : i32 to index
      %get3A_2179 = arith.constant 64 : index
      %get3A_2180 = tpu.vector_load %arg8[%get3A_2178, %get3A_2179] {strides = array<i32>} : memref<4x128xi32, #tpu.memory_space<vmem>>, vector<16xi32>,
      %add3A_2181 = arith.constant 64 : i32
      %add3A_2182 = vector.broadcast %add3A_2181 : i32 to vector<16xi32>
      %add3A_2183 = arith.addi %iota3A, %add3A_2182 : vector<16xi32>
      %scatter3A_2184 = arith.constant 1 : i32
      %scatter3A_2185 = arith.constant 0 : i32
      %scatter3A_2186 = arith.constant 0 : i32
      %scatter3A_2187 = tpu.memref_slice %arg10[%scatter3A_2184, %scatter3A_2185, %scatter3A_2186] : memref<4x64x128xf32, #tpu.memory_space<vmem>> -> memref<1x64x128xf32, #tpu.memory_space<vmem>>
      %scatter3A_2188 = tpu.memref_squeeze %scatter3A_2187 : memref<1x64x128xf32, #tpu.memory_space<vmem>> -> memref<64x128xf32, #tpu.memory_space<vmem>>
      tpu.vector_store_idx %scatter3A_2188[%get3A_2180, %add3A_2183], %broadcast_in_dim3A_3 : memref<64x128xf32, #tpu.memory_space<vmem>>[vector<16xi32>, vector<16xi32>], vector<16xf32>,
      %get3A_2189 = arith.constant 1 : i32
      %get3A_2190 = arith.index_cast %get3A_2189 : i32 to index
      %get3A_2191 = arith.constant 80 : index
      %get3A_2192 = tpu.vector_load %arg8[%get3A_2190, %get3A_2191] {strides = array<i32>} : memref<4x128xi32, #tpu.memory_space<vmem>>, vector<16xi32>,
      %add3A_2193 = arith.constant 80 : i32
      %add3A_2194 = vector.broadcast %add3A_2193 : i32 to vector<16xi32>
      %add3A_2195 = arith.addi %iota3A, %add3A_2194 : vector<16xi32>
      %scatter3A_2196 = arith.constant 1 : i32
      %scatter3A_2197 = arith.constant 0 : i32
      %scatter3A_2198 = arith.constant 0 : i32
      %scatter3A_2199 = tpu.memref_slice %arg10[%scatter3A_2196, %scatter3A_2197, %scatter3A_2198] : memref<4x64x128xf32, #tpu.memory_space<vmem>> -> memref<1x64x128xf32, #tpu.memory_space<vmem>>
      %scatter3A_2200 = tpu.memref_squeeze %scatter3A_2199 : memref<1x64x128xf32, #tpu.memory_space<vmem>> -> memref<64x128xf32, #tpu.memory_space<vmem>>
      tpu.vector_store_idx %scatter3A_2200[%get3A_2192, %add3A_2195], %broadcast_in_dim3A_3 : memref<64x128xf32, #tpu.memory_space<vmem>>[vector<16xi32>, vector<16xi32>], vector<16xf32>,
      %get3A_2201 = arith.constant 1 : i32
      %get3A_2202 = arith.index_cast %get3A_2201 : i32 to index
      %get3A_2203 = arith.constant 96 : index
      %get3A_2204 = tpu.vector_load %arg8[%get3A_2202, %get3A_2203] {strides = array<i32>} : memref<4x128xi32, #tpu.memory_space<vmem>>, vector<16xi32>,
      %add3A_2205 = arith.constant 96 : i32
      %add3A_2206 = vector.broadcast %add3A_2205 : i32 to vector<16xi32>
      %add3A_2207 = arith.addi %iota3A, %add3A_2206 : vector<16xi32>
      %scatter3A_2208 = arith.constant 1 : i32
      %scatter3A_2209 = arith.constant 0 : i32
      %scatter3A_2210 = arith.constant 0 : i32
      %scatter3A_2211 = tpu.memref_slice %arg10[%scatter3A_2208, %scatter3A_2209, %scatter3A_2210] : memref<4x64x128xf32, #tpu.memory_space<vmem>> -> memref<1x64x128xf32, #tpu.memory_space<vmem>>
      %scatter3A_2212 = tpu.memref_squeeze %scatter3A_2211 : memref<1x64x128xf32, #tpu.memory_space<vmem>> -> memref<64x128xf32, #tpu.memory_space<vmem>>
      tpu.vector_store_idx %scatter3A_2212[%get3A_2204, %add3A_2207], %broadcast_in_dim3A_3 : memref<64x128xf32, #tpu.memory_space<vmem>>[vector<16xi32>, vector<16xi32>], vector<16xf32>,
      %get3A_2213 = arith.constant 1 : i32
      %get3A_2214 = arith.index_cast %get3A_2213 : i32 to index
      %get3A_2215 = arith.constant 112 : index
      %get3A_2216 = tpu.vector_load %arg8[%get3A_2214, %get3A_2215] {strides = array<i32>} : memref<4x128xi32, #tpu.memory_space<vmem>>, vector<16xi32>,
      %add3A_2217 = arith.constant 112 : i32
      %add3A_2218 = vector.broadcast %add3A_2217 : i32 to vector<16xi32>
      %add3A_2219 = arith.addi %iota3A, %add3A_2218 : vector<16xi32>
      %scatter3A_2220 = arith.constant 1 : i32
      %scatter3A_2221 = arith.constant 0 : i32
      %scatter3A_2222 = arith.constant 0 : i32
      %scatter3A_2223 = tpu.memref_slice %arg10[%scatter3A_2220, %scatter3A_2221, %scatter3A_2222] : memref<4x64x128xf32, #tpu.memory_space<vmem>> -> memref<1x64x128xf32, #tpu.memory_space<vmem>>
      %scatter3A_2224 = tpu.memref_squeeze %scatter3A_2223 : memref<1x64x128xf32, #tpu.memory_space<vmem>> -> memref<64x128xf32, #tpu.memory_space<vmem>>
      tpu.vector_store_idx %scatter3A_2224[%get3A_2216, %add3A_2219], %broadcast_in_dim3A_3 : memref<64x128xf32, #tpu.memory_space<vmem>>[vector<16xi32>, vector<16xi32>], vector<16xf32>,
      %get3A_2225 = arith.constant 2 : i32
      %get3A_2226 = arith.index_cast %get3A_2225 : i32 to index
      %get3A_2227 = arith.constant 0 : index
      %get3A_2228 = tpu.vector_load %arg8[%get3A_2226, %get3A_2227] {strides = array<i32>} : memref<4x128xi32, #tpu.memory_space<vmem>>, vector<16xi32>,
      %add3A_2229 = arith.constant 0 : i32
      %add3A_2230 = vector.broadcast %add3A_2229 : i32 to vector<16xi32>
      %add3A_2231 = arith.addi %iota3A, %add3A_2230 : vector<16xi32>
      %scatter3A_2232 = arith.constant 2 : i32
      %scatter3A_2233 = arith.constant 0 : i32
      %scatter3A_2234 = arith.constant 0 : i32
      %scatter3A_2235 = tpu.memref_slice %arg10[%scatter3A_2232, %scatter3A_2233, %scatter3A_2234] : memref<4x64x128xf32, #tpu.memory_space<vmem>> -> memref<1x64x128xf32, #tpu.memory_space<vmem>>
      %scatter3A_2236 = tpu.memref_squeeze %scatter3A_2235 : memref<1x64x128xf32, #tpu.memory_space<vmem>> -> memref<64x128xf32, #tpu.memory_space<vmem>>
      tpu.vector_store_idx %scatter3A_2236[%get3A_2228, %add3A_2231], %broadcast_in_dim3A_3 : memref<64x128xf32, #tpu.memory_space<vmem>>[vector<16xi32>, vector<16xi32>], vector<16xf32>,
      %get3A_2237 = arith.constant 2 : i32
      %get3A_2238 = arith.index_cast %get3A_2237 : i32 to index
      %get3A_2239 = arith.constant 16 : index
      %get3A_2240 = tpu.vector_load %arg8[%get3A_2238, %get3A_2239] {strides = array<i32>} : memref<4x128xi32, #tpu.memory_space<vmem>>, vector<16xi32>,
      %add3A_2241 = arith.constant 16 : i32
      %add3A_2242 = vector.broadcast %add3A_2241 : i32 to vector<16xi32>
      %add3A_2243 = arith.addi %iota3A, %add3A_2242 : vector<16xi32>
      %scatter3A_2244 = arith.constant 2 : i32
      %scatter3A_2245 = arith.constant 0 : i32
      %scatter3A_2246 = arith.constant 0 : i32
      %scatter3A_2247 = tpu.memref_slice %arg10[%scatter3A_2244, %scatter3A_2245, %scatter3A_2246] : memref<4x64x128xf32, #tpu.memory_space<vmem>> -> memref<1x64x128xf32, #tpu.memory_space<vmem>>
      %scatter3A_2248 = tpu.memref_squeeze %scatter3A_2247 : memref<1x64x128xf32, #tpu.memory_space<vmem>> -> memref<64x128xf32, #tpu.memory_space<vmem>>
      tpu.vector_store_idx %scatter3A_2248[%get3A_2240, %add3A_2243], %broadcast_in_dim3A_3 : memref<64x128xf32, #tpu.memory_space<vmem>>[vector<16xi32>, vector<16xi32>], vector<16xf32>,
      %get3A_2249 = arith.constant 2 : i32
      %get3A_2250 = arith.index_cast %get3A_2249 : i32 to index
      %get3A_2251 = arith.constant 32 : index
      %get3A_2252 = tpu.vector_load %arg8[%get3A_2250, %get3A_2251] {strides = array<i32>} : memref<4x128xi32, #tpu.memory_space<vmem>>, vector<16xi32>,
      %add3A_2253 = arith.constant 32 : i32
      %add3A_2254 = vector.broadcast %add3A_2253 : i32 to vector<16xi32>
      %add3A_2255 = arith.addi %iota3A, %add3A_2254 : vector<16xi32>
      %scatter3A_2256 = arith.constant 2 : i32
      %scatter3A_2257 = arith.constant 0 : i32
      %scatter3A_2258 = arith.constant 0 : i32
      %scatter3A_2259 = tpu.memref_slice %arg10[%scatter3A_2256, %scatter3A_2257, %scatter3A_2258] : memref<4x64x128xf32, #tpu.memory_space<vmem>> -> memref<1x64x128xf32, #tpu.memory_space<vmem>>
      %scatter3A_2260 = tpu.memref_squeeze %scatter3A_2259 : memref<1x64x128xf32, #tpu.memory_space<vmem>> -> memref<64x128xf32, #tpu.memory_space<vmem>>
      tpu.vector_store_idx %scatter3A_2260[%get3A_2252, %add3A_2255], %broadcast_in_dim3A_3 : memref<64x128xf32, #tpu.memory_space<vmem>>[vector<16xi32>, vector<16xi32>], vector<16xf32>,
      %get3A_2261 = arith.constant 2 : i32
      %get3A_2262 = arith.index_cast %get3A_2261 : i32 to index
      %get3A_2263 = arith.constant 48 : index
      %get3A_2264 = tpu.vector_load %arg8[%get3A_2262, %get3A_2263] {strides = array<i32>} : memref<4x128xi32, #tpu.memory_space<vmem>>, vector<16xi32>,
      %add3A_2265 = arith.constant 48 : i32
      %add3A_2266 = vector.broadcast %add3A_2265 : i32 to vector<16xi32>
      %add3A_2267 = arith.addi %iota3A, %add3A_2266 : vector<16xi32>
      %scatter3A_2268 = arith.constant 2 : i32
      %scatter3A_2269 = arith.constant 0 : i32
      %scatter3A_2270 = arith.constant 0 : i32
      %scatter3A_2271 = tpu.memref_slice %arg10[%scatter3A_2268, %scatter3A_2269, %scatter3A_2270] : memref<4x64x128xf32, #tpu.memory_space<vmem>> -> memref<1x64x128xf32, #tpu.memory_space<vmem>>
      %scatter3A_2272 = tpu.memref_squeeze %scatter3A_2271 : memref<1x64x128xf32, #tpu.memory_space<vmem>> -> memref<64x128xf32, #tpu.memory_space<vmem>>
      tpu.vector_store_idx %scatter3A_2272[%get3A_2264, %add3A_2267], %broadcast_in_dim3A_3 : memref<64x128xf32, #tpu.memory_space<vmem>>[vector<16xi32>, vector<16xi32>], vector<16xf32>,
      %get3A_2273 = arith.constant 2 : i32
      %get3A_2274 = arith.index_cast %get3A_2273 : i32 to index
      %get3A_2275 = arith.constant 64 : index
      %get3A_2276 = tpu.vector_load %arg8[%get3A_2274, %get3A_2275] {strides = array<i32>} : memref<4x128xi32, #tpu.memory_space<vmem>>, vector<16xi32>,
      %add3A_2277 = arith.constant 64 : i32
      %add3A_2278 = vector.broadcast %add3A_2277 : i32 to vector<16xi32>
      %add3A_2279 = arith.addi %iota3A, %add3A_2278 : vector<16xi32>
      %scatter3A_2280 = arith.constant 2 : i32
      %scatter3A_2281 = arith.constant 0 : i32
      %scatter3A_2282 = arith.constant 0 : i32
      %scatter3A_2283 = tpu.memref_slice %arg10[%scatter3A_2280, %scatter3A_2281, %scatter3A_2282] : memref<4x64x128xf32, #tpu.memory_space<vmem>> -> memref<1x64x128xf32, #tpu.memory_space<vmem>>
      %scatter3A_2284 = tpu.memref_squeeze %scatter3A_2283 : memref<1x64x128xf32, #tpu.memory_space<vmem>> -> memref<64x128xf32, #tpu.memory_space<vmem>>
      tpu.vector_store_idx %scatter3A_2284[%get3A_2276, %add3A_2279], %broadcast_in_dim3A_3 : memref<64x128xf32, #tpu.memory_space<vmem>>[vector<16xi32>, vector<16xi32>], vector<16xf32>,
      %get3A_2285 = arith.constant 2 : i32
      %get3A_2286 = arith.index_cast %get3A_2285 : i32 to index
      %get3A_2287 = arith.constant 80 : index
      %get3A_2288 = tpu.vector_load %arg8[%get3A_2286, %get3A_2287] {strides = array<i32>} : memref<4x128xi32, #tpu.memory_space<vmem>>, vector<16xi32>,
      %add3A_2289 = arith.constant 80 : i32
      %add3A_2290 = vector.broadcast %add3A_2289 : i32 to vector<16xi32>
      %add3A_2291 = arith.addi %iota3A, %add3A_2290 : vector<16xi32>
      %scatter3A_2292 = arith.constant 2 : i32
      %scatter3A_2293 = arith.constant 0 : i32
      %scatter3A_2294 = arith.constant 0 : i32
      %scatter3A_2295 = tpu.memref_slice %arg10[%scatter3A_2292, %scatter3A_2293, %scatter3A_2294] : memref<4x64x128xf32, #tpu.memory_space<vmem>> -> memref<1x64x128xf32, #tpu.memory_space<vmem>>
      %scatter3A_2296 = tpu.memref_squeeze %scatter3A_2295 : memref<1x64x128xf32, #tpu.memory_space<vmem>> -> memref<64x128xf32, #tpu.memory_space<vmem>>
      tpu.vector_store_idx %scatter3A_2296[%get3A_2288, %add3A_2291], %broadcast_in_dim3A_3 : memref<64x128xf32, #tpu.memory_space<vmem>>[vector<16xi32>, vector<16xi32>], vector<16xf32>,
      %get3A_2297 = arith.constant 2 : i32
      %get3A_2298 = arith.index_cast %get3A_2297 : i32 to index
      %get3A_2299 = arith.constant 96 : index
      %get3A_2300 = tpu.vector_load %arg8[%get3A_2298, %get3A_2299] {strides = array<i32>} : memref<4x128xi32, #tpu.memory_space<vmem>>, vector<16xi32>,
      %add3A_2301 = arith.constant 96 : i32
      %add3A_2302 = vector.broadcast %add3A_2301 : i32 to vector<16xi32>
      %add3A_2303 = arith.addi %iota3A, %add3A_2302 : vector<16xi32>
      %scatter3A_2304 = arith.constant 2 : i32
      %scatter3A_2305 = arith.constant 0 : i32
      %scatter3A_2306 = arith.constant 0 : i32
      %scatter3A_2307 = tpu.memref_slice %arg10[%scatter3A_2304, %scatter3A_2305, %scatter3A_2306] : memref<4x64x128xf32, #tpu.memory_space<vmem>> -> memref<1x64x128xf32, #tpu.memory_space<vmem>>
      %scatter3A_2308 = tpu.memref_squeeze %scatter3A_2307 : memref<1x64x128xf32, #tpu.memory_space<vmem>> -> memref<64x128xf32, #tpu.memory_space<vmem>>
      tpu.vector_store_idx %scatter3A_2308[%get3A_2300, %add3A_2303], %broadcast_in_dim3A_3 : memref<64x128xf32, #tpu.memory_space<vmem>>[vector<16xi32>, vector<16xi32>], vector<16xf32>,
      %get3A_2309 = arith.constant 2 : i32
      %get3A_2310 = arith.index_cast %get3A_2309 : i32 to index
      %get3A_2311 = arith.constant 112 : index
      %get3A_2312 = tpu.vector_load %arg8[%get3A_2310, %get3A_2311] {strides = array<i32>} : memref<4x128xi32, #tpu.memory_space<vmem>>, vector<16xi32>,
      %add3A_2313 = arith.constant 112 : i32
      %add3A_2314 = vector.broadcast %add3A_2313 : i32 to vector<16xi32>
      %add3A_2315 = arith.addi %iota3A, %add3A_2314 : vector<16xi32>
      %scatter3A_2316 = arith.constant 2 : i32
      %scatter3A_2317 = arith.constant 0 : i32
      %scatter3A_2318 = arith.constant 0 : i32
      %scatter3A_2319 = tpu.memref_slice %arg10[%scatter3A_2316, %scatter3A_2317, %scatter3A_2318] : memref<4x64x128xf32, #tpu.memory_space<vmem>> -> memref<1x64x128xf32, #tpu.memory_space<vmem>>
      %scatter3A_2320 = tpu.memref_squeeze %scatter3A_2319 : memref<1x64x128xf32, #tpu.memory_space<vmem>> -> memref<64x128xf32, #tpu.memory_space<vmem>>
      tpu.vector_store_idx %scatter3A_2320[%get3A_2312, %add3A_2315], %broadcast_in_dim3A_3 : memref<64x128xf32, #tpu.memory_space<vmem>>[vector<16xi32>, vector<16xi32>], vector<16xf32>,
      %get3A_2321 = arith.constant 3 : i32
      %get3A_2322 = arith.index_cast %get3A_2321 : i32 to index
      %get3A_2323 = arith.constant 0 : index
      %get3A_2324 = tpu.vector_load %arg8[%get3A_2322, %get3A_2323] {strides = array<i32>} : memref<4x128xi32, #tpu.memory_space<vmem>>, vector<16xi32>,
      %add3A_2325 = arith.constant 0 : i32
      %add3A_2326 = vector.broadcast %add3A_2325 : i32 to vector<16xi32>
      %add3A_2327 = arith.addi %iota3A, %add3A_2326 : vector<16xi32>
      %scatter3A_2328 = arith.constant 3 : i32
      %scatter3A_2329 = arith.constant 0 : i32
      %scatter3A_2330 = arith.constant 0 : i32
      %scatter3A_2331 = tpu.memref_slice %arg10[%scatter3A_2328, %scatter3A_2329, %scatter3A_2330] : memref<4x64x128xf32, #tpu.memory_space<vmem>> -> memref<1x64x128xf32, #tpu.memory_space<vmem>>
      %scatter3A_2332 = tpu.memref_squeeze %scatter3A_2331 : memref<1x64x128xf32, #tpu.memory_space<vmem>> -> memref<64x128xf32, #tpu.memory_space<vmem>>
      tpu.vector_store_idx %scatter3A_2332[%get3A_2324, %add3A_2327], %broadcast_in_dim3A_3 : memref<64x128xf32, #tpu.memory_space<vmem>>[vector<16xi32>, vector<16xi32>], vector<16xf32>,
      %get3A_2333 = arith.constant 3 : i32
      %get3A_2334 = arith.index_cast %get3A_2333 : i32 to index
      %get3A_2335 = arith.constant 16 : index
      %get3A_2336 = tpu.vector_load %arg8[%get3A_2334, %get3A_2335] {strides = array<i32>} : memref<4x128xi32, #tpu.memory_space<vmem>>, vector<16xi32>,
      %add3A_2337 = arith.constant 16 : i32
      %add3A_2338 = vector.broadcast %add3A_2337 : i32 to vector<16xi32>
      %add3A_2339 = arith.addi %iota3A, %add3A_2338 : vector<16xi32>
      %scatter3A_2340 = arith.constant 3 : i32
      %scatter3A_2341 = arith.constant 0 : i32
      %scatter3A_2342 = arith.constant 0 : i32
      %scatter3A_2343 = tpu.memref_slice %arg10[%scatter3A_2340, %scatter3A_2341, %scatter3A_2342] : memref<4x64x128xf32, #tpu.memory_space<vmem>> -> memref<1x64x128xf32, #tpu.memory_space<vmem>>
      %scatter3A_2344 = tpu.memref_squeeze %scatter3A_2343 : memref<1x64x128xf32, #tpu.memory_space<vmem>> -> memref<64x128xf32, #tpu.memory_space<vmem>>
      tpu.vector_store_idx %scatter3A_2344[%get3A_2336, %add3A_2339], %broadcast_in_dim3A_3 : memref<64x128xf32, #tpu.memory_space<vmem>>[vector<16xi32>, vector<16xi32>], vector<16xf32>,
      %get3A_2345 = arith.constant 3 : i32
      %get3A_2346 = arith.index_cast %get3A_2345 : i32 to index
      %get3A_2347 = arith.constant 32 : index
      %get3A_2348 = tpu.vector_load %arg8[%get3A_2346, %get3A_2347] {strides = array<i32>} : memref<4x128xi32, #tpu.memory_space<vmem>>, vector<16xi32>,
      %add3A_2349 = arith.constant 32 : i32
      %add3A_2350 = vector.broadcast %add3A_2349 : i32 to vector<16xi32>
      %add3A_2351 = arith.addi %iota3A, %add3A_2350 : vector<16xi32>
      %scatter3A_2352 = arith.constant 3 : i32
      %scatter3A_2353 = arith.constant 0 : i32
      %scatter3A_2354 = arith.constant 0 : i32
      %scatter3A_2355 = tpu.memref_slice %arg10[%scatter3A_2352, %scatter3A_2353, %scatter3A_2354] : memref<4x64x128xf32, #tpu.memory_space<vmem>> -> memref<1x64x128xf32, #tpu.memory_space<vmem>>
      %scatter3A_2356 = tpu.memref_squeeze %scatter3A_2355 : memref<1x64x128xf32, #tpu.memory_space<vmem>> -> memref<64x128xf32, #tpu.memory_space<vmem>>
      tpu.vector_store_idx %scatter3A_2356[%get3A_2348, %add3A_2351], %broadcast_in_dim3A_3 : memref<64x128xf32, #tpu.memory_space<vmem>>[vector<16xi32>, vector<16xi32>], vector<16xf32>,
      %get3A_2357 = arith.constant 3 : i32
      %get3A_2358 = arith.index_cast %get3A_2357 : i32 to index
      %get3A_2359 = arith.constant 48 : index
      %get3A_2360 = tpu.vector_load %arg8[%get3A_2358, %get3A_2359] {strides = array<i32>} : memref<4x128xi32, #tpu.memory_space<vmem>>, vector<16xi32>,
      %add3A_2361 = arith.constant 48 : i32
      %add3A_2362 = vector.broadcast %add3A_2361 : i32 to vector<16xi32>
      %add3A_2363 = arith.addi %iota3A, %add3A_2362 : vector<16xi32>
      %scatter3A_2364 = arith.constant 3 : i32
      %scatter3A_2365 = arith.constant 0 : i32
      %scatter3A_2366 = arith.constant 0 : i32
      %scatter3A_2367 = tpu.memref_slice %arg10[%scatter3A_2364, %scatter3A_2365, %scatter3A_2366] : memref<4x64x128xf32, #tpu.memory_space<vmem>> -> memref<1x64x128xf32, #tpu.memory_space<vmem>>
      %scatter3A_2368 = tpu.memref_squeeze %scatter3A_2367 : memref<1x64x128xf32, #tpu.memory_space<vmem>> -> memref<64x128xf32, #tpu.memory_space<vmem>>
      tpu.vector_store_idx %scatter3A_2368[%get3A_2360, %add3A_2363], %broadcast_in_dim3A_3 : memref<64x128xf32, #tpu.memory_space<vmem>>[vector<16xi32>, vector<16xi32>], vector<16xf32>,
      %get3A_2369 = arith.constant 3 : i32
      %get3A_2370 = arith.index_cast %get3A_2369 : i32 to index
      %get3A_2371 = arith.constant 64 : index
      %get3A_2372 = tpu.vector_load %arg8[%get3A_2370, %get3A_2371] {strides = array<i32>} : memref<4x128xi32, #tpu.memory_space<vmem>>, vector<16xi32>,
      %add3A_2373 = arith.constant 64 : i32
      %add3A_2374 = vector.broadcast %add3A_2373 : i32 to vector<16xi32>
      %add3A_2375 = arith.addi %iota3A, %add3A_2374 : vector<16xi32>
      %scatter3A_2376 = arith.constant 3 : i32
      %scatter3A_2377 = arith.constant 0 : i32
      %scatter3A_2378 = arith.constant 0 : i32
      %scatter3A_2379 = tpu.memref_slice %arg10[%scatter3A_2376, %scatter3A_2377, %scatter3A_2378] : memref<4x64x128xf32, #tpu.memory_space<vmem>> -> memref<1x64x128xf32, #tpu.memory_space<vmem>>
      %scatter3A_2380 = tpu.memref_squeeze %scatter3A_2379 : memref<1x64x128xf32, #tpu.memory_space<vmem>> -> memref<64x128xf32, #tpu.memory_space<vmem>>
      tpu.vector_store_idx %scatter3A_2380[%get3A_2372, %add3A_2375], %broadcast_in_dim3A_3 : memref<64x128xf32, #tpu.memory_space<vmem>>[vector<16xi32>, vector<16xi32>], vector<16xf32>,
      %get3A_2381 = arith.constant 3 : i32
      %get3A_2382 = arith.index_cast %get3A_2381 : i32 to index
      %get3A_2383 = arith.constant 80 : index
      %get3A_2384 = tpu.vector_load %arg8[%get3A_2382, %get3A_2383] {strides = array<i32>} : memref<4x128xi32, #tpu.memory_space<vmem>>, vector<16xi32>,
      %add3A_2385 = arith.constant 80 : i32
      %add3A_2386 = vector.broadcast %add3A_2385 : i32 to vector<16xi32>
      %add3A_2387 = arith.addi %iota3A, %add3A_2386 : vector<16xi32>
      %scatter3A_2388 = arith.constant 3 : i32
      %scatter3A_2389 = arith.constant 0 : i32
      %scatter3A_2390 = arith.constant 0 : i32
      %scatter3A_2391 = tpu.memref_slice %arg10[%scatter3A_2388, %scatter3A_2389, %scatter3A_2390] : memref<4x64x128xf32, #tpu.memory_space<vmem>> -> memref<1x64x128xf32, #tpu.memory_space<vmem>>
      %scatter3A_2392 = tpu.memref_squeeze %scatter3A_2391 : memref<1x64x128xf32, #tpu.memory_space<vmem>> -> memref<64x128xf32, #tpu.memory_space<vmem>>
      tpu.vector_store_idx %scatter3A_2392[%get3A_2384, %add3A_2387], %broadcast_in_dim3A_3 : memref<64x128xf32, #tpu.memory_space<vmem>>[vector<16xi32>, vector<16xi32>], vector<16xf32>,
      %get3A_2393 = arith.constant 3 : i32
      %get3A_2394 = arith.index_cast %get3A_2393 : i32 to index
      %get3A_2395 = arith.constant 96 : index
      %get3A_2396 = tpu.vector_load %arg8[%get3A_2394, %get3A_2395] {strides = array<i32>} : memref<4x128xi32, #tpu.memory_space<vmem>>, vector<16xi32>,
      %add3A_2397 = arith.constant 96 : i32
      %add3A_2398 = vector.broadcast %add3A_2397 : i32 to vector<16xi32>
      %add3A_2399 = arith.addi %iota3A, %add3A_2398 : vector<16xi32>
      %scatter3A_2400 = arith.constant 3 : i32
      %scatter3A_2401 = arith.constant 0 : i32
      %scatter3A_2402 = arith.constant 0 : i32
      %scatter3A_2403 = tpu.memref_slice %arg10[%scatter3A_2400, %scatter3A_2401, %scatter3A_2402] : memref<4x64x128xf32, #tpu.memory_space<vmem>> -> memref<1x64x128xf32, #tpu.memory_space<vmem>>
      %scatter3A_2404 = tpu.memref_squeeze %scatter3A_2403 : memref<1x64x128xf32, #tpu.memory_space<vmem>> -> memref<64x128xf32, #tpu.memory_space<vmem>>
      tpu.vector_store_idx %scatter3A_2404[%get3A_2396, %add3A_2399], %broadcast_in_dim3A_3 : memref<64x128xf32, #tpu.memory_space<vmem>>[vector<16xi32>, vector<16xi32>], vector<16xf32>,
      %get3A_2405 = arith.constant 3 : i32
      %get3A_2406 = arith.index_cast %get3A_2405 : i32 to index
      %get3A_2407 = arith.constant 112 : index
      %get3A_2408 = tpu.vector_load %arg8[%get3A_2406, %get3A_2407] {strides = array<i32>} : memref<4x128xi32, #tpu.memory_space<vmem>>, vector<16xi32>,
      %add3A_2409 = arith.constant 112 : i32
      %add3A_2410 = vector.broadcast %add3A_2409 : i32 to vector<16xi32>
      %add3A_2411 = arith.addi %iota3A, %add3A_2410 : vector<16xi32>
      %scatter3A_2412 = arith.constant 3 : i32
      %scatter3A_2413 = arith.constant 0 : i32
      %scatter3A_2414 = arith.constant 0 : i32
      %scatter3A_2415 = tpu.memref_slice %arg10[%scatter3A_2412, %scatter3A_2413, %scatter3A_2414] : memref<4x64x128xf32, #tpu.memory_space<vmem>> -> memref<1x64x128xf32, #tpu.memory_space<vmem>>
      %scatter3A_2416 = tpu.memref_squeeze %scatter3A_2415 : memref<1x64x128xf32, #tpu.memory_space<vmem>> -> memref<64x128xf32, #tpu.memory_space<vmem>>
      tpu.vector_store_idx %scatter3A_2416[%get3A_2408, %add3A_2411], %broadcast_in_dim3A_3 : memref<64x128xf32, #tpu.memory_space<vmem>>[vector<16xi32>, vector<16xi32>], vector<16xf32>,
      %dma_start3A_2417 = arith.constant 0 : i32
      %dma_start3A_2418 = tpu.memref_slice %arg4[%mul3A_1632, %dma_start3A_2417, %mul3A_2] : memref<200x64x4096xf32, #tpu.memory_space<hbm>> -> memref<4x64x128xf32, #tpu.memory_space<hbm>>
      %dma_start3A_2419 = arith.constant 0 : i32
      %dma_start3A_2420 = tpu.memref_slice %arg4[%mul3A_1632, %dma_start3A_2419, %mul3A_2] : memref<200x64x4096xf32, #tpu.memory_space<hbm>> -> memref<4x64x128xf32, #tpu.memory_space<hbm>>
      tpu.enqueue_dma source(%arg10 : memref<4x64x128xf32, #tpu.memory_space<vmem>>) target(%dma_start3A_2420 : memref<4x64x128xf32, #tpu.memory_space<hbm>>) target_semaphore(%arg16 : memref<!tpu.dma_semaphore, #tpu.memory_space<semaphore_mem>>)
      %add3A_2421 = arith.constant 2 : i32
      %add3A_2422 = arith.addi %add3A_838, %add3A_2421 : i32
      %mul3A_2423 = arith.constant 4 : i32
      %mul3A_2424 = arith.muli %add3A_2422, %mul3A_2423 : i32
      %dma_wait3A_2425 = arith.constant 0 : i32
      %dma_wait3A_2426 = tpu.memref_slice %arg4[%mul3A_2424, %dma_wait3A_2425, %mul3A_2] : memref<200x64x4096xf32, #tpu.memory_space<hbm>> -> memref<4x64x128xf32, #tpu.memory_space<hbm>>
      %dma_wait3A_2427 = arith.constant 0 : i32
      %dma_wait3A_2428 = tpu.memref_slice %arg4[%mul3A_2424, %dma_wait3A_2427, %mul3A_2] : memref<200x64x4096xf32, #tpu.memory_space<hbm>> -> memref<4x64x128xf32, #tpu.memory_space<hbm>>
      tpu.wait_dma2 semaphore(%arg15 : memref<!tpu.dma_semaphore, #tpu.memory_space<semaphore_mem>>) src(%arg9 : memref<4x64x128xf32, #tpu.memory_space<vmem>>) dst(%dma_wait3A_2428 : memref<4x64x128xf32, #tpu.memory_space<hbm>>)
      %get3A_2429 = arith.constant 0 : i32
      %get3A_2430 = arith.index_cast %get3A_2429 : i32 to index
      %get3A_2431 = arith.constant 0 : index
      %get3A_2432 = tpu.vector_load %arg7[%get3A_2430, %get3A_2431] {strides = array<i32>} : memref<4x128xi32, #tpu.memory_space<vmem>>, vector<16xi32>,
      %add3A_2433 = arith.constant 0 : i32
      %add3A_2434 = vector.broadcast %add3A_2433 : i32 to vector<16xi32>
      %add3A_2435 = arith.addi %iota3A, %add3A_2434 : vector<16xi32>
      %scatter3A_2436 = arith.constant 0 : i32
      %scatter3A_2437 = arith.constant 0 : i32
      %scatter3A_2438 = arith.constant 0 : i32
      %scatter3A_2439 = tpu.memref_slice %arg9[%scatter3A_2436, %scatter3A_2437, %scatter3A_2438] : memref<4x64x128xf32, #tpu.memory_space<vmem>> -> memref<1x64x128xf32, #tpu.memory_space<vmem>>
      %scatter3A_2440 = tpu.memref_squeeze %scatter3A_2439 : memref<1x64x128xf32, #tpu.memory_space<vmem>> -> memref<64x128xf32, #tpu.memory_space<vmem>>
      tpu.vector_store_idx %scatter3A_2440[%get3A_2432, %add3A_2435], %broadcast_in_dim3A_5 : memref<64x128xf32, #tpu.memory_space<vmem>>[vector<16xi32>, vector<16xi32>], vector<16xf32>,
      %get3A_2441 = arith.constant 0 : i32
      %get3A_2442 = arith.index_cast %get3A_2441 : i32 to index
      %get3A_2443 = arith.constant 16 : index
      %get3A_2444 = tpu.vector_load %arg7[%get3A_2442, %get3A_2443] {strides = array<i32>} : memref<4x128xi32, #tpu.memory_space<vmem>>, vector<16xi32>,
      %add3A_2445 = arith.constant 16 : i32
      %add3A_2446 = vector.broadcast %add3A_2445 : i32 to vector<16xi32>
      %add3A_2447 = arith.addi %iota3A, %add3A_2446 : vector<16xi32>
      %scatter3A_2448 = arith.constant 0 : i32
      %scatter3A_2449 = arith.constant 0 : i32
      %scatter3A_2450 = arith.constant 0 : i32
      %scatter3A_2451 = tpu.memref_slice %arg9[%scatter3A_2448, %scatter3A_2449, %scatter3A_2450] : memref<4x64x128xf32, #tpu.memory_space<vmem>> -> memref<1x64x128xf32, #tpu.memory_space<vmem>>
      %scatter3A_2452 = tpu.memref_squeeze %scatter3A_2451 : memref<1x64x128xf32, #tpu.memory_space<vmem>> -> memref<64x128xf32, #tpu.memory_space<vmem>>
      tpu.vector_store_idx %scatter3A_2452[%get3A_2444, %add3A_2447], %broadcast_in_dim3A_5 : memref<64x128xf32, #tpu.memory_space<vmem>>[vector<16xi32>, vector<16xi32>], vector<16xf32>,
      %get3A_2453 = arith.constant 0 : i32
      %get3A_2454 = arith.index_cast %get3A_2453 : i32 to index
      %get3A_2455 = arith.constant 32 : index
      %get3A_2456 = tpu.vector_load %arg7[%get3A_2454, %get3A_2455] {strides = array<i32>} : memref<4x128xi32, #tpu.memory_space<vmem>>, vector<16xi32>,
      %add3A_2457 = arith.constant 32 : i32
      %add3A_2458 = vector.broadcast %add3A_2457 : i32 to vector<16xi32>
      %add3A_2459 = arith.addi %iota3A, %add3A_2458 : vector<16xi32>
      %scatter3A_2460 = arith.constant 0 : i32
      %scatter3A_2461 = arith.constant 0 : i32
      %scatter3A_2462 = arith.constant 0 : i32
      %scatter3A_2463 = tpu.memref_slice %arg9[%scatter3A_2460, %scatter3A_2461, %scatter3A_2462] : memref<4x64x128xf32, #tpu.memory_space<vmem>> -> memref<1x64x128xf32, #tpu.memory_space<vmem>>
      %scatter3A_2464 = tpu.memref_squeeze %scatter3A_2463 : memref<1x64x128xf32, #tpu.memory_space<vmem>> -> memref<64x128xf32, #tpu.memory_space<vmem>>
      tpu.vector_store_idx %scatter3A_2464[%get3A_2456, %add3A_2459], %broadcast_in_dim3A_5 : memref<64x128xf32, #tpu.memory_space<vmem>>[vector<16xi32>, vector<16xi32>], vector<16xf32>,
      %get3A_2465 = arith.constant 0 : i32
      %get3A_2466 = arith.index_cast %get3A_2465 : i32 to index
      %get3A_2467 = arith.constant 48 : index
      %get3A_2468 = tpu.vector_load %arg7[%get3A_2466, %get3A_2467] {strides = array<i32>} : memref<4x128xi32, #tpu.memory_space<vmem>>, vector<16xi32>,
      %add3A_2469 = arith.constant 48 : i32
      %add3A_2470 = vector.broadcast %add3A_2469 : i32 to vector<16xi32>
      %add3A_2471 = arith.addi %iota3A, %add3A_2470 : vector<16xi32>
      %scatter3A_2472 = arith.constant 0 : i32
      %scatter3A_2473 = arith.constant 0 : i32
      %scatter3A_2474 = arith.constant 0 : i32
      %scatter3A_2475 = tpu.memref_slice %arg9[%scatter3A_2472, %scatter3A_2473, %scatter3A_2474] : memref<4x64x128xf32, #tpu.memory_space<vmem>> -> memref<1x64x128xf32, #tpu.memory_space<vmem>>
      %scatter3A_2476 = tpu.memref_squeeze %scatter3A_2475 : memref<1x64x128xf32, #tpu.memory_space<vmem>> -> memref<64x128xf32, #tpu.memory_space<vmem>>
      tpu.vector_store_idx %scatter3A_2476[%get3A_2468, %add3A_2471], %broadcast_in_dim3A_5 : memref<64x128xf32, #tpu.memory_space<vmem>>[vector<16xi32>, vector<16xi32>], vector<16xf32>,
      %get3A_2477 = arith.constant 0 : i32
      %get3A_2478 = arith.index_cast %get3A_2477 : i32 to index
      %get3A_2479 = arith.constant 64 : index
      %get3A_2480 = tpu.vector_load %arg7[%get3A_2478, %get3A_2479] {strides = array<i32>} : memref<4x128xi32, #tpu.memory_space<vmem>>, vector<16xi32>,
      %add3A_2481 = arith.constant 64 : i32
      %add3A_2482 = vector.broadcast %add3A_2481 : i32 to vector<16xi32>
      %add3A_2483 = arith.addi %iota3A, %add3A_2482 : vector<16xi32>
      %scatter3A_2484 = arith.constant 0 : i32
      %scatter3A_2485 = arith.constant 0 : i32
      %scatter3A_2486 = arith.constant 0 : i32
      %scatter3A_2487 = tpu.memref_slice %arg9[%scatter3A_2484, %scatter3A_2485, %scatter3A_2486] : memref<4x64x128xf32, #tpu.memory_space<vmem>> -> memref<1x64x128xf32, #tpu.memory_space<vmem>>
      %scatter3A_2488 = tpu.memref_squeeze %scatter3A_2487 : memref<1x64x128xf32, #tpu.memory_space<vmem>> -> memref<64x128xf32, #tpu.memory_space<vmem>>
      tpu.vector_store_idx %scatter3A_2488[%get3A_2480, %add3A_2483], %broadcast_in_dim3A_5 : memref<64x128xf32, #tpu.memory_space<vmem>>[vector<16xi32>, vector<16xi32>], vector<16xf32>,
      %get3A_2489 = arith.constant 0 : i32
      %get3A_2490 = arith.index_cast %get3A_2489 : i32 to index
      %get3A_2491 = arith.constant 80 : index
      %get3A_2492 = tpu.vector_load %arg7[%get3A_2490, %get3A_2491] {strides = array<i32>} : memref<4x128xi32, #tpu.memory_space<vmem>>, vector<16xi32>,
      %add3A_2493 = arith.constant 80 : i32
      %add3A_2494 = vector.broadcast %add3A_2493 : i32 to vector<16xi32>
      %add3A_2495 = arith.addi %iota3A, %add3A_2494 : vector<16xi32>
      %scatter3A_2496 = arith.constant 0 : i32
      %scatter3A_2497 = arith.constant 0 : i32
      %scatter3A_2498 = arith.constant 0 : i32
      %scatter3A_2499 = tpu.memref_slice %arg9[%scatter3A_2496, %scatter3A_2497, %scatter3A_2498] : memref<4x64x128xf32, #tpu.memory_space<vmem>> -> memref<1x64x128xf32, #tpu.memory_space<vmem>>
      %scatter3A_2500 = tpu.memref_squeeze %scatter3A_2499 : memref<1x64x128xf32, #tpu.memory_space<vmem>> -> memref<64x128xf32, #tpu.memory_space<vmem>>
      tpu.vector_store_idx %scatter3A_2500[%get3A_2492, %add3A_2495], %broadcast_in_dim3A_5 : memref<64x128xf32, #tpu.memory_space<vmem>>[vector<16xi32>, vector<16xi32>], vector<16xf32>,
      %get3A_2501 = arith.constant 0 : i32
      %get3A_2502 = arith.index_cast %get3A_2501 : i32 to index
      %get3A_2503 = arith.constant 96 : index
      %get3A_2504 = tpu.vector_load %arg7[%get3A_2502, %get3A_2503] {strides = array<i32>} : memref<4x128xi32, #tpu.memory_space<vmem>>, vector<16xi32>,
      %add3A_2505 = arith.constant 96 : i32
      %add3A_2506 = vector.broadcast %add3A_2505 : i32 to vector<16xi32>
      %add3A_2507 = arith.addi %iota3A, %add3A_2506 : vector<16xi32>
      %scatter3A_2508 = arith.constant 0 : i32
      %scatter3A_2509 = arith.constant 0 : i32
      %scatter3A_2510 = arith.constant 0 : i32
      %scatter3A_2511 = tpu.memref_slice %arg9[%scatter3A_2508, %scatter3A_2509, %scatter3A_2510] : memref<4x64x128xf32, #tpu.memory_space<vmem>> -> memref<1x64x128xf32, #tpu.memory_space<vmem>>
      %scatter3A_2512 = tpu.memref_squeeze %scatter3A_2511 : memref<1x64x128xf32, #tpu.memory_space<vmem>> -> memref<64x128xf32, #tpu.memory_space<vmem>>
      tpu.vector_store_idx %scatter3A_2512[%get3A_2504, %add3A_2507], %broadcast_in_dim3A_5 : memref<64x128xf32, #tpu.memory_space<vmem>>[vector<16xi32>, vector<16xi32>], vector<16xf32>,
      %get3A_2513 = arith.constant 0 : i32
      %get3A_2514 = arith.index_cast %get3A_2513 : i32 to index
      %get3A_2515 = arith.constant 112 : index
      %get3A_2516 = tpu.vector_load %arg7[%get3A_2514, %get3A_2515] {strides = array<i32>} : memref<4x128xi32, #tpu.memory_space<vmem>>, vector<16xi32>,
      %add3A_2517 = arith.constant 112 : i32
      %add3A_2518 = vector.broadcast %add3A_2517 : i32 to vector<16xi32>
      %add3A_2519 = arith.addi %iota3A, %add3A_2518 : vector<16xi32>
      %scatter3A_2520 = arith.constant 0 : i32
      %scatter3A_2521 = arith.constant 0 : i32
      %scatter3A_2522 = arith.constant 0 : i32
      %scatter3A_2523 = tpu.memref_slice %arg9[%scatter3A_2520, %scatter3A_2521, %scatter3A_2522] : memref<4x64x128xf32, #tpu.memory_space<vmem>> -> memref<1x64x128xf32, #tpu.memory_space<vmem>>
      %scatter3A_2524 = tpu.memref_squeeze %scatter3A_2523 : memref<1x64x128xf32, #tpu.memory_space<vmem>> -> memref<64x128xf32, #tpu.memory_space<vmem>>
      tpu.vector_store_idx %scatter3A_2524[%get3A_2516, %add3A_2519], %broadcast_in_dim3A_5 : memref<64x128xf32, #tpu.memory_space<vmem>>[vector<16xi32>, vector<16xi32>], vector<16xf32>,
      %get3A_2525 = arith.constant 1 : i32
      %get3A_2526 = arith.index_cast %get3A_2525 : i32 to index
      %get3A_2527 = arith.constant 0 : index
      %get3A_2528 = tpu.vector_load %arg7[%get3A_2526, %get3A_2527] {strides = array<i32>} : memref<4x128xi32, #tpu.memory_space<vmem>>, vector<16xi32>,
      %add3A_2529 = arith.constant 0 : i32
      %add3A_2530 = vector.broadcast %add3A_2529 : i32 to vector<16xi32>
      %add3A_2531 = arith.addi %iota3A, %add3A_2530 : vector<16xi32>
      %scatter3A_2532 = arith.constant 1 : i32
      %scatter3A_2533 = arith.constant 0 : i32
      %scatter3A_2534 = arith.constant 0 : i32
      %scatter3A_2535 = tpu.memref_slice %arg9[%scatter3A_2532, %scatter3A_2533, %scatter3A_2534] : memref<4x64x128xf32, #tpu.memory_space<vmem>> -> memref<1x64x128xf32, #tpu.memory_space<vmem>>
      %scatter3A_2536 = tpu.memref_squeeze %scatter3A_2535 : memref<1x64x128xf32, #tpu.memory_space<vmem>> -> memref<64x128xf32, #tpu.memory_space<vmem>>
      tpu.vector_store_idx %scatter3A_2536[%get3A_2528, %add3A_2531], %broadcast_in_dim3A_5 : memref<64x128xf32, #tpu.memory_space<vmem>>[vector<16xi32>, vector<16xi32>], vector<16xf32>,
      %get3A_2537 = arith.constant 1 : i32
      %get3A_2538 = arith.index_cast %get3A_2537 : i32 to index
      %get3A_2539 = arith.constant 16 : index
      %get3A_2540 = tpu.vector_load %arg7[%get3A_2538, %get3A_2539] {strides = array<i32>} : memref<4x128xi32, #tpu.memory_space<vmem>>, vector<16xi32>,
      %add3A_2541 = arith.constant 16 : i32
      %add3A_2542 = vector.broadcast %add3A_2541 : i32 to vector<16xi32>
      %add3A_2543 = arith.addi %iota3A, %add3A_2542 : vector<16xi32>
      %scatter3A_2544 = arith.constant 1 : i32
      %scatter3A_2545 = arith.constant 0 : i32
      %scatter3A_2546 = arith.constant 0 : i32
      %scatter3A_2547 = tpu.memref_slice %arg9[%scatter3A_2544, %scatter3A_2545, %scatter3A_2546] : memref<4x64x128xf32, #tpu.memory_space<vmem>> -> memref<1x64x128xf32, #tpu.memory_space<vmem>>
      %scatter3A_2548 = tpu.memref_squeeze %scatter3A_2547 : memref<1x64x128xf32, #tpu.memory_space<vmem>> -> memref<64x128xf32, #tpu.memory_space<vmem>>
      tpu.vector_store_idx %scatter3A_2548[%get3A_2540, %add3A_2543], %broadcast_in_dim3A_5 : memref<64x128xf32, #tpu.memory_space<vmem>>[vector<16xi32>, vector<16xi32>], vector<16xf32>,
      %get3A_2549 = arith.constant 1 : i32
      %get3A_2550 = arith.index_cast %get3A_2549 : i32 to index
      %get3A_2551 = arith.constant 32 : index
      %get3A_2552 = tpu.vector_load %arg7[%get3A_2550, %get3A_2551] {strides = array<i32>} : memref<4x128xi32, #tpu.memory_space<vmem>>, vector<16xi32>,
      %add3A_2553 = arith.constant 32 : i32
      %add3A_2554 = vector.broadcast %add3A_2553 : i32 to vector<16xi32>
      %add3A_2555 = arith.addi %iota3A, %add3A_2554 : vector<16xi32>
      %scatter3A_2556 = arith.constant 1 : i32
      %scatter3A_2557 = arith.constant 0 : i32
      %scatter3A_2558 = arith.constant 0 : i32
      %scatter3A_2559 = tpu.memref_slice %arg9[%scatter3A_2556, %scatter3A_2557, %scatter3A_2558] : memref<4x64x128xf32, #tpu.memory_space<vmem>> -> memref<1x64x128xf32, #tpu.memory_space<vmem>>
      %scatter3A_2560 = tpu.memref_squeeze %scatter3A_2559 : memref<1x64x128xf32, #tpu.memory_space<vmem>> -> memref<64x128xf32, #tpu.memory_space<vmem>>
      tpu.vector_store_idx %scatter3A_2560[%get3A_2552, %add3A_2555], %broadcast_in_dim3A_5 : memref<64x128xf32, #tpu.memory_space<vmem>>[vector<16xi32>, vector<16xi32>], vector<16xf32>,
      %get3A_2561 = arith.constant 1 : i32
      %get3A_2562 = arith.index_cast %get3A_2561 : i32 to index
      %get3A_2563 = arith.constant 48 : index
      %get3A_2564 = tpu.vector_load %arg7[%get3A_2562, %get3A_2563] {strides = array<i32>} : memref<4x128xi32, #tpu.memory_space<vmem>>, vector<16xi32>,
      %add3A_2565 = arith.constant 48 : i32
      %add3A_2566 = vector.broadcast %add3A_2565 : i32 to vector<16xi32>
      %add3A_2567 = arith.addi %iota3A, %add3A_2566 : vector<16xi32>
      %scatter3A_2568 = arith.constant 1 : i32
      %scatter3A_2569 = arith.constant 0 : i32
      %scatter3A_2570 = arith.constant 0 : i32
      %scatter3A_2571 = tpu.memref_slice %arg9[%scatter3A_2568, %scatter3A_2569, %scatter3A_2570] : memref<4x64x128xf32, #tpu.memory_space<vmem>> -> memref<1x64x128xf32, #tpu.memory_space<vmem>>
      %scatter3A_2572 = tpu.memref_squeeze %scatter3A_2571 : memref<1x64x128xf32, #tpu.memory_space<vmem>> -> memref<64x128xf32, #tpu.memory_space<vmem>>
      tpu.vector_store_idx %scatter3A_2572[%get3A_2564, %add3A_2567], %broadcast_in_dim3A_5 : memref<64x128xf32, #tpu.memory_space<vmem>>[vector<16xi32>, vector<16xi32>], vector<16xf32>,
      %get3A_2573 = arith.constant 1 : i32
      %get3A_2574 = arith.index_cast %get3A_2573 : i32 to index
      %get3A_2575 = arith.constant 64 : index
      %get3A_2576 = tpu.vector_load %arg7[%get3A_2574, %get3A_2575] {strides = array<i32>} : memref<4x128xi32, #tpu.memory_space<vmem>>, vector<16xi32>,
      %add3A_2577 = arith.constant 64 : i32
      %add3A_2578 = vector.broadcast %add3A_2577 : i32 to vector<16xi32>
      %add3A_2579 = arith.addi %iota3A, %add3A_2578 : vector<16xi32>
      %scatter3A_2580 = arith.constant 1 : i32
      %scatter3A_2581 = arith.constant 0 : i32
      %scatter3A_2582 = arith.constant 0 : i32
      %scatter3A_2583 = tpu.memref_slice %arg9[%scatter3A_2580, %scatter3A_2581, %scatter3A_2582] : memref<4x64x128xf32, #tpu.memory_space<vmem>> -> memref<1x64x128xf32, #tpu.memory_space<vmem>>
      %scatter3A_2584 = tpu.memref_squeeze %scatter3A_2583 : memref<1x64x128xf32, #tpu.memory_space<vmem>> -> memref<64x128xf32, #tpu.memory_space<vmem>>
      tpu.vector_store_idx %scatter3A_2584[%get3A_2576, %add3A_2579], %broadcast_in_dim3A_5 : memref<64x128xf32, #tpu.memory_space<vmem>>[vector<16xi32>, vector<16xi32>], vector<16xf32>,
      %get3A_2585 = arith.constant 1 : i32
      %get3A_2586 = arith.index_cast %get3A_2585 : i32 to index
      %get3A_2587 = arith.constant 80 : index
      %get3A_2588 = tpu.vector_load %arg7[%get3A_2586, %get3A_2587] {strides = array<i32>} : memref<4x128xi32, #tpu.memory_space<vmem>>, vector<16xi32>,
      %add3A_2589 = arith.constant 80 : i32
      %add3A_2590 = vector.broadcast %add3A_2589 : i32 to vector<16xi32>
      %add3A_2591 = arith.addi %iota3A, %add3A_2590 : vector<16xi32>
      %scatter3A_2592 = arith.constant 1 : i32
      %scatter3A_2593 = arith.constant 0 : i32
      %scatter3A_2594 = arith.constant 0 : i32
      %scatter3A_2595 = tpu.memref_slice %arg9[%scatter3A_2592, %scatter3A_2593, %scatter3A_2594] : memref<4x64x128xf32, #tpu.memory_space<vmem>> -> memref<1x64x128xf32, #tpu.memory_space<vmem>>
      %scatter3A_2596 = tpu.memref_squeeze %scatter3A_2595 : memref<1x64x128xf32, #tpu.memory_space<vmem>> -> memref<64x128xf32, #tpu.memory_space<vmem>>
      tpu.vector_store_idx %scatter3A_2596[%get3A_2588, %add3A_2591], %broadcast_in_dim3A_5 : memref<64x128xf32, #tpu.memory_space<vmem>>[vector<16xi32>, vector<16xi32>], vector<16xf32>,
      %get3A_2597 = arith.constant 1 : i32
      %get3A_2598 = arith.index_cast %get3A_2597 : i32 to index
      %get3A_2599 = arith.constant 96 : index
      %get3A_2600 = tpu.vector_load %arg7[%get3A_2598, %get3A_2599] {strides = array<i32>} : memref<4x128xi32, #tpu.memory_space<vmem>>, vector<16xi32>,
      %add3A_2601 = arith.constant 96 : i32
      %add3A_2602 = vector.broadcast %add3A_2601 : i32 to vector<16xi32>
      %add3A_2603 = arith.addi %iota3A, %add3A_2602 : vector<16xi32>
      %scatter3A_2604 = arith.constant 1 : i32
      %scatter3A_2605 = arith.constant 0 : i32
      %scatter3A_2606 = arith.constant 0 : i32
      %scatter3A_2607 = tpu.memref_slice %arg9[%scatter3A_2604, %scatter3A_2605, %scatter3A_2606] : memref<4x64x128xf32, #tpu.memory_space<vmem>> -> memref<1x64x128xf32, #tpu.memory_space<vmem>>
      %scatter3A_2608 = tpu.memref_squeeze %scatter3A_2607 : memref<1x64x128xf32, #tpu.memory_space<vmem>> -> memref<64x128xf32, #tpu.memory_space<vmem>>
      tpu.vector_store_idx %scatter3A_2608[%get3A_2600, %add3A_2603], %broadcast_in_dim3A_5 : memref<64x128xf32, #tpu.memory_space<vmem>>[vector<16xi32>, vector<16xi32>], vector<16xf32>,
      %get3A_2609 = arith.constant 1 : i32
      %get3A_2610 = arith.index_cast %get3A_2609 : i32 to index
      %get3A_2611 = arith.constant 112 : index
      %get3A_2612 = tpu.vector_load %arg7[%get3A_2610, %get3A_2611] {strides = array<i32>} : memref<4x128xi32, #tpu.memory_space<vmem>>, vector<16xi32>,
      %add3A_2613 = arith.constant 112 : i32
      %add3A_2614 = vector.broadcast %add3A_2613 : i32 to vector<16xi32>
      %add3A_2615 = arith.addi %iota3A, %add3A_2614 : vector<16xi32>
      %scatter3A_2616 = arith.constant 1 : i32
      %scatter3A_2617 = arith.constant 0 : i32
      %scatter3A_2618 = arith.constant 0 : i32
      %scatter3A_2619 = tpu.memref_slice %arg9[%scatter3A_2616, %scatter3A_2617, %scatter3A_2618] : memref<4x64x128xf32, #tpu.memory_space<vmem>> -> memref<1x64x128xf32, #tpu.memory_space<vmem>>
      %scatter3A_2620 = tpu.memref_squeeze %scatter3A_2619 : memref<1x64x128xf32, #tpu.memory_space<vmem>> -> memref<64x128xf32, #tpu.memory_space<vmem>>
      tpu.vector_store_idx %scatter3A_2620[%get3A_2612, %add3A_2615], %broadcast_in_dim3A_5 : memref<64x128xf32, #tpu.memory_space<vmem>>[vector<16xi32>, vector<16xi32>], vector<16xf32>,
      %get3A_2621 = arith.constant 2 : i32
      %get3A_2622 = arith.index_cast %get3A_2621 : i32 to index
      %get3A_2623 = arith.constant 0 : index
      %get3A_2624 = tpu.vector_load %arg7[%get3A_2622, %get3A_2623] {strides = array<i32>} : memref<4x128xi32, #tpu.memory_space<vmem>>, vector<16xi32>,
      %add3A_2625 = arith.constant 0 : i32
      %add3A_2626 = vector.broadcast %add3A_2625 : i32 to vector<16xi32>
      %add3A_2627 = arith.addi %iota3A, %add3A_2626 : vector<16xi32>
      %scatter3A_2628 = arith.constant 2 : i32
      %scatter3A_2629 = arith.constant 0 : i32
      %scatter3A_2630 = arith.constant 0 : i32
      %scatter3A_2631 = tpu.memref_slice %arg9[%scatter3A_2628, %scatter3A_2629, %scatter3A_2630] : memref<4x64x128xf32, #tpu.memory_space<vmem>> -> memref<1x64x128xf32, #tpu.memory_space<vmem>>
      %scatter3A_2632 = tpu.memref_squeeze %scatter3A_2631 : memref<1x64x128xf32, #tpu.memory_space<vmem>> -> memref<64x128xf32, #tpu.memory_space<vmem>>
      tpu.vector_store_idx %scatter3A_2632[%get3A_2624, %add3A_2627], %broadcast_in_dim3A_5 : memref<64x128xf32, #tpu.memory_space<vmem>>[vector<16xi32>, vector<16xi32>], vector<16xf32>,
      %get3A_2633 = arith.constant 2 : i32
      %get3A_2634 = arith.index_cast %get3A_2633 : i32 to index
      %get3A_2635 = arith.constant 16 : index
      %get3A_2636 = tpu.vector_load %arg7[%get3A_2634, %get3A_2635] {strides = array<i32>} : memref<4x128xi32, #tpu.memory_space<vmem>>, vector<16xi32>,
      %add3A_2637 = arith.constant 16 : i32
      %add3A_2638 = vector.broadcast %add3A_2637 : i32 to vector<16xi32>
      %add3A_2639 = arith.addi %iota3A, %add3A_2638 : vector<16xi32>
      %scatter3A_2640 = arith.constant 2 : i32
      %scatter3A_2641 = arith.constant 0 : i32
      %scatter3A_2642 = arith.constant 0 : i32
      %scatter3A_2643 = tpu.memref_slice %arg9[%scatter3A_2640, %scatter3A_2641, %scatter3A_2642] : memref<4x64x128xf32, #tpu.memory_space<vmem>> -> memref<1x64x128xf32, #tpu.memory_space<vmem>>
      %scatter3A_2644 = tpu.memref_squeeze %scatter3A_2643 : memref<1x64x128xf32, #tpu.memory_space<vmem>> -> memref<64x128xf32, #tpu.memory_space<vmem>>
      tpu.vector_store_idx %scatter3A_2644[%get3A_2636, %add3A_2639], %broadcast_in_dim3A_5 : memref<64x128xf32, #tpu.memory_space<vmem>>[vector<16xi32>, vector<16xi32>], vector<16xf32>,
      %get3A_2645 = arith.constant 2 : i32
      %get3A_2646 = arith.index_cast %get3A_2645 : i32 to index
      %get3A_2647 = arith.constant 32 : index
      %get3A_2648 = tpu.vector_load %arg7[%get3A_2646, %get3A_2647] {strides = array<i32>} : memref<4x128xi32, #tpu.memory_space<vmem>>, vector<16xi32>,
      %add3A_2649 = arith.constant 32 : i32
      %add3A_2650 = vector.broadcast %add3A_2649 : i32 to vector<16xi32>
      %add3A_2651 = arith.addi %iota3A, %add3A_2650 : vector<16xi32>
      %scatter3A_2652 = arith.constant 2 : i32
      %scatter3A_2653 = arith.constant 0 : i32
      %scatter3A_2654 = arith.constant 0 : i32
      %scatter3A_2655 = tpu.memref_slice %arg9[%scatter3A_2652, %scatter3A_2653, %scatter3A_2654] : memref<4x64x128xf32, #tpu.memory_space<vmem>> -> memref<1x64x128xf32, #tpu.memory_space<vmem>>
      %scatter3A_2656 = tpu.memref_squeeze %scatter3A_2655 : memref<1x64x128xf32, #tpu.memory_space<vmem>> -> memref<64x128xf32, #tpu.memory_space<vmem>>
      tpu.vector_store_idx %scatter3A_2656[%get3A_2648, %add3A_2651], %broadcast_in_dim3A_5 : memref<64x128xf32, #tpu.memory_space<vmem>>[vector<16xi32>, vector<16xi32>], vector<16xf32>,
      %get3A_2657 = arith.constant 2 : i32
      %get3A_2658 = arith.index_cast %get3A_2657 : i32 to index
      %get3A_2659 = arith.constant 48 : index
      %get3A_2660 = tpu.vector_load %arg7[%get3A_2658, %get3A_2659] {strides = array<i32>} : memref<4x128xi32, #tpu.memory_space<vmem>>, vector<16xi32>,
      %add3A_2661 = arith.constant 48 : i32
      %add3A_2662 = vector.broadcast %add3A_2661 : i32 to vector<16xi32>
      %add3A_2663 = arith.addi %iota3A, %add3A_2662 : vector<16xi32>
      %scatter3A_2664 = arith.constant 2 : i32
      %scatter3A_2665 = arith.constant 0 : i32
      %scatter3A_2666 = arith.constant 0 : i32
      %scatter3A_2667 = tpu.memref_slice %arg9[%scatter3A_2664, %scatter3A_2665, %scatter3A_2666] : memref<4x64x128xf32, #tpu.memory_space<vmem>> -> memref<1x64x128xf32, #tpu.memory_space<vmem>>
      %scatter3A_2668 = tpu.memref_squeeze %scatter3A_2667 : memref<1x64x128xf32, #tpu.memory_space<vmem>> -> memref<64x128xf32, #tpu.memory_space<vmem>>
      tpu.vector_store_idx %scatter3A_2668[%get3A_2660, %add3A_2663], %broadcast_in_dim3A_5 : memref<64x128xf32, #tpu.memory_space<vmem>>[vector<16xi32>, vector<16xi32>], vector<16xf32>,
      %get3A_2669 = arith.constant 2 : i32
      %get3A_2670 = arith.index_cast %get3A_2669 : i32 to index
      %get3A_2671 = arith.constant 64 : index
      %get3A_2672 = tpu.vector_load %arg7[%get3A_2670, %get3A_2671] {strides = array<i32>} : memref<4x128xi32, #tpu.memory_space<vmem>>, vector<16xi32>,
      %add3A_2673 = arith.constant 64 : i32
      %add3A_2674 = vector.broadcast %add3A_2673 : i32 to vector<16xi32>
      %add3A_2675 = arith.addi %iota3A, %add3A_2674 : vector<16xi32>
      %scatter3A_2676 = arith.constant 2 : i32
      %scatter3A_2677 = arith.constant 0 : i32
      %scatter3A_2678 = arith.constant 0 : i32
      %scatter3A_2679 = tpu.memref_slice %arg9[%scatter3A_2676, %scatter3A_2677, %scatter3A_2678] : memref<4x64x128xf32, #tpu.memory_space<vmem>> -> memref<1x64x128xf32, #tpu.memory_space<vmem>>
      %scatter3A_2680 = tpu.memref_squeeze %scatter3A_2679 : memref<1x64x128xf32, #tpu.memory_space<vmem>> -> memref<64x128xf32, #tpu.memory_space<vmem>>
      tpu.vector_store_idx %scatter3A_2680[%get3A_2672, %add3A_2675], %broadcast_in_dim3A_5 : memref<64x128xf32, #tpu.memory_space<vmem>>[vector<16xi32>, vector<16xi32>], vector<16xf32>,
      %get3A_2681 = arith.constant 2 : i32
      %get3A_2682 = arith.index_cast %get3A_2681 : i32 to index
      %get3A_2683 = arith.constant 80 : index
      %get3A_2684 = tpu.vector_load %arg7[%get3A_2682, %get3A_2683] {strides = array<i32>} : memref<4x128xi32, #tpu.memory_space<vmem>>, vector<16xi32>,
      %add3A_2685 = arith.constant 80 : i32
      %add3A_2686 = vector.broadcast %add3A_2685 : i32 to vector<16xi32>
      %add3A_2687 = arith.addi %iota3A, %add3A_2686 : vector<16xi32>
      %scatter3A_2688 = arith.constant 2 : i32
      %scatter3A_2689 = arith.constant 0 : i32
      %scatter3A_2690 = arith.constant 0 : i32
      %scatter3A_2691 = tpu.memref_slice %arg9[%scatter3A_2688, %scatter3A_2689, %scatter3A_2690] : memref<4x64x128xf32, #tpu.memory_space<vmem>> -> memref<1x64x128xf32, #tpu.memory_space<vmem>>
      %scatter3A_2692 = tpu.memref_squeeze %scatter3A_2691 : memref<1x64x128xf32, #tpu.memory_space<vmem>> -> memref<64x128xf32, #tpu.memory_space<vmem>>
      tpu.vector_store_idx %scatter3A_2692[%get3A_2684, %add3A_2687], %broadcast_in_dim3A_5 : memref<64x128xf32, #tpu.memory_space<vmem>>[vector<16xi32>, vector<16xi32>], vector<16xf32>,
      %get3A_2693 = arith.constant 2 : i32
      %get3A_2694 = arith.index_cast %get3A_2693 : i32 to index
      %get3A_2695 = arith.constant 96 : index
      %get3A_2696 = tpu.vector_load %arg7[%get3A_2694, %get3A_2695] {strides = array<i32>} : memref<4x128xi32, #tpu.memory_space<vmem>>, vector<16xi32>,
      %add3A_2697 = arith.constant 96 : i32
      %add3A_2698 = vector.broadcast %add3A_2697 : i32 to vector<16xi32>
      %add3A_2699 = arith.addi %iota3A, %add3A_2698 : vector<16xi32>
      %scatter3A_2700 = arith.constant 2 : i32
      %scatter3A_2701 = arith.constant 0 : i32
      %scatter3A_2702 = arith.constant 0 : i32
      %scatter3A_2703 = tpu.memref_slice %arg9[%scatter3A_2700, %scatter3A_2701, %scatter3A_2702] : memref<4x64x128xf32, #tpu.memory_space<vmem>> -> memref<1x64x128xf32, #tpu.memory_space<vmem>>
      %scatter3A_2704 = tpu.memref_squeeze %scatter3A_2703 : memref<1x64x128xf32, #tpu.memory_space<vmem>> -> memref<64x128xf32, #tpu.memory_space<vmem>>
      tpu.vector_store_idx %scatter3A_2704[%get3A_2696, %add3A_2699], %broadcast_in_dim3A_5 : memref<64x128xf32, #tpu.memory_space<vmem>>[vector<16xi32>, vector<16xi32>], vector<16xf32>,
      %get3A_2705 = arith.constant 2 : i32
      %get3A_2706 = arith.index_cast %get3A_2705 : i32 to index
      %get3A_2707 = arith.constant 112 : index
      %get3A_2708 = tpu.vector_load %arg7[%get3A_2706, %get3A_2707] {strides = array<i32>} : memref<4x128xi32, #tpu.memory_space<vmem>>, vector<16xi32>,
      %add3A_2709 = arith.constant 112 : i32
      %add3A_2710 = vector.broadcast %add3A_2709 : i32 to vector<16xi32>
      %add3A_2711 = arith.addi %iota3A, %add3A_2710 : vector<16xi32>
      %scatter3A_2712 = arith.constant 2 : i32
      %scatter3A_2713 = arith.constant 0 : i32
      %scatter3A_2714 = arith.constant 0 : i32
      %scatter3A_2715 = tpu.memref_slice %arg9[%scatter3A_2712, %scatter3A_2713, %scatter3A_2714] : memref<4x64x128xf32, #tpu.memory_space<vmem>> -> memref<1x64x128xf32, #tpu.memory_space<vmem>>
      %scatter3A_2716 = tpu.memref_squeeze %scatter3A_2715 : memref<1x64x128xf32, #tpu.memory_space<vmem>> -> memref<64x128xf32, #tpu.memory_space<vmem>>
      tpu.vector_store_idx %scatter3A_2716[%get3A_2708, %add3A_2711], %broadcast_in_dim3A_5 : memref<64x128xf32, #tpu.memory_space<vmem>>[vector<16xi32>, vector<16xi32>], vector<16xf32>,
      %get3A_2717 = arith.constant 3 : i32
      %get3A_2718 = arith.index_cast %get3A_2717 : i32 to index
      %get3A_2719 = arith.constant 0 : index
      %get3A_2720 = tpu.vector_load %arg7[%get3A_2718, %get3A_2719] {strides = array<i32>} : memref<4x128xi32, #tpu.memory_space<vmem>>, vector<16xi32>,
      %add3A_2721 = arith.constant 0 : i32
      %add3A_2722 = vector.broadcast %add3A_2721 : i32 to vector<16xi32>
      %add3A_2723 = arith.addi %iota3A, %add3A_2722 : vector<16xi32>
      %scatter3A_2724 = arith.constant 3 : i32
      %scatter3A_2725 = arith.constant 0 : i32
      %scatter3A_2726 = arith.constant 0 : i32
      %scatter3A_2727 = tpu.memref_slice %arg9[%scatter3A_2724, %scatter3A_2725, %scatter3A_2726] : memref<4x64x128xf32, #tpu.memory_space<vmem>> -> memref<1x64x128xf32, #tpu.memory_space<vmem>>
      %scatter3A_2728 = tpu.memref_squeeze %scatter3A_2727 : memref<1x64x128xf32, #tpu.memory_space<vmem>> -> memref<64x128xf32, #tpu.memory_space<vmem>>
      tpu.vector_store_idx %scatter3A_2728[%get3A_2720, %add3A_2723], %broadcast_in_dim3A_5 : memref<64x128xf32, #tpu.memory_space<vmem>>[vector<16xi32>, vector<16xi32>], vector<16xf32>,
      %get3A_2729 = arith.constant 3 : i32
      %get3A_2730 = arith.index_cast %get3A_2729 : i32 to index
      %get3A_2731 = arith.constant 16 : index
      %get3A_2732 = tpu.vector_load %arg7[%get3A_2730, %get3A_2731] {strides = array<i32>} : memref<4x128xi32, #tpu.memory_space<vmem>>, vector<16xi32>,
      %add3A_2733 = arith.constant 16 : i32
      %add3A_2734 = vector.broadcast %add3A_2733 : i32 to vector<16xi32>
      %add3A_2735 = arith.addi %iota3A, %add3A_2734 : vector<16xi32>
      %scatter3A_2736 = arith.constant 3 : i32
      %scatter3A_2737 = arith.constant 0 : i32
      %scatter3A_2738 = arith.constant 0 : i32
      %scatter3A_2739 = tpu.memref_slice %arg9[%scatter3A_2736, %scatter3A_2737, %scatter3A_2738] : memref<4x64x128xf32, #tpu.memory_space<vmem>> -> memref<1x64x128xf32, #tpu.memory_space<vmem>>
      %scatter3A_2740 = tpu.memref_squeeze %scatter3A_2739 : memref<1x64x128xf32, #tpu.memory_space<vmem>> -> memref<64x128xf32, #tpu.memory_space<vmem>>
      tpu.vector_store_idx %scatter3A_2740[%get3A_2732, %add3A_2735], %broadcast_in_dim3A_5 : memref<64x128xf32, #tpu.memory_space<vmem>>[vector<16xi32>, vector<16xi32>], vector<16xf32>,
      %get3A_2741 = arith.constant 3 : i32
      %get3A_2742 = arith.index_cast %get3A_2741 : i32 to index
      %get3A_2743 = arith.constant 32 : index
      %get3A_2744 = tpu.vector_load %arg7[%get3A_2742, %get3A_2743] {strides = array<i32>} : memref<4x128xi32, #tpu.memory_space<vmem>>, vector<16xi32>,
      %add3A_2745 = arith.constant 32 : i32
      %add3A_2746 = vector.broadcast %add3A_2745 : i32 to vector<16xi32>
      %add3A_2747 = arith.addi %iota3A, %add3A_2746 : vector<16xi32>
      %scatter3A_2748 = arith.constant 3 : i32
      %scatter3A_2749 = arith.constant 0 : i32
      %scatter3A_2750 = arith.constant 0 : i32
      %scatter3A_2751 = tpu.memref_slice %arg9[%scatter3A_2748, %scatter3A_2749, %scatter3A_2750] : memref<4x64x128xf32, #tpu.memory_space<vmem>> -> memref<1x64x128xf32, #tpu.memory_space<vmem>>
      %scatter3A_2752 = tpu.memref_squeeze %scatter3A_2751 : memref<1x64x128xf32, #tpu.memory_space<vmem>> -> memref<64x128xf32, #tpu.memory_space<vmem>>
      tpu.vector_store_idx %scatter3A_2752[%get3A_2744, %add3A_2747], %broadcast_in_dim3A_5 : memref<64x128xf32, #tpu.memory_space<vmem>>[vector<16xi32>, vector<16xi32>], vector<16xf32>,
      %get3A_2753 = arith.constant 3 : i32
      %get3A_2754 = arith.index_cast %get3A_2753 : i32 to index
      %get3A_2755 = arith.constant 48 : index
      %get3A_2756 = tpu.vector_load %arg7[%get3A_2754, %get3A_2755] {strides = array<i32>} : memref<4x128xi32, #tpu.memory_space<vmem>>, vector<16xi32>,
      %add3A_2757 = arith.constant 48 : i32
      %add3A_2758 = vector.broadcast %add3A_2757 : i32 to vector<16xi32>
      %add3A_2759 = arith.addi %iota3A, %add3A_2758 : vector<16xi32>
      %scatter3A_2760 = arith.constant 3 : i32
      %scatter3A_2761 = arith.constant 0 : i32
      %scatter3A_2762 = arith.constant 0 : i32
      %scatter3A_2763 = tpu.memref_slice %arg9[%scatter3A_2760, %scatter3A_2761, %scatter3A_2762] : memref<4x64x128xf32, #tpu.memory_space<vmem>> -> memref<1x64x128xf32, #tpu.memory_space<vmem>>
      %scatter3A_2764 = tpu.memref_squeeze %scatter3A_2763 : memref<1x64x128xf32, #tpu.memory_space<vmem>> -> memref<64x128xf32, #tpu.memory_space<vmem>>
      tpu.vector_store_idx %scatter3A_2764[%get3A_2756, %add3A_2759], %broadcast_in_dim3A_5 : memref<64x128xf32, #tpu.memory_space<vmem>>[vector<16xi32>, vector<16xi32>], vector<16xf32>,
      %get3A_2765 = arith.constant 3 : i32
      %get3A_2766 = arith.index_cast %get3A_2765 : i32 to index
      %get3A_2767 = arith.constant 64 : index
      %get3A_2768 = tpu.vector_load %arg7[%get3A_2766, %get3A_2767] {strides = array<i32>} : memref<4x128xi32, #tpu.memory_space<vmem>>, vector<16xi32>,
      %add3A_2769 = arith.constant 64 : i32
      %add3A_2770 = vector.broadcast %add3A_2769 : i32 to vector<16xi32>
      %add3A_2771 = arith.addi %iota3A, %add3A_2770 : vector<16xi32>
      %scatter3A_2772 = arith.constant 3 : i32
      %scatter3A_2773 = arith.constant 0 : i32
      %scatter3A_2774 = arith.constant 0 : i32
      %scatter3A_2775 = tpu.memref_slice %arg9[%scatter3A_2772, %scatter3A_2773, %scatter3A_2774] : memref<4x64x128xf32, #tpu.memory_space<vmem>> -> memref<1x64x128xf32, #tpu.memory_space<vmem>>
      %scatter3A_2776 = tpu.memref_squeeze %scatter3A_2775 : memref<1x64x128xf32, #tpu.memory_space<vmem>> -> memref<64x128xf32, #tpu.memory_space<vmem>>
      tpu.vector_store_idx %scatter3A_2776[%get3A_2768, %add3A_2771], %broadcast_in_dim3A_5 : memref<64x128xf32, #tpu.memory_space<vmem>>[vector<16xi32>, vector<16xi32>], vector<16xf32>,
      %get3A_2777 = arith.constant 3 : i32
      %get3A_2778 = arith.index_cast %get3A_2777 : i32 to index
      %get3A_2779 = arith.constant 80 : index
      %get3A_2780 = tpu.vector_load %arg7[%get3A_2778, %get3A_2779] {strides = array<i32>} : memref<4x128xi32, #tpu.memory_space<vmem>>, vector<16xi32>,
      %add3A_2781 = arith.constant 80 : i32
      %add3A_2782 = vector.broadcast %add3A_2781 : i32 to vector<16xi32>
      %add3A_2783 = arith.addi %iota3A, %add3A_2782 : vector<16xi32>
      %scatter3A_2784 = arith.constant 3 : i32
      %scatter3A_2785 = arith.constant 0 : i32
      %scatter3A_2786 = arith.constant 0 : i32
      %scatter3A_2787 = tpu.memref_slice %arg9[%scatter3A_2784, %scatter3A_2785, %scatter3A_2786] : memref<4x64x128xf32, #tpu.memory_space<vmem>> -> memref<1x64x128xf32, #tpu.memory_space<vmem>>
      %scatter3A_2788 = tpu.memref_squeeze %scatter3A_2787 : memref<1x64x128xf32, #tpu.memory_space<vmem>> -> memref<64x128xf32, #tpu.memory_space<vmem>>
      tpu.vector_store_idx %scatter3A_2788[%get3A_2780, %add3A_2783], %broadcast_in_dim3A_5 : memref<64x128xf32, #tpu.memory_space<vmem>>[vector<16xi32>, vector<16xi32>], vector<16xf32>,
      %get3A_2789 = arith.constant 3 : i32
      %get3A_2790 = arith.index_cast %get3A_2789 : i32 to index
      %get3A_2791 = arith.constant 96 : index
      %get3A_2792 = tpu.vector_load %arg7[%get3A_2790, %get3A_2791] {strides = array<i32>} : memref<4x128xi32, #tpu.memory_space<vmem>>, vector<16xi32>,
      %add3A_2793 = arith.constant 96 : i32
      %add3A_2794 = vector.broadcast %add3A_2793 : i32 to vector<16xi32>
      %add3A_2795 = arith.addi %iota3A, %add3A_2794 : vector<16xi32>
      %scatter3A_2796 = arith.constant 3 : i32
      %scatter3A_2797 = arith.constant 0 : i32
      %scatter3A_2798 = arith.constant 0 : i32
      %scatter3A_2799 = tpu.memref_slice %arg9[%scatter3A_2796, %scatter3A_2797, %scatter3A_2798] : memref<4x64x128xf32, #tpu.memory_space<vmem>> -> memref<1x64x128xf32, #tpu.memory_space<vmem>>
      %scatter3A_2800 = tpu.memref_squeeze %scatter3A_2799 : memref<1x64x128xf32, #tpu.memory_space<vmem>> -> memref<64x128xf32, #tpu.memory_space<vmem>>
      tpu.vector_store_idx %scatter3A_2800[%get3A_2792, %add3A_2795], %broadcast_in_dim3A_5 : memref<64x128xf32, #tpu.memory_space<vmem>>[vector<16xi32>, vector<16xi32>], vector<16xf32>,
      %get3A_2801 = arith.constant 3 : i32
      %get3A_2802 = arith.index_cast %get3A_2801 : i32 to index
      %get3A_2803 = arith.constant 112 : index
      %get3A_2804 = tpu.vector_load %arg7[%get3A_2802, %get3A_2803] {strides = array<i32>} : memref<4x128xi32, #tpu.memory_space<vmem>>, vector<16xi32>,
      %add3A_2805 = arith.constant 112 : i32
      %add3A_2806 = vector.broadcast %add3A_2805 : i32 to vector<16xi32>
      %add3A_2807 = arith.addi %iota3A, %add3A_2806 : vector<16xi32>
      %scatter3A_2808 = arith.constant 3 : i32
      %scatter3A_2809 = arith.constant 0 : i32
      %scatter3A_2810 = arith.constant 0 : i32
      %scatter3A_2811 = tpu.memref_slice %arg9[%scatter3A_2808, %scatter3A_2809, %scatter3A_2810] : memref<4x64x128xf32, #tpu.memory_space<vmem>> -> memref<1x64x128xf32, #tpu.memory_space<vmem>>
      %scatter3A_2812 = tpu.memref_squeeze %scatter3A_2811 : memref<1x64x128xf32, #tpu.memory_space<vmem>> -> memref<64x128xf32, #tpu.memory_space<vmem>>
      tpu.vector_store_idx %scatter3A_2812[%get3A_2804, %add3A_2807], %broadcast_in_dim3A_5 : memref<64x128xf32, #tpu.memory_space<vmem>>[vector<16xi32>, vector<16xi32>], vector<16xf32>,
      %add3A_2813 = arith.constant 2 : i32
      %add3A_2814 = arith.addi %add3A_2422, %add3A_2813 : i32
      %mul3A_2815 = arith.constant 4 : i32
      %mul3A_2816 = arith.muli %add3A_2814, %mul3A_2815 : i32
      %min3A_2817 = arith.constant 196 : i32
      %min3A_2818 = arith.minsi %mul3A_2816, %min3A_2817 : i32
      %dma_start3A_2819 = tpu.memref_slice %arg2[%min3A_2818, %mul3A_2] : memref<200x4096xi32, #tpu.memory_space<hbm>> -> memref<4x128xi32, #tpu.memory_space<hbm>>
      %dma_start3A_2820 = tpu.memref_slice %arg2[%min3A_2818, %mul3A_2] : memref<200x4096xi32, #tpu.memory_space<hbm>> -> memref<4x128xi32, #tpu.memory_space<hbm>>
      tpu.enqueue_dma source(%dma_start3A_2820 : memref<4x128xi32, #tpu.memory_space<hbm>>) target(%arg7 : memref<4x128xi32, #tpu.memory_space<vmem>>) target_semaphore(%arg13 : memref<!tpu.dma_semaphore, #tpu.memory_space<semaphore_mem>>)
      %dma_wait3A_2821 = arith.constant 0 : i32
      %dma_wait3A_2822 = tpu.memref_slice %arg2[%dma_wait3A_2821, %mul3A_2] : memref<200x4096xi32, #tpu.memory_space<hbm>> -> memref<4x128xi32, #tpu.memory_space<hbm>>
      %dma_wait3A_2823 = arith.constant 0 : i32
      %dma_wait3A_2824 = tpu.memref_slice %arg2[%dma_wait3A_2823, %mul3A_2] : memref<200x4096xi32, #tpu.memory_space<hbm>> -> memref<4x128xi32, #tpu.memory_space<hbm>>
      tpu.wait_dma2 semaphore(%arg11 : memref<!tpu.dma_semaphore, #tpu.memory_space<semaphore_mem>>) src(%dma_wait3A_2824 : memref<4x128xi32, #tpu.memory_space<hbm>>) dst(%arg5 : memref<4x128xi32, #tpu.memory_space<vmem>>)
      %get3A_2825 = arith.constant 0 : i32
      %get3A_2826 = arith.index_cast %get3A_2825 : i32 to index
      %get3A_2827 = arith.constant 0 : index
      %get3A_2828 = tpu.vector_load %arg5[%get3A_2826, %get3A_2827] {strides = array<i32>} : memref<4x128xi32, #tpu.memory_space<vmem>>, vector<16xi32>,
      %add3A_2829 = arith.constant 0 : i32
      %add3A_2830 = vector.broadcast %add3A_2829 : i32 to vector<16xi32>
      %add3A_2831 = arith.addi %iota3A, %add3A_2830 : vector<16xi32>
      %scatter3A_2832 = arith.constant 0 : i32
      %scatter3A_2833 = arith.constant 0 : i32
      %scatter3A_2834 = arith.constant 0 : i32
      %scatter3A_2835 = tpu.memref_slice %arg9[%scatter3A_2832, %scatter3A_2833, %scatter3A_2834] : memref<4x64x128xf32, #tpu.memory_space<vmem>> -> memref<1x64x128xf32, #tpu.memory_space<vmem>>
      %scatter3A_2836 = tpu.memref_squeeze %scatter3A_2835 : memref<1x64x128xf32, #tpu.memory_space<vmem>> -> memref<64x128xf32, #tpu.memory_space<vmem>>
      tpu.vector_store_idx %scatter3A_2836[%get3A_2828, %add3A_2831], %broadcast_in_dim3A_3 : memref<64x128xf32, #tpu.memory_space<vmem>>[vector<16xi32>, vector<16xi32>], vector<16xf32>,
      %get3A_2837 = arith.constant 0 : i32
      %get3A_2838 = arith.index_cast %get3A_2837 : i32 to index
      %get3A_2839 = arith.constant 16 : index
      %get3A_2840 = tpu.vector_load %arg5[%get3A_2838, %get3A_2839] {strides = array<i32>} : memref<4x128xi32, #tpu.memory_space<vmem>>, vector<16xi32>,
      %add3A_2841 = arith.constant 16 : i32
      %add3A_2842 = vector.broadcast %add3A_2841 : i32 to vector<16xi32>
      %add3A_2843 = arith.addi %iota3A, %add3A_2842 : vector<16xi32>
      %scatter3A_2844 = arith.constant 0 : i32
      %scatter3A_2845 = arith.constant 0 : i32
      %scatter3A_2846 = arith.constant 0 : i32
      %scatter3A_2847 = tpu.memref_slice %arg9[%scatter3A_2844, %scatter3A_2845, %scatter3A_2846] : memref<4x64x128xf32, #tpu.memory_space<vmem>> -> memref<1x64x128xf32, #tpu.memory_space<vmem>>
      %scatter3A_2848 = tpu.memref_squeeze %scatter3A_2847 : memref<1x64x128xf32, #tpu.memory_space<vmem>> -> memref<64x128xf32, #tpu.memory_space<vmem>>
      tpu.vector_store_idx %scatter3A_2848[%get3A_2840, %add3A_2843], %broadcast_in_dim3A_3 : memref<64x128xf32, #tpu.memory_space<vmem>>[vector<16xi32>, vector<16xi32>], vector<16xf32>,
      %get3A_2849 = arith.constant 0 : i32
      %get3A_2850 = arith.index_cast %get3A_2849 : i32 to index
      %get3A_2851 = arith.constant 32 : index
      %get3A_2852 = tpu.vector_load %arg5[%get3A_2850, %get3A_2851] {strides = array<i32>} : memref<4x128xi32, #tpu.memory_space<vmem>>, vector<16xi32>,
      %add3A_2853 = arith.constant 32 : i32
      %add3A_2854 = vector.broadcast %add3A_2853 : i32 to vector<16xi32>
      %add3A_2855 = arith.addi %iota3A, %add3A_2854 : vector<16xi32>
      %scatter3A_2856 = arith.constant 0 : i32
      %scatter3A_2857 = arith.constant 0 : i32
      %scatter3A_2858 = arith.constant 0 : i32
      %scatter3A_2859 = tpu.memref_slice %arg9[%scatter3A_2856, %scatter3A_2857, %scatter3A_2858] : memref<4x64x128xf32, #tpu.memory_space<vmem>> -> memref<1x64x128xf32, #tpu.memory_space<vmem>>
      %scatter3A_2860 = tpu.memref_squeeze %scatter3A_2859 : memref<1x64x128xf32, #tpu.memory_space<vmem>> -> memref<64x128xf32, #tpu.memory_space<vmem>>
      tpu.vector_store_idx %scatter3A_2860[%get3A_2852, %add3A_2855], %broadcast_in_dim3A_3 : memref<64x128xf32, #tpu.memory_space<vmem>>[vector<16xi32>, vector<16xi32>], vector<16xf32>,
      %get3A_2861 = arith.constant 0 : i32
      %get3A_2862 = arith.index_cast %get3A_2861 : i32 to index
      %get3A_2863 = arith.constant 48 : index
      %get3A_2864 = tpu.vector_load %arg5[%get3A_2862, %get3A_2863] {strides = array<i32>} : memref<4x128xi32, #tpu.memory_space<vmem>>, vector<16xi32>,
      %add3A_2865 = arith.constant 48 : i32
      %add3A_2866 = vector.broadcast %add3A_2865 : i32 to vector<16xi32>
      %add3A_2867 = arith.addi %iota3A, %add3A_2866 : vector<16xi32>
      %scatter3A_2868 = arith.constant 0 : i32
      %scatter3A_2869 = arith.constant 0 : i32
      %scatter3A_2870 = arith.constant 0 : i32
      %scatter3A_2871 = tpu.memref_slice %arg9[%scatter3A_2868, %scatter3A_2869, %scatter3A_2870] : memref<4x64x128xf32, #tpu.memory_space<vmem>> -> memref<1x64x128xf32, #tpu.memory_space<vmem>>
      %scatter3A_2872 = tpu.memref_squeeze %scatter3A_2871 : memref<1x64x128xf32, #tpu.memory_space<vmem>> -> memref<64x128xf32, #tpu.memory_space<vmem>>
      tpu.vector_store_idx %scatter3A_2872[%get3A_2864, %add3A_2867], %broadcast_in_dim3A_3 : memref<64x128xf32, #tpu.memory_space<vmem>>[vector<16xi32>, vector<16xi32>], vector<16xf32>,
      %get3A_2873 = arith.constant 0 : i32
      %get3A_2874 = arith.index_cast %get3A_2873 : i32 to index
      %get3A_2875 = arith.constant 64 : index
      %get3A_2876 = tpu.vector_load %arg5[%get3A_2874, %get3A_2875] {strides = array<i32>} : memref<4x128xi32, #tpu.memory_space<vmem>>, vector<16xi32>,
      %add3A_2877 = arith.constant 64 : i32
      %add3A_2878 = vector.broadcast %add3A_2877 : i32 to vector<16xi32>
      %add3A_2879 = arith.addi %iota3A, %add3A_2878 : vector<16xi32>
      %scatter3A_2880 = arith.constant 0 : i32
      %scatter3A_2881 = arith.constant 0 : i32
      %scatter3A_2882 = arith.constant 0 : i32
      %scatter3A_2883 = tpu.memref_slice %arg9[%scatter3A_2880, %scatter3A_2881, %scatter3A_2882] : memref<4x64x128xf32, #tpu.memory_space<vmem>> -> memref<1x64x128xf32, #tpu.memory_space<vmem>>
      %scatter3A_2884 = tpu.memref_squeeze %scatter3A_2883 : memref<1x64x128xf32, #tpu.memory_space<vmem>> -> memref<64x128xf32, #tpu.memory_space<vmem>>
      tpu.vector_store_idx %scatter3A_2884[%get3A_2876, %add3A_2879], %broadcast_in_dim3A_3 : memref<64x128xf32, #tpu.memory_space<vmem>>[vector<16xi32>, vector<16xi32>], vector<16xf32>,
      %get3A_2885 = arith.constant 0 : i32
      %get3A_2886 = arith.index_cast %get3A_2885 : i32 to index
      %get3A_2887 = arith.constant 80 : index
      %get3A_2888 = tpu.vector_load %arg5[%get3A_2886, %get3A_2887] {strides = array<i32>} : memref<4x128xi32, #tpu.memory_space<vmem>>, vector<16xi32>,
      %add3A_2889 = arith.constant 80 : i32
      %add3A_2890 = vector.broadcast %add3A_2889 : i32 to vector<16xi32>
      %add3A_2891 = arith.addi %iota3A, %add3A_2890 : vector<16xi32>
      %scatter3A_2892 = arith.constant 0 : i32
      %scatter3A_2893 = arith.constant 0 : i32
      %scatter3A_2894 = arith.constant 0 : i32
      %scatter3A_2895 = tpu.memref_slice %arg9[%scatter3A_2892, %scatter3A_2893, %scatter3A_2894] : memref<4x64x128xf32, #tpu.memory_space<vmem>> -> memref<1x64x128xf32, #tpu.memory_space<vmem>>
      %scatter3A_2896 = tpu.memref_squeeze %scatter3A_2895 : memref<1x64x128xf32, #tpu.memory_space<vmem>> -> memref<64x128xf32, #tpu.memory_space<vmem>>
      tpu.vector_store_idx %scatter3A_2896[%get3A_2888, %add3A_2891], %broadcast_in_dim3A_3 : memref<64x128xf32, #tpu.memory_space<vmem>>[vector<16xi32>, vector<16xi32>], vector<16xf32>,
      %get3A_2897 = arith.constant 0 : i32
      %get3A_2898 = arith.index_cast %get3A_2897 : i32 to index
      %get3A_2899 = arith.constant 96 : index
      %get3A_2900 = tpu.vector_load %arg5[%get3A_2898, %get3A_2899] {strides = array<i32>} : memref<4x128xi32, #tpu.memory_space<vmem>>, vector<16xi32>,
      %add3A_2901 = arith.constant 96 : i32
      %add3A_2902 = vector.broadcast %add3A_2901 : i32 to vector<16xi32>
      %add3A_2903 = arith.addi %iota3A, %add3A_2902 : vector<16xi32>
      %scatter3A_2904 = arith.constant 0 : i32
      %scatter3A_2905 = arith.constant 0 : i32
      %scatter3A_2906 = arith.constant 0 : i32
      %scatter3A_2907 = tpu.memref_slice %arg9[%scatter3A_2904, %scatter3A_2905, %scatter3A_2906] : memref<4x64x128xf32, #tpu.memory_space<vmem>> -> memref<1x64x128xf32, #tpu.memory_space<vmem>>
      %scatter3A_2908 = tpu.memref_squeeze %scatter3A_2907 : memref<1x64x128xf32, #tpu.memory_space<vmem>> -> memref<64x128xf32, #tpu.memory_space<vmem>>
      tpu.vector_store_idx %scatter3A_2908[%get3A_2900, %add3A_2903], %broadcast_in_dim3A_3 : memref<64x128xf32, #tpu.memory_space<vmem>>[vector<16xi32>, vector<16xi32>], vector<16xf32>,
      %get3A_2909 = arith.constant 0 : i32
      %get3A_2910 = arith.index_cast %get3A_2909 : i32 to index
      %get3A_2911 = arith.constant 112 : index
      %get3A_2912 = tpu.vector_load %arg5[%get3A_2910, %get3A_2911] {strides = array<i32>} : memref<4x128xi32, #tpu.memory_space<vmem>>, vector<16xi32>,
      %add3A_2913 = arith.constant 112 : i32
      %add3A_2914 = vector.broadcast %add3A_2913 : i32 to vector<16xi32>
      %add3A_2915 = arith.addi %iota3A, %add3A_2914 : vector<16xi32>
      %scatter3A_2916 = arith.constant 0 : i32
      %scatter3A_2917 = arith.constant 0 : i32
      %scatter3A_2918 = arith.constant 0 : i32
      %scatter3A_2919 = tpu.memref_slice %arg9[%scatter3A_2916, %scatter3A_2917, %scatter3A_2918] : memref<4x64x128xf32, #tpu.memory_space<vmem>> -> memref<1x64x128xf32, #tpu.memory_space<vmem>>
      %scatter3A_2920 = tpu.memref_squeeze %scatter3A_2919 : memref<1x64x128xf32, #tpu.memory_space<vmem>> -> memref<64x128xf32, #tpu.memory_space<vmem>>
      tpu.vector_store_idx %scatter3A_2920[%get3A_2912, %add3A_2915], %broadcast_in_dim3A_3 : memref<64x128xf32, #tpu.memory_space<vmem>>[vector<16xi32>, vector<16xi32>], vector<16xf32>,
      %get3A_2921 = arith.constant 1 : i32
      %get3A_2922 = arith.index_cast %get3A_2921 : i32 to index
      %get3A_2923 = arith.constant 0 : index
      %get3A_2924 = tpu.vector_load %arg5[%get3A_2922, %get3A_2923] {strides = array<i32>} : memref<4x128xi32, #tpu.memory_space<vmem>>, vector<16xi32>,
      %add3A_2925 = arith.constant 0 : i32
      %add3A_2926 = vector.broadcast %add3A_2925 : i32 to vector<16xi32>
      %add3A_2927 = arith.addi %iota3A, %add3A_2926 : vector<16xi32>
      %scatter3A_2928 = arith.constant 1 : i32
      %scatter3A_2929 = arith.constant 0 : i32
      %scatter3A_2930 = arith.constant 0 : i32
      %scatter3A_2931 = tpu.memref_slice %arg9[%scatter3A_2928, %scatter3A_2929, %scatter3A_2930] : memref<4x64x128xf32, #tpu.memory_space<vmem>> -> memref<1x64x128xf32, #tpu.memory_space<vmem>>
      %scatter3A_2932 = tpu.memref_squeeze %scatter3A_2931 : memref<1x64x128xf32, #tpu.memory_space<vmem>> -> memref<64x128xf32, #tpu.memory_space<vmem>>
      tpu.vector_store_idx %scatter3A_2932[%get3A_2924, %add3A_2927], %broadcast_in_dim3A_3 : memref<64x128xf32, #tpu.memory_space<vmem>>[vector<16xi32>, vector<16xi32>], vector<16xf32>,
      %get3A_2933 = arith.constant 1 : i32
      %get3A_2934 = arith.index_cast %get3A_2933 : i32 to index
      %get3A_2935 = arith.constant 16 : index
      %get3A_2936 = tpu.vector_load %arg5[%get3A_2934, %get3A_2935] {strides = array<i32>} : memref<4x128xi32, #tpu.memory_space<vmem>>, vector<16xi32>,
      %add3A_2937 = arith.constant 16 : i32
      %add3A_2938 = vector.broadcast %add3A_2937 : i32 to vector<16xi32>
      %add3A_2939 = arith.addi %iota3A, %add3A_2938 : vector<16xi32>
      %scatter3A_2940 = arith.constant 1 : i32
      %scatter3A_2941 = arith.constant 0 : i32
      %scatter3A_2942 = arith.constant 0 : i32
      %scatter3A_2943 = tpu.memref_slice %arg9[%scatter3A_2940, %scatter3A_2941, %scatter3A_2942] : memref<4x64x128xf32, #tpu.memory_space<vmem>> -> memref<1x64x128xf32, #tpu.memory_space<vmem>>
      %scatter3A_2944 = tpu.memref_squeeze %scatter3A_2943 : memref<1x64x128xf32, #tpu.memory_space<vmem>> -> memref<64x128xf32, #tpu.memory_space<vmem>>
      tpu.vector_store_idx %scatter3A_2944[%get3A_2936, %add3A_2939], %broadcast_in_dim3A_3 : memref<64x128xf32, #tpu.memory_space<vmem>>[vector<16xi32>, vector<16xi32>], vector<16xf32>,
      %get3A_2945 = arith.constant 1 : i32
      %get3A_2946 = arith.index_cast %get3A_2945 : i32 to index
      %get3A_2947 = arith.constant 32 : index
      %get3A_2948 = tpu.vector_load %arg5[%get3A_2946, %get3A_2947] {strides = array<i32>} : memref<4x128xi32, #tpu.memory_space<vmem>>, vector<16xi32>,
      %add3A_2949 = arith.constant 32 : i32
      %add3A_2950 = vector.broadcast %add3A_2949 : i32 to vector<16xi32>
      %add3A_2951 = arith.addi %iota3A, %add3A_2950 : vector<16xi32>
      %scatter3A_2952 = arith.constant 1 : i32
      %scatter3A_2953 = arith.constant 0 : i32
      %scatter3A_2954 = arith.constant 0 : i32
      %scatter3A_2955 = tpu.memref_slice %arg9[%scatter3A_2952, %scatter3A_2953, %scatter3A_2954] : memref<4x64x128xf32, #tpu.memory_space<vmem>> -> memref<1x64x128xf32, #tpu.memory_space<vmem>>
      %scatter3A_2956 = tpu.memref_squeeze %scatter3A_2955 : memref<1x64x128xf32, #tpu.memory_space<vmem>> -> memref<64x128xf32, #tpu.memory_space<vmem>>
      tpu.vector_store_idx %scatter3A_2956[%get3A_2948, %add3A_2951], %broadcast_in_dim3A_3 : memref<64x128xf32, #tpu.memory_space<vmem>>[vector<16xi32>, vector<16xi32>], vector<16xf32>,
      %get3A_2957 = arith.constant 1 : i32
      %get3A_2958 = arith.index_cast %get3A_2957 : i32 to index
      %get3A_2959 = arith.constant 48 : index
      %get3A_2960 = tpu.vector_load %arg5[%get3A_2958, %get3A_2959] {strides = array<i32>} : memref<4x128xi32, #tpu.memory_space<vmem>>, vector<16xi32>,
      %add3A_2961 = arith.constant 48 : i32
      %add3A_2962 = vector.broadcast %add3A_2961 : i32 to vector<16xi32>
      %add3A_2963 = arith.addi %iota3A, %add3A_2962 : vector<16xi32>
      %scatter3A_2964 = arith.constant 1 : i32
      %scatter3A_2965 = arith.constant 0 : i32
      %scatter3A_2966 = arith.constant 0 : i32
      %scatter3A_2967 = tpu.memref_slice %arg9[%scatter3A_2964, %scatter3A_2965, %scatter3A_2966] : memref<4x64x128xf32, #tpu.memory_space<vmem>> -> memref<1x64x128xf32, #tpu.memory_space<vmem>>
      %scatter3A_2968 = tpu.memref_squeeze %scatter3A_2967 : memref<1x64x128xf32, #tpu.memory_space<vmem>> -> memref<64x128xf32, #tpu.memory_space<vmem>>
      tpu.vector_store_idx %scatter3A_2968[%get3A_2960, %add3A_2963], %broadcast_in_dim3A_3 : memref<64x128xf32, #tpu.memory_space<vmem>>[vector<16xi32>, vector<16xi32>], vector<16xf32>,
      %get3A_2969 = arith.constant 1 : i32
      %get3A_2970 = arith.index_cast %get3A_2969 : i32 to index
      %get3A_2971 = arith.constant 64 : index
      %get3A_2972 = tpu.vector_load %arg5[%get3A_2970, %get3A_2971] {strides = array<i32>} : memref<4x128xi32, #tpu.memory_space<vmem>>, vector<16xi32>,
      %add3A_2973 = arith.constant 64 : i32
      %add3A_2974 = vector.broadcast %add3A_2973 : i32 to vector<16xi32>
      %add3A_2975 = arith.addi %iota3A, %add3A_2974 : vector<16xi32>
      %scatter3A_2976 = arith.constant 1 : i32
      %scatter3A_2977 = arith.constant 0 : i32
      %scatter3A_2978 = arith.constant 0 : i32
      %scatter3A_2979 = tpu.memref_slice %arg9[%scatter3A_2976, %scatter3A_2977, %scatter3A_2978] : memref<4x64x128xf32, #tpu.memory_space<vmem>> -> memref<1x64x128xf32, #tpu.memory_space<vmem>>
      %scatter3A_2980 = tpu.memref_squeeze %scatter3A_2979 : memref<1x64x128xf32, #tpu.memory_space<vmem>> -> memref<64x128xf32, #tpu.memory_space<vmem>>
      tpu.vector_store_idx %scatter3A_2980[%get3A_2972, %add3A_2975], %broadcast_in_dim3A_3 : memref<64x128xf32, #tpu.memory_space<vmem>>[vector<16xi32>, vector<16xi32>], vector<16xf32>,
      %get3A_2981 = arith.constant 1 : i32
      %get3A_2982 = arith.index_cast %get3A_2981 : i32 to index
      %get3A_2983 = arith.constant 80 : index
      %get3A_2984 = tpu.vector_load %arg5[%get3A_2982, %get3A_2983] {strides = array<i32>} : memref<4x128xi32, #tpu.memory_space<vmem>>, vector<16xi32>,
      %add3A_2985 = arith.constant 80 : i32
      %add3A_2986 = vector.broadcast %add3A_2985 : i32 to vector<16xi32>
      %add3A_2987 = arith.addi %iota3A, %add3A_2986 : vector<16xi32>
      %scatter3A_2988 = arith.constant 1 : i32
      %scatter3A_2989 = arith.constant 0 : i32
      %scatter3A_2990 = arith.constant 0 : i32
      %scatter3A_2991 = tpu.memref_slice %arg9[%scatter3A_2988, %scatter3A_2989, %scatter3A_2990] : memref<4x64x128xf32, #tpu.memory_space<vmem>> -> memref<1x64x128xf32, #tpu.memory_space<vmem>>
      %scatter3A_2992 = tpu.memref_squeeze %scatter3A_2991 : memref<1x64x128xf32, #tpu.memory_space<vmem>> -> memref<64x128xf32, #tpu.memory_space<vmem>>
      tpu.vector_store_idx %scatter3A_2992[%get3A_2984, %add3A_2987], %broadcast_in_dim3A_3 : memref<64x128xf32, #tpu.memory_space<vmem>>[vector<16xi32>, vector<16xi32>], vector<16xf32>,
      %get3A_2993 = arith.constant 1 : i32
      %get3A_2994 = arith.index_cast %get3A_2993 : i32 to index
      %get3A_2995 = arith.constant 96 : index
      %get3A_2996 = tpu.vector_load %arg5[%get3A_2994, %get3A_2995] {strides = array<i32>} : memref<4x128xi32, #tpu.memory_space<vmem>>, vector<16xi32>,
      %add3A_2997 = arith.constant 96 : i32
      %add3A_2998 = vector.broadcast %add3A_2997 : i32 to vector<16xi32>
      %add3A_2999 = arith.addi %iota3A, %add3A_2998 : vector<16xi32>
      %scatter3A_3000 = arith.constant 1 : i32
      %scatter3A_3001 = arith.constant 0 : i32
      %scatter3A_3002 = arith.constant 0 : i32
      %scatter3A_3003 = tpu.memref_slice %arg9[%scatter3A_3000, %scatter3A_3001, %scatter3A_3002] : memref<4x64x128xf32, #tpu.memory_space<vmem>> -> memref<1x64x128xf32, #tpu.memory_space<vmem>>
      %scatter3A_3004 = tpu.memref_squeeze %scatter3A_3003 : memref<1x64x128xf32, #tpu.memory_space<vmem>> -> memref<64x128xf32, #tpu.memory_space<vmem>>
      tpu.vector_store_idx %scatter3A_3004[%get3A_2996, %add3A_2999], %broadcast_in_dim3A_3 : memref<64x128xf32, #tpu.memory_space<vmem>>[vector<16xi32>, vector<16xi32>], vector<16xf32>,
      %get3A_3005 = arith.constant 1 : i32
      %get3A_3006 = arith.index_cast %get3A_3005 : i32 to index
      %get3A_3007 = arith.constant 112 : index
      %get3A_3008 = tpu.vector_load %arg5[%get3A_3006, %get3A_3007] {strides = array<i32>} : memref<4x128xi32, #tpu.memory_space<vmem>>, vector<16xi32>,
      %add3A_3009 = arith.constant 112 : i32
      %add3A_3010 = vector.broadcast %add3A_3009 : i32 to vector<16xi32>
      %add3A_3011 = arith.addi %iota3A, %add3A_3010 : vector<16xi32>
      %scatter3A_3012 = arith.constant 1 : i32
      %scatter3A_3013 = arith.constant 0 : i32
      %scatter3A_3014 = arith.constant 0 : i32
      %scatter3A_3015 = tpu.memref_slice %arg9[%scatter3A_3012, %scatter3A_3013, %scatter3A_3014] : memref<4x64x128xf32, #tpu.memory_space<vmem>> -> memref<1x64x128xf32, #tpu.memory_space<vmem>>
      %scatter3A_3016 = tpu.memref_squeeze %scatter3A_3015 : memref<1x64x128xf32, #tpu.memory_space<vmem>> -> memref<64x128xf32, #tpu.memory_space<vmem>>
      tpu.vector_store_idx %scatter3A_3016[%get3A_3008, %add3A_3011], %broadcast_in_dim3A_3 : memref<64x128xf32, #tpu.memory_space<vmem>>[vector<16xi32>, vector<16xi32>], vector<16xf32>,
      %get3A_3017 = arith.constant 2 : i32
      %get3A_3018 = arith.index_cast %get3A_3017 : i32 to index
      %get3A_3019 = arith.constant 0 : index
      %get3A_3020 = tpu.vector_load %arg5[%get3A_3018, %get3A_3019] {strides = array<i32>} : memref<4x128xi32, #tpu.memory_space<vmem>>, vector<16xi32>,
      %add3A_3021 = arith.constant 0 : i32
      %add3A_3022 = vector.broadcast %add3A_3021 : i32 to vector<16xi32>
      %add3A_3023 = arith.addi %iota3A, %add3A_3022 : vector<16xi32>
      %scatter3A_3024 = arith.constant 2 : i32
      %scatter3A_3025 = arith.constant 0 : i32
      %scatter3A_3026 = arith.constant 0 : i32
      %scatter3A_3027 = tpu.memref_slice %arg9[%scatter3A_3024, %scatter3A_3025, %scatter3A_3026] : memref<4x64x128xf32, #tpu.memory_space<vmem>> -> memref<1x64x128xf32, #tpu.memory_space<vmem>>
      %scatter3A_3028 = tpu.memref_squeeze %scatter3A_3027 : memref<1x64x128xf32, #tpu.memory_space<vmem>> -> memref<64x128xf32, #tpu.memory_space<vmem>>
      tpu.vector_store_idx %scatter3A_3028[%get3A_3020, %add3A_3023], %broadcast_in_dim3A_3 : memref<64x128xf32, #tpu.memory_space<vmem>>[vector<16xi32>, vector<16xi32>], vector<16xf32>,
      %get3A_3029 = arith.constant 2 : i32
      %get3A_3030 = arith.index_cast %get3A_3029 : i32 to index
      %get3A_3031 = arith.constant 16 : index
      %get3A_3032 = tpu.vector_load %arg5[%get3A_3030, %get3A_3031] {strides = array<i32>} : memref<4x128xi32, #tpu.memory_space<vmem>>, vector<16xi32>,
      %add3A_3033 = arith.constant 16 : i32
      %add3A_3034 = vector.broadcast %add3A_3033 : i32 to vector<16xi32>
      %add3A_3035 = arith.addi %iota3A, %add3A_3034 : vector<16xi32>
      %scatter3A_3036 = arith.constant 2 : i32
      %scatter3A_3037 = arith.constant 0 : i32
      %scatter3A_3038 = arith.constant 0 : i32
      %scatter3A_3039 = tpu.memref_slice %arg9[%scatter3A_3036, %scatter3A_3037, %scatter3A_3038] : memref<4x64x128xf32, #tpu.memory_space<vmem>> -> memref<1x64x128xf32, #tpu.memory_space<vmem>>
      %scatter3A_3040 = tpu.memref_squeeze %scatter3A_3039 : memref<1x64x128xf32, #tpu.memory_space<vmem>> -> memref<64x128xf32, #tpu.memory_space<vmem>>
      tpu.vector_store_idx %scatter3A_3040[%get3A_3032, %add3A_3035], %broadcast_in_dim3A_3 : memref<64x128xf32, #tpu.memory_space<vmem>>[vector<16xi32>, vector<16xi32>], vector<16xf32>,
      %get3A_3041 = arith.constant 2 : i32
      %get3A_3042 = arith.index_cast %get3A_3041 : i32 to index
      %get3A_3043 = arith.constant 32 : index
      %get3A_3044 = tpu.vector_load %arg5[%get3A_3042, %get3A_3043] {strides = array<i32>} : memref<4x128xi32, #tpu.memory_space<vmem>>, vector<16xi32>,
      %add3A_3045 = arith.constant 32 : i32
      %add3A_3046 = vector.broadcast %add3A_3045 : i32 to vector<16xi32>
      %add3A_3047 = arith.addi %iota3A, %add3A_3046 : vector<16xi32>
      %scatter3A_3048 = arith.constant 2 : i32
      %scatter3A_3049 = arith.constant 0 : i32
      %scatter3A_3050 = arith.constant 0 : i32
      %scatter3A_3051 = tpu.memref_slice %arg9[%scatter3A_3048, %scatter3A_3049, %scatter3A_3050] : memref<4x64x128xf32, #tpu.memory_space<vmem>> -> memref<1x64x128xf32, #tpu.memory_space<vmem>>
      %scatter3A_3052 = tpu.memref_squeeze %scatter3A_3051 : memref<1x64x128xf32, #tpu.memory_space<vmem>> -> memref<64x128xf32, #tpu.memory_space<vmem>>
      tpu.vector_store_idx %scatter3A_3052[%get3A_3044, %add3A_3047], %broadcast_in_dim3A_3 : memref<64x128xf32, #tpu.memory_space<vmem>>[vector<16xi32>, vector<16xi32>], vector<16xf32>,
      %get3A_3053 = arith.constant 2 : i32
      %get3A_3054 = arith.index_cast %get3A_3053 : i32 to index
      %get3A_3055 = arith.constant 48 : index
      %get3A_3056 = tpu.vector_load %arg5[%get3A_3054, %get3A_3055] {strides = array<i32>} : memref<4x128xi32, #tpu.memory_space<vmem>>, vector<16xi32>,
      %add3A_3057 = arith.constant 48 : i32
      %add3A_3058 = vector.broadcast %add3A_3057 : i32 to vector<16xi32>
      %add3A_3059 = arith.addi %iota3A, %add3A_3058 : vector<16xi32>
      %scatter3A_3060 = arith.constant 2 : i32
      %scatter3A_3061 = arith.constant 0 : i32
      %scatter3A_3062 = arith.constant 0 : i32
      %scatter3A_3063 = tpu.memref_slice %arg9[%scatter3A_3060, %scatter3A_3061, %scatter3A_3062] : memref<4x64x128xf32, #tpu.memory_space<vmem>> -> memref<1x64x128xf32, #tpu.memory_space<vmem>>
      %scatter3A_3064 = tpu.memref_squeeze %scatter3A_3063 : memref<1x64x128xf32, #tpu.memory_space<vmem>> -> memref<64x128xf32, #tpu.memory_space<vmem>>
      tpu.vector_store_idx %scatter3A_3064[%get3A_3056, %add3A_3059], %broadcast_in_dim3A_3 : memref<64x128xf32, #tpu.memory_space<vmem>>[vector<16xi32>, vector<16xi32>], vector<16xf32>,
      %get3A_3065 = arith.constant 2 : i32
      %get3A_3066 = arith.index_cast %get3A_3065 : i32 to index
      %get3A_3067 = arith.constant 64 : index
      %get3A_3068 = tpu.vector_load %arg5[%get3A_3066, %get3A_3067] {strides = array<i32>} : memref<4x128xi32, #tpu.memory_space<vmem>>, vector<16xi32>,
      %add3A_3069 = arith.constant 64 : i32
      %add3A_3070 = vector.broadcast %add3A_3069 : i32 to vector<16xi32>
      %add3A_3071 = arith.addi %iota3A, %add3A_3070 : vector<16xi32>
      %scatter3A_3072 = arith.constant 2 : i32
      %scatter3A_3073 = arith.constant 0 : i32
      %scatter3A_3074 = arith.constant 0 : i32
      %scatter3A_3075 = tpu.memref_slice %arg9[%scatter3A_3072, %scatter3A_3073, %scatter3A_3074] : memref<4x64x128xf32, #tpu.memory_space<vmem>> -> memref<1x64x128xf32, #tpu.memory_space<vmem>>
      %scatter3A_3076 = tpu.memref_squeeze %scatter3A_3075 : memref<1x64x128xf32, #tpu.memory_space<vmem>> -> memref<64x128xf32, #tpu.memory_space<vmem>>
      tpu.vector_store_idx %scatter3A_3076[%get3A_3068, %add3A_3071], %broadcast_in_dim3A_3 : memref<64x128xf32, #tpu.memory_space<vmem>>[vector<16xi32>, vector<16xi32>], vector<16xf32>,
      %get3A_3077 = arith.constant 2 : i32
      %get3A_3078 = arith.index_cast %get3A_3077 : i32 to index
      %get3A_3079 = arith.constant 80 : index
      %get3A_3080 = tpu.vector_load %arg5[%get3A_3078, %get3A_3079] {strides = array<i32>} : memref<4x128xi32, #tpu.memory_space<vmem>>, vector<16xi32>,
      %add3A_3081 = arith.constant 80 : i32
      %add3A_3082 = vector.broadcast %add3A_3081 : i32 to vector<16xi32>
      %add3A_3083 = arith.addi %iota3A, %add3A_3082 : vector<16xi32>
      %scatter3A_3084 = arith.constant 2 : i32
      %scatter3A_3085 = arith.constant 0 : i32
      %scatter3A_3086 = arith.constant 0 : i32
      %scatter3A_3087 = tpu.memref_slice %arg9[%scatter3A_3084, %scatter3A_3085, %scatter3A_3086] : memref<4x64x128xf32, #tpu.memory_space<vmem>> -> memref<1x64x128xf32, #tpu.memory_space<vmem>>
      %scatter3A_3088 = tpu.memref_squeeze %scatter3A_3087 : memref<1x64x128xf32, #tpu.memory_space<vmem>> -> memref<64x128xf32, #tpu.memory_space<vmem>>
      tpu.vector_store_idx %scatter3A_3088[%get3A_3080, %add3A_3083], %broadcast_in_dim3A_3 : memref<64x128xf32, #tpu.memory_space<vmem>>[vector<16xi32>, vector<16xi32>], vector<16xf32>,
      %get3A_3089 = arith.constant 2 : i32
      %get3A_3090 = arith.index_cast %get3A_3089 : i32 to index
      %get3A_3091 = arith.constant 96 : index
      %get3A_3092 = tpu.vector_load %arg5[%get3A_3090, %get3A_3091] {strides = array<i32>} : memref<4x128xi32, #tpu.memory_space<vmem>>, vector<16xi32>,
      %add3A_3093 = arith.constant 96 : i32
      %add3A_3094 = vector.broadcast %add3A_3093 : i32 to vector<16xi32>
      %add3A_3095 = arith.addi %iota3A, %add3A_3094 : vector<16xi32>
      %scatter3A_3096 = arith.constant 2 : i32
      %scatter3A_3097 = arith.constant 0 : i32
      %scatter3A_3098 = arith.constant 0 : i32
      %scatter3A_3099 = tpu.memref_slice %arg9[%scatter3A_3096, %scatter3A_3097, %scatter3A_3098] : memref<4x64x128xf32, #tpu.memory_space<vmem>> -> memref<1x64x128xf32, #tpu.memory_space<vmem>>
      %scatter3A_3100 = tpu.memref_squeeze %scatter3A_3099 : memref<1x64x128xf32, #tpu.memory_space<vmem>> -> memref<64x128xf32, #tpu.memory_space<vmem>>
      tpu.vector_store_idx %scatter3A_3100[%get3A_3092, %add3A_3095], %broadcast_in_dim3A_3 : memref<64x128xf32, #tpu.memory_space<vmem>>[vector<16xi32>, vector<16xi32>], vector<16xf32>,
      %get3A_3101 = arith.constant 2 : i32
      %get3A_3102 = arith.index_cast %get3A_3101 : i32 to index
      %get3A_3103 = arith.constant 112 : index
      %get3A_3104 = tpu.vector_load %arg5[%get3A_3102, %get3A_3103] {strides = array<i32>} : memref<4x128xi32, #tpu.memory_space<vmem>>, vector<16xi32>,
      %add3A_3105 = arith.constant 112 : i32
      %add3A_3106 = vector.broadcast %add3A_3105 : i32 to vector<16xi32>
      %add3A_3107 = arith.addi %iota3A, %add3A_3106 : vector<16xi32>
      %scatter3A_3108 = arith.constant 2 : i32
      %scatter3A_3109 = arith.constant 0 : i32
      %scatter3A_3110 = arith.constant 0 : i32
      %scatter3A_3111 = tpu.memref_slice %arg9[%scatter3A_3108, %scatter3A_3109, %scatter3A_3110] : memref<4x64x128xf32, #tpu.memory_space<vmem>> -> memref<1x64x128xf32, #tpu.memory_space<vmem>>
      %scatter3A_3112 = tpu.memref_squeeze %scatter3A_3111 : memref<1x64x128xf32, #tpu.memory_space<vmem>> -> memref<64x128xf32, #tpu.memory_space<vmem>>
      tpu.vector_store_idx %scatter3A_3112[%get3A_3104, %add3A_3107], %broadcast_in_dim3A_3 : memref<64x128xf32, #tpu.memory_space<vmem>>[vector<16xi32>, vector<16xi32>], vector<16xf32>,
      %get3A_3113 = arith.constant 3 : i32
      %get3A_3114 = arith.index_cast %get3A_3113 : i32 to index
      %get3A_3115 = arith.constant 0 : index
      %get3A_3116 = tpu.vector_load %arg5[%get3A_3114, %get3A_3115] {strides = array<i32>} : memref<4x128xi32, #tpu.memory_space<vmem>>, vector<16xi32>,
      %add3A_3117 = arith.constant 0 : i32
      %add3A_3118 = vector.broadcast %add3A_3117 : i32 to vector<16xi32>
      %add3A_3119 = arith.addi %iota3A, %add3A_3118 : vector<16xi32>
      %scatter3A_3120 = arith.constant 3 : i32
      %scatter3A_3121 = arith.constant 0 : i32
      %scatter3A_3122 = arith.constant 0 : i32
      %scatter3A_3123 = tpu.memref_slice %arg9[%scatter3A_3120, %scatter3A_3121, %scatter3A_3122] : memref<4x64x128xf32, #tpu.memory_space<vmem>> -> memref<1x64x128xf32, #tpu.memory_space<vmem>>
      %scatter3A_3124 = tpu.memref_squeeze %scatter3A_3123 : memref<1x64x128xf32, #tpu.memory_space<vmem>> -> memref<64x128xf32, #tpu.memory_space<vmem>>
      tpu.vector_store_idx %scatter3A_3124[%get3A_3116, %add3A_3119], %broadcast_in_dim3A_3 : memref<64x128xf32, #tpu.memory_space<vmem>>[vector<16xi32>, vector<16xi32>], vector<16xf32>,
      %get3A_3125 = arith.constant 3 : i32
      %get3A_3126 = arith.index_cast %get3A_3125 : i32 to index
      %get3A_3127 = arith.constant 16 : index
      %get3A_3128 = tpu.vector_load %arg5[%get3A_3126, %get3A_3127] {strides = array<i32>} : memref<4x128xi32, #tpu.memory_space<vmem>>, vector<16xi32>,
      %add3A_3129 = arith.constant 16 : i32
      %add3A_3130 = vector.broadcast %add3A_3129 : i32 to vector<16xi32>
      %add3A_3131 = arith.addi %iota3A, %add3A_3130 : vector<16xi32>
      %scatter3A_3132 = arith.constant 3 : i32
      %scatter3A_3133 = arith.constant 0 : i32
      %scatter3A_3134 = arith.constant 0 : i32
      %scatter3A_3135 = tpu.memref_slice %arg9[%scatter3A_3132, %scatter3A_3133, %scatter3A_3134] : memref<4x64x128xf32, #tpu.memory_space<vmem>> -> memref<1x64x128xf32, #tpu.memory_space<vmem>>
      %scatter3A_3136 = tpu.memref_squeeze %scatter3A_3135 : memref<1x64x128xf32, #tpu.memory_space<vmem>> -> memref<64x128xf32, #tpu.memory_space<vmem>>
      tpu.vector_store_idx %scatter3A_3136[%get3A_3128, %add3A_3131], %broadcast_in_dim3A_3 : memref<64x128xf32, #tpu.memory_space<vmem>>[vector<16xi32>, vector<16xi32>], vector<16xf32>,
      %get3A_3137 = arith.constant 3 : i32
      %get3A_3138 = arith.index_cast %get3A_3137 : i32 to index
      %get3A_3139 = arith.constant 32 : index
      %get3A_3140 = tpu.vector_load %arg5[%get3A_3138, %get3A_3139] {strides = array<i32>} : memref<4x128xi32, #tpu.memory_space<vmem>>, vector<16xi32>,
      %add3A_3141 = arith.constant 32 : i32
      %add3A_3142 = vector.broadcast %add3A_3141 : i32 to vector<16xi32>
      %add3A_3143 = arith.addi %iota3A, %add3A_3142 : vector<16xi32>
      %scatter3A_3144 = arith.constant 3 : i32
      %scatter3A_3145 = arith.constant 0 : i32
      %scatter3A_3146 = arith.constant 0 : i32
      %scatter3A_3147 = tpu.memref_slice %arg9[%scatter3A_3144, %scatter3A_3145, %scatter3A_3146] : memref<4x64x128xf32, #tpu.memory_space<vmem>> -> memref<1x64x128xf32, #tpu.memory_space<vmem>>
      %scatter3A_3148 = tpu.memref_squeeze %scatter3A_3147 : memref<1x64x128xf32, #tpu.memory_space<vmem>> -> memref<64x128xf32, #tpu.memory_space<vmem>>
      tpu.vector_store_idx %scatter3A_3148[%get3A_3140, %add3A_3143], %broadcast_in_dim3A_3 : memref<64x128xf32, #tpu.memory_space<vmem>>[vector<16xi32>, vector<16xi32>], vector<16xf32>,
      %get3A_3149 = arith.constant 3 : i32
      %get3A_3150 = arith.index_cast %get3A_3149 : i32 to index
      %get3A_3151 = arith.constant 48 : index
      %get3A_3152 = tpu.vector_load %arg5[%get3A_3150, %get3A_3151] {strides = array<i32>} : memref<4x128xi32, #tpu.memory_space<vmem>>, vector<16xi32>,
      %add3A_3153 = arith.constant 48 : i32
      %add3A_3154 = vector.broadcast %add3A_3153 : i32 to vector<16xi32>
      %add3A_3155 = arith.addi %iota3A, %add3A_3154 : vector<16xi32>
      %scatter3A_3156 = arith.constant 3 : i32
      %scatter3A_3157 = arith.constant 0 : i32
      %scatter3A_3158 = arith.constant 0 : i32
      %scatter3A_3159 = tpu.memref_slice %arg9[%scatter3A_3156, %scatter3A_3157, %scatter3A_3158] : memref<4x64x128xf32, #tpu.memory_space<vmem>> -> memref<1x64x128xf32, #tpu.memory_space<vmem>>
      %scatter3A_3160 = tpu.memref_squeeze %scatter3A_3159 : memref<1x64x128xf32, #tpu.memory_space<vmem>> -> memref<64x128xf32, #tpu.memory_space<vmem>>
      tpu.vector_store_idx %scatter3A_3160[%get3A_3152, %add3A_3155], %broadcast_in_dim3A_3 : memref<64x128xf32, #tpu.memory_space<vmem>>[vector<16xi32>, vector<16xi32>], vector<16xf32>,
      %get3A_3161 = arith.constant 3 : i32
      %get3A_3162 = arith.index_cast %get3A_3161 : i32 to index
      %get3A_3163 = arith.constant 64 : index
      %get3A_3164 = tpu.vector_load %arg5[%get3A_3162, %get3A_3163] {strides = array<i32>} : memref<4x128xi32, #tpu.memory_space<vmem>>, vector<16xi32>,
      %add3A_3165 = arith.constant 64 : i32
      %add3A_3166 = vector.broadcast %add3A_3165 : i32 to vector<16xi32>
      %add3A_3167 = arith.addi %iota3A, %add3A_3166 : vector<16xi32>
      %scatter3A_3168 = arith.constant 3 : i32
      %scatter3A_3169 = arith.constant 0 : i32
      %scatter3A_3170 = arith.constant 0 : i32
      %scatter3A_3171 = tpu.memref_slice %arg9[%scatter3A_3168, %scatter3A_3169, %scatter3A_3170] : memref<4x64x128xf32, #tpu.memory_space<vmem>> -> memref<1x64x128xf32, #tpu.memory_space<vmem>>
      %scatter3A_3172 = tpu.memref_squeeze %scatter3A_3171 : memref<1x64x128xf32, #tpu.memory_space<vmem>> -> memref<64x128xf32, #tpu.memory_space<vmem>>
      tpu.vector_store_idx %scatter3A_3172[%get3A_3164, %add3A_3167], %broadcast_in_dim3A_3 : memref<64x128xf32, #tpu.memory_space<vmem>>[vector<16xi32>, vector<16xi32>], vector<16xf32>,
      %get3A_3173 = arith.constant 3 : i32
      %get3A_3174 = arith.index_cast %get3A_3173 : i32 to index
      %get3A_3175 = arith.constant 80 : index
      %get3A_3176 = tpu.vector_load %arg5[%get3A_3174, %get3A_3175] {strides = array<i32>} : memref<4x128xi32, #tpu.memory_space<vmem>>, vector<16xi32>,
      %add3A_3177 = arith.constant 80 : i32
      %add3A_3178 = vector.broadcast %add3A_3177 : i32 to vector<16xi32>
      %add3A_3179 = arith.addi %iota3A, %add3A_3178 : vector<16xi32>
      %scatter3A_3180 = arith.constant 3 : i32
      %scatter3A_3181 = arith.constant 0 : i32
      %scatter3A_3182 = arith.constant 0 : i32
      %scatter3A_3183 = tpu.memref_slice %arg9[%scatter3A_3180, %scatter3A_3181, %scatter3A_3182] : memref<4x64x128xf32, #tpu.memory_space<vmem>> -> memref<1x64x128xf32, #tpu.memory_space<vmem>>
      %scatter3A_3184 = tpu.memref_squeeze %scatter3A_3183 : memref<1x64x128xf32, #tpu.memory_space<vmem>> -> memref<64x128xf32, #tpu.memory_space<vmem>>
      tpu.vector_store_idx %scatter3A_3184[%get3A_3176, %add3A_3179], %broadcast_in_dim3A_3 : memref<64x128xf32, #tpu.memory_space<vmem>>[vector<16xi32>, vector<16xi32>], vector<16xf32>,
      %get3A_3185 = arith.constant 3 : i32
      %get3A_3186 = arith.index_cast %get3A_3185 : i32 to index
      %get3A_3187 = arith.constant 96 : index
      %get3A_3188 = tpu.vector_load %arg5[%get3A_3186, %get3A_3187] {strides = array<i32>} : memref<4x128xi32, #tpu.memory_space<vmem>>, vector<16xi32>,
      %add3A_3189 = arith.constant 96 : i32
      %add3A_3190 = vector.broadcast %add3A_3189 : i32 to vector<16xi32>
      %add3A_3191 = arith.addi %iota3A, %add3A_3190 : vector<16xi32>
      %scatter3A_3192 = arith.constant 3 : i32
      %scatter3A_3193 = arith.constant 0 : i32
      %scatter3A_3194 = arith.constant 0 : i32
      %scatter3A_3195 = tpu.memref_slice %arg9[%scatter3A_3192, %scatter3A_3193, %scatter3A_3194] : memref<4x64x128xf32, #tpu.memory_space<vmem>> -> memref<1x64x128xf32, #tpu.memory_space<vmem>>
      %scatter3A_3196 = tpu.memref_squeeze %scatter3A_3195 : memref<1x64x128xf32, #tpu.memory_space<vmem>> -> memref<64x128xf32, #tpu.memory_space<vmem>>
      tpu.vector_store_idx %scatter3A_3196[%get3A_3188, %add3A_3191], %broadcast_in_dim3A_3 : memref<64x128xf32, #tpu.memory_space<vmem>>[vector<16xi32>, vector<16xi32>], vector<16xf32>,
      %get3A_3197 = arith.constant 3 : i32
      %get3A_3198 = arith.index_cast %get3A_3197 : i32 to index
      %get3A_3199 = arith.constant 112 : index
      %get3A_3200 = tpu.vector_load %arg5[%get3A_3198, %get3A_3199] {strides = array<i32>} : memref<4x128xi32, #tpu.memory_space<vmem>>, vector<16xi32>,
      %add3A_3201 = arith.constant 112 : i32
      %add3A_3202 = vector.broadcast %add3A_3201 : i32 to vector<16xi32>
      %add3A_3203 = arith.addi %iota3A, %add3A_3202 : vector<16xi32>
      %scatter3A_3204 = arith.constant 3 : i32
      %scatter3A_3205 = arith.constant 0 : i32
      %scatter3A_3206 = arith.constant 0 : i32
      %scatter3A_3207 = tpu.memref_slice %arg9[%scatter3A_3204, %scatter3A_3205, %scatter3A_3206] : memref<4x64x128xf32, #tpu.memory_space<vmem>> -> memref<1x64x128xf32, #tpu.memory_space<vmem>>
      %scatter3A_3208 = tpu.memref_squeeze %scatter3A_3207 : memref<1x64x128xf32, #tpu.memory_space<vmem>> -> memref<64x128xf32, #tpu.memory_space<vmem>>
      tpu.vector_store_idx %scatter3A_3208[%get3A_3200, %add3A_3203], %broadcast_in_dim3A_3 : memref<64x128xf32, #tpu.memory_space<vmem>>[vector<16xi32>, vector<16xi32>], vector<16xf32>,
      %dma_start3A_3209 = arith.constant 0 : i32
      %dma_start3A_3210 = tpu.memref_slice %arg4[%mul3A_2424, %dma_start3A_3209, %mul3A_2] : memref<200x64x4096xf32, #tpu.memory_space<hbm>> -> memref<4x64x128xf32, #tpu.memory_space<hbm>>
      %dma_start3A_3211 = arith.constant 0 : i32
      %dma_start3A_3212 = tpu.memref_slice %arg4[%mul3A_2424, %dma_start3A_3211, %mul3A_2] : memref<200x64x4096xf32, #tpu.memory_space<hbm>> -> memref<4x64x128xf32, #tpu.memory_space<hbm>>
      tpu.enqueue_dma source(%arg9 : memref<4x64x128xf32, #tpu.memory_space<vmem>>) target(%dma_start3A_3212 : memref<4x64x128xf32, #tpu.memory_space<hbm>>) target_semaphore(%arg15 : memref<!tpu.dma_semaphore, #tpu.memory_space<semaphore_mem>>)
      %add3A_3213 = arith.constant 3 : i32
      %add3A_3214 = arith.addi %add3A_838, %add3A_3213 : i32
      %mul3A_3215 = arith.constant 4 : i32
      %mul3A_3216 = arith.muli %add3A_3214, %mul3A_3215 : i32
      %dma_wait3A_3217 = arith.constant 0 : i32
      %dma_wait3A_3218 = tpu.memref_slice %arg4[%mul3A_3216, %dma_wait3A_3217, %mul3A_2] : memref<200x64x4096xf32, #tpu.memory_space<hbm>> -> memref<4x64x128xf32, #tpu.memory_space<hbm>>
      %dma_wait3A_3219 = arith.constant 0 : i32
      %dma_wait3A_3220 = tpu.memref_slice %arg4[%mul3A_3216, %dma_wait3A_3219, %mul3A_2] : memref<200x64x4096xf32, #tpu.memory_space<hbm>> -> memref<4x64x128xf32, #tpu.memory_space<hbm>>
      tpu.wait_dma2 semaphore(%arg16 : memref<!tpu.dma_semaphore, #tpu.memory_space<semaphore_mem>>) src(%arg10 : memref<4x64x128xf32, #tpu.memory_space<vmem>>) dst(%dma_wait3A_3220 : memref<4x64x128xf32, #tpu.memory_space<hbm>>)
      %get3A_3221 = arith.constant 0 : i32
      %get3A_3222 = arith.index_cast %get3A_3221 : i32 to index
      %get3A_3223 = arith.constant 0 : index
      %get3A_3224 = tpu.vector_load %arg8[%get3A_3222, %get3A_3223] {strides = array<i32>} : memref<4x128xi32, #tpu.memory_space<vmem>>, vector<16xi32>,
      %add3A_3225 = arith.constant 0 : i32
      %add3A_3226 = vector.broadcast %add3A_3225 : i32 to vector<16xi32>
      %add3A_3227 = arith.addi %iota3A, %add3A_3226 : vector<16xi32>
      %scatter3A_3228 = arith.constant 0 : i32
      %scatter3A_3229 = arith.constant 0 : i32
      %scatter3A_3230 = arith.constant 0 : i32
      %scatter3A_3231 = tpu.memref_slice %arg10[%scatter3A_3228, %scatter3A_3229, %scatter3A_3230] : memref<4x64x128xf32, #tpu.memory_space<vmem>> -> memref<1x64x128xf32, #tpu.memory_space<vmem>>
      %scatter3A_3232 = tpu.memref_squeeze %scatter3A_3231 : memref<1x64x128xf32, #tpu.memory_space<vmem>> -> memref<64x128xf32, #tpu.memory_space<vmem>>
      tpu.vector_store_idx %scatter3A_3232[%get3A_3224, %add3A_3227], %broadcast_in_dim3A_5 : memref<64x128xf32, #tpu.memory_space<vmem>>[vector<16xi32>, vector<16xi32>], vector<16xf32>,
      %get3A_3233 = arith.constant 0 : i32
      %get3A_3234 = arith.index_cast %get3A_3233 : i32 to index
      %get3A_3235 = arith.constant 16 : index
      %get3A_3236 = tpu.vector_load %arg8[%get3A_3234, %get3A_3235] {strides = array<i32>} : memref<4x128xi32, #tpu.memory_space<vmem>>, vector<16xi32>,
      %add3A_3237 = arith.constant 16 : i32
      %add3A_3238 = vector.broadcast %add3A_3237 : i32 to vector<16xi32>
      %add3A_3239 = arith.addi %iota3A, %add3A_3238 : vector<16xi32>
      %scatter3A_3240 = arith.constant 0 : i32
      %scatter3A_3241 = arith.constant 0 : i32
      %scatter3A_3242 = arith.constant 0 : i32
      %scatter3A_3243 = tpu.memref_slice %arg10[%scatter3A_3240, %scatter3A_3241, %scatter3A_3242] : memref<4x64x128xf32, #tpu.memory_space<vmem>> -> memref<1x64x128xf32, #tpu.memory_space<vmem>>
      %scatter3A_3244 = tpu.memref_squeeze %scatter3A_3243 : memref<1x64x128xf32, #tpu.memory_space<vmem>> -> memref<64x128xf32, #tpu.memory_space<vmem>>
      tpu.vector_store_idx %scatter3A_3244[%get3A_3236, %add3A_3239], %broadcast_in_dim3A_5 : memref<64x128xf32, #tpu.memory_space<vmem>>[vector<16xi32>, vector<16xi32>], vector<16xf32>,
      %get3A_3245 = arith.constant 0 : i32
      %get3A_3246 = arith.index_cast %get3A_3245 : i32 to index
      %get3A_3247 = arith.constant 32 : index
      %get3A_3248 = tpu.vector_load %arg8[%get3A_3246, %get3A_3247] {strides = array<i32>} : memref<4x128xi32, #tpu.memory_space<vmem>>, vector<16xi32>,
      %add3A_3249 = arith.constant 32 : i32
      %add3A_3250 = vector.broadcast %add3A_3249 : i32 to vector<16xi32>
      %add3A_3251 = arith.addi %iota3A, %add3A_3250 : vector<16xi32>
      %scatter3A_3252 = arith.constant 0 : i32
      %scatter3A_3253 = arith.constant 0 : i32
      %scatter3A_3254 = arith.constant 0 : i32
      %scatter3A_3255 = tpu.memref_slice %arg10[%scatter3A_3252, %scatter3A_3253, %scatter3A_3254] : memref<4x64x128xf32, #tpu.memory_space<vmem>> -> memref<1x64x128xf32, #tpu.memory_space<vmem>>
      %scatter3A_3256 = tpu.memref_squeeze %scatter3A_3255 : memref<1x64x128xf32, #tpu.memory_space<vmem>> -> memref<64x128xf32, #tpu.memory_space<vmem>>
      tpu.vector_store_idx %scatter3A_3256[%get3A_3248, %add3A_3251], %broadcast_in_dim3A_5 : memref<64x128xf32, #tpu.memory_space<vmem>>[vector<16xi32>, vector<16xi32>], vector<16xf32>,
      %get3A_3257 = arith.constant 0 : i32
      %get3A_3258 = arith.index_cast %get3A_3257 : i32 to index
      %get3A_3259 = arith.constant 48 : index
      %get3A_3260 = tpu.vector_load %arg8[%get3A_3258, %get3A_3259] {strides = array<i32>} : memref<4x128xi32, #tpu.memory_space<vmem>>, vector<16xi32>,
      %add3A_3261 = arith.constant 48 : i32
      %add3A_3262 = vector.broadcast %add3A_3261 : i32 to vector<16xi32>
      %add3A_3263 = arith.addi %iota3A, %add3A_3262 : vector<16xi32>
      %scatter3A_3264 = arith.constant 0 : i32
      %scatter3A_3265 = arith.constant 0 : i32
      %scatter3A_3266 = arith.constant 0 : i32
      %scatter3A_3267 = tpu.memref_slice %arg10[%scatter3A_3264, %scatter3A_3265, %scatter3A_3266] : memref<4x64x128xf32, #tpu.memory_space<vmem>> -> memref<1x64x128xf32, #tpu.memory_space<vmem>>
      %scatter3A_3268 = tpu.memref_squeeze %scatter3A_3267 : memref<1x64x128xf32, #tpu.memory_space<vmem>> -> memref<64x128xf32, #tpu.memory_space<vmem>>
      tpu.vector_store_idx %scatter3A_3268[%get3A_3260, %add3A_3263], %broadcast_in_dim3A_5 : memref<64x128xf32, #tpu.memory_space<vmem>>[vector<16xi32>, vector<16xi32>], vector<16xf32>,
      %get3A_3269 = arith.constant 0 : i32
      %get3A_3270 = arith.index_cast %get3A_3269 : i32 to index
      %get3A_3271 = arith.constant 64 : index
      %get3A_3272 = tpu.vector_load %arg8[%get3A_3270, %get3A_3271] {strides = array<i32>} : memref<4x128xi32, #tpu.memory_space<vmem>>, vector<16xi32>,
      %add3A_3273 = arith.constant 64 : i32
      %add3A_3274 = vector.broadcast %add3A_3273 : i32 to vector<16xi32>
      %add3A_3275 = arith.addi %iota3A, %add3A_3274 : vector<16xi32>
      %scatter3A_3276 = arith.constant 0 : i32
      %scatter3A_3277 = arith.constant 0 : i32
      %scatter3A_3278 = arith.constant 0 : i32
      %scatter3A_3279 = tpu.memref_slice %arg10[%scatter3A_3276, %scatter3A_3277, %scatter3A_3278] : memref<4x64x128xf32, #tpu.memory_space<vmem>> -> memref<1x64x128xf32, #tpu.memory_space<vmem>>
      %scatter3A_3280 = tpu.memref_squeeze %scatter3A_3279 : memref<1x64x128xf32, #tpu.memory_space<vmem>> -> memref<64x128xf32, #tpu.memory_space<vmem>>
      tpu.vector_store_idx %scatter3A_3280[%get3A_3272, %add3A_3275], %broadcast_in_dim3A_5 : memref<64x128xf32, #tpu.memory_space<vmem>>[vector<16xi32>, vector<16xi32>], vector<16xf32>,
      %get3A_3281 = arith.constant 0 : i32
      %get3A_3282 = arith.index_cast %get3A_3281 : i32 to index
      %get3A_3283 = arith.constant 80 : index
      %get3A_3284 = tpu.vector_load %arg8[%get3A_3282, %get3A_3283] {strides = array<i32>} : memref<4x128xi32, #tpu.memory_space<vmem>>, vector<16xi32>,
      %add3A_3285 = arith.constant 80 : i32
      %add3A_3286 = vector.broadcast %add3A_3285 : i32 to vector<16xi32>
      %add3A_3287 = arith.addi %iota3A, %add3A_3286 : vector<16xi32>
      %scatter3A_3288 = arith.constant 0 : i32
      %scatter3A_3289 = arith.constant 0 : i32
      %scatter3A_3290 = arith.constant 0 : i32
      %scatter3A_3291 = tpu.memref_slice %arg10[%scatter3A_3288, %scatter3A_3289, %scatter3A_3290] : memref<4x64x128xf32, #tpu.memory_space<vmem>> -> memref<1x64x128xf32, #tpu.memory_space<vmem>>
      %scatter3A_3292 = tpu.memref_squeeze %scatter3A_3291 : memref<1x64x128xf32, #tpu.memory_space<vmem>> -> memref<64x128xf32, #tpu.memory_space<vmem>>
      tpu.vector_store_idx %scatter3A_3292[%get3A_3284, %add3A_3287], %broadcast_in_dim3A_5 : memref<64x128xf32, #tpu.memory_space<vmem>>[vector<16xi32>, vector<16xi32>], vector<16xf32>,
      %get3A_3293 = arith.constant 0 : i32
      %get3A_3294 = arith.index_cast %get3A_3293 : i32 to index
      %get3A_3295 = arith.constant 96 : index
      %get3A_3296 = tpu.vector_load %arg8[%get3A_3294, %get3A_3295] {strides = array<i32>} : memref<4x128xi32, #tpu.memory_space<vmem>>, vector<16xi32>,
      %add3A_3297 = arith.constant 96 : i32
      %add3A_3298 = vector.broadcast %add3A_3297 : i32 to vector<16xi32>
      %add3A_3299 = arith.addi %iota3A, %add3A_3298 : vector<16xi32>
      %scatter3A_3300 = arith.constant 0 : i32
      %scatter3A_3301 = arith.constant 0 : i32
      %scatter3A_3302 = arith.constant 0 : i32
      %scatter3A_3303 = tpu.memref_slice %arg10[%scatter3A_3300, %scatter3A_3301, %scatter3A_3302] : memref<4x64x128xf32, #tpu.memory_space<vmem>> -> memref<1x64x128xf32, #tpu.memory_space<vmem>>
      %scatter3A_3304 = tpu.memref_squeeze %scatter3A_3303 : memref<1x64x128xf32, #tpu.memory_space<vmem>> -> memref<64x128xf32, #tpu.memory_space<vmem>>
      tpu.vector_store_idx %scatter3A_3304[%get3A_3296, %add3A_3299], %broadcast_in_dim3A_5 : memref<64x128xf32, #tpu.memory_space<vmem>>[vector<16xi32>, vector<16xi32>], vector<16xf32>,
      %get3A_3305 = arith.constant 0 : i32
      %get3A_3306 = arith.index_cast %get3A_3305 : i32 to index
      %get3A_3307 = arith.constant 112 : index
      %get3A_3308 = tpu.vector_load %arg8[%get3A_3306, %get3A_3307] {strides = array<i32>} : memref<4x128xi32, #tpu.memory_space<vmem>>, vector<16xi32>,
      %add3A_3309 = arith.constant 112 : i32
      %add3A_3310 = vector.broadcast %add3A_3309 : i32 to vector<16xi32>
      %add3A_3311 = arith.addi %iota3A, %add3A_3310 : vector<16xi32>
      %scatter3A_3312 = arith.constant 0 : i32
      %scatter3A_3313 = arith.constant 0 : i32
      %scatter3A_3314 = arith.constant 0 : i32
      %scatter3A_3315 = tpu.memref_slice %arg10[%scatter3A_3312, %scatter3A_3313, %scatter3A_3314] : memref<4x64x128xf32, #tpu.memory_space<vmem>> -> memref<1x64x128xf32, #tpu.memory_space<vmem>>
      %scatter3A_3316 = tpu.memref_squeeze %scatter3A_3315 : memref<1x64x128xf32, #tpu.memory_space<vmem>> -> memref<64x128xf32, #tpu.memory_space<vmem>>
      tpu.vector_store_idx %scatter3A_3316[%get3A_3308, %add3A_3311], %broadcast_in_dim3A_5 : memref<64x128xf32, #tpu.memory_space<vmem>>[vector<16xi32>, vector<16xi32>], vector<16xf32>,
      %get3A_3317 = arith.constant 1 : i32
      %get3A_3318 = arith.index_cast %get3A_3317 : i32 to index
      %get3A_3319 = arith.constant 0 : index
      %get3A_3320 = tpu.vector_load %arg8[%get3A_3318, %get3A_3319] {strides = array<i32>} : memref<4x128xi32, #tpu.memory_space<vmem>>, vector<16xi32>,
      %add3A_3321 = arith.constant 0 : i32
      %add3A_3322 = vector.broadcast %add3A_3321 : i32 to vector<16xi32>
      %add3A_3323 = arith.addi %iota3A, %add3A_3322 : vector<16xi32>
      %scatter3A_3324 = arith.constant 1 : i32
      %scatter3A_3325 = arith.constant 0 : i32
      %scatter3A_3326 = arith.constant 0 : i32
      %scatter3A_3327 = tpu.memref_slice %arg10[%scatter3A_3324, %scatter3A_3325, %scatter3A_3326] : memref<4x64x128xf32, #tpu.memory_space<vmem>> -> memref<1x64x128xf32, #tpu.memory_space<vmem>>
      %scatter3A_3328 = tpu.memref_squeeze %scatter3A_3327 : memref<1x64x128xf32, #tpu.memory_space<vmem>> -> memref<64x128xf32, #tpu.memory_space<vmem>>
      tpu.vector_store_idx %scatter3A_3328[%get3A_3320, %add3A_3323], %broadcast_in_dim3A_5 : memref<64x128xf32, #tpu.memory_space<vmem>>[vector<16xi32>, vector<16xi32>], vector<16xf32>,
      %get3A_3329 = arith.constant 1 : i32
      %get3A_3330 = arith.index_cast %get3A_3329 : i32 to index
      %get3A_3331 = arith.constant 16 : index
      %get3A_3332 = tpu.vector_load %arg8[%get3A_3330, %get3A_3331] {strides = array<i32>} : memref<4x128xi32, #tpu.memory_space<vmem>>, vector<16xi32>,
      %add3A_3333 = arith.constant 16 : i32
      %add3A_3334 = vector.broadcast %add3A_3333 : i32 to vector<16xi32>
      %add3A_3335 = arith.addi %iota3A, %add3A_3334 : vector<16xi32>
      %scatter3A_3336 = arith.constant 1 : i32
      %scatter3A_3337 = arith.constant 0 : i32
      %scatter3A_3338 = arith.constant 0 : i32
      %scatter3A_3339 = tpu.memref_slice %arg10[%scatter3A_3336, %scatter3A_3337, %scatter3A_3338] : memref<4x64x128xf32, #tpu.memory_space<vmem>> -> memref<1x64x128xf32, #tpu.memory_space<vmem>>
      %scatter3A_3340 = tpu.memref_squeeze %scatter3A_3339 : memref<1x64x128xf32, #tpu.memory_space<vmem>> -> memref<64x128xf32, #tpu.memory_space<vmem>>
      tpu.vector_store_idx %scatter3A_3340[%get3A_3332, %add3A_3335], %broadcast_in_dim3A_5 : memref<64x128xf32, #tpu.memory_space<vmem>>[vector<16xi32>, vector<16xi32>], vector<16xf32>,
      %get3A_3341 = arith.constant 1 : i32
      %get3A_3342 = arith.index_cast %get3A_3341 : i32 to index
      %get3A_3343 = arith.constant 32 : index
      %get3A_3344 = tpu.vector_load %arg8[%get3A_3342, %get3A_3343] {strides = array<i32>} : memref<4x128xi32, #tpu.memory_space<vmem>>, vector<16xi32>,
      %add3A_3345 = arith.constant 32 : i32
      %add3A_3346 = vector.broadcast %add3A_3345 : i32 to vector<16xi32>
      %add3A_3347 = arith.addi %iota3A, %add3A_3346 : vector<16xi32>
      %scatter3A_3348 = arith.constant 1 : i32
      %scatter3A_3349 = arith.constant 0 : i32
      %scatter3A_3350 = arith.constant 0 : i32
      %scatter3A_3351 = tpu.memref_slice %arg10[%scatter3A_3348, %scatter3A_3349, %scatter3A_3350] : memref<4x64x128xf32, #tpu.memory_space<vmem>> -> memref<1x64x128xf32, #tpu.memory_space<vmem>>
      %scatter3A_3352 = tpu.memref_squeeze %scatter3A_3351 : memref<1x64x128xf32, #tpu.memory_space<vmem>> -> memref<64x128xf32, #tpu.memory_space<vmem>>
      tpu.vector_store_idx %scatter3A_3352[%get3A_3344, %add3A_3347], %broadcast_in_dim3A_5 : memref<64x128xf32, #tpu.memory_space<vmem>>[vector<16xi32>, vector<16xi32>], vector<16xf32>,
      %get3A_3353 = arith.constant 1 : i32
      %get3A_3354 = arith.index_cast %get3A_3353 : i32 to index
      %get3A_3355 = arith.constant 48 : index
      %get3A_3356 = tpu.vector_load %arg8[%get3A_3354, %get3A_3355] {strides = array<i32>} : memref<4x128xi32, #tpu.memory_space<vmem>>, vector<16xi32>,
      %add3A_3357 = arith.constant 48 : i32
      %add3A_3358 = vector.broadcast %add3A_3357 : i32 to vector<16xi32>
      %add3A_3359 = arith.addi %iota3A, %add3A_3358 : vector<16xi32>
      %scatter3A_3360 = arith.constant 1 : i32
      %scatter3A_3361 = arith.constant 0 : i32
      %scatter3A_3362 = arith.constant 0 : i32
      %scatter3A_3363 = tpu.memref_slice %arg10[%scatter3A_3360, %scatter3A_3361, %scatter3A_3362] : memref<4x64x128xf32, #tpu.memory_space<vmem>> -> memref<1x64x128xf32, #tpu.memory_space<vmem>>
      %scatter3A_3364 = tpu.memref_squeeze %scatter3A_3363 : memref<1x64x128xf32, #tpu.memory_space<vmem>> -> memref<64x128xf32, #tpu.memory_space<vmem>>
      tpu.vector_store_idx %scatter3A_3364[%get3A_3356, %add3A_3359], %broadcast_in_dim3A_5 : memref<64x128xf32, #tpu.memory_space<vmem>>[vector<16xi32>, vector<16xi32>], vector<16xf32>,
      %get3A_3365 = arith.constant 1 : i32
      %get3A_3366 = arith.index_cast %get3A_3365 : i32 to index
      %get3A_3367 = arith.constant 64 : index
      %get3A_3368 = tpu.vector_load %arg8[%get3A_3366, %get3A_3367] {strides = array<i32>} : memref<4x128xi32, #tpu.memory_space<vmem>>, vector<16xi32>,
      %add3A_3369 = arith.constant 64 : i32
      %add3A_3370 = vector.broadcast %add3A_3369 : i32 to vector<16xi32>
      %add3A_3371 = arith.addi %iota3A, %add3A_3370 : vector<16xi32>
      %scatter3A_3372 = arith.constant 1 : i32
      %scatter3A_3373 = arith.constant 0 : i32
      %scatter3A_3374 = arith.constant 0 : i32
      %scatter3A_3375 = tpu.memref_slice %arg10[%scatter3A_3372, %scatter3A_3373, %scatter3A_3374] : memref<4x64x128xf32, #tpu.memory_space<vmem>> -> memref<1x64x128xf32, #tpu.memory_space<vmem>>
      %scatter3A_3376 = tpu.memref_squeeze %scatter3A_3375 : memref<1x64x128xf32, #tpu.memory_space<vmem>> -> memref<64x128xf32, #tpu.memory_space<vmem>>
      tpu.vector_store_idx %scatter3A_3376[%get3A_3368, %add3A_3371], %broadcast_in_dim3A_5 : memref<64x128xf32, #tpu.memory_space<vmem>>[vector<16xi32>, vector<16xi32>], vector<16xf32>,
      %get3A_3377 = arith.constant 1 : i32
      %get3A_3378 = arith.index_cast %get3A_3377 : i32 to index
      %get3A_3379 = arith.constant 80 : index
      %get3A_3380 = tpu.vector_load %arg8[%get3A_3378, %get3A_3379] {strides = array<i32>} : memref<4x128xi32, #tpu.memory_space<vmem>>, vector<16xi32>,
      %add3A_3381 = arith.constant 80 : i32
      %add3A_3382 = vector.broadcast %add3A_3381 : i32 to vector<16xi32>
      %add3A_3383 = arith.addi %iota3A, %add3A_3382 : vector<16xi32>
      %scatter3A_3384 = arith.constant 1 : i32
      %scatter3A_3385 = arith.constant 0 : i32
      %scatter3A_3386 = arith.constant 0 : i32
      %scatter3A_3387 = tpu.memref_slice %arg10[%scatter3A_3384, %scatter3A_3385, %scatter3A_3386] : memref<4x64x128xf32, #tpu.memory_space<vmem>> -> memref<1x64x128xf32, #tpu.memory_space<vmem>>
      %scatter3A_3388 = tpu.memref_squeeze %scatter3A_3387 : memref<1x64x128xf32, #tpu.memory_space<vmem>> -> memref<64x128xf32, #tpu.memory_space<vmem>>
      tpu.vector_store_idx %scatter3A_3388[%get3A_3380, %add3A_3383], %broadcast_in_dim3A_5 : memref<64x128xf32, #tpu.memory_space<vmem>>[vector<16xi32>, vector<16xi32>], vector<16xf32>,
      %get3A_3389 = arith.constant 1 : i32
      %get3A_3390 = arith.index_cast %get3A_3389 : i32 to index
      %get3A_3391 = arith.constant 96 : index
      %get3A_3392 = tpu.vector_load %arg8[%get3A_3390, %get3A_3391] {strides = array<i32>} : memref<4x128xi32, #tpu.memory_space<vmem>>, vector<16xi32>,
      %add3A_3393 = arith.constant 96 : i32
      %add3A_3394 = vector.broadcast %add3A_3393 : i32 to vector<16xi32>
      %add3A_3395 = arith.addi %iota3A, %add3A_3394 : vector<16xi32>
      %scatter3A_3396 = arith.constant 1 : i32
      %scatter3A_3397 = arith.constant 0 : i32
      %scatter3A_3398 = arith.constant 0 : i32
      %scatter3A_3399 = tpu.memref_slice %arg10[%scatter3A_3396, %scatter3A_3397, %scatter3A_3398] : memref<4x64x128xf32, #tpu.memory_space<vmem>> -> memref<1x64x128xf32, #tpu.memory_space<vmem>>
      %scatter3A_3400 = tpu.memref_squeeze %scatter3A_3399 : memref<1x64x128xf32, #tpu.memory_space<vmem>> -> memref<64x128xf32, #tpu.memory_space<vmem>>
      tpu.vector_store_idx %scatter3A_3400[%get3A_3392, %add3A_3395], %broadcast_in_dim3A_5 : memref<64x128xf32, #tpu.memory_space<vmem>>[vector<16xi32>, vector<16xi32>], vector<16xf32>,
      %get3A_3401 = arith.constant 1 : i32
      %get3A_3402 = arith.index_cast %get3A_3401 : i32 to index
      %get3A_3403 = arith.constant 112 : index
      %get3A_3404 = tpu.vector_load %arg8[%get3A_3402, %get3A_3403] {strides = array<i32>} : memref<4x128xi32, #tpu.memory_space<vmem>>, vector<16xi32>,
      %add3A_3405 = arith.constant 112 : i32
      %add3A_3406 = vector.broadcast %add3A_3405 : i32 to vector<16xi32>
      %add3A_3407 = arith.addi %iota3A, %add3A_3406 : vector<16xi32>
      %scatter3A_3408 = arith.constant 1 : i32
      %scatter3A_3409 = arith.constant 0 : i32
      %scatter3A_3410 = arith.constant 0 : i32
      %scatter3A_3411 = tpu.memref_slice %arg10[%scatter3A_3408, %scatter3A_3409, %scatter3A_3410] : memref<4x64x128xf32, #tpu.memory_space<vmem>> -> memref<1x64x128xf32, #tpu.memory_space<vmem>>
      %scatter3A_3412 = tpu.memref_squeeze %scatter3A_3411 : memref<1x64x128xf32, #tpu.memory_space<vmem>> -> memref<64x128xf32, #tpu.memory_space<vmem>>
      tpu.vector_store_idx %scatter3A_3412[%get3A_3404, %add3A_3407], %broadcast_in_dim3A_5 : memref<64x128xf32, #tpu.memory_space<vmem>>[vector<16xi32>, vector<16xi32>], vector<16xf32>,
      %get3A_3413 = arith.constant 2 : i32
      %get3A_3414 = arith.index_cast %get3A_3413 : i32 to index
      %get3A_3415 = arith.constant 0 : index
      %get3A_3416 = tpu.vector_load %arg8[%get3A_3414, %get3A_3415] {strides = array<i32>} : memref<4x128xi32, #tpu.memory_space<vmem>>, vector<16xi32>,
      %add3A_3417 = arith.constant 0 : i32
      %add3A_3418 = vector.broadcast %add3A_3417 : i32 to vector<16xi32>
      %add3A_3419 = arith.addi %iota3A, %add3A_3418 : vector<16xi32>
      %scatter3A_3420 = arith.constant 2 : i32
      %scatter3A_3421 = arith.constant 0 : i32
      %scatter3A_3422 = arith.constant 0 : i32
      %scatter3A_3423 = tpu.memref_slice %arg10[%scatter3A_3420, %scatter3A_3421, %scatter3A_3422] : memref<4x64x128xf32, #tpu.memory_space<vmem>> -> memref<1x64x128xf32, #tpu.memory_space<vmem>>
      %scatter3A_3424 = tpu.memref_squeeze %scatter3A_3423 : memref<1x64x128xf32, #tpu.memory_space<vmem>> -> memref<64x128xf32, #tpu.memory_space<vmem>>
      tpu.vector_store_idx %scatter3A_3424[%get3A_3416, %add3A_3419], %broadcast_in_dim3A_5 : memref<64x128xf32, #tpu.memory_space<vmem>>[vector<16xi32>, vector<16xi32>], vector<16xf32>,
      %get3A_3425 = arith.constant 2 : i32
      %get3A_3426 = arith.index_cast %get3A_3425 : i32 to index
      %get3A_3427 = arith.constant 16 : index
      %get3A_3428 = tpu.vector_load %arg8[%get3A_3426, %get3A_3427] {strides = array<i32>} : memref<4x128xi32, #tpu.memory_space<vmem>>, vector<16xi32>,
      %add3A_3429 = arith.constant 16 : i32
      %add3A_3430 = vector.broadcast %add3A_3429 : i32 to vector<16xi32>
      %add3A_3431 = arith.addi %iota3A, %add3A_3430 : vector<16xi32>
      %scatter3A_3432 = arith.constant 2 : i32
      %scatter3A_3433 = arith.constant 0 : i32
      %scatter3A_3434 = arith.constant 0 : i32
      %scatter3A_3435 = tpu.memref_slice %arg10[%scatter3A_3432, %scatter3A_3433, %scatter3A_3434] : memref<4x64x128xf32, #tpu.memory_space<vmem>> -> memref<1x64x128xf32, #tpu.memory_space<vmem>>
      %scatter3A_3436 = tpu.memref_squeeze %scatter3A_3435 : memref<1x64x128xf32, #tpu.memory_space<vmem>> -> memref<64x128xf32, #tpu.memory_space<vmem>>
      tpu.vector_store_idx %scatter3A_3436[%get3A_3428, %add3A_3431], %broadcast_in_dim3A_5 : memref<64x128xf32, #tpu.memory_space<vmem>>[vector<16xi32>, vector<16xi32>], vector<16xf32>,
      %get3A_3437 = arith.constant 2 : i32
      %get3A_3438 = arith.index_cast %get3A_3437 : i32 to index
      %get3A_3439 = arith.constant 32 : index
      %get3A_3440 = tpu.vector_load %arg8[%get3A_3438, %get3A_3439] {strides = array<i32>} : memref<4x128xi32, #tpu.memory_space<vmem>>, vector<16xi32>,
      %add3A_3441 = arith.constant 32 : i32
      %add3A_3442 = vector.broadcast %add3A_3441 : i32 to vector<16xi32>
      %add3A_3443 = arith.addi %iota3A, %add3A_3442 : vector<16xi32>
      %scatter3A_3444 = arith.constant 2 : i32
      %scatter3A_3445 = arith.constant 0 : i32
      %scatter3A_3446 = arith.constant 0 : i32
      %scatter3A_3447 = tpu.memref_slice %arg10[%scatter3A_3444, %scatter3A_3445, %scatter3A_3446] : memref<4x64x128xf32, #tpu.memory_space<vmem>> -> memref<1x64x128xf32, #tpu.memory_space<vmem>>
      %scatter3A_3448 = tpu.memref_squeeze %scatter3A_3447 : memref<1x64x128xf32, #tpu.memory_space<vmem>> -> memref<64x128xf32, #tpu.memory_space<vmem>>
      tpu.vector_store_idx %scatter3A_3448[%get3A_3440, %add3A_3443], %broadcast_in_dim3A_5 : memref<64x128xf32, #tpu.memory_space<vmem>>[vector<16xi32>, vector<16xi32>], vector<16xf32>,
      %get3A_3449 = arith.constant 2 : i32
      %get3A_3450 = arith.index_cast %get3A_3449 : i32 to index
      %get3A_3451 = arith.constant 48 : index
      %get3A_3452 = tpu.vector_load %arg8[%get3A_3450, %get3A_3451] {strides = array<i32>} : memref<4x128xi32, #tpu.memory_space<vmem>>, vector<16xi32>,
      %add3A_3453 = arith.constant 48 : i32
      %add3A_3454 = vector.broadcast %add3A_3453 : i32 to vector<16xi32>
      %add3A_3455 = arith.addi %iota3A, %add3A_3454 : vector<16xi32>
      %scatter3A_3456 = arith.constant 2 : i32
      %scatter3A_3457 = arith.constant 0 : i32
      %scatter3A_3458 = arith.constant 0 : i32
      %scatter3A_3459 = tpu.memref_slice %arg10[%scatter3A_3456, %scatter3A_3457, %scatter3A_3458] : memref<4x64x128xf32, #tpu.memory_space<vmem>> -> memref<1x64x128xf32, #tpu.memory_space<vmem>>
      %scatter3A_3460 = tpu.memref_squeeze %scatter3A_3459 : memref<1x64x128xf32, #tpu.memory_space<vmem>> -> memref<64x128xf32, #tpu.memory_space<vmem>>
      tpu.vector_store_idx %scatter3A_3460[%get3A_3452, %add3A_3455], %broadcast_in_dim3A_5 : memref<64x128xf32, #tpu.memory_space<vmem>>[vector<16xi32>, vector<16xi32>], vector<16xf32>,
      %get3A_3461 = arith.constant 2 : i32
      %get3A_3462 = arith.index_cast %get3A_3461 : i32 to index
      %get3A_3463 = arith.constant 64 : index
      %get3A_3464 = tpu.vector_load %arg8[%get3A_3462, %get3A_3463] {strides = array<i32>} : memref<4x128xi32, #tpu.memory_space<vmem>>, vector<16xi32>,
      %add3A_3465 = arith.constant 64 : i32
      %add3A_3466 = vector.broadcast %add3A_3465 : i32 to vector<16xi32>
      %add3A_3467 = arith.addi %iota3A, %add3A_3466 : vector<16xi32>
      %scatter3A_3468 = arith.constant 2 : i32
      %scatter3A_3469 = arith.constant 0 : i32
      %scatter3A_3470 = arith.constant 0 : i32
      %scatter3A_3471 = tpu.memref_slice %arg10[%scatter3A_3468, %scatter3A_3469, %scatter3A_3470] : memref<4x64x128xf32, #tpu.memory_space<vmem>> -> memref<1x64x128xf32, #tpu.memory_space<vmem>>
      %scatter3A_3472 = tpu.memref_squeeze %scatter3A_3471 : memref<1x64x128xf32, #tpu.memory_space<vmem>> -> memref<64x128xf32, #tpu.memory_space<vmem>>
      tpu.vector_store_idx %scatter3A_3472[%get3A_3464, %add3A_3467], %broadcast_in_dim3A_5 : memref<64x128xf32, #tpu.memory_space<vmem>>[vector<16xi32>, vector<16xi32>], vector<16xf32>,
      %get3A_3473 = arith.constant 2 : i32
      %get3A_3474 = arith.index_cast %get3A_3473 : i32 to index
      %get3A_3475 = arith.constant 80 : index
      %get3A_3476 = tpu.vector_load %arg8[%get3A_3474, %get3A_3475] {strides = array<i32>} : memref<4x128xi32, #tpu.memory_space<vmem>>, vector<16xi32>,
      %add3A_3477 = arith.constant 80 : i32
      %add3A_3478 = vector.broadcast %add3A_3477 : i32 to vector<16xi32>
      %add3A_3479 = arith.addi %iota3A, %add3A_3478 : vector<16xi32>
      %scatter3A_3480 = arith.constant 2 : i32
      %scatter3A_3481 = arith.constant 0 : i32
      %scatter3A_3482 = arith.constant 0 : i32
      %scatter3A_3483 = tpu.memref_slice %arg10[%scatter3A_3480, %scatter3A_3481, %scatter3A_3482] : memref<4x64x128xf32, #tpu.memory_space<vmem>> -> memref<1x64x128xf32, #tpu.memory_space<vmem>>
      %scatter3A_3484 = tpu.memref_squeeze %scatter3A_3483 : memref<1x64x128xf32, #tpu.memory_space<vmem>> -> memref<64x128xf32, #tpu.memory_space<vmem>>
      tpu.vector_store_idx %scatter3A_3484[%get3A_3476, %add3A_3479], %broadcast_in_dim3A_5 : memref<64x128xf32, #tpu.memory_space<vmem>>[vector<16xi32>, vector<16xi32>], vector<16xf32>,
      %get3A_3485 = arith.constant 2 : i32
      %get3A_3486 = arith.index_cast %get3A_3485 : i32 to index
      %get3A_3487 = arith.constant 96 : index
      %get3A_3488 = tpu.vector_load %arg8[%get3A_3486, %get3A_3487] {strides = array<i32>} : memref<4x128xi32, #tpu.memory_space<vmem>>, vector<16xi32>,
      %add3A_3489 = arith.constant 96 : i32
      %add3A_3490 = vector.broadcast %add3A_3489 : i32 to vector<16xi32>
      %add3A_3491 = arith.addi %iota3A, %add3A_3490 : vector<16xi32>
      %scatter3A_3492 = arith.constant 2 : i32
      %scatter3A_3493 = arith.constant 0 : i32
      %scatter3A_3494 = arith.constant 0 : i32
      %scatter3A_3495 = tpu.memref_slice %arg10[%scatter3A_3492, %scatter3A_3493, %scatter3A_3494] : memref<4x64x128xf32, #tpu.memory_space<vmem>> -> memref<1x64x128xf32, #tpu.memory_space<vmem>>
      %scatter3A_3496 = tpu.memref_squeeze %scatter3A_3495 : memref<1x64x128xf32, #tpu.memory_space<vmem>> -> memref<64x128xf32, #tpu.memory_space<vmem>>
      tpu.vector_store_idx %scatter3A_3496[%get3A_3488, %add3A_3491], %broadcast_in_dim3A_5 : memref<64x128xf32, #tpu.memory_space<vmem>>[vector<16xi32>, vector<16xi32>], vector<16xf32>,
      %get3A_3497 = arith.constant 2 : i32
      %get3A_3498 = arith.index_cast %get3A_3497 : i32 to index
      %get3A_3499 = arith.constant 112 : index
      %get3A_3500 = tpu.vector_load %arg8[%get3A_3498, %get3A_3499] {strides = array<i32>} : memref<4x128xi32, #tpu.memory_space<vmem>>, vector<16xi32>,
      %add3A_3501 = arith.constant 112 : i32
      %add3A_3502 = vector.broadcast %add3A_3501 : i32 to vector<16xi32>
      %add3A_3503 = arith.addi %iota3A, %add3A_3502 : vector<16xi32>
      %scatter3A_3504 = arith.constant 2 : i32
      %scatter3A_3505 = arith.constant 0 : i32
      %scatter3A_3506 = arith.constant 0 : i32
      %scatter3A_3507 = tpu.memref_slice %arg10[%scatter3A_3504, %scatter3A_3505, %scatter3A_3506] : memref<4x64x128xf32, #tpu.memory_space<vmem>> -> memref<1x64x128xf32, #tpu.memory_space<vmem>>
      %scatter3A_3508 = tpu.memref_squeeze %scatter3A_3507 : memref<1x64x128xf32, #tpu.memory_space<vmem>> -> memref<64x128xf32, #tpu.memory_space<vmem>>
      tpu.vector_store_idx %scatter3A_3508[%get3A_3500, %add3A_3503], %broadcast_in_dim3A_5 : memref<64x128xf32, #tpu.memory_space<vmem>>[vector<16xi32>, vector<16xi32>], vector<16xf32>,
      %get3A_3509 = arith.constant 3 : i32
      %get3A_3510 = arith.index_cast %get3A_3509 : i32 to index
      %get3A_3511 = arith.constant 0 : index
      %get3A_3512 = tpu.vector_load %arg8[%get3A_3510, %get3A_3511] {strides = array<i32>} : memref<4x128xi32, #tpu.memory_space<vmem>>, vector<16xi32>,
      %add3A_3513 = arith.constant 0 : i32
      %add3A_3514 = vector.broadcast %add3A_3513 : i32 to vector<16xi32>
      %add3A_3515 = arith.addi %iota3A, %add3A_3514 : vector<16xi32>
      %scatter3A_3516 = arith.constant 3 : i32
      %scatter3A_3517 = arith.constant 0 : i32
      %scatter3A_3518 = arith.constant 0 : i32
      %scatter3A_3519 = tpu.memref_slice %arg10[%scatter3A_3516, %scatter3A_3517, %scatter3A_3518] : memref<4x64x128xf32, #tpu.memory_space<vmem>> -> memref<1x64x128xf32, #tpu.memory_space<vmem>>
      %scatter3A_3520 = tpu.memref_squeeze %scatter3A_3519 : memref<1x64x128xf32, #tpu.memory_space<vmem>> -> memref<64x128xf32, #tpu.memory_space<vmem>>
      tpu.vector_store_idx %scatter3A_3520[%get3A_3512, %add3A_3515], %broadcast_in_dim3A_5 : memref<64x128xf32, #tpu.memory_space<vmem>>[vector<16xi32>, vector<16xi32>], vector<16xf32>,
      %get3A_3521 = arith.constant 3 : i32
      %get3A_3522 = arith.index_cast %get3A_3521 : i32 to index
      %get3A_3523 = arith.constant 16 : index
      %get3A_3524 = tpu.vector_load %arg8[%get3A_3522, %get3A_3523] {strides = array<i32>} : memref<4x128xi32, #tpu.memory_space<vmem>>, vector<16xi32>,
      %add3A_3525 = arith.constant 16 : i32
      %add3A_3526 = vector.broadcast %add3A_3525 : i32 to vector<16xi32>
      %add3A_3527 = arith.addi %iota3A, %add3A_3526 : vector<16xi32>
      %scatter3A_3528 = arith.constant 3 : i32
      %scatter3A_3529 = arith.constant 0 : i32
      %scatter3A_3530 = arith.constant 0 : i32
      %scatter3A_3531 = tpu.memref_slice %arg10[%scatter3A_3528, %scatter3A_3529, %scatter3A_3530] : memref<4x64x128xf32, #tpu.memory_space<vmem>> -> memref<1x64x128xf32, #tpu.memory_space<vmem>>
      %scatter3A_3532 = tpu.memref_squeeze %scatter3A_3531 : memref<1x64x128xf32, #tpu.memory_space<vmem>> -> memref<64x128xf32, #tpu.memory_space<vmem>>
      tpu.vector_store_idx %scatter3A_3532[%get3A_3524, %add3A_3527], %broadcast_in_dim3A_5 : memref<64x128xf32, #tpu.memory_space<vmem>>[vector<16xi32>, vector<16xi32>], vector<16xf32>,
      %get3A_3533 = arith.constant 3 : i32
      %get3A_3534 = arith.index_cast %get3A_3533 : i32 to index
      %get3A_3535 = arith.constant 32 : index
      %get3A_3536 = tpu.vector_load %arg8[%get3A_3534, %get3A_3535] {strides = array<i32>} : memref<4x128xi32, #tpu.memory_space<vmem>>, vector<16xi32>,
      %add3A_3537 = arith.constant 32 : i32
      %add3A_3538 = vector.broadcast %add3A_3537 : i32 to vector<16xi32>
      %add3A_3539 = arith.addi %iota3A, %add3A_3538 : vector<16xi32>
      %scatter3A_3540 = arith.constant 3 : i32
      %scatter3A_3541 = arith.constant 0 : i32
      %scatter3A_3542 = arith.constant 0 : i32
      %scatter3A_3543 = tpu.memref_slice %arg10[%scatter3A_3540, %scatter3A_3541, %scatter3A_3542] : memref<4x64x128xf32, #tpu.memory_space<vmem>> -> memref<1x64x128xf32, #tpu.memory_space<vmem>>
      %scatter3A_3544 = tpu.memref_squeeze %scatter3A_3543 : memref<1x64x128xf32, #tpu.memory_space<vmem>> -> memref<64x128xf32, #tpu.memory_space<vmem>>
      tpu.vector_store_idx %scatter3A_3544[%get3A_3536, %add3A_3539], %broadcast_in_dim3A_5 : memref<64x128xf32, #tpu.memory_space<vmem>>[vector<16xi32>, vector<16xi32>], vector<16xf32>,
      %get3A_3545 = arith.constant 3 : i32
      %get3A_3546 = arith.index_cast %get3A_3545 : i32 to index
      %get3A_3547 = arith.constant 48 : index
      %get3A_3548 = tpu.vector_load %arg8[%get3A_3546, %get3A_3547] {strides = array<i32>} : memref<4x128xi32, #tpu.memory_space<vmem>>, vector<16xi32>,
      %add3A_3549 = arith.constant 48 : i32
      %add3A_3550 = vector.broadcast %add3A_3549 : i32 to vector<16xi32>
      %add3A_3551 = arith.addi %iota3A, %add3A_3550 : vector<16xi32>
      %scatter3A_3552 = arith.constant 3 : i32
      %scatter3A_3553 = arith.constant 0 : i32
      %scatter3A_3554 = arith.constant 0 : i32
      %scatter3A_3555 = tpu.memref_slice %arg10[%scatter3A_3552, %scatter3A_3553, %scatter3A_3554] : memref<4x64x128xf32, #tpu.memory_space<vmem>> -> memref<1x64x128xf32, #tpu.memory_space<vmem>>
      %scatter3A_3556 = tpu.memref_squeeze %scatter3A_3555 : memref<1x64x128xf32, #tpu.memory_space<vmem>> -> memref<64x128xf32, #tpu.memory_space<vmem>>
      tpu.vector_store_idx %scatter3A_3556[%get3A_3548, %add3A_3551], %broadcast_in_dim3A_5 : memref<64x128xf32, #tpu.memory_space<vmem>>[vector<16xi32>, vector<16xi32>], vector<16xf32>,
      %get3A_3557 = arith.constant 3 : i32
      %get3A_3558 = arith.index_cast %get3A_3557 : i32 to index
      %get3A_3559 = arith.constant 64 : index
      %get3A_3560 = tpu.vector_load %arg8[%get3A_3558, %get3A_3559] {strides = array<i32>} : memref<4x128xi32, #tpu.memory_space<vmem>>, vector<16xi32>,
      %add3A_3561 = arith.constant 64 : i32
      %add3A_3562 = vector.broadcast %add3A_3561 : i32 to vector<16xi32>
      %add3A_3563 = arith.addi %iota3A, %add3A_3562 : vector<16xi32>
      %scatter3A_3564 = arith.constant 3 : i32
      %scatter3A_3565 = arith.constant 0 : i32
      %scatter3A_3566 = arith.constant 0 : i32
      %scatter3A_3567 = tpu.memref_slice %arg10[%scatter3A_3564, %scatter3A_3565, %scatter3A_3566] : memref<4x64x128xf32, #tpu.memory_space<vmem>> -> memref<1x64x128xf32, #tpu.memory_space<vmem>>
      %scatter3A_3568 = tpu.memref_squeeze %scatter3A_3567 : memref<1x64x128xf32, #tpu.memory_space<vmem>> -> memref<64x128xf32, #tpu.memory_space<vmem>>
      tpu.vector_store_idx %scatter3A_3568[%get3A_3560, %add3A_3563], %broadcast_in_dim3A_5 : memref<64x128xf32, #tpu.memory_space<vmem>>[vector<16xi32>, vector<16xi32>], vector<16xf32>,
      %get3A_3569 = arith.constant 3 : i32
      %get3A_3570 = arith.index_cast %get3A_3569 : i32 to index
      %get3A_3571 = arith.constant 80 : index
      %get3A_3572 = tpu.vector_load %arg8[%get3A_3570, %get3A_3571] {strides = array<i32>} : memref<4x128xi32, #tpu.memory_space<vmem>>, vector<16xi32>,
      %add3A_3573 = arith.constant 80 : i32
      %add3A_3574 = vector.broadcast %add3A_3573 : i32 to vector<16xi32>
      %add3A_3575 = arith.addi %iota3A, %add3A_3574 : vector<16xi32>
      %scatter3A_3576 = arith.constant 3 : i32
      %scatter3A_3577 = arith.constant 0 : i32
      %scatter3A_3578 = arith.constant 0 : i32
      %scatter3A_3579 = tpu.memref_slice %arg10[%scatter3A_3576, %scatter3A_3577, %scatter3A_3578] : memref<4x64x128xf32, #tpu.memory_space<vmem>> -> memref<1x64x128xf32, #tpu.memory_space<vmem>>
      %scatter3A_3580 = tpu.memref_squeeze %scatter3A_3579 : memref<1x64x128xf32, #tpu.memory_space<vmem>> -> memref<64x128xf32, #tpu.memory_space<vmem>>
      tpu.vector_store_idx %scatter3A_3580[%get3A_3572, %add3A_3575], %broadcast_in_dim3A_5 : memref<64x128xf32, #tpu.memory_space<vmem>>[vector<16xi32>, vector<16xi32>], vector<16xf32>,
      %get3A_3581 = arith.constant 3 : i32
      %get3A_3582 = arith.index_cast %get3A_3581 : i32 to index
      %get3A_3583 = arith.constant 96 : index
      %get3A_3584 = tpu.vector_load %arg8[%get3A_3582, %get3A_3583] {strides = array<i32>} : memref<4x128xi32, #tpu.memory_space<vmem>>, vector<16xi32>,
      %add3A_3585 = arith.constant 96 : i32
      %add3A_3586 = vector.broadcast %add3A_3585 : i32 to vector<16xi32>
      %add3A_3587 = arith.addi %iota3A, %add3A_3586 : vector<16xi32>
      %scatter3A_3588 = arith.constant 3 : i32
      %scatter3A_3589 = arith.constant 0 : i32
      %scatter3A_3590 = arith.constant 0 : i32
      %scatter3A_3591 = tpu.memref_slice %arg10[%scatter3A_3588, %scatter3A_3589, %scatter3A_3590] : memref<4x64x128xf32, #tpu.memory_space<vmem>> -> memref<1x64x128xf32, #tpu.memory_space<vmem>>
      %scatter3A_3592 = tpu.memref_squeeze %scatter3A_3591 : memref<1x64x128xf32, #tpu.memory_space<vmem>> -> memref<64x128xf32, #tpu.memory_space<vmem>>
      tpu.vector_store_idx %scatter3A_3592[%get3A_3584, %add3A_3587], %broadcast_in_dim3A_5 : memref<64x128xf32, #tpu.memory_space<vmem>>[vector<16xi32>, vector<16xi32>], vector<16xf32>,
      %get3A_3593 = arith.constant 3 : i32
      %get3A_3594 = arith.index_cast %get3A_3593 : i32 to index
      %get3A_3595 = arith.constant 112 : index
      %get3A_3596 = tpu.vector_load %arg8[%get3A_3594, %get3A_3595] {strides = array<i32>} : memref<4x128xi32, #tpu.memory_space<vmem>>, vector<16xi32>,
      %add3A_3597 = arith.constant 112 : i32
      %add3A_3598 = vector.broadcast %add3A_3597 : i32 to vector<16xi32>
      %add3A_3599 = arith.addi %iota3A, %add3A_3598 : vector<16xi32>
      %scatter3A_3600 = arith.constant 3 : i32
      %scatter3A_3601 = arith.constant 0 : i32
      %scatter3A_3602 = arith.constant 0 : i32
      %scatter3A_3603 = tpu.memref_slice %arg10[%scatter3A_3600, %scatter3A_3601, %scatter3A_3602] : memref<4x64x128xf32, #tpu.memory_space<vmem>> -> memref<1x64x128xf32, #tpu.memory_space<vmem>>
      %scatter3A_3604 = tpu.memref_squeeze %scatter3A_3603 : memref<1x64x128xf32, #tpu.memory_space<vmem>> -> memref<64x128xf32, #tpu.memory_space<vmem>>
      tpu.vector_store_idx %scatter3A_3604[%get3A_3596, %add3A_3599], %broadcast_in_dim3A_5 : memref<64x128xf32, #tpu.memory_space<vmem>>[vector<16xi32>, vector<16xi32>], vector<16xf32>,
      %add3A_3605 = arith.constant 2 : i32
      %add3A_3606 = arith.addi %add3A_3214, %add3A_3605 : i32
      %mul3A_3607 = arith.constant 4 : i32
      %mul3A_3608 = arith.muli %add3A_3606, %mul3A_3607 : i32
      %min3A_3609 = arith.constant 196 : i32
      %min3A_3610 = arith.minsi %mul3A_3608, %min3A_3609 : i32
      %dma_start3A_3611 = tpu.memref_slice %arg2[%min3A_3610, %mul3A_2] : memref<200x4096xi32, #tpu.memory_space<hbm>> -> memref<4x128xi32, #tpu.memory_space<hbm>>
      %dma_start3A_3612 = tpu.memref_slice %arg2[%min3A_3610, %mul3A_2] : memref<200x4096xi32, #tpu.memory_space<hbm>> -> memref<4x128xi32, #tpu.memory_space<hbm>>
      tpu.enqueue_dma source(%dma_start3A_3612 : memref<4x128xi32, #tpu.memory_space<hbm>>) target(%arg8 : memref<4x128xi32, #tpu.memory_space<vmem>>) target_semaphore(%arg14 : memref<!tpu.dma_semaphore, #tpu.memory_space<semaphore_mem>>)
      %dma_wait3A_3613 = arith.constant 0 : i32
      %dma_wait3A_3614 = tpu.memref_slice %arg2[%dma_wait3A_3613, %mul3A_2] : memref<200x4096xi32, #tpu.memory_space<hbm>> -> memref<4x128xi32, #tpu.memory_space<hbm>>
      %dma_wait3A_3615 = arith.constant 0 : i32
      %dma_wait3A_3616 = tpu.memref_slice %arg2[%dma_wait3A_3615, %mul3A_2] : memref<200x4096xi32, #tpu.memory_space<hbm>> -> memref<4x128xi32, #tpu.memory_space<hbm>>
      tpu.wait_dma2 semaphore(%arg12 : memref<!tpu.dma_semaphore, #tpu.memory_space<semaphore_mem>>) src(%dma_wait3A_3616 : memref<4x128xi32, #tpu.memory_space<hbm>>) dst(%arg6 : memref<4x128xi32, #tpu.memory_space<vmem>>)
      %get3A_3617 = arith.constant 0 : i32
      %get3A_3618 = arith.index_cast %get3A_3617 : i32 to index
      %get3A_3619 = arith.constant 0 : index
      %get3A_3620 = tpu.vector_load %arg6[%get3A_3618, %get3A_3619] {strides = array<i32>} : memref<4x128xi32, #tpu.memory_space<vmem>>, vector<16xi32>,
      %add3A_3621 = arith.constant 0 : i32
      %add3A_3622 = vector.broadcast %add3A_3621 : i32 to vector<16xi32>
      %add3A_3623 = arith.addi %iota3A, %add3A_3622 : vector<16xi32>
      %scatter3A_3624 = arith.constant 0 : i32
      %scatter3A_3625 = arith.constant 0 : i32
      %scatter3A_3626 = arith.constant 0 : i32
      %scatter3A_3627 = tpu.memref_slice %arg10[%scatter3A_3624, %scatter3A_3625, %scatter3A_3626] : memref<4x64x128xf32, #tpu.memory_space<vmem>> -> memref<1x64x128xf32, #tpu.memory_space<vmem>>
      %scatter3A_3628 = tpu.memref_squeeze %scatter3A_3627 : memref<1x64x128xf32, #tpu.memory_space<vmem>> -> memref<64x128xf32, #tpu.memory_space<vmem>>
      tpu.vector_store_idx %scatter3A_3628[%get3A_3620, %add3A_3623], %broadcast_in_dim3A_3 : memref<64x128xf32, #tpu.memory_space<vmem>>[vector<16xi32>, vector<16xi32>], vector<16xf32>,
      %get3A_3629 = arith.constant 0 : i32
      %get3A_3630 = arith.index_cast %get3A_3629 : i32 to index
      %get3A_3631 = arith.constant 16 : index
      %get3A_3632 = tpu.vector_load %arg6[%get3A_3630, %get3A_3631] {strides = array<i32>} : memref<4x128xi32, #tpu.memory_space<vmem>>, vector<16xi32>,
      %add3A_3633 = arith.constant 16 : i32
      %add3A_3634 = vector.broadcast %add3A_3633 : i32 to vector<16xi32>
      %add3A_3635 = arith.addi %iota3A, %add3A_3634 : vector<16xi32>
      %scatter3A_3636 = arith.constant 0 : i32
      %scatter3A_3637 = arith.constant 0 : i32
      %scatter3A_3638 = arith.constant 0 : i32
      %scatter3A_3639 = tpu.memref_slice %arg10[%scatter3A_3636, %scatter3A_3637, %scatter3A_3638] : memref<4x64x128xf32, #tpu.memory_space<vmem>> -> memref<1x64x128xf32, #tpu.memory_space<vmem>>
      %scatter3A_3640 = tpu.memref_squeeze %scatter3A_3639 : memref<1x64x128xf32, #tpu.memory_space<vmem>> -> memref<64x128xf32, #tpu.memory_space<vmem>>
      tpu.vector_store_idx %scatter3A_3640[%get3A_3632, %add3A_3635], %broadcast_in_dim3A_3 : memref<64x128xf32, #tpu.memory_space<vmem>>[vector<16xi32>, vector<16xi32>], vector<16xf32>,
      %get3A_3641 = arith.constant 0 : i32
      %get3A_3642 = arith.index_cast %get3A_3641 : i32 to index
      %get3A_3643 = arith.constant 32 : index
      %get3A_3644 = tpu.vector_load %arg6[%get3A_3642, %get3A_3643] {strides = array<i32>} : memref<4x128xi32, #tpu.memory_space<vmem>>, vector<16xi32>,
      %add3A_3645 = arith.constant 32 : i32
      %add3A_3646 = vector.broadcast %add3A_3645 : i32 to vector<16xi32>
      %add3A_3647 = arith.addi %iota3A, %add3A_3646 : vector<16xi32>
      %scatter3A_3648 = arith.constant 0 : i32
      %scatter3A_3649 = arith.constant 0 : i32
      %scatter3A_3650 = arith.constant 0 : i32
      %scatter3A_3651 = tpu.memref_slice %arg10[%scatter3A_3648, %scatter3A_3649, %scatter3A_3650] : memref<4x64x128xf32, #tpu.memory_space<vmem>> -> memref<1x64x128xf32, #tpu.memory_space<vmem>>
      %scatter3A_3652 = tpu.memref_squeeze %scatter3A_3651 : memref<1x64x128xf32, #tpu.memory_space<vmem>> -> memref<64x128xf32, #tpu.memory_space<vmem>>
      tpu.vector_store_idx %scatter3A_3652[%get3A_3644, %add3A_3647], %broadcast_in_dim3A_3 : memref<64x128xf32, #tpu.memory_space<vmem>>[vector<16xi32>, vector<16xi32>], vector<16xf32>,
      %get3A_3653 = arith.constant 0 : i32
      %get3A_3654 = arith.index_cast %get3A_3653 : i32 to index
      %get3A_3655 = arith.constant 48 : index
      %get3A_3656 = tpu.vector_load %arg6[%get3A_3654, %get3A_3655] {strides = array<i32>} : memref<4x128xi32, #tpu.memory_space<vmem>>, vector<16xi32>,
      %add3A_3657 = arith.constant 48 : i32
      %add3A_3658 = vector.broadcast %add3A_3657 : i32 to vector<16xi32>
      %add3A_3659 = arith.addi %iota3A, %add3A_3658 : vector<16xi32>
      %scatter3A_3660 = arith.constant 0 : i32
      %scatter3A_3661 = arith.constant 0 : i32
      %scatter3A_3662 = arith.constant 0 : i32
      %scatter3A_3663 = tpu.memref_slice %arg10[%scatter3A_3660, %scatter3A_3661, %scatter3A_3662] : memref<4x64x128xf32, #tpu.memory_space<vmem>> -> memref<1x64x128xf32, #tpu.memory_space<vmem>>
      %scatter3A_3664 = tpu.memref_squeeze %scatter3A_3663 : memref<1x64x128xf32, #tpu.memory_space<vmem>> -> memref<64x128xf32, #tpu.memory_space<vmem>>
      tpu.vector_store_idx %scatter3A_3664[%get3A_3656, %add3A_3659], %broadcast_in_dim3A_3 : memref<64x128xf32, #tpu.memory_space<vmem>>[vector<16xi32>, vector<16xi32>], vector<16xf32>,
      %get3A_3665 = arith.constant 0 : i32
      %get3A_3666 = arith.index_cast %get3A_3665 : i32 to index
      %get3A_3667 = arith.constant 64 : index
      %get3A_3668 = tpu.vector_load %arg6[%get3A_3666, %get3A_3667] {strides = array<i32>} : memref<4x128xi32, #tpu.memory_space<vmem>>, vector<16xi32>,
      %add3A_3669 = arith.constant 64 : i32
      %add3A_3670 = vector.broadcast %add3A_3669 : i32 to vector<16xi32>
      %add3A_3671 = arith.addi %iota3A, %add3A_3670 : vector<16xi32>
      %scatter3A_3672 = arith.constant 0 : i32
      %scatter3A_3673 = arith.constant 0 : i32
      %scatter3A_3674 = arith.constant 0 : i32
      %scatter3A_3675 = tpu.memref_slice %arg10[%scatter3A_3672, %scatter3A_3673, %scatter3A_3674] : memref<4x64x128xf32, #tpu.memory_space<vmem>> -> memref<1x64x128xf32, #tpu.memory_space<vmem>>
      %scatter3A_3676 = tpu.memref_squeeze %scatter3A_3675 : memref<1x64x128xf32, #tpu.memory_space<vmem>> -> memref<64x128xf32, #tpu.memory_space<vmem>>
      tpu.vector_store_idx %scatter3A_3676[%get3A_3668, %add3A_3671], %broadcast_in_dim3A_3 : memref<64x128xf32, #tpu.memory_space<vmem>>[vector<16xi32>, vector<16xi32>], vector<16xf32>,
      %get3A_3677 = arith.constant 0 : i32
      %get3A_3678 = arith.index_cast %get3A_3677 : i32 to index
      %get3A_3679 = arith.constant 80 : index
      %get3A_3680 = tpu.vector_load %arg6[%get3A_3678, %get3A_3679] {strides = array<i32>} : memref<4x128xi32, #tpu.memory_space<vmem>>, vector<16xi32>,
      %add3A_3681 = arith.constant 80 : i32
      %add3A_3682 = vector.broadcast %add3A_3681 : i32 to vector<16xi32>
      %add3A_3683 = arith.addi %iota3A, %add3A_3682 : vector<16xi32>
      %scatter3A_3684 = arith.constant 0 : i32
      %scatter3A_3685 = arith.constant 0 : i32
      %scatter3A_3686 = arith.constant 0 : i32
      %scatter3A_3687 = tpu.memref_slice %arg10[%scatter3A_3684, %scatter3A_3685, %scatter3A_3686] : memref<4x64x128xf32, #tpu.memory_space<vmem>> -> memref<1x64x128xf32, #tpu.memory_space<vmem>>
      %scatter3A_3688 = tpu.memref_squeeze %scatter3A_3687 : memref<1x64x128xf32, #tpu.memory_space<vmem>> -> memref<64x128xf32, #tpu.memory_space<vmem>>
      tpu.vector_store_idx %scatter3A_3688[%get3A_3680, %add3A_3683], %broadcast_in_dim3A_3 : memref<64x128xf32, #tpu.memory_space<vmem>>[vector<16xi32>, vector<16xi32>], vector<16xf32>,
      %get3A_3689 = arith.constant 0 : i32
      %get3A_3690 = arith.index_cast %get3A_3689 : i32 to index
      %get3A_3691 = arith.constant 96 : index
      %get3A_3692 = tpu.vector_load %arg6[%get3A_3690, %get3A_3691] {strides = array<i32>} : memref<4x128xi32, #tpu.memory_space<vmem>>, vector<16xi32>,
      %add3A_3693 = arith.constant 96 : i32
      %add3A_3694 = vector.broadcast %add3A_3693 : i32 to vector<16xi32>
      %add3A_3695 = arith.addi %iota3A, %add3A_3694 : vector<16xi32>
      %scatter3A_3696 = arith.constant 0 : i32
      %scatter3A_3697 = arith.constant 0 : i32
      %scatter3A_3698 = arith.constant 0 : i32
      %scatter3A_3699 = tpu.memref_slice %arg10[%scatter3A_3696, %scatter3A_3697, %scatter3A_3698] : memref<4x64x128xf32, #tpu.memory_space<vmem>> -> memref<1x64x128xf32, #tpu.memory_space<vmem>>
      %scatter3A_3700 = tpu.memref_squeeze %scatter3A_3699 : memref<1x64x128xf32, #tpu.memory_space<vmem>> -> memref<64x128xf32, #tpu.memory_space<vmem>>
      tpu.vector_store_idx %scatter3A_3700[%get3A_3692, %add3A_3695], %broadcast_in_dim3A_3 : memref<64x128xf32, #tpu.memory_space<vmem>>[vector<16xi32>, vector<16xi32>], vector<16xf32>,
      %get3A_3701 = arith.constant 0 : i32
      %get3A_3702 = arith.index_cast %get3A_3701 : i32 to index
      %get3A_3703 = arith.constant 112 : index
      %get3A_3704 = tpu.vector_load %arg6[%get3A_3702, %get3A_3703] {strides = array<i32>} : memref<4x128xi32, #tpu.memory_space<vmem>>, vector<16xi32>,
      %add3A_3705 = arith.constant 112 : i32
      %add3A_3706 = vector.broadcast %add3A_3705 : i32 to vector<16xi32>
      %add3A_3707 = arith.addi %iota3A, %add3A_3706 : vector<16xi32>
      %scatter3A_3708 = arith.constant 0 : i32
      %scatter3A_3709 = arith.constant 0 : i32
      %scatter3A_3710 = arith.constant 0 : i32
      %scatter3A_3711 = tpu.memref_slice %arg10[%scatter3A_3708, %scatter3A_3709, %scatter3A_3710] : memref<4x64x128xf32, #tpu.memory_space<vmem>> -> memref<1x64x128xf32, #tpu.memory_space<vmem>>
      %scatter3A_3712 = tpu.memref_squeeze %scatter3A_3711 : memref<1x64x128xf32, #tpu.memory_space<vmem>> -> memref<64x128xf32, #tpu.memory_space<vmem>>
      tpu.vector_store_idx %scatter3A_3712[%get3A_3704, %add3A_3707], %broadcast_in_dim3A_3 : memref<64x128xf32, #tpu.memory_space<vmem>>[vector<16xi32>, vector<16xi32>], vector<16xf32>,
      %get3A_3713 = arith.constant 1 : i32
      %get3A_3714 = arith.index_cast %get3A_3713 : i32 to index
      %get3A_3715 = arith.constant 0 : index
      %get3A_3716 = tpu.vector_load %arg6[%get3A_3714, %get3A_3715] {strides = array<i32>} : memref<4x128xi32, #tpu.memory_space<vmem>>, vector<16xi32>,
      %add3A_3717 = arith.constant 0 : i32
      %add3A_3718 = vector.broadcast %add3A_3717 : i32 to vector<16xi32>
      %add3A_3719 = arith.addi %iota3A, %add3A_3718 : vector<16xi32>
      %scatter3A_3720 = arith.constant 1 : i32
      %scatter3A_3721 = arith.constant 0 : i32
      %scatter3A_3722 = arith.constant 0 : i32
      %scatter3A_3723 = tpu.memref_slice %arg10[%scatter3A_3720, %scatter3A_3721, %scatter3A_3722] : memref<4x64x128xf32, #tpu.memory_space<vmem>> -> memref<1x64x128xf32, #tpu.memory_space<vmem>>
      %scatter3A_3724 = tpu.memref_squeeze %scatter3A_3723 : memref<1x64x128xf32, #tpu.memory_space<vmem>> -> memref<64x128xf32, #tpu.memory_space<vmem>>
      tpu.vector_store_idx %scatter3A_3724[%get3A_3716, %add3A_3719], %broadcast_in_dim3A_3 : memref<64x128xf32, #tpu.memory_space<vmem>>[vector<16xi32>, vector<16xi32>], vector<16xf32>,
      %get3A_3725 = arith.constant 1 : i32
      %get3A_3726 = arith.index_cast %get3A_3725 : i32 to index
      %get3A_3727 = arith.constant 16 : index
      %get3A_3728 = tpu.vector_load %arg6[%get3A_3726, %get3A_3727] {strides = array<i32>} : memref<4x128xi32, #tpu.memory_space<vmem>>, vector<16xi32>,
      %add3A_3729 = arith.constant 16 : i32
      %add3A_3730 = vector.broadcast %add3A_3729 : i32 to vector<16xi32>
      %add3A_3731 = arith.addi %iota3A, %add3A_3730 : vector<16xi32>
      %scatter3A_3732 = arith.constant 1 : i32
      %scatter3A_3733 = arith.constant 0 : i32
      %scatter3A_3734 = arith.constant 0 : i32
      %scatter3A_3735 = tpu.memref_slice %arg10[%scatter3A_3732, %scatter3A_3733, %scatter3A_3734] : memref<4x64x128xf32, #tpu.memory_space<vmem>> -> memref<1x64x128xf32, #tpu.memory_space<vmem>>
      %scatter3A_3736 = tpu.memref_squeeze %scatter3A_3735 : memref<1x64x128xf32, #tpu.memory_space<vmem>> -> memref<64x128xf32, #tpu.memory_space<vmem>>
      tpu.vector_store_idx %scatter3A_3736[%get3A_3728, %add3A_3731], %broadcast_in_dim3A_3 : memref<64x128xf32, #tpu.memory_space<vmem>>[vector<16xi32>, vector<16xi32>], vector<16xf32>,
      %get3A_3737 = arith.constant 1 : i32
      %get3A_3738 = arith.index_cast %get3A_3737 : i32 to index
      %get3A_3739 = arith.constant 32 : index
      %get3A_3740 = tpu.vector_load %arg6[%get3A_3738, %get3A_3739] {strides = array<i32>} : memref<4x128xi32, #tpu.memory_space<vmem>>, vector<16xi32>,
      %add3A_3741 = arith.constant 32 : i32
      %add3A_3742 = vector.broadcast %add3A_3741 : i32 to vector<16xi32>
      %add3A_3743 = arith.addi %iota3A, %add3A_3742 : vector<16xi32>
      %scatter3A_3744 = arith.constant 1 : i32
      %scatter3A_3745 = arith.constant 0 : i32
      %scatter3A_3746 = arith.constant 0 : i32
      %scatter3A_3747 = tpu.memref_slice %arg10[%scatter3A_3744, %scatter3A_3745, %scatter3A_3746] : memref<4x64x128xf32, #tpu.memory_space<vmem>> -> memref<1x64x128xf32, #tpu.memory_space<vmem>>
      %scatter3A_3748 = tpu.memref_squeeze %scatter3A_3747 : memref<1x64x128xf32, #tpu.memory_space<vmem>> -> memref<64x128xf32, #tpu.memory_space<vmem>>
      tpu.vector_store_idx %scatter3A_3748[%get3A_3740, %add3A_3743], %broadcast_in_dim3A_3 : memref<64x128xf32, #tpu.memory_space<vmem>>[vector<16xi32>, vector<16xi32>], vector<16xf32>,
      %get3A_3749 = arith.constant 1 : i32
      %get3A_3750 = arith.index_cast %get3A_3749 : i32 to index
      %get3A_3751 = arith.constant 48 : index
      %get3A_3752 = tpu.vector_load %arg6[%get3A_3750, %get3A_3751] {strides = array<i32>} : memref<4x128xi32, #tpu.memory_space<vmem>>, vector<16xi32>,
      %add3A_3753 = arith.constant 48 : i32
      %add3A_3754 = vector.broadcast %add3A_3753 : i32 to vector<16xi32>
      %add3A_3755 = arith.addi %iota3A, %add3A_3754 : vector<16xi32>
      %scatter3A_3756 = arith.constant 1 : i32
      %scatter3A_3757 = arith.constant 0 : i32
      %scatter3A_3758 = arith.constant 0 : i32
      %scatter3A_3759 = tpu.memref_slice %arg10[%scatter3A_3756, %scatter3A_3757, %scatter3A_3758] : memref<4x64x128xf32, #tpu.memory_space<vmem>> -> memref<1x64x128xf32, #tpu.memory_space<vmem>>
      %scatter3A_3760 = tpu.memref_squeeze %scatter3A_3759 : memref<1x64x128xf32, #tpu.memory_space<vmem>> -> memref<64x128xf32, #tpu.memory_space<vmem>>
      tpu.vector_store_idx %scatter3A_3760[%get3A_3752, %add3A_3755], %broadcast_in_dim3A_3 : memref<64x128xf32, #tpu.memory_space<vmem>>[vector<16xi32>, vector<16xi32>], vector<16xf32>,
      %get3A_3761 = arith.constant 1 : i32
      %get3A_3762 = arith.index_cast %get3A_3761 : i32 to index
      %get3A_3763 = arith.constant 64 : index
      %get3A_3764 = tpu.vector_load %arg6[%get3A_3762, %get3A_3763] {strides = array<i32>} : memref<4x128xi32, #tpu.memory_space<vmem>>, vector<16xi32>,
      %add3A_3765 = arith.constant 64 : i32
      %add3A_3766 = vector.broadcast %add3A_3765 : i32 to vector<16xi32>
      %add3A_3767 = arith.addi %iota3A, %add3A_3766 : vector<16xi32>
      %scatter3A_3768 = arith.constant 1 : i32
      %scatter3A_3769 = arith.constant 0 : i32
      %scatter3A_3770 = arith.constant 0 : i32
      %scatter3A_3771 = tpu.memref_slice %arg10[%scatter3A_3768, %scatter3A_3769, %scatter3A_3770] : memref<4x64x128xf32, #tpu.memory_space<vmem>> -> memref<1x64x128xf32, #tpu.memory_space<vmem>>
      %scatter3A_3772 = tpu.memref_squeeze %scatter3A_3771 : memref<1x64x128xf32, #tpu.memory_space<vmem>> -> memref<64x128xf32, #tpu.memory_space<vmem>>
      tpu.vector_store_idx %scatter3A_3772[%get3A_3764, %add3A_3767], %broadcast_in_dim3A_3 : memref<64x128xf32, #tpu.memory_space<vmem>>[vector<16xi32>, vector<16xi32>], vector<16xf32>,
      %get3A_3773 = arith.constant 1 : i32
      %get3A_3774 = arith.index_cast %get3A_3773 : i32 to index
      %get3A_3775 = arith.constant 80 : index
      %get3A_3776 = tpu.vector_load %arg6[%get3A_3774, %get3A_3775] {strides = array<i32>} : memref<4x128xi32, #tpu.memory_space<vmem>>, vector<16xi32>,
      %add3A_3777 = arith.constant 80 : i32
      %add3A_3778 = vector.broadcast %add3A_3777 : i32 to vector<16xi32>
      %add3A_3779 = arith.addi %iota3A, %add3A_3778 : vector<16xi32>
      %scatter3A_3780 = arith.constant 1 : i32
      %scatter3A_3781 = arith.constant 0 : i32
      %scatter3A_3782 = arith.constant 0 : i32
      %scatter3A_3783 = tpu.memref_slice %arg10[%scatter3A_3780, %scatter3A_3781, %scatter3A_3782] : memref<4x64x128xf32, #tpu.memory_space<vmem>> -> memref<1x64x128xf32, #tpu.memory_space<vmem>>
      %scatter3A_3784 = tpu.memref_squeeze %scatter3A_3783 : memref<1x64x128xf32, #tpu.memory_space<vmem>> -> memref<64x128xf32, #tpu.memory_space<vmem>>
      tpu.vector_store_idx %scatter3A_3784[%get3A_3776, %add3A_3779], %broadcast_in_dim3A_3 : memref<64x128xf32, #tpu.memory_space<vmem>>[vector<16xi32>, vector<16xi32>], vector<16xf32>,
      %get3A_3785 = arith.constant 1 : i32
      %get3A_3786 = arith.index_cast %get3A_3785 : i32 to index
      %get3A_3787 = arith.constant 96 : index
      %get3A_3788 = tpu.vector_load %arg6[%get3A_3786, %get3A_3787] {strides = array<i32>} : memref<4x128xi32, #tpu.memory_space<vmem>>, vector<16xi32>,
      %add3A_3789 = arith.constant 96 : i32
      %add3A_3790 = vector.broadcast %add3A_3789 : i32 to vector<16xi32>
      %add3A_3791 = arith.addi %iota3A, %add3A_3790 : vector<16xi32>
      %scatter3A_3792 = arith.constant 1 : i32
      %scatter3A_3793 = arith.constant 0 : i32
      %scatter3A_3794 = arith.constant 0 : i32
      %scatter3A_3795 = tpu.memref_slice %arg10[%scatter3A_3792, %scatter3A_3793, %scatter3A_3794] : memref<4x64x128xf32, #tpu.memory_space<vmem>> -> memref<1x64x128xf32, #tpu.memory_space<vmem>>
      %scatter3A_3796 = tpu.memref_squeeze %scatter3A_3795 : memref<1x64x128xf32, #tpu.memory_space<vmem>> -> memref<64x128xf32, #tpu.memory_space<vmem>>
      tpu.vector_store_idx %scatter3A_3796[%get3A_3788, %add3A_3791], %broadcast_in_dim3A_3 : memref<64x128xf32, #tpu.memory_space<vmem>>[vector<16xi32>, vector<16xi32>], vector<16xf32>,
      %get3A_3797 = arith.constant 1 : i32
      %get3A_3798 = arith.index_cast %get3A_3797 : i32 to index
      %get3A_3799 = arith.constant 112 : index
      %get3A_3800 = tpu.vector_load %arg6[%get3A_3798, %get3A_3799] {strides = array<i32>} : memref<4x128xi32, #tpu.memory_space<vmem>>, vector<16xi32>,
      %add3A_3801 = arith.constant 112 : i32
      %add3A_3802 = vector.broadcast %add3A_3801 : i32 to vector<16xi32>
      %add3A_3803 = arith.addi %iota3A, %add3A_3802 : vector<16xi32>
      %scatter3A_3804 = arith.constant 1 : i32
      %scatter3A_3805 = arith.constant 0 : i32
      %scatter3A_3806 = arith.constant 0 : i32
      %scatter3A_3807 = tpu.memref_slice %arg10[%scatter3A_3804, %scatter3A_3805, %scatter3A_3806] : memref<4x64x128xf32, #tpu.memory_space<vmem>> -> memref<1x64x128xf32, #tpu.memory_space<vmem>>
      %scatter3A_3808 = tpu.memref_squeeze %scatter3A_3807 : memref<1x64x128xf32, #tpu.memory_space<vmem>> -> memref<64x128xf32, #tpu.memory_space<vmem>>
      tpu.vector_store_idx %scatter3A_3808[%get3A_3800, %add3A_3803], %broadcast_in_dim3A_3 : memref<64x128xf32, #tpu.memory_space<vmem>>[vector<16xi32>, vector<16xi32>], vector<16xf32>,
      %get3A_3809 = arith.constant 2 : i32
      %get3A_3810 = arith.index_cast %get3A_3809 : i32 to index
      %get3A_3811 = arith.constant 0 : index
      %get3A_3812 = tpu.vector_load %arg6[%get3A_3810, %get3A_3811] {strides = array<i32>} : memref<4x128xi32, #tpu.memory_space<vmem>>, vector<16xi32>,
      %add3A_3813 = arith.constant 0 : i32
      %add3A_3814 = vector.broadcast %add3A_3813 : i32 to vector<16xi32>
      %add3A_3815 = arith.addi %iota3A, %add3A_3814 : vector<16xi32>
      %scatter3A_3816 = arith.constant 2 : i32
      %scatter3A_3817 = arith.constant 0 : i32
      %scatter3A_3818 = arith.constant 0 : i32
      %scatter3A_3819 = tpu.memref_slice %arg10[%scatter3A_3816, %scatter3A_3817, %scatter3A_3818] : memref<4x64x128xf32, #tpu.memory_space<vmem>> -> memref<1x64x128xf32, #tpu.memory_space<vmem>>
      %scatter3A_3820 = tpu.memref_squeeze %scatter3A_3819 : memref<1x64x128xf32, #tpu.memory_space<vmem>> -> memref<64x128xf32, #tpu.memory_space<vmem>>
      tpu.vector_store_idx %scatter3A_3820[%get3A_3812, %add3A_3815], %broadcast_in_dim3A_3 : memref<64x128xf32, #tpu.memory_space<vmem>>[vector<16xi32>, vector<16xi32>], vector<16xf32>,
      %get3A_3821 = arith.constant 2 : i32
      %get3A_3822 = arith.index_cast %get3A_3821 : i32 to index
      %get3A_3823 = arith.constant 16 : index
      %get3A_3824 = tpu.vector_load %arg6[%get3A_3822, %get3A_3823] {strides = array<i32>} : memref<4x128xi32, #tpu.memory_space<vmem>>, vector<16xi32>,
      %add3A_3825 = arith.constant 16 : i32
      %add3A_3826 = vector.broadcast %add3A_3825 : i32 to vector<16xi32>
      %add3A_3827 = arith.addi %iota3A, %add3A_3826 : vector<16xi32>
      %scatter3A_3828 = arith.constant 2 : i32
      %scatter3A_3829 = arith.constant 0 : i32
      %scatter3A_3830 = arith.constant 0 : i32
      %scatter3A_3831 = tpu.memref_slice %arg10[%scatter3A_3828, %scatter3A_3829, %scatter3A_3830] : memref<4x64x128xf32, #tpu.memory_space<vmem>> -> memref<1x64x128xf32, #tpu.memory_space<vmem>>
      %scatter3A_3832 = tpu.memref_squeeze %scatter3A_3831 : memref<1x64x128xf32, #tpu.memory_space<vmem>> -> memref<64x128xf32, #tpu.memory_space<vmem>>
      tpu.vector_store_idx %scatter3A_3832[%get3A_3824, %add3A_3827], %broadcast_in_dim3A_3 : memref<64x128xf32, #tpu.memory_space<vmem>>[vector<16xi32>, vector<16xi32>], vector<16xf32>,
      %get3A_3833 = arith.constant 2 : i32
      %get3A_3834 = arith.index_cast %get3A_3833 : i32 to index
      %get3A_3835 = arith.constant 32 : index
      %get3A_3836 = tpu.vector_load %arg6[%get3A_3834, %get3A_3835] {strides = array<i32>} : memref<4x128xi32, #tpu.memory_space<vmem>>, vector<16xi32>,
      %add3A_3837 = arith.constant 32 : i32
      %add3A_3838 = vector.broadcast %add3A_3837 : i32 to vector<16xi32>
      %add3A_3839 = arith.addi %iota3A, %add3A_3838 : vector<16xi32>
      %scatter3A_3840 = arith.constant 2 : i32
      %scatter3A_3841 = arith.constant 0 : i32
      %scatter3A_3842 = arith.constant 0 : i32
      %scatter3A_3843 = tpu.memref_slice %arg10[%scatter3A_3840, %scatter3A_3841, %scatter3A_3842] : memref<4x64x128xf32, #tpu.memory_space<vmem>> -> memref<1x64x128xf32, #tpu.memory_space<vmem>>
      %scatter3A_3844 = tpu.memref_squeeze %scatter3A_3843 : memref<1x64x128xf32, #tpu.memory_space<vmem>> -> memref<64x128xf32, #tpu.memory_space<vmem>>
      tpu.vector_store_idx %scatter3A_3844[%get3A_3836, %add3A_3839], %broadcast_in_dim3A_3 : memref<64x128xf32, #tpu.memory_space<vmem>>[vector<16xi32>, vector<16xi32>], vector<16xf32>,
      %get3A_3845 = arith.constant 2 : i32
      %get3A_3846 = arith.index_cast %get3A_3845 : i32 to index
      %get3A_3847 = arith.constant 48 : index
      %get3A_3848 = tpu.vector_load %arg6[%get3A_3846, %get3A_3847] {strides = array<i32>} : memref<4x128xi32, #tpu.memory_space<vmem>>, vector<16xi32>,
      %add3A_3849 = arith.constant 48 : i32
      %add3A_3850 = vector.broadcast %add3A_3849 : i32 to vector<16xi32>
      %add3A_3851 = arith.addi %iota3A, %add3A_3850 : vector<16xi32>
      %scatter3A_3852 = arith.constant 2 : i32
      %scatter3A_3853 = arith.constant 0 : i32
      %scatter3A_3854 = arith.constant 0 : i32
      %scatter3A_3855 = tpu.memref_slice %arg10[%scatter3A_3852, %scatter3A_3853, %scatter3A_3854] : memref<4x64x128xf32, #tpu.memory_space<vmem>> -> memref<1x64x128xf32, #tpu.memory_space<vmem>>
      %scatter3A_3856 = tpu.memref_squeeze %scatter3A_3855 : memref<1x64x128xf32, #tpu.memory_space<vmem>> -> memref<64x128xf32, #tpu.memory_space<vmem>>
      tpu.vector_store_idx %scatter3A_3856[%get3A_3848, %add3A_3851], %broadcast_in_dim3A_3 : memref<64x128xf32, #tpu.memory_space<vmem>>[vector<16xi32>, vector<16xi32>], vector<16xf32>,
      %get3A_3857 = arith.constant 2 : i32
      %get3A_3858 = arith.index_cast %get3A_3857 : i32 to index
      %get3A_3859 = arith.constant 64 : index
      %get3A_3860 = tpu.vector_load %arg6[%get3A_3858, %get3A_3859] {strides = array<i32>} : memref<4x128xi32, #tpu.memory_space<vmem>>, vector<16xi32>,
      %add3A_3861 = arith.constant 64 : i32
      %add3A_3862 = vector.broadcast %add3A_3861 : i32 to vector<16xi32>
      %add3A_3863 = arith.addi %iota3A, %add3A_3862 : vector<16xi32>
      %scatter3A_3864 = arith.constant 2 : i32
      %scatter3A_3865 = arith.constant 0 : i32
      %scatter3A_3866 = arith.constant 0 : i32
      %scatter3A_3867 = tpu.memref_slice %arg10[%scatter3A_3864, %scatter3A_3865, %scatter3A_3866] : memref<4x64x128xf32, #tpu.memory_space<vmem>> -> memref<1x64x128xf32, #tpu.memory_space<vmem>>
      %scatter3A_3868 = tpu.memref_squeeze %scatter3A_3867 : memref<1x64x128xf32, #tpu.memory_space<vmem>> -> memref<64x128xf32, #tpu.memory_space<vmem>>
      tpu.vector_store_idx %scatter3A_3868[%get3A_3860, %add3A_3863], %broadcast_in_dim3A_3 : memref<64x128xf32, #tpu.memory_space<vmem>>[vector<16xi32>, vector<16xi32>], vector<16xf32>,
      %get3A_3869 = arith.constant 2 : i32
      %get3A_3870 = arith.index_cast %get3A_3869 : i32 to index
      %get3A_3871 = arith.constant 80 : index
      %get3A_3872 = tpu.vector_load %arg6[%get3A_3870, %get3A_3871] {strides = array<i32>} : memref<4x128xi32, #tpu.memory_space<vmem>>, vector<16xi32>,
      %add3A_3873 = arith.constant 80 : i32
      %add3A_3874 = vector.broadcast %add3A_3873 : i32 to vector<16xi32>
      %add3A_3875 = arith.addi %iota3A, %add3A_3874 : vector<16xi32>
      %scatter3A_3876 = arith.constant 2 : i32
      %scatter3A_3877 = arith.constant 0 : i32
      %scatter3A_3878 = arith.constant 0 : i32
      %scatter3A_3879 = tpu.memref_slice %arg10[%scatter3A_3876, %scatter3A_3877, %scatter3A_3878] : memref<4x64x128xf32, #tpu.memory_space<vmem>> -> memref<1x64x128xf32, #tpu.memory_space<vmem>>
      %scatter3A_3880 = tpu.memref_squeeze %scatter3A_3879 : memref<1x64x128xf32, #tpu.memory_space<vmem>> -> memref<64x128xf32, #tpu.memory_space<vmem>>
      tpu.vector_store_idx %scatter3A_3880[%get3A_3872, %add3A_3875], %broadcast_in_dim3A_3 : memref<64x128xf32, #tpu.memory_space<vmem>>[vector<16xi32>, vector<16xi32>], vector<16xf32>,
      %get3A_3881 = arith.constant 2 : i32
      %get3A_3882 = arith.index_cast %get3A_3881 : i32 to index
      %get3A_3883 = arith.constant 96 : index
      %get3A_3884 = tpu.vector_load %arg6[%get3A_3882, %get3A_3883] {strides = array<i32>} : memref<4x128xi32, #tpu.memory_space<vmem>>, vector<16xi32>,
      %add3A_3885 = arith.constant 96 : i32
      %add3A_3886 = vector.broadcast %add3A_3885 : i32 to vector<16xi32>
      %add3A_3887 = arith.addi %iota3A, %add3A_3886 : vector<16xi32>
      %scatter3A_3888 = arith.constant 2 : i32
      %scatter3A_3889 = arith.constant 0 : i32
      %scatter3A_3890 = arith.constant 0 : i32
      %scatter3A_3891 = tpu.memref_slice %arg10[%scatter3A_3888, %scatter3A_3889, %scatter3A_3890] : memref<4x64x128xf32, #tpu.memory_space<vmem>> -> memref<1x64x128xf32, #tpu.memory_space<vmem>>
      %scatter3A_3892 = tpu.memref_squeeze %scatter3A_3891 : memref<1x64x128xf32, #tpu.memory_space<vmem>> -> memref<64x128xf32, #tpu.memory_space<vmem>>
      tpu.vector_store_idx %scatter3A_3892[%get3A_3884, %add3A_3887], %broadcast_in_dim3A_3 : memref<64x128xf32, #tpu.memory_space<vmem>>[vector<16xi32>, vector<16xi32>], vector<16xf32>,
      %get3A_3893 = arith.constant 2 : i32
      %get3A_3894 = arith.index_cast %get3A_3893 : i32 to index
      %get3A_3895 = arith.constant 112 : index
      %get3A_3896 = tpu.vector_load %arg6[%get3A_3894, %get3A_3895] {strides = array<i32>} : memref<4x128xi32, #tpu.memory_space<vmem>>, vector<16xi32>,
      %add3A_3897 = arith.constant 112 : i32
      %add3A_3898 = vector.broadcast %add3A_3897 : i32 to vector<16xi32>
      %add3A_3899 = arith.addi %iota3A, %add3A_3898 : vector<16xi32>
      %scatter3A_3900 = arith.constant 2 : i32
      %scatter3A_3901 = arith.constant 0 : i32
      %scatter3A_3902 = arith.constant 0 : i32
      %scatter3A_3903 = tpu.memref_slice %arg10[%scatter3A_3900, %scatter3A_3901, %scatter3A_3902] : memref<4x64x128xf32, #tpu.memory_space<vmem>> -> memref<1x64x128xf32, #tpu.memory_space<vmem>>
      %scatter3A_3904 = tpu.memref_squeeze %scatter3A_3903 : memref<1x64x128xf32, #tpu.memory_space<vmem>> -> memref<64x128xf32, #tpu.memory_space<vmem>>
      tpu.vector_store_idx %scatter3A_3904[%get3A_3896, %add3A_3899], %broadcast_in_dim3A_3 : memref<64x128xf32, #tpu.memory_space<vmem>>[vector<16xi32>, vector<16xi32>], vector<16xf32>,
      %get3A_3905 = arith.constant 3 : i32
      %get3A_3906 = arith.index_cast %get3A_3905 : i32 to index
      %get3A_3907 = arith.constant 0 : index
      %get3A_3908 = tpu.vector_load %arg6[%get3A_3906, %get3A_3907] {strides = array<i32>} : memref<4x128xi32, #tpu.memory_space<vmem>>, vector<16xi32>,
      %add3A_3909 = arith.constant 0 : i32
      %add3A_3910 = vector.broadcast %add3A_3909 : i32 to vector<16xi32>
      %add3A_3911 = arith.addi %iota3A, %add3A_3910 : vector<16xi32>
      %scatter3A_3912 = arith.constant 3 : i32
      %scatter3A_3913 = arith.constant 0 : i32
      %scatter3A_3914 = arith.constant 0 : i32
      %scatter3A_3915 = tpu.memref_slice %arg10[%scatter3A_3912, %scatter3A_3913, %scatter3A_3914] : memref<4x64x128xf32, #tpu.memory_space<vmem>> -> memref<1x64x128xf32, #tpu.memory_space<vmem>>
      %scatter3A_3916 = tpu.memref_squeeze %scatter3A_3915 : memref<1x64x128xf32, #tpu.memory_space<vmem>> -> memref<64x128xf32, #tpu.memory_space<vmem>>
      tpu.vector_store_idx %scatter3A_3916[%get3A_3908, %add3A_3911], %broadcast_in_dim3A_3 : memref<64x128xf32, #tpu.memory_space<vmem>>[vector<16xi32>, vector<16xi32>], vector<16xf32>,
      %get3A_3917 = arith.constant 3 : i32
      %get3A_3918 = arith.index_cast %get3A_3917 : i32 to index
      %get3A_3919 = arith.constant 16 : index
      %get3A_3920 = tpu.vector_load %arg6[%get3A_3918, %get3A_3919] {strides = array<i32>} : memref<4x128xi32, #tpu.memory_space<vmem>>, vector<16xi32>,
      %add3A_3921 = arith.constant 16 : i32
      %add3A_3922 = vector.broadcast %add3A_3921 : i32 to vector<16xi32>
      %add3A_3923 = arith.addi %iota3A, %add3A_3922 : vector<16xi32>
      %scatter3A_3924 = arith.constant 3 : i32
      %scatter3A_3925 = arith.constant 0 : i32
      %scatter3A_3926 = arith.constant 0 : i32
      %scatter3A_3927 = tpu.memref_slice %arg10[%scatter3A_3924, %scatter3A_3925, %scatter3A_3926] : memref<4x64x128xf32, #tpu.memory_space<vmem>> -> memref<1x64x128xf32, #tpu.memory_space<vmem>>
      %scatter3A_3928 = tpu.memref_squeeze %scatter3A_3927 : memref<1x64x128xf32, #tpu.memory_space<vmem>> -> memref<64x128xf32, #tpu.memory_space<vmem>>
      tpu.vector_store_idx %scatter3A_3928[%get3A_3920, %add3A_3923], %broadcast_in_dim3A_3 : memref<64x128xf32, #tpu.memory_space<vmem>>[vector<16xi32>, vector<16xi32>], vector<16xf32>,
      %get3A_3929 = arith.constant 3 : i32
      %get3A_3930 = arith.index_cast %get3A_3929 : i32 to index
      %get3A_3931 = arith.constant 32 : index
      %get3A_3932 = tpu.vector_load %arg6[%get3A_3930, %get3A_3931] {strides = array<i32>} : memref<4x128xi32, #tpu.memory_space<vmem>>, vector<16xi32>,
      %add3A_3933 = arith.constant 32 : i32
      %add3A_3934 = vector.broadcast %add3A_3933 : i32 to vector<16xi32>
      %add3A_3935 = arith.addi %iota3A, %add3A_3934 : vector<16xi32>
      %scatter3A_3936 = arith.constant 3 : i32
      %scatter3A_3937 = arith.constant 0 : i32
      %scatter3A_3938 = arith.constant 0 : i32
      %scatter3A_3939 = tpu.memref_slice %arg10[%scatter3A_3936, %scatter3A_3937, %scatter3A_3938] : memref<4x64x128xf32, #tpu.memory_space<vmem>> -> memref<1x64x128xf32, #tpu.memory_space<vmem>>
      %scatter3A_3940 = tpu.memref_squeeze %scatter3A_3939 : memref<1x64x128xf32, #tpu.memory_space<vmem>> -> memref<64x128xf32, #tpu.memory_space<vmem>>
      tpu.vector_store_idx %scatter3A_3940[%get3A_3932, %add3A_3935], %broadcast_in_dim3A_3 : memref<64x128xf32, #tpu.memory_space<vmem>>[vector<16xi32>, vector<16xi32>], vector<16xf32>,
      %get3A_3941 = arith.constant 3 : i32
      %get3A_3942 = arith.index_cast %get3A_3941 : i32 to index
      %get3A_3943 = arith.constant 48 : index
      %get3A_3944 = tpu.vector_load %arg6[%get3A_3942, %get3A_3943] {strides = array<i32>} : memref<4x128xi32, #tpu.memory_space<vmem>>, vector<16xi32>,
      %add3A_3945 = arith.constant 48 : i32
      %add3A_3946 = vector.broadcast %add3A_3945 : i32 to vector<16xi32>
      %add3A_3947 = arith.addi %iota3A, %add3A_3946 : vector<16xi32>
      %scatter3A_3948 = arith.constant 3 : i32
      %scatter3A_3949 = arith.constant 0 : i32
      %scatter3A_3950 = arith.constant 0 : i32
      %scatter3A_3951 = tpu.memref_slice %arg10[%scatter3A_3948, %scatter3A_3949, %scatter3A_3950] : memref<4x64x128xf32, #tpu.memory_space<vmem>> -> memref<1x64x128xf32, #tpu.memory_space<vmem>>
      %scatter3A_3952 = tpu.memref_squeeze %scatter3A_3951 : memref<1x64x128xf32, #tpu.memory_space<vmem>> -> memref<64x128xf32, #tpu.memory_space<vmem>>
      tpu.vector_store_idx %scatter3A_3952[%get3A_3944, %add3A_3947], %broadcast_in_dim3A_3 : memref<64x128xf32, #tpu.memory_space<vmem>>[vector<16xi32>, vector<16xi32>], vector<16xf32>,
      %get3A_3953 = arith.constant 3 : i32
      %get3A_3954 = arith.index_cast %get3A_3953 : i32 to index
      %get3A_3955 = arith.constant 64 : index
      %get3A_3956 = tpu.vector_load %arg6[%get3A_3954, %get3A_3955] {strides = array<i32>} : memref<4x128xi32, #tpu.memory_space<vmem>>, vector<16xi32>,
      %add3A_3957 = arith.constant 64 : i32
      %add3A_3958 = vector.broadcast %add3A_3957 : i32 to vector<16xi32>
      %add3A_3959 = arith.addi %iota3A, %add3A_3958 : vector<16xi32>
      %scatter3A_3960 = arith.constant 3 : i32
      %scatter3A_3961 = arith.constant 0 : i32
      %scatter3A_3962 = arith.constant 0 : i32
      %scatter3A_3963 = tpu.memref_slice %arg10[%scatter3A_3960, %scatter3A_3961, %scatter3A_3962] : memref<4x64x128xf32, #tpu.memory_space<vmem>> -> memref<1x64x128xf32, #tpu.memory_space<vmem>>
      %scatter3A_3964 = tpu.memref_squeeze %scatter3A_3963 : memref<1x64x128xf32, #tpu.memory_space<vmem>> -> memref<64x128xf32, #tpu.memory_space<vmem>>
      tpu.vector_store_idx %scatter3A_3964[%get3A_3956, %add3A_3959], %broadcast_in_dim3A_3 : memref<64x128xf32, #tpu.memory_space<vmem>>[vector<16xi32>, vector<16xi32>], vector<16xf32>,
      %get3A_3965 = arith.constant 3 : i32
      %get3A_3966 = arith.index_cast %get3A_3965 : i32 to index
      %get3A_3967 = arith.constant 80 : index
      %get3A_3968 = tpu.vector_load %arg6[%get3A_3966, %get3A_3967] {strides = array<i32>} : memref<4x128xi32, #tpu.memory_space<vmem>>, vector<16xi32>,
      %add3A_3969 = arith.constant 80 : i32
      %add3A_3970 = vector.broadcast %add3A_3969 : i32 to vector<16xi32>
      %add3A_3971 = arith.addi %iota3A, %add3A_3970 : vector<16xi32>
      %scatter3A_3972 = arith.constant 3 : i32
      %scatter3A_3973 = arith.constant 0 : i32
      %scatter3A_3974 = arith.constant 0 : i32
      %scatter3A_3975 = tpu.memref_slice %arg10[%scatter3A_3972, %scatter3A_3973, %scatter3A_3974] : memref<4x64x128xf32, #tpu.memory_space<vmem>> -> memref<1x64x128xf32, #tpu.memory_space<vmem>>
      %scatter3A_3976 = tpu.memref_squeeze %scatter3A_3975 : memref<1x64x128xf32, #tpu.memory_space<vmem>> -> memref<64x128xf32, #tpu.memory_space<vmem>>
      tpu.vector_store_idx %scatter3A_3976[%get3A_3968, %add3A_3971], %broadcast_in_dim3A_3 : memref<64x128xf32, #tpu.memory_space<vmem>>[vector<16xi32>, vector<16xi32>], vector<16xf32>,
      %get3A_3977 = arith.constant 3 : i32
      %get3A_3978 = arith.index_cast %get3A_3977 : i32 to index
      %get3A_3979 = arith.constant 96 : index
      %get3A_3980 = tpu.vector_load %arg6[%get3A_3978, %get3A_3979] {strides = array<i32>} : memref<4x128xi32, #tpu.memory_space<vmem>>, vector<16xi32>,
      %add3A_3981 = arith.constant 96 : i32
      %add3A_3982 = vector.broadcast %add3A_3981 : i32 to vector<16xi32>
      %add3A_3983 = arith.addi %iota3A, %add3A_3982 : vector<16xi32>
      %scatter3A_3984 = arith.constant 3 : i32
      %scatter3A_3985 = arith.constant 0 : i32
      %scatter3A_3986 = arith.constant 0 : i32
      %scatter3A_3987 = tpu.memref_slice %arg10[%scatter3A_3984, %scatter3A_3985, %scatter3A_3986] : memref<4x64x128xf32, #tpu.memory_space<vmem>> -> memref<1x64x128xf32, #tpu.memory_space<vmem>>
      %scatter3A_3988 = tpu.memref_squeeze %scatter3A_3987 : memref<1x64x128xf32, #tpu.memory_space<vmem>> -> memref<64x128xf32, #tpu.memory_space<vmem>>
      tpu.vector_store_idx %scatter3A_3988[%get3A_3980, %add3A_3983], %broadcast_in_dim3A_3 : memref<64x128xf32, #tpu.memory_space<vmem>>[vector<16xi32>, vector<16xi32>], vector<16xf32>,
      %get3A_3989 = arith.constant 3 : i32
      %get3A_3990 = arith.index_cast %get3A_3989 : i32 to index
      %get3A_3991 = arith.constant 112 : index
      %get3A_3992 = tpu.vector_load %arg6[%get3A_3990, %get3A_3991] {strides = array<i32>} : memref<4x128xi32, #tpu.memory_space<vmem>>, vector<16xi32>,
      %add3A_3993 = arith.constant 112 : i32
      %add3A_3994 = vector.broadcast %add3A_3993 : i32 to vector<16xi32>
      %add3A_3995 = arith.addi %iota3A, %add3A_3994 : vector<16xi32>
      %scatter3A_3996 = arith.constant 3 : i32
      %scatter3A_3997 = arith.constant 0 : i32
      %scatter3A_3998 = arith.constant 0 : i32
      %scatter3A_3999 = tpu.memref_slice %arg10[%scatter3A_3996, %scatter3A_3997, %scatter3A_3998] : memref<4x64x128xf32, #tpu.memory_space<vmem>> -> memref<1x64x128xf32, #tpu.memory_space<vmem>>
      %scatter3A_4000 = tpu.memref_squeeze %scatter3A_3999 : memref<1x64x128xf32, #tpu.memory_space<vmem>> -> memref<64x128xf32, #tpu.memory_space<vmem>>
      tpu.vector_store_idx %scatter3A_4000[%get3A_3992, %add3A_3995], %broadcast_in_dim3A_3 : memref<64x128xf32, #tpu.memory_space<vmem>>[vector<16xi32>, vector<16xi32>], vector<16xf32>,
      %dma_start3A_4001 = arith.constant 0 : i32
      %dma_start3A_4002 = tpu.memref_slice %arg4[%mul3A_3216, %dma_start3A_4001, %mul3A_2] : memref<200x64x4096xf32, #tpu.memory_space<hbm>> -> memref<4x64x128xf32, #tpu.memory_space<hbm>>
      %dma_start3A_4003 = arith.constant 0 : i32
      %dma_start3A_4004 = tpu.memref_slice %arg4[%mul3A_3216, %dma_start3A_4003, %mul3A_2] : memref<200x64x4096xf32, #tpu.memory_space<hbm>> -> memref<4x64x128xf32, #tpu.memory_space<hbm>>
      tpu.enqueue_dma source(%arg10 : memref<4x64x128xf32, #tpu.memory_space<vmem>>) target(%dma_start3A_4004 : memref<4x64x128xf32, #tpu.memory_space<hbm>>) target_semaphore(%arg16 : memref<!tpu.dma_semaphore, #tpu.memory_space<semaphore_mem>>)
    }
    %scan3A_813 = arith.constant 12 : i32
    %dma_wait3A_814 = arith.constant 0 : i32
    %dma_wait3A_815 = arith.constant 0 : i32
    %dma_wait3A_816 = tpu.memref_slice %arg4[%dma_wait3A_814, %dma_wait3A_815, %mul3A_2] : memref<200x64x4096xf32, #tpu.memory_space<hbm>> -> memref<4x64x128xf32, #tpu.memory_space<hbm>>
    %dma_wait3A_817 = arith.constant 0 : i32
    %dma_wait3A_818 = arith.constant 0 : i32
    %dma_wait3A_819 = tpu.memref_slice %arg4[%dma_wait3A_817, %dma_wait3A_818, %mul3A_2] : memref<200x64x4096xf32, #tpu.memory_space<hbm>> -> memref<4x64x128xf32, #tpu.memory_space<hbm>>
    tpu.wait_dma2 semaphore(%arg15 : memref<!tpu.dma_semaphore, #tpu.memory_space<semaphore_mem>>) src(%arg9 : memref<4x64x128xf32, #tpu.memory_space<vmem>>) dst(%dma_wait3A_819 : memref<4x64x128xf32, #tpu.memory_space<hbm>>)
    %dma_wait3A_820 = arith.constant 0 : i32
    %dma_wait3A_821 = arith.constant 0 : i32
    %dma_wait3A_822 = tpu.memref_slice %arg4[%dma_wait3A_820, %dma_wait3A_821, %mul3A_2] : memref<200x64x4096xf32, #tpu.memory_space<hbm>> -> memref<4x64x128xf32, #tpu.memory_space<hbm>>
    %dma_wait3A_823 = arith.constant 0 : i32
    %dma_wait3A_824 = arith.constant 0 : i32
    %dma_wait3A_825 = tpu.memref_slice %arg4[%dma_wait3A_823, %dma_wait3A_824, %mul3A_2] : memref<200x64x4096xf32, #tpu.memory_space<hbm>> -> memref<4x64x128xf32, #tpu.memory_space<hbm>>
    tpu.wait_dma2 semaphore(%arg16 : memref<!tpu.dma_semaphore, #tpu.memory_space<semaphore_mem>>) src(%arg10 : memref<4x64x128xf32, #tpu.memory_space<vmem>>) dst(%dma_wait3A_825 : memref<4x64x128xf32, #tpu.memory_space<hbm>>)
    %dma_wait3A_826 = arith.constant 0 : i32
    %dma_wait3A_827 = tpu.memref_slice %arg2[%dma_wait3A_826, %mul3A_2] : memref<200x4096xi32, #tpu.memory_space<hbm>> -> memref<4x128xi32, #tpu.memory_space<hbm>>
    %dma_wait3A_828 = arith.constant 0 : i32
    %dma_wait3A_829 = tpu.memref_slice %arg2[%dma_wait3A_828, %mul3A_2] : memref<200x4096xi32, #tpu.memory_space<hbm>> -> memref<4x128xi32, #tpu.memory_space<hbm>>
    tpu.wait_dma2 semaphore(%arg13 : memref<!tpu.dma_semaphore, #tpu.memory_space<semaphore_mem>>) src(%dma_wait3A_829 : memref<4x128xi32, #tpu.memory_space<hbm>>) dst(%arg7 : memref<4x128xi32, #tpu.memory_space<vmem>>)
    %dma_wait3A_830 = arith.constant 0 : i32
    %dma_wait3A_831 = tpu.memref_slice %arg2[%dma_wait3A_830, %mul3A_2] : memref<200x4096xi32, #tpu.memory_space<hbm>> -> memref<4x128xi32, #tpu.memory_space<hbm>>
    %dma_wait3A_832 = arith.constant 0 : i32
    %dma_wait3A_833 = tpu.memref_slice %arg2[%dma_wait3A_832, %mul3A_2] : memref<200x4096xi32, #tpu.memory_space<hbm>> -> memref<4x128xi32, #tpu.memory_space<hbm>>
    tpu.wait_dma2 semaphore(%arg14 : memref<!tpu.dma_semaphore, #tpu.memory_space<semaphore_mem>>) src(%dma_wait3A_833 : memref<4x128xi32, #tpu.memory_space<hbm>>) dst(%arg8 : memref<4x128xi32, #tpu.memory_space<vmem>>)
    return
  }
}

</mosaic_0001>

<sc_bundles>
// kernel: kernel.3.cloned.1.call-start
scs
__scs_entry_jumppad:
0x0: {  	(pc) =	sbr.rel $0x88, $3  }
0x1: {  	(tag) =	ssettag $0x0;
	lr =	simm.s32 $0x1  }
0x2: {  	[smem:$0x3FA0] =	sst lr;
	_ =	strace $0xD0000000  }
0x3: {  	_ = 	snop  }
0x4: {  	_ = 	snop  }
0x5: {  	_ = 	snop  }
0x6: {  	_ = 	snop  }
0x7: {  	_ = 	snop  }
__scs_overlays_trampoline_lowered:
0x8: {  	[smem:$0x3FAF] =	sst s0  }
0x9: {  	[smem:$0x3FB0] =	sst s1  }
0xa: {  	[smem:$0x3FB1] =	sst s2  }
0xb: {  	[smem:$0x3FB2] =	sst s3  }
0xc: {  	[smem:$0x3FB3] =	sst s4  }
0xd: {  	[smem:$0x3FB4] =	sst s5  }
0xe: {  	[smem:$0x3FB5] =	sst s6  }
0xf: {  	[smem:$0x3FB6] =	sst s7  }
0x10: {  	[smem:$0x3FB7] =	sst s8  }
0x11: {  	[smem:$0x3FB8] =	sst s9;
	s0 =	simm.s32 @!p0 $0x0  }
0x12: {  	s1 =	sld [smem:$0x3F9E];
	s0 =	simm.s32 @p0 $0x1  }
0x13: {  	[smem:$0x3FB9] =	sst s0;
	s0 =	simm.s32 @!p1 $0x0  }
0x14: {  	s2 =	sld [smem:$0x3F9D];
	s0 =	simm.s32 @p1 $0x1  }
0x15: {  	[smem:$0x3FBA] =	sst s0;
	s0 =	simm.s32 @!p2 $0x0  }
0x16: {  	s3 =	sld [smem:$0x3FDB];
	s0 =	simm.s32 @p2 $0x1  }
0x17: {  	s4 =	simm.s32 $0x1BF5;
	[smem:$0x3FBC] =	sst s0  }
0x18: {  	s0 =	sld [smem:$0x3F9F];
	_ =	swait.ge [sflag:s4], $0x0  }
0x19: {  	s7 =	sld [smem:$0x3FA0]  }
0x1a: {  	s8 =	sadd.s32 $0xFFFFE003, lr  }
0x1b: {  	s9 =	sadd.s32 $0xFFFFFEF7, lr;
	s5 =	simm.s32 $0xFFFFFFFF;
	p2 =	slt.u32 s8, $0xFFFFF086  }
0x1c: {  	p1 =	slt.u32 s9, $0xF7A;
	s5 =	simm.s32 @!p2 $0x0  }
0x1d: {  	s5 =	simm.s32 @p1 $0x1;
	p0 =	seq.s32 s7, s2  }
0x1e: {  	s7 =	smul.u32 @!p0 $0xF7A, s2;
	p2 =	seq.s32 @!p0 s5, $0x0  }
0x1f: {  	s9 =	smul.u32 $0xF7A, s1;
	s8 =	simm.s32 @!p0 $0x1BF5;
	p2 =	por !p2, p0  }
0x20: {  	[sflag:s8] =	ssyncset.s32 @!p0 $0xFFFFF086;
	s6 =	sadd.s32 @!p0 s3, s7;
	s7 =	simm.s32 @!p0 $0x108  }
0x21: {  	s3 =	sadd.s32 s3, s9;
	s6 =	sadd.s32 @!p0 $0x88, s6;
	s7 =	simm.s32 @p2 $0x1082  }
0x22: {  	[simem:s7], [sflag:s8] =	dma.local @!p0 [hbm:s6], $0xF7A  }
0x23: {  	s9 =	sor.u32 $0xD0000000, s2;
	s6 =	simm.s32 $0x108;
	_ =	swait.ge @!p0 [sflag:s8], $0x0  }
0x24: {  	s3 =	sadd.s32 $0x88, s3;
	s6 =	simm.s32 @!p1 $0x1082;
	[sflag:s4] =	ssyncset.s32 $0xFFFFF086  }
0x25: {  	[simem:s6], [sflag:s4] =	dma.local [hbm:s3], $0xF7A  }
0x26: {  	[smem:$0x3FA0] =	sst s1;
	(tag) =	ssettag s2;
	_ =	strace s9  }
0x27: {  	s1 =	sld [smem:$0x3FB0]  }
0x28: {  	s2 =	sld [smem:$0x3FB1]  }
0x29: {  	s4 =	sld [smem:$0x3FB3]  }
0x2a: {  	p0 =	seq.s32 s5, $0x0;
	s5 =	sld [smem:$0x3FB4]  }
0x2b: {  	s6 =	sld [smem:$0x3FB5]  }
0x2c: {  	s7 =	sld [smem:$0x3FB6]  }
0x2d: {  	s3 =	simm.s32 $0x108;
	s8 =	sld [smem:$0x3FB7]  }
0x2e: {  	s3 =	simm.s32 @!p0 $0x1082;
	s9 =	sld [smem:$0x3FB8]  }
0x2f: {  	lr =	sadd.s32 s0, s3;
	s0 =	sld [smem:$0x3FAF]  }
0x30: {  	s3 =	sld [smem:$0x3FB2]  }
0x31: {  	[smem:$0x3FBB] =	sst s10  }
0x32: {  	s10 =	sld [smem:$0x3FB9];
	_ =	sdelay $0x3  }
0x33: {  	p0 =	seq.s32 s10, $0x1;
	s10 =	sld [smem:$0x3FBB];
	_ =	sdelay $0x3  }
0x34: {  	[smem:$0x3FBB] =	sst s10  }
0x35: {  	s10 =	sld [smem:$0x3FBA];
	_ =	sdelay $0x3  }
0x36: {  	p1 =	seq.s32 s10, $0x1;
	s10 =	sld [smem:$0x3FBB];
	_ =	sdelay $0x3  }
0x37: {  	[smem:$0x3FBB] =	sst s10  }
0x38: {  	s10 =	sld [smem:$0x3FBC]  }
0x39: {  	_ = 	snop;
	(pc) =	sbr.ind lr, $3  }
0x3a: {  	_ = 	snop  }
0x3b: {  	_ = 	snop  }
0x3c: {  	p2 =	seq.s32 s10, $0x1;
	s10 =	sld [smem:$0x3FBB]  }
0x3d: {  	_ =	shalt  }
0x3e: {  	_ =	shalt  }
0x3f: {  	_ =	shalt  }
0x40: {  	_ =	shalt  }
0x41: {  	_ =	shalt  }
0x42: {  	_ =	shalt  }
0x43: {  	_ =	shalt  }
0x44: {  	_ =	shalt  }
0x45: {  	_ =	shalt  }
0x46: {  	_ =	shalt  }
0x47: {  	_ =	shalt  }
0x48: {  	_ =	shalt  }
0x49: {  	_ =	shalt  }
0x4a: {  	_ =	shalt  }
0x4b: {  	_ =	shalt  }
0x4c: {  	_ =	shalt  }
0x4d: {  	_ =	shalt  }
0x4e: {  	_ =	shalt  }
0x4f: {  	_ =	shalt  }
0x50: {  	_ =	shalt  }
0x51: {  	_ =	shalt  }
0x52: {  	_ =	shalt  }
0x53: {  	_ =	shalt  }
0x54: {  	_ =	shalt  }
0x55: {  	_ =	shalt  }
0x56: {  	_ =	shalt  }
0x57: {  	_ =	shalt  }
0x58: {  	_ =	shalt  }
0x59: {  	_ =	shalt  }
0x5a: {  	_ =	shalt  }
0x5b: {  	_ =	shalt  }
0x5c: {  	_ =	shalt  }
0x5d: {  	_ =	shalt  }
0x5e: {  	_ =	shalt  }
0x5f: {  	_ =	shalt  }
0x60: {  	_ =	shalt  }
0x61: {  	_ =	shalt  }
0x62: {  	_ =	shalt  }
0x63: {  	_ =	shalt  }
0x64: {  	_ =	shalt  }
0x65: {  	_ =	shalt  }
0x66: {  	_ =	shalt  }
0x67: {  	_ =	shalt  }
0x68: {  	_ =	shalt  }
0x69: {  	_ =	shalt  }
0x6a: {  	_ =	shalt  }
0x6b: {  	_ =	shalt  }
0x6c: {  	_ =	shalt  }
0x6d: {  	_ =	shalt  }
0x6e: {  	_ =	shalt  }
0x6f: {  	_ =	shalt  }
0x70: {  	_ =	shalt  }
0x71: {  	_ =	shalt  }
0x72: {  	_ =	shalt  }
0x73: {  	_ =	shalt  }
0x74: {  	_ =	shalt  }
0x75: {  	_ =	shalt  }
0x76: {  	_ =	shalt  }
0x77: {  	_ =	shalt  }
0x78: {  	_ =	shalt  }
0x79: {  	_ =	shalt  }
0x7a: {  	_ =	shalt  }
0x7b: {  	_ =	shalt  }
0x7c: {  	_ =	shalt  }
0x7d: {  	_ =	shalt  }
0x7e: {  	_ =	shalt  }
0x7f: {  	_ =	shalt  }
0x80: {  	_ =	shalt  }
0x81: {  	_ =	shalt  }
0x82: {  	_ =	shalt  }
0x83: {  	_ =	shalt  }
0x84: {  	_ =	shalt  }
0x85: {  	_ =	shalt  }
0x86: {  	_ =	shalt  }
0x87: {  	_ =	shalt  }
.Lfunc_end0:
.L_simem_size_0:
called_computation_lowered:
.L_overlay_start_0:
0x88: {  	s2 =	sld [smem:$0x3FD9]  }
0x89: {  	s3 =	sld [smem:$0x3FFE];
	_ =	sdelay $0x1  }
0x8a: {  	s1 =	srdreg.scid  }
0x8b: {  	s0 =	sand.u32 $0x1, s1  }
0x8c: {  	s17 =	sshll.u32 s0, $0xA;
	s2 =	sadd.s32 s3, s2  }
0x8d: {  	s2 =	sadd.s32 s2, s17  }
0x8e: {  	[smem:$0x3FC7] =	sst s2  }
0x8f: {  	_ = 	snop  }
0x90: {  	s2 =	sld [smem:$0x3FC9]  }
0x91: {  	s18 =	sld [smem:$0x3FD0];
	(tm) =	ssettm $0x1  }
0x92: {  	s4 =	sld [smem:$0x3FFB];
	_ =	sdelay $0x3  }
0x93: {  	_ =	strace s4  }
0x94: {  	s4 =	sld [smem:$0x3FFC];
	_ =	sdelay $0x3  }
0x95: {  	_ =	strace s4  }
0x96: {  	s4 =	sld [smem:$0x3FFD];
	_ =	sdelay $0x3  }
0x97: {  	_ =	strace s4  }
0x98: {  	_ =	strace $0x8FFFFFFF  }
0x99: {  	s19 =	sld [smem:$0x3FDB];
	_ =	sdelay $0x1  }
0x9a: {  	s5 =	simm.s32 $_scs_section_size  }
0x9b: {  	s6 =	simm.s32 $_size__tile_overlayer_lowered;
	s7 =	simm.s32 $_tile_overlayer_lowered  }
0x9c: {  	s22 =	simm.s32 $0x1BFF;
	s21 =	sshll.u32 s7, $0x1;
	s4 =	sadd.s32 s5, s19  }
0x9d: {  	s8 =	simm.s32 $0x0;
	s20 =	sshll.u32 s6, $0x1;
	s6 =	sadd.s32 s21, s4  }
0x9e: {  	[timem:s8], [sflag:s22] =	dma.local [hbm:s6], s20  }
0x9f: {  	_ =	swait.ge [sflag:s22], s20  }
0xa0: {  	s5 =	ssub.s32 $0x0, s20;
	[sflag:s22] =	ssyncset.done $0x0  }
0xa1: {  	[sflag:s22] =	ssyncadd.s32 s5;
	_ =	sdelay $0x1  }
0xa2: {  	s23 =	simm.s32 $0x1B8B  }
0xa3: {  	_ =	swait.ge [sflag:s23], $0x1  }
0xa4: {  	[sflag:s23] =	ssyncset.done $0x0  }
0xa5: {  	s25 =	simm.s32 $0x1B8E;
	s24 =	sld [smem:$0x3FFE];
	[sflag:s23] =	ssyncadd.s32 $0xFFFFFFFF  }
0xa6: {  	s26 =	simm.s32 $execute0_lowered;
	[smem:$0x3FD2] =	sst s25  }
0xa7: {  	s6 =	sshll.u32 s26, $0x1;
	_ =	strace $0x80000046;
	[dreg:$0x1] =	wrdreg $0xFFFFFFFF  }
0xa8: {  	s28 =	simm.s32 $_size_execute0_lowered;
	s4 =	sadd.s32 s4, s6;
	[dreg:$0x0] =	wrdreg $0x0  }
0xa9: {  	s6 =	sshll.u32 s28, $0x1;
	[dreg:$0x2] =	wrdreg s4  }
0xaa: {  	[dreg:$0x3] =	wrdreg s6  }
0xab: {  	[dreg:$0x4] =	wrdreg $0xC0  }
0xac: {  	_ =	task [dreg:s8], $0x5FFFF  }
0xad: {  	[dreg:$0x1] =	wrdreg $0xFFFFFFFF  }
0xae: {  	[dreg:$0x0] =	wrdreg $0x60  }
0xaf: {  	[dreg:$0x2] =	wrdreg s2  }
0xb0: {  	[dreg:$0x3] =	wrdreg s24  }
0xb1: {  	[dreg:$0x4] =	wrdreg s18  }
0xb2: {  	[dreg:$0x5] =	wrdreg $0x9  }
0xb3: {  	_ =	task.clear_ibuf [dreg:s8], $0x6FFFF;
	_ =	strace $0x90000046  }
0xb4: {  	s29 =	simm.s32 $0x9;
	_ =	strace $0x80000048  }
0xb5: {  	_ =	swait.ge [sflag:s29], $0x1  }
0xb6: {  	[sflag:s29] =	ssyncadd.s32 $0xFFFFFFFF  }
0xb7: {  	_ =	strace $0x90000048  }
0xb8: {  	_ =	sfence  }
0xb9: {  	s30 =	sld [smem:$0x0];
	_ =	sdelay $0x2  }
0xba: {  	s31 =	sshll.u32 s1, $0xD;
	s1 =	sshrl.u32 s1, $0x2  }
0xbb: {  	s3 =	sand.u32 $0x4000, s31;
	s1 =	sadd.s32 s1, s30  }
0xbc: {  	s0 =	sor.u32 s3, s0;
	s1 =	sshll.u32 s1, $0x11  }
0xbd: {  	s0 =	sor.u32 s1, s0  }
0xbe: {  	s0 =	sadd.s32 $0x8F2B, s0  }
0xbf: {  	[sflag:s0] =	ssyncadd.remote.s32 $0x1  }
0xc0: {  	_ =	sfence.sel $0xFFFF  }
0xc1: {  	[dreg:$0x0] =	wrdreg $0xFFFFFFFF;
	(pc) =	sbr.abs _section_cstart, $3  }
0xc2: {  	[dreg:$0x1] =	wrdreg $0xFFFFFFFF  }
0xc3: {  	_ =	task.clear_ibuf [dreg:s8], $0x2FFFF;
	_ =	strace $0x9FFFFFFF  }
0xc4: {  	(tm) =	ssettm $0x7FFFFFFF  }
0xc5: {  	_ =	shalt  }
tec
execute0_lowered:
.L_overlay_start_1:
0x0: {  	(tag) =	ssettag $0x1  }
0x1: {  	s1 =	rddreg [dreg:$0x0]  }
0x2: {  	s0 =	rddreg [dreg:$0x1]  }
0x3: {  	s3 =	rddreg [dreg:$0x2];
	s2 =	srdreg.scid  }
0x4: {  	s4 =	simm.s32 $0x0;
	s5 =	stileid.u32;
	s28 =	simm.s32 $0x6800  }
0x5: {  	s29 =	simm.s32 $0x8000;
	s30 =	simm.s32 $0x2;
	s31 =	simm.s32 $0xA800  }
0x6: {  	s9 =	simm.s32 $0x3;
	s10 =	simm.s32 $0x4;
	s2 =	sand.u32 $0x1, s2  }
0x7: {  	[smem:$0x7FF] =	sst s4;
	s5 =	sshll.u32 s5, $0xB;
	s0 =	sadd.s32 $0x400, s0  }
0x8: {  	s8 =	sadd.s32 $0x40, s1;
	s6 =	sshll.u32 s2, $0xA;
	s2 =	ssub.s32 $0x2, s2  }
0x9: {  	_ =	strace $0x80000047;
	s5 =	sor.u32 s6, s5;
	s17 =	sshrl.u32 s2, $0x1  }
0xa: {  	[dreg:$0x6] =	wrdreg s0;
	s6 =	sshrl.u32 s5, $0x3;
	s0 =	ssub.s32 s2, s17  }
0xb: {  	s20 =	sor.u32 $0x18000, s5;
	s21 =	sor.u32 $0x500000, s5;
	s24 =	sor.u32 $0x10000, s5  }
0xc: {  	s26 =	sor.u32 $0x400000, s5;
	s17 =	simm.s32 $0x200;
	[dreg:$0x4] =	wrdreg s20  }
0xd: {  	s18 =	sadd.s32 s1, s6;
	s7 =	sadd.s32 s6, s8;
	[dreg:$0xd] =	wrdreg s24  }
0xe: {  	s12 =	sadd.s32 s6, s3;
	s23 =	sshrl.u32 s21, $0x3;
	[dreg:$0xe] =	wrdreg s26  }
0xf: {  	s0 =	smax.u32 s0, $0x1;
	s20 =	simm.s32 $0x800;
	[dreg:$0x8] =	wrdreg s7  }
0x10: {  	s21 =	simm.s32 $0x8800;
	s24 =	simm.s32 $0x1;
	[dreg:$0x7] =	wrdreg s18  }
0x11: {  	s26 =	simm.s32 $0x4800;
	s19 =	sadd.s32 $0x1000, s18;
	[dreg:$0xc] =	wrdreg s0  }
0x12: {  	s2 =	sadd.s32 $0x1040, s18;
	s22 =	sadd.s32 $0x20000, s12;
	[dreg:$0x9] =	wrdreg s19  }
0x13: {  	v0 =	vlaneseq.u32;
	s25 =	sadd.s32 s23, s3;
	s18 =	simm.s32 $0x400;
	[dreg:$0xa] =	wrdreg s2  }
0x14: {  	v1 =	vimm.f32 $1.000000000e+00;
	v9 =	vimm.f32 $0.0e+00;
	v2 =	vor.u32 $0x10, v0;
	s23 =	simm.s32 $0x6;
	s0 =	simm.s32 $0xC800;
	[dreg:$0xb] =	wrdreg s22  }
0x15: {  	v3 =	vor.u32 $0x20, v0;
	v4 =	vor.u32 $0x30, v0;
	v5 =	vor.u32 $0x40, v0;
	s7 =	simm.s32 $0x0;
	[dreg:$0x5] =	wrdreg s25;
	s19 =	simm.s32 $0x600  }
0x16: {  	v6 =	vor.u32 $0x50, v0;
	v7 =	vor.u32 $0x60, v0;
	v8 =	vor.u32 $0x70, v0;
	s22 =	simm.s32 $0x5;
	s25 =	simm.s32 $0x2800;
	s2 =	simm.s32 $0xE800  }
.LBB2_1:
0x17: {  	s6 =	rddreg [dreg:$0x7]  }
0x18: {  	[tilespmem:s4], [sflag:$0x1] =	stream.linear.gather [hbm4b:s6+s4], $0x200, $0x38;
	[tilespmem:$0x10800] =	vst v63  }
0x19: {  	s11 =	rddreg [dreg:$0x8]  }
0x1a: {  	[tilespmem:s17], [sflag:$0x2] =	stream.linear.gather [hbm4b:s11+s4], $0x200, $0x38;
	[tilespmem:$0x10800] =	vst v63  }
0x1b: {  	s13 =	rddreg [dreg:$0x9]  }
0x1c: {  	[tilespmem:s18], [sflag:$0x3] =	stream.linear.gather [hbm4b:s13+s4], $0x200, $0x38;
	[tilespmem:$0x10800] =	vst v63  }
0x1d: {  	s14 =	rddreg [dreg:$0xa]  }
0x1e: {  	[tilespmem:s19], [sflag:$0x4] =	stream.linear.gather [hbm4b:s14+s4], $0x200, $0x38;
	[tilespmem:$0x10800] =	vst v63  }
0x1f: {  	s15 =	rddreg [dreg:$0x6]  }
0x20: {  	[tilespmem:s20], [sflag:$0x5] =	stream.linear.gather [hbm4b:s15+s4], $0x8000, $0x38;
	[tilespmem:$0x10800] =	vst v63  }
0x21: {  	[dreg:$0xf] =	wrdreg s7  }
0x22: {  	[tilespmem:s21], [sflag:$0x6] =	stream.linear.gather [hbm4b:s15+s4], $0x8000, $0x38;
	[tilespmem:$0x10800] =	vst v63  }
0x23: {  	_ =	swait.ge [sflag:s22], $0x8000  }
0x24: {  	[sflag:s22] =	ssyncset.done $0x0  }
0x25: {  	[sflag:s22] =	ssyncadd.s32 $0xFFFF8000  }
0x26: {  	_ =	swait.ge [sflag:s23], $0x8000  }
0x27: {  	[sflag:s23] =	ssyncset.done $0x0  }
0x28: {  	[sflag:s23] =	ssyncadd.s32 $0xFFFF8000  }
0x29: {  	_ =	swait.ge [sflag:s24], $0x200  }
0x2a: {  	[sflag:s24] =	ssyncset.done $0x0  }
0x2b: {  	[sflag:s24] =	ssyncadd.s32 $0xFFFFFE00  }
0x2c: {  	v10 =	vld [tilespmem:$0x0];
	_ =	sdelay $0x4  }
0x2d: {  	v10 =	vshll.u32 v10, $0x7  }
0x2e: {  	v10 =	vor.u32 v0, v10;
	_ =	sdelay $0x4  }
0x2f: {  	[tilespmem:v10+s20+$0x0] =	vst.idx.msk $0xffff, v1  }
0x30: {  	v10 =	vld [tilespmem:$0x10];
	_ =	sdelay $0x4  }
0x31: {  	v10 =	vshll.u32 v10, $0x7  }
0x32: {  	v10 =	vor.u32 v2, v10;
	_ =	sdelay $0x4  }
0x33: {  	[tilespmem:v10+s20+$0x0] =	vst.idx.msk $0xffff, v1  }
0x34: {  	v10 =	vld [tilespmem:$0x20];
	_ =	sdelay $0x4  }
0x35: {  	v10 =	vshll.u32 v10, $0x7  }
0x36: {  	v10 =	vor.u32 v3, v10;
	_ =	sdelay $0x4  }
0x37: {  	[tilespmem:v10+s20+$0x0] =	vst.idx.msk $0xffff, v1  }
0x38: {  	v10 =	vld [tilespmem:$0x30];
	_ =	sdelay $0x4  }
0x39: {  	v10 =	vshll.u32 v10, $0x7  }
0x3a: {  	v10 =	vor.u32 v4, v10;
	_ =	sdelay $0x4  }
0x3b: {  	[tilespmem:v10+s20+$0x0] =	vst.idx.msk $0xffff, v1  }
0x3c: {  	v10 =	vld [tilespmem:$0x40];
	_ =	sdelay $0x4  }
0x3d: {  	v10 =	vshll.u32 v10, $0x7  }
0x3e: {  	v10 =	vor.u32 v5, v10;
	_ =	sdelay $0x4  }
0x3f: {  	[tilespmem:v10+s20+$0x0] =	vst.idx.msk $0xffff, v1  }
0x40: {  	v10 =	vld [tilespmem:$0x50];
	_ =	sdelay $0x4  }
0x41: {  	v10 =	vshll.u32 v10, $0x7  }
0x42: {  	v10 =	vor.u32 v6, v10;
	_ =	sdelay $0x4  }
0x43: {  	[tilespmem:v10+s20+$0x0] =	vst.idx.msk $0xffff, v1  }
0x44: {  	v10 =	vld [tilespmem:$0x60];
	_ =	sdelay $0x4  }
0x45: {  	v10 =	vshll.u32 v10, $0x7  }
0x46: {  	v10 =	vor.u32 v7, v10;
	_ =	sdelay $0x4  }
0x47: {  	[tilespmem:v10+s20+$0x0] =	vst.idx.msk $0xffff, v1  }
0x48: {  	v10 =	vld [tilespmem:$0x70];
	_ =	sdelay $0x4  }
0x49: {  	v10 =	vshll.u32 v10, $0x7  }
0x4a: {  	v10 =	vor.u32 v8, v10;
	_ =	sdelay $0x4  }
0x4b: {  	[tilespmem:v10+s20+$0x0] =	vst.idx.msk $0xffff, v1  }
0x4c: {  	v10 =	vld [tilespmem:$0x80];
	_ =	sdelay $0x4  }
0x4d: {  	v10 =	vshll.u32 v10, $0x7  }
0x4e: {  	v10 =	vor.u32 v0, v10;
	_ =	sdelay $0x4  }
0x4f: {  	[tilespmem:v10+s25+$0x0] =	vst.idx.msk $0xffff, v1  }
0x50: {  	v10 =	vld [tilespmem:$0x90];
	_ =	sdelay $0x4  }
0x51: {  	v10 =	vshll.u32 v10, $0x7  }
0x52: {  	v10 =	vor.u32 v2, v10;
	_ =	sdelay $0x4  }
0x53: {  	[tilespmem:v10+s25+$0x0] =	vst.idx.msk $0xffff, v1  }
0x54: {  	v10 =	vld [tilespmem:$0xA0];
	_ =	sdelay $0x4  }
0x55: {  	v10 =	vshll.u32 v10, $0x7  }
0x56: {  	v10 =	vor.u32 v3, v10;
	_ =	sdelay $0x4  }
0x57: {  	[tilespmem:v10+s25+$0x0] =	vst.idx.msk $0xffff, v1  }
0x58: {  	v10 =	vld [tilespmem:$0xB0];
	_ =	sdelay $0x4  }
0x59: {  	v10 =	vshll.u32 v10, $0x7  }
0x5a: {  	v10 =	vor.u32 v4, v10;
	_ =	sdelay $0x4  }
0x5b: {  	[tilespmem:v10+s25+$0x0] =	vst.idx.msk $0xffff, v1  }
0x5c: {  	v10 =	vld [tilespmem:$0xC0];
	_ =	sdelay $0x4  }
0x5d: {  	v10 =	vshll.u32 v10, $0x7  }
0x5e: {  	v10 =	vor.u32 v5, v10;
	_ =	sdelay $0x4  }
0x5f: {  	[tilespmem:v10+s25+$0x0] =	vst.idx.msk $0xffff, v1  }
0x60: {  	v10 =	vld [tilespmem:$0xD0];
	_ =	sdelay $0x4  }
0x61: {  	v10 =	vshll.u32 v10, $0x7  }
0x62: {  	v10 =	vor.u32 v6, v10;
	_ =	sdelay $0x4  }
0x63: {  	[tilespmem:v10+s25+$0x0] =	vst.idx.msk $0xffff, v1  }
0x64: {  	v10 =	vld [tilespmem:$0xE0];
	_ =	sdelay $0x4  }
0x65: {  	v10 =	vshll.u32 v10, $0x7  }
0x66: {  	v10 =	vor.u32 v7, v10;
	_ =	sdelay $0x4  }
0x67: {  	[tilespmem:v10+s25+$0x0] =	vst.idx.msk $0xffff, v1  }
0x68: {  	v10 =	vld [tilespmem:$0xF0];
	_ =	sdelay $0x4  }
0x69: {  	v10 =	vshll.u32 v10, $0x7  }
0x6a: {  	v10 =	vor.u32 v8, v10;
	_ =	sdelay $0x4  }
0x6b: {  	[tilespmem:v10+s25+$0x0] =	vst.idx.msk $0xffff, v1  }
0x6c: {  	v10 =	vld [tilespmem:$0x100];
	_ =	sdelay $0x4  }
0x6d: {  	v10 =	vshll.u32 v10, $0x7  }
0x6e: {  	v10 =	vor.u32 v0, v10;
	_ =	sdelay $0x4  }
0x6f: {  	[tilespmem:v10+s26+$0x0] =	vst.idx.msk $0xffff, v1  }
0x70: {  	v10 =	vld [tilespmem:$0x110];
	_ =	sdelay $0x4  }
0x71: {  	v10 =	vshll.u32 v10, $0x7  }
0x72: {  	v10 =	vor.u32 v2, v10;
	_ =	sdelay $0x4  }
0x73: {  	[tilespmem:v10+s26+$0x0] =	vst.idx.msk $0xffff, v1  }
0x74: {  	v10 =	vld [tilespmem:$0x120];
	_ =	sdelay $0x4  }
0x75: {  	v10 =	vshll.u32 v10, $0x7  }
0x76: {  	v10 =	vor.u32 v3, v10;
	_ =	sdelay $0x4  }
0x77: {  	[tilespmem:v10+s26+$0x0] =	vst.idx.msk $0xffff, v1  }
0x78: {  	v10 =	vld [tilespmem:$0x130];
	_ =	sdelay $0x4  }
0x79: {  	v10 =	vshll.u32 v10, $0x7  }
0x7a: {  	v10 =	vor.u32 v4, v10;
	_ =	sdelay $0x4  }
0x7b: {  	[tilespmem:v10+s26+$0x0] =	vst.idx.msk $0xffff, v1  }
0x7c: {  	v10 =	vld [tilespmem:$0x140];
	_ =	sdelay $0x4  }
0x7d: {  	v10 =	vshll.u32 v10, $0x7  }
0x7e: {  	v10 =	vor.u32 v5, v10;
	_ =	sdelay $0x4  }
0x7f: {  	[tilespmem:v10+s26+$0x0] =	vst.idx.msk $0xffff, v1  }
0x80: {  	v10 =	vld [tilespmem:$0x150];
	_ =	sdelay $0x4  }
0x81: {  	v10 =	vshll.u32 v10, $0x7  }
0x82: {  	v10 =	vor.u32 v6, v10;
	_ =	sdelay $0x4  }
0x83: {  	[tilespmem:v10+s26+$0x0] =	vst.idx.msk $0xffff, v1  }
0x84: {  	v10 =	vld [tilespmem:$0x160];
	_ =	sdelay $0x4  }
0x85: {  	v10 =	vshll.u32 v10, $0x7  }
0x86: {  	v10 =	vor.u32 v7, v10;
	_ =	sdelay $0x4  }
0x87: {  	[tilespmem:v10+s26+$0x0] =	vst.idx.msk $0xffff, v1  }
0x88: {  	v10 =	vld [tilespmem:$0x170];
	_ =	sdelay $0x4  }
0x89: {  	v10 =	vshll.u32 v10, $0x7  }
0x8a: {  	v10 =	vor.u32 v8, v10;
	_ =	sdelay $0x4  }
0x8b: {  	[tilespmem:v10+s26+$0x0] =	vst.idx.msk $0xffff, v1  }
0x8c: {  	v10 =	vld [tilespmem:$0x180];
	_ =	sdelay $0x4  }
0x8d: {  	v10 =	vshll.u32 v10, $0x7  }
0x8e: {  	v10 =	vor.u32 v0, v10;
	_ =	sdelay $0x4  }
0x8f: {  	[tilespmem:v10+s28+$0x0] =	vst.idx.msk $0xffff, v1  }
0x90: {  	v10 =	vld [tilespmem:$0x190];
	_ =	sdelay $0x4  }
0x91: {  	v10 =	vshll.u32 v10, $0x7  }
0x92: {  	v10 =	vor.u32 v2, v10;
	_ =	sdelay $0x4  }
0x93: {  	[tilespmem:v10+s28+$0x0] =	vst.idx.msk $0xffff, v1  }
0x94: {  	v10 =	vld [tilespmem:$0x1A0];
	_ =	sdelay $0x4  }
0x95: {  	v10 =	vshll.u32 v10, $0x7  }
0x96: {  	v10 =	vor.u32 v3, v10;
	_ =	sdelay $0x4  }
0x97: {  	[tilespmem:v10+s28+$0x0] =	vst.idx.msk $0xffff, v1  }
0x98: {  	v10 =	vld [tilespmem:$0x1B0];
	_ =	sdelay $0x4  }
0x99: {  	v10 =	vshll.u32 v10, $0x7  }
0x9a: {  	v10 =	vor.u32 v4, v10;
	_ =	sdelay $0x4  }
0x9b: {  	[tilespmem:v10+s28+$0x0] =	vst.idx.msk $0xffff, v1  }
0x9c: {  	v10 =	vld [tilespmem:$0x1C0];
	_ =	sdelay $0x4  }
0x9d: {  	v10 =	vshll.u32 v10, $0x7  }
0x9e: {  	v10 =	vor.u32 v5, v10;
	_ =	sdelay $0x4  }
0x9f: {  	[tilespmem:v10+s28+$0x0] =	vst.idx.msk $0xffff, v1  }
0xa0: {  	v10 =	vld [tilespmem:$0x1D0];
	_ =	sdelay $0x4  }
0xa1: {  	v10 =	vshll.u32 v10, $0x7  }
0xa2: {  	v10 =	vor.u32 v6, v10;
	_ =	sdelay $0x4  }
0xa3: {  	[tilespmem:v10+s28+$0x0] =	vst.idx.msk $0xffff, v1  }
0xa4: {  	v10 =	vld [tilespmem:$0x1E0];
	_ =	sdelay $0x4  }
0xa5: {  	v10 =	vshll.u32 v10, $0x7  }
0xa6: {  	v10 =	vor.u32 v7, v10;
	_ =	sdelay $0x4  }
0xa7: {  	[tilespmem:v10+s28+$0x0] =	vst.idx.msk $0xffff, v1  }
0xa8: {  	v10 =	vld [tilespmem:$0x1F0];
	_ =	sdelay $0x4  }
0xa9: {  	v10 =	vshll.u32 v10, $0x7  }
0xaa: {  	v10 =	vor.u32 v8, v10;
	_ =	sdelay $0x4  }
0xab: {  	[tilespmem:v10+s28+$0x0] =	vst.idx.msk $0xffff, v1  }
0xac: {  	[hbm4b:s12+s18] =	stream.strided.scatter [tilespmem:s20], [sflag:$0x5], $0x8000, s29, s18, $0x38;
	[tilespmem:$0x10800] =	vst v63  }
0xad: {  	_ =	swait.ge [sflag:s30], $0x200  }
0xae: {  	[sflag:s30] =	ssyncset.done $0x0  }
0xaf: {  	[sflag:s30] =	ssyncadd.s32 $0xFFFFFE00  }
0xb0: {  	v10 =	vld [tilespmem:$0x200];
	_ =	sdelay $0x4  }
0xb1: {  	v10 =	vshll.u32 v10, $0x7  }
0xb2: {  	v10 =	vor.u32 v0, v10;
	_ =	sdelay $0x4  }
0xb3: {  	[tilespmem:v10+s21+$0x0] =	vst.idx.msk $0xffff, v1  }
0xb4: {  	v10 =	vld [tilespmem:$0x210];
	_ =	sdelay $0x4  }
0xb5: {  	v10 =	vshll.u32 v10, $0x7  }
0xb6: {  	v10 =	vor.u32 v2, v10;
	_ =	sdelay $0x4  }
0xb7: {  	[tilespmem:v10+s21+$0x0] =	vst.idx.msk $0xffff, v1  }
0xb8: {  	v10 =	vld [tilespmem:$0x220];
	_ =	sdelay $0x4  }
0xb9: {  	v10 =	vshll.u32 v10, $0x7  }
0xba: {  	v10 =	vor.u32 v3, v10;
	_ =	sdelay $0x4  }
0xbb: {  	[tilespmem:v10+s21+$0x0] =	vst.idx.msk $0xffff, v1  }
0xbc: {  	v10 =	vld [tilespmem:$0x230];
	_ =	sdelay $0x4  }
0xbd: {  	v10 =	vshll.u32 v10, $0x7  }
0xbe: {  	v10 =	vor.u32 v4, v10;
	_ =	sdelay $0x4  }
0xbf: {  	[tilespmem:v10+s21+$0x0] =	vst.idx.msk $0xffff, v1  }
0xc0: {  	v10 =	vld [tilespmem:$0x240];
	_ =	sdelay $0x4  }
0xc1: {  	v10 =	vshll.u32 v10, $0x7  }
0xc2: {  	v10 =	vor.u32 v5, v10;
	_ =	sdelay $0x4  }
0xc3: {  	[tilespmem:v10+s21+$0x0] =	vst.idx.msk $0xffff, v1  }
0xc4: {  	v10 =	vld [tilespmem:$0x250];
	_ =	sdelay $0x4  }
0xc5: {  	v10 =	vshll.u32 v10, $0x7  }
0xc6: {  	v10 =	vor.u32 v6, v10;
	_ =	sdelay $0x4  }
0xc7: {  	[tilespmem:v10+s21+$0x0] =	vst.idx.msk $0xffff, v1  }
0xc8: {  	v10 =	vld [tilespmem:$0x260];
	_ =	sdelay $0x4  }
0xc9: {  	v10 =	vshll.u32 v10, $0x7  }
0xca: {  	v10 =	vor.u32 v7, v10;
	_ =	sdelay $0x4  }
0xcb: {  	[tilespmem:v10+s21+$0x0] =	vst.idx.msk $0xffff, v1  }
0xcc: {  	v10 =	vld [tilespmem:$0x270];
	_ =	sdelay $0x4  }
0xcd: {  	v10 =	vshll.u32 v10, $0x7  }
0xce: {  	v10 =	vor.u32 v8, v10;
	_ =	sdelay $0x4  }
0xcf: {  	[tilespmem:v10+s21+$0x0] =	vst.idx.msk $0xffff, v1  }
0xd0: {  	v10 =	vld [tilespmem:$0x280];
	_ =	sdelay $0x4  }
0xd1: {  	v10 =	vshll.u32 v10, $0x7  }
0xd2: {  	v10 =	vor.u32 v0, v10;
	_ =	sdelay $0x4  }
0xd3: {  	[tilespmem:v10+s31+$0x0] =	vst.idx.msk $0xffff, v1  }
0xd4: {  	v10 =	vld [tilespmem:$0x290];
	_ =	sdelay $0x4  }
0xd5: {  	v10 =	vshll.u32 v10, $0x7  }
0xd6: {  	v10 =	vor.u32 v2, v10;
	_ =	sdelay $0x4  }
0xd7: {  	[tilespmem:v10+s31+$0x0] =	vst.idx.msk $0xffff, v1  }
0xd8: {  	v10 =	vld [tilespmem:$0x2A0];
	_ =	sdelay $0x4  }
0xd9: {  	v10 =	vshll.u32 v10, $0x7  }
0xda: {  	v10 =	vor.u32 v3, v10;
	_ =	sdelay $0x4  }
0xdb: {  	[tilespmem:v10+s31+$0x0] =	vst.idx.msk $0xffff, v1  }
0xdc: {  	v10 =	vld [tilespmem:$0x2B0];
	_ =	sdelay $0x4  }
0xdd: {  	v10 =	vshll.u32 v10, $0x7  }
0xde: {  	v10 =	vor.u32 v4, v10;
	_ =	sdelay $0x4  }
0xdf: {  	[tilespmem:v10+s31+$0x0] =	vst.idx.msk $0xffff, v1  }
0xe0: {  	v10 =	vld [tilespmem:$0x2C0];
	_ =	sdelay $0x4  }
0xe1: {  	v10 =	vshll.u32 v10, $0x7  }
0xe2: {  	v10 =	vor.u32 v5, v10;
	_ =	sdelay $0x4  }
0xe3: {  	[tilespmem:v10+s31+$0x0] =	vst.idx.msk $0xffff, v1  }
0xe4: {  	v10 =	vld [tilespmem:$0x2D0];
	_ =	sdelay $0x4  }
0xe5: {  	v10 =	vshll.u32 v10, $0x7  }
0xe6: {  	v10 =	vor.u32 v6, v10;
	_ =	sdelay $0x4  }
0xe7: {  	[tilespmem:v10+s31+$0x0] =	vst.idx.msk $0xffff, v1  }
0xe8: {  	v10 =	vld [tilespmem:$0x2E0];
	_ =	sdelay $0x4  }
0xe9: {  	v10 =	vshll.u32 v10, $0x7  }
0xea: {  	v10 =	vor.u32 v7, v10;
	_ =	sdelay $0x4  }
0xeb: {  	[tilespmem:v10+s31+$0x0] =	vst.idx.msk $0xffff, v1  }
0xec: {  	v10 =	vld [tilespmem:$0x2F0];
	_ =	sdelay $0x4  }
0xed: {  	v10 =	vshll.u32 v10, $0x7  }
0xee: {  	v10 =	vor.u32 v8, v10;
	_ =	sdelay $0x4  }
0xef: {  	[tilespmem:v10+s31+$0x0] =	vst.idx.msk $0xffff, v1  }
0xf0: {  	v10 =	vld [tilespmem:$0x300];
	_ =	sdelay $0x4  }
0xf1: {  	v10 =	vshll.u32 v10, $0x7  }
0xf2: {  	v10 =	vor.u32 v0, v10;
	_ =	sdelay $0x4  }
0xf3: {  	[tilespmem:v10+s0+$0x0] =	vst.idx.msk $0xffff, v1  }
0xf4: {  	v10 =	vld [tilespmem:$0x310];
	_ =	sdelay $0x4  }
0xf5: {  	v10 =	vshll.u32 v10, $0x7  }
0xf6: {  	v10 =	vor.u32 v2, v10;
	_ =	sdelay $0x4  }
0xf7: {  	[tilespmem:v10+s0+$0x0] =	vst.idx.msk $0xffff, v1  }
0xf8: {  	v10 =	vld [tilespmem:$0x320];
	_ =	sdelay $0x4  }
0xf9: {  	v10 =	vshll.u32 v10, $0x7  }
0xfa: {  	v10 =	vor.u32 v3, v10;
	_ =	sdelay $0x4  }
0xfb: {  	[tilespmem:v10+s0+$0x0] =	vst.idx.msk $0xffff, v1  }
0xfc: {  	v10 =	vld [tilespmem:$0x330];
	_ =	sdelay $0x4  }
0xfd: {  	v10 =	vshll.u32 v10, $0x7  }
0xfe: {  	v10 =	vor.u32 v4, v10;
	_ =	sdelay $0x4  }
0xff: {  	[tilespmem:v10+s0+$0x0] =	vst.idx.msk $0xffff, v1  }
0x100: {  	v10 =	vld [tilespmem:$0x340];
	_ =	sdelay $0x4  }
0x101: {  	v10 =	vshll.u32 v10, $0x7  }
0x102: {  	v10 =	vor.u32 v5, v10;
	_ =	sdelay $0x4  }
0x103: {  	[tilespmem:v10+s0+$0x0] =	vst.idx.msk $0xffff, v1  }
0x104: {  	v10 =	vld [tilespmem:$0x350];
	_ =	sdelay $0x4  }
0x105: {  	v10 =	vshll.u32 v10, $0x7  }
0x106: {  	v10 =	vor.u32 v6, v10;
	_ =	sdelay $0x4  }
0x107: {  	[tilespmem:v10+s0+$0x0] =	vst.idx.msk $0xffff, v1  }
0x108: {  	v10 =	vld [tilespmem:$0x360];
	_ =	sdelay $0x4  }
0x109: {  	v10 =	vshll.u32 v10, $0x7  }
0x10a: {  	v10 =	vor.u32 v7, v10;
	_ =	sdelay $0x4  }
0x10b: {  	[tilespmem:v10+s0+$0x0] =	vst.idx.msk $0xffff, v1  }
0x10c: {  	v10 =	vld [tilespmem:$0x370];
	_ =	sdelay $0x4  }
0x10d: {  	v10 =	vshll.u32 v10, $0x7  }
0x10e: {  	v10 =	vor.u32 v8, v10;
	_ =	sdelay $0x4  }
0x10f: {  	[tilespmem:v10+s0+$0x0] =	vst.idx.msk $0xffff, v1  }
0x110: {  	v10 =	vld [tilespmem:$0x380];
	_ =	sdelay $0x4  }
0x111: {  	v10 =	vshll.u32 v10, $0x7  }
0x112: {  	v10 =	vor.u32 v0, v10;
	_ =	sdelay $0x4  }
0x113: {  	[tilespmem:v10+s2+$0x0] =	vst.idx.msk $0xffff, v1  }
0x114: {  	v10 =	vld [tilespmem:$0x390];
	_ =	sdelay $0x4  }
0x115: {  	v10 =	vshll.u32 v10, $0x7  }
0x116: {  	v10 =	vor.u32 v2, v10;
	_ =	sdelay $0x4  }
0x117: {  	[tilespmem:v10+s2+$0x0] =	vst.idx.msk $0xffff, v1  }
0x118: {  	v10 =	vld [tilespmem:$0x3A0];
	_ =	sdelay $0x4  }
0x119: {  	v10 =	vshll.u32 v10, $0x7  }
0x11a: {  	v10 =	vor.u32 v3, v10;
	_ =	sdelay $0x4  }
0x11b: {  	[tilespmem:v10+s2+$0x0] =	vst.idx.msk $0xffff, v1  }
0x11c: {  	v10 =	vld [tilespmem:$0x3B0];
	_ =	sdelay $0x4  }
0x11d: {  	v10 =	vshll.u32 v10, $0x7  }
0x11e: {  	v10 =	vor.u32 v4, v10;
	_ =	sdelay $0x4  }
0x11f: {  	[tilespmem:v10+s2+$0x0] =	vst.idx.msk $0xffff, v1  }
0x120: {  	v10 =	vld [tilespmem:$0x3C0];
	_ =	sdelay $0x4  }
0x121: {  	v10 =	vshll.u32 v10, $0x7  }
0x122: {  	v10 =	vor.u32 v5, v10;
	_ =	sdelay $0x4  }
0x123: {  	[tilespmem:v10+s2+$0x0] =	vst.idx.msk $0xffff, v1  }
0x124: {  	v10 =	vld [tilespmem:$0x3D0];
	_ =	sdelay $0x4  }
0x125: {  	v10 =	vshll.u32 v10, $0x7  }
0x126: {  	v10 =	vor.u32 v6, v10;
	_ =	sdelay $0x4  }
0x127: {  	[tilespmem:v10+s2+$0x0] =	vst.idx.msk $0xffff, v1  }
0x128: {  	v10 =	vld [tilespmem:$0x3E0];
	_ =	sdelay $0x4  }
0x129: {  	v10 =	vshll.u32 v10, $0x7  }
0x12a: {  	v10 =	vor.u32 v7, v10;
	_ =	sdelay $0x4  }
0x12b: {  	[tilespmem:v10+s2+$0x0] =	vst.idx.msk $0xffff, v1  }
0x12c: {  	v10 =	vld [tilespmem:$0x3F0];
	_ =	sdelay $0x4  }
0x12d: {  	v10 =	vshll.u32 v10, $0x7  }
0x12e: {  	v10 =	vor.u32 v8, v10;
	_ =	sdelay $0x3  }
0x12f: {  	s16 =	rddreg [dreg:$0xb]  }
0x130: {  	s15 =	rddreg [dreg:$0xd];
	[tilespmem:v10+s2+$0x0] =	vst.idx.msk $0xffff, v1  }
0x131: {  	[hbm4b:s16+s18] =	stream.strided.scatter [tilespmem:s21], [sflag:$0x6], $0x8000, s29, s18, $0x38;
	[tilespmem:$0x10800] =	vst v63  }
0x132: {  	s13 =	simm.s32 $0x0;
	s14 =	simm.s32 $0x0;
	s16 =	rddreg [dreg:$0xe]  }
.LBB2_2:
0x133: {  	_ =	swait.ge [sflag:s22], $0x8000  }
0x134: {  	[sflag:s22] =	ssyncset.done $0x0  }
0x135: {  	[sflag:s22] =	ssyncadd.s32 $0xFFFF8000  }
0x136: {  	v10 =	vld [tilespmem:$0x0];
	_ =	sdelay $0x4  }
0x137: {  	v10 =	vshll.u32 v10, $0x7  }
0x138: {  	v10 =	vor.u32 v0, v10;
	_ =	sdelay $0x4  }
0x139: {  	[tilespmem:v10+s20+$0x0] =	vst.idx.msk $0xffff, v9  }
0x13a: {  	v10 =	vld [tilespmem:$0x10];
	_ =	sdelay $0x4  }
0x13b: {  	v10 =	vshll.u32 v10, $0x7  }
0x13c: {  	v10 =	vor.u32 v2, v10;
	_ =	sdelay $0x4  }
0x13d: {  	[tilespmem:v10+s20+$0x0] =	vst.idx.msk $0xffff, v9  }
0x13e: {  	v10 =	vld [tilespmem:$0x20];
	_ =	sdelay $0x4  }
0x13f: {  	v10 =	vshll.u32 v10, $0x7  }
0x140: {  	v10 =	vor.u32 v3, v10;
	_ =	sdelay $0x4  }
0x141: {  	[tilespmem:v10+s20+$0x0] =	vst.idx.msk $0xffff, v9  }
0x142: {  	v10 =	vld [tilespmem:$0x30];
	_ =	sdelay $0x4  }
0x143: {  	v10 =	vshll.u32 v10, $0x7  }
0x144: {  	v10 =	vor.u32 v4, v10;
	_ =	sdelay $0x4  }
0x145: {  	[tilespmem:v10+s20+$0x0] =	vst.idx.msk $0xffff, v9  }
0x146: {  	v10 =	vld [tilespmem:$0x40];
	_ =	sdelay $0x4  }
0x147: {  	v10 =	vshll.u32 v10, $0x7  }
0x148: {  	v10 =	vor.u32 v5, v10;
	_ =	sdelay $0x4  }
0x149: {  	[tilespmem:v10+s20+$0x0] =	vst.idx.msk $0xffff, v9  }
0x14a: {  	v10 =	vld [tilespmem:$0x50];
	_ =	sdelay $0x4  }
0x14b: {  	v10 =	vshll.u32 v10, $0x7  }
0x14c: {  	v10 =	vor.u32 v6, v10;
	_ =	sdelay $0x4  }
0x14d: {  	[tilespmem:v10+s20+$0x0] =	vst.idx.msk $0xffff, v9  }
0x14e: {  	v10 =	vld [tilespmem:$0x60];
	_ =	sdelay $0x4  }
0x14f: {  	v10 =	vshll.u32 v10, $0x7  }
0x150: {  	v10 =	vor.u32 v7, v10;
	_ =	sdelay $0x4  }
0x151: {  	[tilespmem:v10+s20+$0x0] =	vst.idx.msk $0xffff, v9  }
0x152: {  	v10 =	vld [tilespmem:$0x70];
	_ =	sdelay $0x4  }
0x153: {  	v10 =	vshll.u32 v10, $0x7  }
0x154: {  	v10 =	vor.u32 v8, v10;
	_ =	sdelay $0x4  }
0x155: {  	[tilespmem:v10+s20+$0x0] =	vst.idx.msk $0xffff, v9  }
0x156: {  	v10 =	vld [tilespmem:$0x80];
	_ =	sdelay $0x4  }
0x157: {  	v10 =	vshll.u32 v10, $0x7  }
0x158: {  	v10 =	vor.u32 v0, v10;
	_ =	sdelay $0x4  }
0x159: {  	[tilespmem:v10+s25+$0x0] =	vst.idx.msk $0xffff, v9  }
0x15a: {  	v10 =	vld [tilespmem:$0x90];
	_ =	sdelay $0x4  }
0x15b: {  	v10 =	vshll.u32 v10, $0x7  }
0x15c: {  	v10 =	vor.u32 v2, v10;
	_ =	sdelay $0x4  }
0x15d: {  	[tilespmem:v10+s25+$0x0] =	vst.idx.msk $0xffff, v9  }
0x15e: {  	v10 =	vld [tilespmem:$0xA0];
	_ =	sdelay $0x4  }
0x15f: {  	v10 =	vshll.u32 v10, $0x7  }
0x160: {  	v10 =	vor.u32 v3, v10;
	_ =	sdelay $0x4  }
0x161: {  	[tilespmem:v10+s25+$0x0] =	vst.idx.msk $0xffff, v9  }
0x162: {  	v10 =	vld [tilespmem:$0xB0];
	_ =	sdelay $0x4  }
0x163: {  	v10 =	vshll.u32 v10, $0x7  }
0x164: {  	v10 =	vor.u32 v4, v10;
	_ =	sdelay $0x4  }
0x165: {  	[tilespmem:v10+s25+$0x0] =	vst.idx.msk $0xffff, v9  }
0x166: {  	v10 =	vld [tilespmem:$0xC0];
	_ =	sdelay $0x4  }
0x167: {  	v10 =	vshll.u32 v10, $0x7  }
0x168: {  	v10 =	vor.u32 v5, v10;
	_ =	sdelay $0x4  }
0x169: {  	[tilespmem:v10+s25+$0x0] =	vst.idx.msk $0xffff, v9  }
0x16a: {  	v10 =	vld [tilespmem:$0xD0];
	_ =	sdelay $0x4  }
0x16b: {  	v10 =	vshll.u32 v10, $0x7  }
0x16c: {  	v10 =	vor.u32 v6, v10;
	_ =	sdelay $0x4  }
0x16d: {  	[tilespmem:v10+s25+$0x0] =	vst.idx.msk $0xffff, v9  }
0x16e: {  	v10 =	vld [tilespmem:$0xE0];
	_ =	sdelay $0x4  }
0x16f: {  	v10 =	vshll.u32 v10, $0x7  }
0x170: {  	v10 =	vor.u32 v7, v10;
	_ =	sdelay $0x4  }
0x171: {  	[tilespmem:v10+s25+$0x0] =	vst.idx.msk $0xffff, v9  }
0x172: {  	v10 =	vld [tilespmem:$0xF0];
	_ =	sdelay $0x4  }
0x173: {  	v10 =	vshll.u32 v10, $0x7  }
0x174: {  	v10 =	vor.u32 v8, v10;
	_ =	sdelay $0x4  }
0x175: {  	[tilespmem:v10+s25+$0x0] =	vst.idx.msk $0xffff, v9  }
0x176: {  	v10 =	vld [tilespmem:$0x100];
	_ =	sdelay $0x4  }
0x177: {  	v10 =	vshll.u32 v10, $0x7  }
0x178: {  	v10 =	vor.u32 v0, v10;
	_ =	sdelay $0x4  }
0x179: {  	[tilespmem:v10+s26+$0x0] =	vst.idx.msk $0xffff, v9  }
0x17a: {  	v10 =	vld [tilespmem:$0x110];
	_ =	sdelay $0x4  }
0x17b: {  	v10 =	vshll.u32 v10, $0x7  }
0x17c: {  	v10 =	vor.u32 v2, v10;
	_ =	sdelay $0x4  }
0x17d: {  	[tilespmem:v10+s26+$0x0] =	vst.idx.msk $0xffff, v9  }
0x17e: {  	v10 =	vld [tilespmem:$0x120];
	_ =	sdelay $0x4  }
0x17f: {  	v10 =	vshll.u32 v10, $0x7  }
0x180: {  	v10 =	vor.u32 v3, v10;
	_ =	sdelay $0x4  }
0x181: {  	[tilespmem:v10+s26+$0x0] =	vst.idx.msk $0xffff, v9  }
0x182: {  	v10 =	vld [tilespmem:$0x130];
	_ =	sdelay $0x4  }
0x183: {  	v10 =	vshll.u32 v10, $0x7  }
0x184: {  	v10 =	vor.u32 v4, v10;
	_ =	sdelay $0x4  }
0x185: {  	[tilespmem:v10+s26+$0x0] =	vst.idx.msk $0xffff, v9  }
0x186: {  	v10 =	vld [tilespmem:$0x140];
	_ =	sdelay $0x4  }
0x187: {  	v10 =	vshll.u32 v10, $0x7  }
0x188: {  	v10 =	vor.u32 v5, v10;
	_ =	sdelay $0x4  }
0x189: {  	[tilespmem:v10+s26+$0x0] =	vst.idx.msk $0xffff, v9  }
0x18a: {  	v10 =	vld [tilespmem:$0x150];
	_ =	sdelay $0x4  }
0x18b: {  	v10 =	vshll.u32 v10, $0x7  }
0x18c: {  	v10 =	vor.u32 v6, v10;
	_ =	sdelay $0x4  }
0x18d: {  	[tilespmem:v10+s26+$0x0] =	vst.idx.msk $0xffff, v9  }
0x18e: {  	v10 =	vld [tilespmem:$0x160];
	_ =	sdelay $0x4  }
0x18f: {  	v10 =	vshll.u32 v10, $0x7  }
0x190: {  	v10 =	vor.u32 v7, v10;
	_ =	sdelay $0x4  }
0x191: {  	[tilespmem:v10+s26+$0x0] =	vst.idx.msk $0xffff, v9  }
0x192: {  	v10 =	vld [tilespmem:$0x170];
	_ =	sdelay $0x4  }
0x193: {  	v10 =	vshll.u32 v10, $0x7  }
0x194: {  	v10 =	vor.u32 v8, v10;
	_ =	sdelay $0x4  }
0x195: {  	[tilespmem:v10+s26+$0x0] =	vst.idx.msk $0xffff, v9  }
0x196: {  	v10 =	vld [tilespmem:$0x180];
	_ =	sdelay $0x4  }
0x197: {  	v10 =	vshll.u32 v10, $0x7  }
0x198: {  	v10 =	vor.u32 v0, v10;
	_ =	sdelay $0x4  }
0x199: {  	[tilespmem:v10+s28+$0x0] =	vst.idx.msk $0xffff, v9  }
0x19a: {  	v10 =	vld [tilespmem:$0x190];
	_ =	sdelay $0x4  }
0x19b: {  	v10 =	vshll.u32 v10, $0x7  }
0x19c: {  	v10 =	vor.u32 v2, v10;
	_ =	sdelay $0x4  }
0x19d: {  	[tilespmem:v10+s28+$0x0] =	vst.idx.msk $0xffff, v9  }
0x19e: {  	v10 =	vld [tilespmem:$0x1A0];
	_ =	sdelay $0x4  }
0x19f: {  	v10 =	vshll.u32 v10, $0x7  }
0x1a0: {  	v10 =	vor.u32 v3, v10;
	_ =	sdelay $0x4  }
0x1a1: {  	[tilespmem:v10+s28+$0x0] =	vst.idx.msk $0xffff, v9  }
0x1a2: {  	v10 =	vld [tilespmem:$0x1B0];
	_ =	sdelay $0x4  }
0x1a3: {  	v10 =	vshll.u32 v10, $0x7  }
0x1a4: {  	v10 =	vor.u32 v4, v10;
	_ =	sdelay $0x4  }
0x1a5: {  	[tilespmem:v10+s28+$0x0] =	vst.idx.msk $0xffff, v9  }
0x1a6: {  	v10 =	vld [tilespmem:$0x1C0];
	_ =	sdelay $0x4  }
0x1a7: {  	v10 =	vshll.u32 v10, $0x7  }
0x1a8: {  	v10 =	vor.u32 v5, v10;
	_ =	sdelay $0x4  }
0x1a9: {  	[tilespmem:v10+s28+$0x0] =	vst.idx.msk $0xffff, v9  }
0x1aa: {  	v10 =	vld [tilespmem:$0x1D0];
	_ =	sdelay $0x4  }
0x1ab: {  	v10 =	vshll.u32 v10, $0x7  }
0x1ac: {  	v10 =	vor.u32 v6, v10;
	_ =	sdelay $0x4  }
0x1ad: {  	[tilespmem:v10+s28+$0x0] =	vst.idx.msk $0xffff, v9  }
0x1ae: {  	v10 =	vld [tilespmem:$0x1E0];
	_ =	sdelay $0x4  }
0x1af: {  	v10 =	vshll.u32 v10, $0x7  }
0x1b0: {  	v10 =	vor.u32 v7, v10;
	_ =	sdelay $0x4  }
0x1b1: {  	[tilespmem:v10+s28+$0x0] =	vst.idx.msk $0xffff, v9  }
0x1b2: {  	v10 =	vld [tilespmem:$0x1F0];
	_ =	sdelay $0x4  }
0x1b3: {  	v10 =	vshll.u32 v10, $0x7  }
0x1b4: {  	v10 =	vor.u32 v8, v10;
	_ =	sdelay $0x3  }
0x1b5: {  	s7 =	sshrl.u32 s15, $0x3  }
0x1b6: {  	s6 =	sadd.s32 s1, s7;
	[tilespmem:v10+s28+$0x0] =	vst.idx.msk $0xffff, v9  }
0x1b7: {  	[tilespmem:s4], [sflag:$0x1] =	stream.linear.gather [hbm4b:s6+s4], $0x200, $0x38;
	[tilespmem:$0x10800] =	vst v63  }
0x1b8: {  	_ =	swait.ge [sflag:s9], $0x200  }
0x1b9: {  	[sflag:s9] =	ssyncset.done $0x0  }
0x1ba: {  	[sflag:s9] =	ssyncadd.s32 $0xFFFFFE00  }
0x1bb: {  	v10 =	vld [tilespmem:$0x400];
	_ =	sdelay $0x4  }
0x1bc: {  	v10 =	vshll.u32 v10, $0x7  }
0x1bd: {  	v10 =	vor.u32 v0, v10;
	_ =	sdelay $0x4  }
0x1be: {  	[tilespmem:v10+s20+$0x0] =	vst.idx.msk $0xffff, v1  }
0x1bf: {  	v10 =	vld [tilespmem:$0x410];
	_ =	sdelay $0x4  }
0x1c0: {  	v10 =	vshll.u32 v10, $0x7  }
0x1c1: {  	v10 =	vor.u32 v2, v10;
	_ =	sdelay $0x4  }
0x1c2: {  	[tilespmem:v10+s20+$0x0] =	vst.idx.msk $0xffff, v1  }
0x1c3: {  	v10 =	vld [tilespmem:$0x420];
	_ =	sdelay $0x4  }
0x1c4: {  	v10 =	vshll.u32 v10, $0x7  }
0x1c5: {  	v10 =	vor.u32 v3, v10;
	_ =	sdelay $0x4  }
0x1c6: {  	[tilespmem:v10+s20+$0x0] =	vst.idx.msk $0xffff, v1  }
0x1c7: {  	v10 =	vld [tilespmem:$0x430];
	_ =	sdelay $0x4  }
0x1c8: {  	v10 =	vshll.u32 v10, $0x7  }
0x1c9: {  	v10 =	vor.u32 v4, v10;
	_ =	sdelay $0x4  }
0x1ca: {  	[tilespmem:v10+s20+$0x0] =	vst.idx.msk $0xffff, v1  }
0x1cb: {  	v10 =	vld [tilespmem:$0x440];
	_ =	sdelay $0x4  }
0x1cc: {  	v10 =	vshll.u32 v10, $0x7  }
0x1cd: {  	v10 =	vor.u32 v5, v10;
	_ =	sdelay $0x4  }
0x1ce: {  	[tilespmem:v10+s20+$0x0] =	vst.idx.msk $0xffff, v1  }
0x1cf: {  	v10 =	vld [tilespmem:$0x450];
	_ =	sdelay $0x4  }
0x1d0: {  	v10 =	vshll.u32 v10, $0x7  }
0x1d1: {  	v10 =	vor.u32 v6, v10;
	_ =	sdelay $0x4  }
0x1d2: {  	[tilespmem:v10+s20+$0x0] =	vst.idx.msk $0xffff, v1  }
0x1d3: {  	v10 =	vld [tilespmem:$0x460];
	_ =	sdelay $0x4  }
0x1d4: {  	v10 =	vshll.u32 v10, $0x7  }
0x1d5: {  	v10 =	vor.u32 v7, v10;
	_ =	sdelay $0x4  }
0x1d6: {  	[tilespmem:v10+s20+$0x0] =	vst.idx.msk $0xffff, v1  }
0x1d7: {  	v10 =	vld [tilespmem:$0x470];
	_ =	sdelay $0x4  }
0x1d8: {  	v10 =	vshll.u32 v10, $0x7  }
0x1d9: {  	v10 =	vor.u32 v8, v10;
	_ =	sdelay $0x4  }
0x1da: {  	[tilespmem:v10+s20+$0x0] =	vst.idx.msk $0xffff, v1  }
0x1db: {  	v10 =	vld [tilespmem:$0x480];
	_ =	sdelay $0x4  }
0x1dc: {  	v10 =	vshll.u32 v10, $0x7  }
0x1dd: {  	v10 =	vor.u32 v0, v10;
	_ =	sdelay $0x4  }
0x1de: {  	[tilespmem:v10+s25+$0x0] =	vst.idx.msk $0xffff, v1  }
0x1df: {  	v10 =	vld [tilespmem:$0x490];
	_ =	sdelay $0x4  }
0x1e0: {  	v10 =	vshll.u32 v10, $0x7  }
0x1e1: {  	v10 =	vor.u32 v2, v10;
	_ =	sdelay $0x4  }
0x1e2: {  	[tilespmem:v10+s25+$0x0] =	vst.idx.msk $0xffff, v1  }
0x1e3: {  	v10 =	vld [tilespmem:$0x4A0];
	_ =	sdelay $0x4  }
0x1e4: {  	v10 =	vshll.u32 v10, $0x7  }
0x1e5: {  	v10 =	vor.u32 v3, v10;
	_ =	sdelay $0x4  }
0x1e6: {  	[tilespmem:v10+s25+$0x0] =	vst.idx.msk $0xffff, v1  }
0x1e7: {  	v10 =	vld [tilespmem:$0x4B0];
	_ =	sdelay $0x4  }
0x1e8: {  	v10 =	vshll.u32 v10, $0x7  }
0x1e9: {  	v10 =	vor.u32 v4, v10;
	_ =	sdelay $0x4  }
0x1ea: {  	[tilespmem:v10+s25+$0x0] =	vst.idx.msk $0xffff, v1  }
0x1eb: {  	v10 =	vld [tilespmem:$0x4C0];
	_ =	sdelay $0x4  }
0x1ec: {  	v10 =	vshll.u32 v10, $0x7  }
0x1ed: {  	v10 =	vor.u32 v5, v10;
	_ =	sdelay $0x4  }
0x1ee: {  	[tilespmem:v10+s25+$0x0] =	vst.idx.msk $0xffff, v1  }
0x1ef: {  	v10 =	vld [tilespmem:$0x4D0];
	_ =	sdelay $0x4  }
0x1f0: {  	v10 =	vshll.u32 v10, $0x7  }
0x1f1: {  	v10 =	vor.u32 v6, v10;
	_ =	sdelay $0x4  }
0x1f2: {  	[tilespmem:v10+s25+$0x0] =	vst.idx.msk $0xffff, v1  }
0x1f3: {  	v10 =	vld [tilespmem:$0x4E0];
	_ =	sdelay $0x4  }
0x1f4: {  	v10 =	vshll.u32 v10, $0x7  }
0x1f5: {  	v10 =	vor.u32 v7, v10;
	_ =	sdelay $0x4  }
0x1f6: {  	[tilespmem:v10+s25+$0x0] =	vst.idx.msk $0xffff, v1  }
0x1f7: {  	v10 =	vld [tilespmem:$0x4F0];
	_ =	sdelay $0x4  }
0x1f8: {  	v10 =	vshll.u32 v10, $0x7  }
0x1f9: {  	v10 =	vor.u32 v8, v10;
	_ =	sdelay $0x4  }
0x1fa: {  	[tilespmem:v10+s25+$0x0] =	vst.idx.msk $0xffff, v1  }
0x1fb: {  	v10 =	vld [tilespmem:$0x500];
	_ =	sdelay $0x4  }
0x1fc: {  	v10 =	vshll.u32 v10, $0x7  }
0x1fd: {  	v10 =	vor.u32 v0, v10;
	_ =	sdelay $0x4  }
0x1fe: {  	[tilespmem:v10+s26+$0x0] =	vst.idx.msk $0xffff, v1  }
0x1ff: {  	v10 =	vld [tilespmem:$0x510];
	_ =	sdelay $0x4  }
0x200: {  	v10 =	vshll.u32 v10, $0x7  }
0x201: {  	v10 =	vor.u32 v2, v10;
	_ =	sdelay $0x4  }
0x202: {  	[tilespmem:v10+s26+$0x0] =	vst.idx.msk $0xffff, v1  }
0x203: {  	v10 =	vld [tilespmem:$0x520];
	_ =	sdelay $0x4  }
0x204: {  	v10 =	vshll.u32 v10, $0x7  }
0x205: {  	v10 =	vor.u32 v3, v10;
	_ =	sdelay $0x4  }
0x206: {  	[tilespmem:v10+s26+$0x0] =	vst.idx.msk $0xffff, v1  }
0x207: {  	v10 =	vld [tilespmem:$0x530];
	_ =	sdelay $0x4  }
0x208: {  	v10 =	vshll.u32 v10, $0x7  }
0x209: {  	v10 =	vor.u32 v4, v10;
	_ =	sdelay $0x4  }
0x20a: {  	[tilespmem:v10+s26+$0x0] =	vst.idx.msk $0xffff, v1  }
0x20b: {  	v10 =	vld [tilespmem:$0x540];
	_ =	sdelay $0x4  }
0x20c: {  	v10 =	vshll.u32 v10, $0x7  }
0x20d: {  	v10 =	vor.u32 v5, v10;
	_ =	sdelay $0x4  }
0x20e: {  	[tilespmem:v10+s26+$0x0] =	vst.idx.msk $0xffff, v1  }
0x20f: {  	v10 =	vld [tilespmem:$0x550];
	_ =	sdelay $0x4  }
0x210: {  	v10 =	vshll.u32 v10, $0x7  }
0x211: {  	v10 =	vor.u32 v6, v10;
	_ =	sdelay $0x4  }
0x212: {  	[tilespmem:v10+s26+$0x0] =	vst.idx.msk $0xffff, v1  }
0x213: {  	v10 =	vld [tilespmem:$0x560];
	_ =	sdelay $0x4  }
0x214: {  	v10 =	vshll.u32 v10, $0x7  }
0x215: {  	v10 =	vor.u32 v7, v10;
	_ =	sdelay $0x4  }
0x216: {  	[tilespmem:v10+s26+$0x0] =	vst.idx.msk $0xffff, v1  }
0x217: {  	v10 =	vld [tilespmem:$0x570];
	_ =	sdelay $0x4  }
0x218: {  	v10 =	vshll.u32 v10, $0x7  }
0x219: {  	v10 =	vor.u32 v8, v10;
	_ =	sdelay $0x4  }
0x21a: {  	[tilespmem:v10+s26+$0x0] =	vst.idx.msk $0xffff, v1  }
0x21b: {  	v10 =	vld [tilespmem:$0x580];
	_ =	sdelay $0x4  }
0x21c: {  	v10 =	vshll.u32 v10, $0x7  }
0x21d: {  	v10 =	vor.u32 v0, v10;
	_ =	sdelay $0x4  }
0x21e: {  	[tilespmem:v10+s28+$0x0] =	vst.idx.msk $0xffff, v1  }
0x21f: {  	v10 =	vld [tilespmem:$0x590];
	_ =	sdelay $0x4  }
0x220: {  	v10 =	vshll.u32 v10, $0x7  }
0x221: {  	v10 =	vor.u32 v2, v10;
	_ =	sdelay $0x4  }
0x222: {  	[tilespmem:v10+s28+$0x0] =	vst.idx.msk $0xffff, v1  }
0x223: {  	v10 =	vld [tilespmem:$0x5A0];
	_ =	sdelay $0x4  }
0x224: {  	v10 =	vshll.u32 v10, $0x7  }
0x225: {  	v10 =	vor.u32 v3, v10;
	_ =	sdelay $0x4  }
0x226: {  	[tilespmem:v10+s28+$0x0] =	vst.idx.msk $0xffff, v1  }
0x227: {  	v10 =	vld [tilespmem:$0x5B0];
	_ =	sdelay $0x4  }
0x228: {  	v10 =	vshll.u32 v10, $0x7  }
0x229: {  	v10 =	vor.u32 v4, v10;
	_ =	sdelay $0x4  }
0x22a: {  	[tilespmem:v10+s28+$0x0] =	vst.idx.msk $0xffff, v1  }
0x22b: {  	v10 =	vld [tilespmem:$0x5C0];
	_ =	sdelay $0x4  }
0x22c: {  	v10 =	vshll.u32 v10, $0x7  }
0x22d: {  	v10 =	vor.u32 v5, v10;
	_ =	sdelay $0x4  }
0x22e: {  	[tilespmem:v10+s28+$0x0] =	vst.idx.msk $0xffff, v1  }
0x22f: {  	v10 =	vld [tilespmem:$0x5D0];
	_ =	sdelay $0x4  }
0x230: {  	v10 =	vshll.u32 v10, $0x7  }
0x231: {  	v10 =	vor.u32 v6, v10;
	_ =	sdelay $0x4  }
0x232: {  	[tilespmem:v10+s28+$0x0] =	vst.idx.msk $0xffff, v1  }
0x233: {  	v10 =	vld [tilespmem:$0x5E0];
	_ =	sdelay $0x4  }
0x234: {  	v10 =	vshll.u32 v10, $0x7  }
0x235: {  	v10 =	vor.u32 v7, v10;
	_ =	sdelay $0x4  }
0x236: {  	[tilespmem:v10+s28+$0x0] =	vst.idx.msk $0xffff, v1  }
0x237: {  	v10 =	vld [tilespmem:$0x5F0];
	_ =	sdelay $0x4  }
0x238: {  	v10 =	vshll.u32 v10, $0x7  }
0x239: {  	v10 =	vor.u32 v8, v10;
	_ =	sdelay $0x3  }
0x23a: {  	s6 =	sadd.s32 s13, s12  }
0x23b: {  	s11 =	sadd.s32 $0x40000, s6;
	[tilespmem:v10+s28+$0x0] =	vst.idx.msk $0xffff, v1  }
0x23c: {  	[hbm4b:s11+s18] =	stream.strided.scatter [tilespmem:s20], [sflag:$0x5], $0x8000, s29, s18, $0x38;
	[tilespmem:$0x10800] =	vst v63  }
0x23d: {  	_ =	swait.ge [sflag:s23], $0x8000  }
0x23e: {  	[sflag:s23] =	ssyncset.done $0x0  }
0x23f: {  	[sflag:s23] =	ssyncadd.s32 $0xFFFF8000  }
0x240: {  	v10 =	vld [tilespmem:$0x200];
	_ =	sdelay $0x4  }
0x241: {  	v10 =	vshll.u32 v10, $0x7  }
0x242: {  	v10 =	vor.u32 v0, v10;
	_ =	sdelay $0x4  }
0x243: {  	[tilespmem:v10+s21+$0x0] =	vst.idx.msk $0xffff, v9  }
0x244: {  	v10 =	vld [tilespmem:$0x210];
	_ =	sdelay $0x4  }
0x245: {  	v10 =	vshll.u32 v10, $0x7  }
0x246: {  	v10 =	vor.u32 v2, v10;
	_ =	sdelay $0x4  }
0x247: {  	[tilespmem:v10+s21+$0x0] =	vst.idx.msk $0xffff, v9  }
0x248: {  	v10 =	vld [tilespmem:$0x220];
	_ =	sdelay $0x4  }
0x249: {  	v10 =	vshll.u32 v10, $0x7  }
0x24a: {  	v10 =	vor.u32 v3, v10;
	_ =	sdelay $0x4  }
0x24b: {  	[tilespmem:v10+s21+$0x0] =	vst.idx.msk $0xffff, v9  }
0x24c: {  	v10 =	vld [tilespmem:$0x230];
	_ =	sdelay $0x4  }
0x24d: {  	v10 =	vshll.u32 v10, $0x7  }
0x24e: {  	v10 =	vor.u32 v4, v10;
	_ =	sdelay $0x4  }
0x24f: {  	[tilespmem:v10+s21+$0x0] =	vst.idx.msk $0xffff, v9  }
0x250: {  	v10 =	vld [tilespmem:$0x240];
	_ =	sdelay $0x4  }
0x251: {  	v10 =	vshll.u32 v10, $0x7  }
0x252: {  	v10 =	vor.u32 v5, v10;
	_ =	sdelay $0x4  }
0x253: {  	[tilespmem:v10+s21+$0x0] =	vst.idx.msk $0xffff, v9  }
0x254: {  	v10 =	vld [tilespmem:$0x250];
	_ =	sdelay $0x4  }
0x255: {  	v10 =	vshll.u32 v10, $0x7  }
0x256: {  	v10 =	vor.u32 v6, v10;
	_ =	sdelay $0x4  }
0x257: {  	[tilespmem:v10+s21+$0x0] =	vst.idx.msk $0xffff, v9  }
0x258: {  	v10 =	vld [tilespmem:$0x260];
	_ =	sdelay $0x4  }
0x259: {  	v10 =	vshll.u32 v10, $0x7  }
0x25a: {  	v10 =	vor.u32 v7, v10;
	_ =	sdelay $0x4  }
0x25b: {  	[tilespmem:v10+s21+$0x0] =	vst.idx.msk $0xffff, v9  }
0x25c: {  	v10 =	vld [tilespmem:$0x270];
	_ =	sdelay $0x4  }
0x25d: {  	v10 =	vshll.u32 v10, $0x7  }
0x25e: {  	v10 =	vor.u32 v8, v10;
	_ =	sdelay $0x4  }
0x25f: {  	[tilespmem:v10+s21+$0x0] =	vst.idx.msk $0xffff, v9  }
0x260: {  	v10 =	vld [tilespmem:$0x280];
	_ =	sdelay $0x4  }
0x261: {  	v10 =	vshll.u32 v10, $0x7  }
0x262: {  	v10 =	vor.u32 v0, v10;
	_ =	sdelay $0x4  }
0x263: {  	[tilespmem:v10+s31+$0x0] =	vst.idx.msk $0xffff, v9  }
0x264: {  	v10 =	vld [tilespmem:$0x290];
	_ =	sdelay $0x4  }
0x265: {  	v10 =	vshll.u32 v10, $0x7  }
0x266: {  	v10 =	vor.u32 v2, v10;
	_ =	sdelay $0x4  }
0x267: {  	[tilespmem:v10+s31+$0x0] =	vst.idx.msk $0xffff, v9  }
0x268: {  	v10 =	vld [tilespmem:$0x2A0];
	_ =	sdelay $0x4  }
0x269: {  	v10 =	vshll.u32 v10, $0x7  }
0x26a: {  	v10 =	vor.u32 v3, v10;
	_ =	sdelay $0x4  }
0x26b: {  	[tilespmem:v10+s31+$0x0] =	vst.idx.msk $0xffff, v9  }
0x26c: {  	v10 =	vld [tilespmem:$0x2B0];
	_ =	sdelay $0x4  }
0x26d: {  	v10 =	vshll.u32 v10, $0x7  }
0x26e: {  	v10 =	vor.u32 v4, v10;
	_ =	sdelay $0x4  }
0x26f: {  	[tilespmem:v10+s31+$0x0] =	vst.idx.msk $0xffff, v9  }
0x270: {  	v10 =	vld [tilespmem:$0x2C0];
	_ =	sdelay $0x4  }
0x271: {  	v10 =	vshll.u32 v10, $0x7  }
0x272: {  	v10 =	vor.u32 v5, v10;
	_ =	sdelay $0x4  }
0x273: {  	[tilespmem:v10+s31+$0x0] =	vst.idx.msk $0xffff, v9  }
0x274: {  	v10 =	vld [tilespmem:$0x2D0];
	_ =	sdelay $0x4  }
0x275: {  	v10 =	vshll.u32 v10, $0x7  }
0x276: {  	v10 =	vor.u32 v6, v10;
	_ =	sdelay $0x4  }
0x277: {  	[tilespmem:v10+s31+$0x0] =	vst.idx.msk $0xffff, v9  }
0x278: {  	v10 =	vld [tilespmem:$0x2E0];
	_ =	sdelay $0x4  }
0x279: {  	v10 =	vshll.u32 v10, $0x7  }
0x27a: {  	v10 =	vor.u32 v7, v10;
	_ =	sdelay $0x4  }
0x27b: {  	[tilespmem:v10+s31+$0x0] =	vst.idx.msk $0xffff, v9  }
0x27c: {  	v10 =	vld [tilespmem:$0x2F0];
	_ =	sdelay $0x4  }
0x27d: {  	v10 =	vshll.u32 v10, $0x7  }
0x27e: {  	v10 =	vor.u32 v8, v10;
	_ =	sdelay $0x4  }
0x27f: {  	[tilespmem:v10+s31+$0x0] =	vst.idx.msk $0xffff, v9  }
0x280: {  	v10 =	vld [tilespmem:$0x300];
	_ =	sdelay $0x4  }
0x281: {  	v10 =	vshll.u32 v10, $0x7  }
0x282: {  	v10 =	vor.u32 v0, v10;
	_ =	sdelay $0x4  }
0x283: {  	[tilespmem:v10+s0+$0x0] =	vst.idx.msk $0xffff, v9  }
0x284: {  	v10 =	vld [tilespmem:$0x310];
	_ =	sdelay $0x4  }
0x285: {  	v10 =	vshll.u32 v10, $0x7  }
0x286: {  	v10 =	vor.u32 v2, v10;
	_ =	sdelay $0x4  }
0x287: {  	[tilespmem:v10+s0+$0x0] =	vst.idx.msk $0xffff, v9  }
0x288: {  	v10 =	vld [tilespmem:$0x320];
	_ =	sdelay $0x4  }
0x289: {  	v10 =	vshll.u32 v10, $0x7  }
0x28a: {  	v10 =	vor.u32 v3, v10;
	_ =	sdelay $0x4  }
0x28b: {  	[tilespmem:v10+s0+$0x0] =	vst.idx.msk $0xffff, v9  }
0x28c: {  	v10 =	vld [tilespmem:$0x330];
	_ =	sdelay $0x4  }
0x28d: {  	v10 =	vshll.u32 v10, $0x7  }
0x28e: {  	v10 =	vor.u32 v4, v10;
	_ =	sdelay $0x4  }
0x28f: {  	[tilespmem:v10+s0+$0x0] =	vst.idx.msk $0xffff, v9  }
0x290: {  	v10 =	vld [tilespmem:$0x340];
	_ =	sdelay $0x4  }
0x291: {  	v10 =	vshll.u32 v10, $0x7  }
0x292: {  	v10 =	vor.u32 v5, v10;
	_ =	sdelay $0x4  }
0x293: {  	[tilespmem:v10+s0+$0x0] =	vst.idx.msk $0xffff, v9  }
0x294: {  	v10 =	vld [tilespmem:$0x350];
	_ =	sdelay $0x4  }
0x295: {  	v10 =	vshll.u32 v10, $0x7  }
0x296: {  	v10 =	vor.u32 v6, v10;
	_ =	sdelay $0x4  }
0x297: {  	[tilespmem:v10+s0+$0x0] =	vst.idx.msk $0xffff, v9  }
0x298: {  	v10 =	vld [tilespmem:$0x360];
	_ =	sdelay $0x4  }
0x299: {  	v10 =	vshll.u32 v10, $0x7  }
0x29a: {  	v10 =	vor.u32 v7, v10;
	_ =	sdelay $0x4  }
0x29b: {  	[tilespmem:v10+s0+$0x0] =	vst.idx.msk $0xffff, v9  }
0x29c: {  	v10 =	vld [tilespmem:$0x370];
	_ =	sdelay $0x4  }
0x29d: {  	v10 =	vshll.u32 v10, $0x7  }
0x29e: {  	v10 =	vor.u32 v8, v10;
	_ =	sdelay $0x4  }
0x29f: {  	[tilespmem:v10+s0+$0x0] =	vst.idx.msk $0xffff, v9  }
0x2a0: {  	v10 =	vld [tilespmem:$0x380];
	_ =	sdelay $0x4  }
0x2a1: {  	v10 =	vshll.u32 v10, $0x7  }
0x2a2: {  	v10 =	vor.u32 v0, v10;
	_ =	sdelay $0x4  }
0x2a3: {  	[tilespmem:v10+s2+$0x0] =	vst.idx.msk $0xffff, v9  }
0x2a4: {  	v10 =	vld [tilespmem:$0x390];
	_ =	sdelay $0x4  }
0x2a5: {  	v10 =	vshll.u32 v10, $0x7  }
0x2a6: {  	v10 =	vor.u32 v2, v10;
	_ =	sdelay $0x4  }
0x2a7: {  	[tilespmem:v10+s2+$0x0] =	vst.idx.msk $0xffff, v9  }
0x2a8: {  	v10 =	vld [tilespmem:$0x3A0];
	_ =	sdelay $0x4  }
0x2a9: {  	v10 =	vshll.u32 v10, $0x7  }
0x2aa: {  	v10 =	vor.u32 v3, v10;
	_ =	sdelay $0x4  }
0x2ab: {  	[tilespmem:v10+s2+$0x0] =	vst.idx.msk $0xffff, v9  }
0x2ac: {  	v10 =	vld [tilespmem:$0x3B0];
	_ =	sdelay $0x4  }
0x2ad: {  	v10 =	vshll.u32 v10, $0x7  }
0x2ae: {  	v10 =	vor.u32 v4, v10;
	_ =	sdelay $0x4  }
0x2af: {  	[tilespmem:v10+s2+$0x0] =	vst.idx.msk $0xffff, v9  }
0x2b0: {  	v10 =	vld [tilespmem:$0x3C0];
	_ =	sdelay $0x4  }
0x2b1: {  	v10 =	vshll.u32 v10, $0x7  }
0x2b2: {  	v10 =	vor.u32 v5, v10;
	_ =	sdelay $0x4  }
0x2b3: {  	[tilespmem:v10+s2+$0x0] =	vst.idx.msk $0xffff, v9  }
0x2b4: {  	v10 =	vld [tilespmem:$0x3D0];
	_ =	sdelay $0x4  }
0x2b5: {  	v10 =	vshll.u32 v10, $0x7  }
0x2b6: {  	v10 =	vor.u32 v6, v10;
	_ =	sdelay $0x4  }
0x2b7: {  	[tilespmem:v10+s2+$0x0] =	vst.idx.msk $0xffff, v9  }
0x2b8: {  	v10 =	vld [tilespmem:$0x3E0];
	_ =	sdelay $0x4  }
0x2b9: {  	v10 =	vshll.u32 v10, $0x7  }
0x2ba: {  	v10 =	vor.u32 v7, v10;
	_ =	sdelay $0x4  }
0x2bb: {  	[tilespmem:v10+s2+$0x0] =	vst.idx.msk $0xffff, v9  }
0x2bc: {  	v10 =	vld [tilespmem:$0x3F0];
	_ =	sdelay $0x4  }
0x2bd: {  	v10 =	vshll.u32 v10, $0x7  }
0x2be: {  	v10 =	vor.u32 v8, v10;
	_ =	sdelay $0x4  }
0x2bf: {  	s7 =	sadd.s32 s7, s8;
	[tilespmem:v10+s2+$0x0] =	vst.idx.msk $0xffff, v9  }
0x2c0: {  	[tilespmem:s17], [sflag:$0x2] =	stream.linear.gather [hbm4b:s7+s4], $0x200, $0x38;
	[tilespmem:$0x10800] =	vst v63  }
0x2c1: {  	_ =	swait.ge [sflag:s10], $0x200  }
0x2c2: {  	[sflag:s10] =	ssyncset.done $0x0  }
0x2c3: {  	[sflag:s10] =	ssyncadd.s32 $0xFFFFFE00  }
0x2c4: {  	v10 =	vld [tilespmem:$0x600];
	_ =	sdelay $0x4  }
0x2c5: {  	v10 =	vshll.u32 v10, $0x7  }
0x2c6: {  	v10 =	vor.u32 v0, v10;
	_ =	sdelay $0x4  }
0x2c7: {  	[tilespmem:v10+s21+$0x0] =	vst.idx.msk $0xffff, v1  }
0x2c8: {  	v10 =	vld [tilespmem:$0x610];
	_ =	sdelay $0x4  }
0x2c9: {  	v10 =	vshll.u32 v10, $0x7  }
0x2ca: {  	v10 =	vor.u32 v2, v10;
	_ =	sdelay $0x4  }
0x2cb: {  	[tilespmem:v10+s21+$0x0] =	vst.idx.msk $0xffff, v1  }
0x2cc: {  	v10 =	vld [tilespmem:$0x620];
	_ =	sdelay $0x4  }
0x2cd: {  	v10 =	vshll.u32 v10, $0x7  }
0x2ce: {  	v10 =	vor.u32 v3, v10;
	_ =	sdelay $0x4  }
0x2cf: {  	[tilespmem:v10+s21+$0x0] =	vst.idx.msk $0xffff, v1  }
0x2d0: {  	v10 =	vld [tilespmem:$0x630];
	_ =	sdelay $0x4  }
0x2d1: {  	v10 =	vshll.u32 v10, $0x7  }
0x2d2: {  	v10 =	vor.u32 v4, v10;
	_ =	sdelay $0x4  }
0x2d3: {  	[tilespmem:v10+s21+$0x0] =	vst.idx.msk $0xffff, v1  }
0x2d4: {  	v10 =	vld [tilespmem:$0x640];
	_ =	sdelay $0x4  }
0x2d5: {  	v10 =	vshll.u32 v10, $0x7  }
0x2d6: {  	v10 =	vor.u32 v5, v10;
	_ =	sdelay $0x4  }
0x2d7: {  	[tilespmem:v10+s21+$0x0] =	vst.idx.msk $0xffff, v1  }
0x2d8: {  	v10 =	vld [tilespmem:$0x650];
	_ =	sdelay $0x4  }
0x2d9: {  	v10 =	vshll.u32 v10, $0x7  }
0x2da: {  	v10 =	vor.u32 v6, v10;
	_ =	sdelay $0x4  }
0x2db: {  	[tilespmem:v10+s21+$0x0] =	vst.idx.msk $0xffff, v1  }
0x2dc: {  	v10 =	vld [tilespmem:$0x660];
	_ =	sdelay $0x4  }
0x2dd: {  	v10 =	vshll.u32 v10, $0x7  }
0x2de: {  	v10 =	vor.u32 v7, v10;
	_ =	sdelay $0x4  }
0x2df: {  	[tilespmem:v10+s21+$0x0] =	vst.idx.msk $0xffff, v1  }
0x2e0: {  	v10 =	vld [tilespmem:$0x670];
	_ =	sdelay $0x4  }
0x2e1: {  	v10 =	vshll.u32 v10, $0x7  }
0x2e2: {  	v10 =	vor.u32 v8, v10;
	_ =	sdelay $0x4  }
0x2e3: {  	[tilespmem:v10+s21+$0x0] =	vst.idx.msk $0xffff, v1  }
0x2e4: {  	v10 =	vld [tilespmem:$0x680];
	_ =	sdelay $0x4  }
0x2e5: {  	v10 =	vshll.u32 v10, $0x7  }
0x2e6: {  	v10 =	vor.u32 v0, v10;
	_ =	sdelay $0x4  }
0x2e7: {  	[tilespmem:v10+s31+$0x0] =	vst.idx.msk $0xffff, v1  }
0x2e8: {  	v10 =	vld [tilespmem:$0x690];
	_ =	sdelay $0x4  }
0x2e9: {  	v10 =	vshll.u32 v10, $0x7  }
0x2ea: {  	v10 =	vor.u32 v2, v10;
	_ =	sdelay $0x4  }
0x2eb: {  	[tilespmem:v10+s31+$0x0] =	vst.idx.msk $0xffff, v1  }
0x2ec: {  	v10 =	vld [tilespmem:$0x6A0];
	_ =	sdelay $0x4  }
0x2ed: {  	v10 =	vshll.u32 v10, $0x7  }
0x2ee: {  	v10 =	vor.u32 v3, v10;
	_ =	sdelay $0x4  }
0x2ef: {  	[tilespmem:v10+s31+$0x0] =	vst.idx.msk $0xffff, v1  }
0x2f0: {  	v10 =	vld [tilespmem:$0x6B0];
	_ =	sdelay $0x4  }
0x2f1: {  	v10 =	vshll.u32 v10, $0x7  }
0x2f2: {  	v10 =	vor.u32 v4, v10;
	_ =	sdelay $0x4  }
0x2f3: {  	[tilespmem:v10+s31+$0x0] =	vst.idx.msk $0xffff, v1  }
0x2f4: {  	v10 =	vld [tilespmem:$0x6C0];
	_ =	sdelay $0x4  }
0x2f5: {  	v10 =	vshll.u32 v10, $0x7  }
0x2f6: {  	v10 =	vor.u32 v5, v10;
	_ =	sdelay $0x4  }
0x2f7: {  	[tilespmem:v10+s31+$0x0] =	vst.idx.msk $0xffff, v1  }
0x2f8: {  	v10 =	vld [tilespmem:$0x6D0];
	_ =	sdelay $0x4  }
0x2f9: {  	v10 =	vshll.u32 v10, $0x7  }
0x2fa: {  	v10 =	vor.u32 v6, v10;
	_ =	sdelay $0x4  }
0x2fb: {  	[tilespmem:v10+s31+$0x0] =	vst.idx.msk $0xffff, v1  }
0x2fc: {  	v10 =	vld [tilespmem:$0x6E0];
	_ =	sdelay $0x4  }
0x2fd: {  	v10 =	vshll.u32 v10, $0x7  }
0x2fe: {  	v10 =	vor.u32 v7, v10;
	_ =	sdelay $0x4  }
0x2ff: {  	[tilespmem:v10+s31+$0x0] =	vst.idx.msk $0xffff, v1  }
0x300: {  	v10 =	vld [tilespmem:$0x6F0];
	_ =	sdelay $0x4  }
0x301: {  	v10 =	vshll.u32 v10, $0x7  }
0x302: {  	v10 =	vor.u32 v8, v10;
	_ =	sdelay $0x4  }
0x303: {  	[tilespmem:v10+s31+$0x0] =	vst.idx.msk $0xffff, v1  }
0x304: {  	v10 =	vld [tilespmem:$0x700];
	_ =	sdelay $0x4  }
0x305: {  	v10 =	vshll.u32 v10, $0x7  }
0x306: {  	v10 =	vor.u32 v0, v10;
	_ =	sdelay $0x4  }
0x307: {  	[tilespmem:v10+s0+$0x0] =	vst.idx.msk $0xffff, v1  }
0x308: {  	v10 =	vld [tilespmem:$0x710];
	_ =	sdelay $0x4  }
0x309: {  	v10 =	vshll.u32 v10, $0x7  }
0x30a: {  	v10 =	vor.u32 v2, v10;
	_ =	sdelay $0x4  }
0x30b: {  	[tilespmem:v10+s0+$0x0] =	vst.idx.msk $0xffff, v1  }
0x30c: {  	v10 =	vld [tilespmem:$0x720];
	_ =	sdelay $0x4  }
0x30d: {  	v10 =	vshll.u32 v10, $0x7  }
0x30e: {  	v10 =	vor.u32 v3, v10;
	_ =	sdelay $0x4  }
0x30f: {  	[tilespmem:v10+s0+$0x0] =	vst.idx.msk $0xffff, v1  }
0x310: {  	v10 =	vld [tilespmem:$0x730];
	_ =	sdelay $0x4  }
0x311: {  	v10 =	vshll.u32 v10, $0x7  }
0x312: {  	v10 =	vor.u32 v4, v10;
	_ =	sdelay $0x4  }
0x313: {  	[tilespmem:v10+s0+$0x0] =	vst.idx.msk $0xffff, v1  }
0x314: {  	v10 =	vld [tilespmem:$0x740];
	_ =	sdelay $0x4  }
0x315: {  	v10 =	vshll.u32 v10, $0x7  }
0x316: {  	v10 =	vor.u32 v5, v10;
	_ =	sdelay $0x4  }
0x317: {  	[tilespmem:v10+s0+$0x0] =	vst.idx.msk $0xffff, v1  }
0x318: {  	v10 =	vld [tilespmem:$0x750];
	_ =	sdelay $0x4  }
0x319: {  	v10 =	vshll.u32 v10, $0x7  }
0x31a: {  	v10 =	vor.u32 v6, v10;
	_ =	sdelay $0x4  }
0x31b: {  	[tilespmem:v10+s0+$0x0] =	vst.idx.msk $0xffff, v1  }
0x31c: {  	v10 =	vld [tilespmem:$0x760];
	_ =	sdelay $0x4  }
0x31d: {  	v10 =	vshll.u32 v10, $0x7  }
0x31e: {  	v10 =	vor.u32 v7, v10;
	_ =	sdelay $0x4  }
0x31f: {  	[tilespmem:v10+s0+$0x0] =	vst.idx.msk $0xffff, v1  }
0x320: {  	v10 =	vld [tilespmem:$0x770];
	_ =	sdelay $0x4  }
0x321: {  	v10 =	vshll.u32 v10, $0x7  }
0x322: {  	v10 =	vor.u32 v8, v10;
	_ =	sdelay $0x4  }
0x323: {  	[tilespmem:v10+s0+$0x0] =	vst.idx.msk $0xffff, v1  }
0x324: {  	v10 =	vld [tilespmem:$0x780];
	_ =	sdelay $0x4  }
0x325: {  	v10 =	vshll.u32 v10, $0x7  }
0x326: {  	v10 =	vor.u32 v0, v10;
	_ =	sdelay $0x4  }
0x327: {  	[tilespmem:v10+s2+$0x0] =	vst.idx.msk $0xffff, v1  }
0x328: {  	v10 =	vld [tilespmem:$0x790];
	_ =	sdelay $0x4  }
0x329: {  	v10 =	vshll.u32 v10, $0x7  }
0x32a: {  	v10 =	vor.u32 v2, v10;
	_ =	sdelay $0x4  }
0x32b: {  	[tilespmem:v10+s2+$0x0] =	vst.idx.msk $0xffff, v1  }
0x32c: {  	v10 =	vld [tilespmem:$0x7A0];
	_ =	sdelay $0x4  }
0x32d: {  	v10 =	vshll.u32 v10, $0x7  }
0x32e: {  	v10 =	vor.u32 v3, v10;
	_ =	sdelay $0x4  }
0x32f: {  	[tilespmem:v10+s2+$0x0] =	vst.idx.msk $0xffff, v1  }
0x330: {  	v10 =	vld [tilespmem:$0x7B0];
	_ =	sdelay $0x4  }
0x331: {  	v10 =	vshll.u32 v10, $0x7  }
0x332: {  	v10 =	vor.u32 v4, v10;
	_ =	sdelay $0x4  }
0x333: {  	[tilespmem:v10+s2+$0x0] =	vst.idx.msk $0xffff, v1  }
0x334: {  	v10 =	vld [tilespmem:$0x7C0];
	_ =	sdelay $0x4  }
0x335: {  	v10 =	vshll.u32 v10, $0x7  }
0x336: {  	v10 =	vor.u32 v5, v10;
	_ =	sdelay $0x4  }
0x337: {  	[tilespmem:v10+s2+$0x0] =	vst.idx.msk $0xffff, v1  }
0x338: {  	v10 =	vld [tilespmem:$0x7D0];
	_ =	sdelay $0x4  }
0x339: {  	v10 =	vshll.u32 v10, $0x7  }
0x33a: {  	v10 =	vor.u32 v6, v10;
	_ =	sdelay $0x4  }
0x33b: {  	[tilespmem:v10+s2+$0x0] =	vst.idx.msk $0xffff, v1  }
0x33c: {  	v10 =	vld [tilespmem:$0x7E0];
	_ =	sdelay $0x4  }
0x33d: {  	v10 =	vshll.u32 v10, $0x7  }
0x33e: {  	v10 =	vor.u32 v7, v10;
	_ =	sdelay $0x4  }
0x33f: {  	[tilespmem:v10+s2+$0x0] =	vst.idx.msk $0xffff, v1  }
0x340: {  	v10 =	vld [tilespmem:$0x7F0];
	_ =	sdelay $0x4  }
0x341: {  	v10 =	vshll.u32 v10, $0x7  }
0x342: {  	v10 =	vor.u32 v8, v10;
	_ =	sdelay $0x4  }
0x343: {  	s6 =	sadd.s32 $0x60000, s6;
	[tilespmem:v10+s2+$0x0] =	vst.idx.msk $0xffff, v1  }
0x344: {  	[hbm4b:s6+s18] =	stream.strided.scatter [tilespmem:s21], [sflag:$0x6], $0x8000, s29, s18, $0x38;
	[tilespmem:$0x10800] =	vst v63  }
0x345: {  	_ =	swait.ge [sflag:s22], $0x8000  }
0x346: {  	[sflag:s22] =	ssyncset.done $0x0  }
0x347: {  	[sflag:s22] =	ssyncadd.s32 $0xFFFF8000  }
0x348: {  	v10 =	vld [tilespmem:$0x400];
	_ =	sdelay $0x4  }
0x349: {  	v10 =	vshll.u32 v10, $0x7  }
0x34a: {  	v10 =	vor.u32 v0, v10;
	_ =	sdelay $0x4  }
0x34b: {  	[tilespmem:v10+s20+$0x0] =	vst.idx.msk $0xffff, v9  }
0x34c: {  	v10 =	vld [tilespmem:$0x410];
	_ =	sdelay $0x4  }
0x34d: {  	v10 =	vshll.u32 v10, $0x7  }
0x34e: {  	v10 =	vor.u32 v2, v10;
	_ =	sdelay $0x4  }
0x34f: {  	[tilespmem:v10+s20+$0x0] =	vst.idx.msk $0xffff, v9  }
0x350: {  	v10 =	vld [tilespmem:$0x420];
	_ =	sdelay $0x4  }
0x351: {  	v10 =	vshll.u32 v10, $0x7  }
0x352: {  	v10 =	vor.u32 v3, v10;
	_ =	sdelay $0x4  }
0x353: {  	[tilespmem:v10+s20+$0x0] =	vst.idx.msk $0xffff, v9  }
0x354: {  	v10 =	vld [tilespmem:$0x430];
	_ =	sdelay $0x4  }
0x355: {  	v10 =	vshll.u32 v10, $0x7  }
0x356: {  	v10 =	vor.u32 v4, v10;
	_ =	sdelay $0x4  }
0x357: {  	[tilespmem:v10+s20+$0x0] =	vst.idx.msk $0xffff, v9  }
0x358: {  	v10 =	vld [tilespmem:$0x440];
	_ =	sdelay $0x4  }
0x359: {  	v10 =	vshll.u32 v10, $0x7  }
0x35a: {  	v10 =	vor.u32 v5, v10;
	_ =	sdelay $0x4  }
0x35b: {  	[tilespmem:v10+s20+$0x0] =	vst.idx.msk $0xffff, v9  }
0x35c: {  	v10 =	vld [tilespmem:$0x450];
	_ =	sdelay $0x4  }
0x35d: {  	v10 =	vshll.u32 v10, $0x7  }
0x35e: {  	v10 =	vor.u32 v6, v10;
	_ =	sdelay $0x4  }
0x35f: {  	[tilespmem:v10+s20+$0x0] =	vst.idx.msk $0xffff, v9  }
0x360: {  	v10 =	vld [tilespmem:$0x460];
	_ =	sdelay $0x4  }
0x361: {  	v10 =	vshll.u32 v10, $0x7  }
0x362: {  	v10 =	vor.u32 v7, v10;
	_ =	sdelay $0x4  }
0x363: {  	[tilespmem:v10+s20+$0x0] =	vst.idx.msk $0xffff, v9  }
0x364: {  	v10 =	vld [tilespmem:$0x470];
	_ =	sdelay $0x4  }
0x365: {  	v10 =	vshll.u32 v10, $0x7  }
0x366: {  	v10 =	vor.u32 v8, v10;
	_ =	sdelay $0x4  }
0x367: {  	[tilespmem:v10+s20+$0x0] =	vst.idx.msk $0xffff, v9  }
0x368: {  	v10 =	vld [tilespmem:$0x480];
	_ =	sdelay $0x4  }
0x369: {  	v10 =	vshll.u32 v10, $0x7  }
0x36a: {  	v10 =	vor.u32 v0, v10;
	_ =	sdelay $0x4  }
0x36b: {  	[tilespmem:v10+s25+$0x0] =	vst.idx.msk $0xffff, v9  }
0x36c: {  	v10 =	vld [tilespmem:$0x490];
	_ =	sdelay $0x4  }
0x36d: {  	v10 =	vshll.u32 v10, $0x7  }
0x36e: {  	v10 =	vor.u32 v2, v10;
	_ =	sdelay $0x4  }
0x36f: {  	[tilespmem:v10+s25+$0x0] =	vst.idx.msk $0xffff, v9  }
0x370: {  	v10 =	vld [tilespmem:$0x4A0];
	_ =	sdelay $0x4  }
0x371: {  	v10 =	vshll.u32 v10, $0x7  }
0x372: {  	v10 =	vor.u32 v3, v10;
	_ =	sdelay $0x4  }
0x373: {  	[tilespmem:v10+s25+$0x0] =	vst.idx.msk $0xffff, v9  }
0x374: {  	v10 =	vld [tilespmem:$0x4B0];
	_ =	sdelay $0x4  }
0x375: {  	v10 =	vshll.u32 v10, $0x7  }
0x376: {  	v10 =	vor.u32 v4, v10;
	_ =	sdelay $0x4  }
0x377: {  	[tilespmem:v10+s25+$0x0] =	vst.idx.msk $0xffff, v9  }
0x378: {  	v10 =	vld [tilespmem:$0x4C0];
	_ =	sdelay $0x4  }
0x379: {  	v10 =	vshll.u32 v10, $0x7  }
0x37a: {  	v10 =	vor.u32 v5, v10;
	_ =	sdelay $0x4  }
0x37b: {  	[tilespmem:v10+s25+$0x0] =	vst.idx.msk $0xffff, v9  }
0x37c: {  	v10 =	vld [tilespmem:$0x4D0];
	_ =	sdelay $0x4  }
0x37d: {  	v10 =	vshll.u32 v10, $0x7  }
0x37e: {  	v10 =	vor.u32 v6, v10;
	_ =	sdelay $0x4  }
0x37f: {  	[tilespmem:v10+s25+$0x0] =	vst.idx.msk $0xffff, v9  }
0x380: {  	v10 =	vld [tilespmem:$0x4E0];
	_ =	sdelay $0x4  }
0x381: {  	v10 =	vshll.u32 v10, $0x7  }
0x382: {  	v10 =	vor.u32 v7, v10;
	_ =	sdelay $0x4  }
0x383: {  	[tilespmem:v10+s25+$0x0] =	vst.idx.msk $0xffff, v9  }
0x384: {  	v10 =	vld [tilespmem:$0x4F0];
	_ =	sdelay $0x4  }
0x385: {  	v10 =	vshll.u32 v10, $0x7  }
0x386: {  	v10 =	vor.u32 v8, v10;
	_ =	sdelay $0x4  }
0x387: {  	[tilespmem:v10+s25+$0x0] =	vst.idx.msk $0xffff, v9  }
0x388: {  	v10 =	vld [tilespmem:$0x500];
	_ =	sdelay $0x4  }
0x389: {  	v10 =	vshll.u32 v10, $0x7  }
0x38a: {  	v10 =	vor.u32 v0, v10;
	_ =	sdelay $0x4  }
0x38b: {  	[tilespmem:v10+s26+$0x0] =	vst.idx.msk $0xffff, v9  }
0x38c: {  	v10 =	vld [tilespmem:$0x510];
	_ =	sdelay $0x4  }
0x38d: {  	v10 =	vshll.u32 v10, $0x7  }
0x38e: {  	v10 =	vor.u32 v2, v10;
	_ =	sdelay $0x4  }
0x38f: {  	[tilespmem:v10+s26+$0x0] =	vst.idx.msk $0xffff, v9  }
0x390: {  	v10 =	vld [tilespmem:$0x520];
	_ =	sdelay $0x4  }
0x391: {  	v10 =	vshll.u32 v10, $0x7  }
0x392: {  	v10 =	vor.u32 v3, v10;
	_ =	sdelay $0x4  }
0x393: {  	[tilespmem:v10+s26+$0x0] =	vst.idx.msk $0xffff, v9  }
0x394: {  	v10 =	vld [tilespmem:$0x530];
	_ =	sdelay $0x4  }
0x395: {  	v10 =	vshll.u32 v10, $0x7  }
0x396: {  	v10 =	vor.u32 v4, v10;
	_ =	sdelay $0x4  }
0x397: {  	[tilespmem:v10+s26+$0x0] =	vst.idx.msk $0xffff, v9  }
0x398: {  	v10 =	vld [tilespmem:$0x540];
	_ =	sdelay $0x4  }
0x399: {  	v10 =	vshll.u32 v10, $0x7  }
0x39a: {  	v10 =	vor.u32 v5, v10;
	_ =	sdelay $0x4  }
0x39b: {  	[tilespmem:v10+s26+$0x0] =	vst.idx.msk $0xffff, v9  }
0x39c: {  	v10 =	vld [tilespmem:$0x550];
	_ =	sdelay $0x4  }
0x39d: {  	v10 =	vshll.u32 v10, $0x7  }
0x39e: {  	v10 =	vor.u32 v6, v10;
	_ =	sdelay $0x4  }
0x39f: {  	[tilespmem:v10+s26+$0x0] =	vst.idx.msk $0xffff, v9  }
0x3a0: {  	v10 =	vld [tilespmem:$0x560];
	_ =	sdelay $0x4  }
0x3a1: {  	v10 =	vshll.u32 v10, $0x7  }
0x3a2: {  	v10 =	vor.u32 v7, v10;
	_ =	sdelay $0x4  }
0x3a3: {  	[tilespmem:v10+s26+$0x0] =	vst.idx.msk $0xffff, v9  }
0x3a4: {  	v10 =	vld [tilespmem:$0x570];
	_ =	sdelay $0x4  }
0x3a5: {  	v10 =	vshll.u32 v10, $0x7  }
0x3a6: {  	v10 =	vor.u32 v8, v10;
	_ =	sdelay $0x4  }
0x3a7: {  	[tilespmem:v10+s26+$0x0] =	vst.idx.msk $0xffff, v9  }
0x3a8: {  	v10 =	vld [tilespmem:$0x580];
	_ =	sdelay $0x4  }
0x3a9: {  	v10 =	vshll.u32 v10, $0x7  }
0x3aa: {  	v10 =	vor.u32 v0, v10;
	_ =	sdelay $0x4  }
0x3ab: {  	[tilespmem:v10+s28+$0x0] =	vst.idx.msk $0xffff, v9  }
0x3ac: {  	v10 =	vld [tilespmem:$0x590];
	_ =	sdelay $0x4  }
0x3ad: {  	v10 =	vshll.u32 v10, $0x7  }
0x3ae: {  	v10 =	vor.u32 v2, v10;
	_ =	sdelay $0x4  }
0x3af: {  	[tilespmem:v10+s28+$0x0] =	vst.idx.msk $0xffff, v9  }
0x3b0: {  	v10 =	vld [tilespmem:$0x5A0];
	_ =	sdelay $0x4  }
0x3b1: {  	v10 =	vshll.u32 v10, $0x7  }
0x3b2: {  	v10 =	vor.u32 v3, v10;
	_ =	sdelay $0x4  }
0x3b3: {  	[tilespmem:v10+s28+$0x0] =	vst.idx.msk $0xffff, v9  }
0x3b4: {  	v10 =	vld [tilespmem:$0x5B0];
	_ =	sdelay $0x4  }
0x3b5: {  	v10 =	vshll.u32 v10, $0x7  }
0x3b6: {  	v10 =	vor.u32 v4, v10;
	_ =	sdelay $0x4  }
0x3b7: {  	[tilespmem:v10+s28+$0x0] =	vst.idx.msk $0xffff, v9  }
0x3b8: {  	v10 =	vld [tilespmem:$0x5C0];
	_ =	sdelay $0x4  }
0x3b9: {  	v10 =	vshll.u32 v10, $0x7  }
0x3ba: {  	v10 =	vor.u32 v5, v10;
	_ =	sdelay $0x4  }
0x3bb: {  	[tilespmem:v10+s28+$0x0] =	vst.idx.msk $0xffff, v9  }
0x3bc: {  	v10 =	vld [tilespmem:$0x5D0];
	_ =	sdelay $0x4  }
0x3bd: {  	v10 =	vshll.u32 v10, $0x7  }
0x3be: {  	v10 =	vor.u32 v6, v10;
	_ =	sdelay $0x4  }
0x3bf: {  	[tilespmem:v10+s28+$0x0] =	vst.idx.msk $0xffff, v9  }
0x3c0: {  	v10 =	vld [tilespmem:$0x5E0];
	_ =	sdelay $0x4  }
0x3c1: {  	v10 =	vshll.u32 v10, $0x7  }
0x3c2: {  	v10 =	vor.u32 v7, v10;
	_ =	sdelay $0x4  }
0x3c3: {  	[tilespmem:v10+s28+$0x0] =	vst.idx.msk $0xffff, v9  }
0x3c4: {  	v10 =	vld [tilespmem:$0x5F0];
	_ =	sdelay $0x3  }
0x3c5: {  	s7 =	smin.u32 s14, $0xAC  }
0x3c6: {  	s6 =	sadd.s32 $0x18, s7;
	v10 =	vshll.u32 v10, $0x7  }
0x3c7: {  	s11 =	sshll.u32 s6, $0x7;
	s6 =	sshll.u32 s6, $0xC;
	v10 =	vor.u32 v8, v10  }
0x3c8: {  	s7 =	sand.u32 $0x200, s11;
	s6 =	sand.u32 $0x1F8000, s6  }
0x3c9: {  	s6 =	sor.u32 s6, s7  }
0x3ca: {  	s6 =	sor.u32 s5, s6  }
0x3cb: {  	s6 =	sshrl.u32 s6, $0x3  }
0x3cc: {  	s6 =	sadd.s32 s1, s6;
	[tilespmem:v10+s28+$0x0] =	vst.idx.msk $0xffff, v9  }
0x3cd: {  	[tilespmem:s18], [sflag:$0x3] =	stream.linear.gather [hbm4b:s6+s4], $0x200, $0x38;
	[tilespmem:$0x10800] =	vst v63  }
0x3ce: {  	_ =	swait.ge [sflag:s24], $0x200  }
0x3cf: {  	[sflag:s24] =	ssyncset.done $0x0  }
0x3d0: {  	[sflag:s24] =	ssyncadd.s32 $0xFFFFFE00  }
0x3d1: {  	v10 =	vld [tilespmem:$0x0];
	_ =	sdelay $0x4  }
0x3d2: {  	v10 =	vshll.u32 v10, $0x7  }
0x3d3: {  	v10 =	vor.u32 v0, v10;
	_ =	sdelay $0x4  }
0x3d4: {  	[tilespmem:v10+s20+$0x0] =	vst.idx.msk $0xffff, v1  }
0x3d5: {  	v10 =	vld [tilespmem:$0x10];
	_ =	sdelay $0x4  }
0x3d6: {  	v10 =	vshll.u32 v10, $0x7  }
0x3d7: {  	v10 =	vor.u32 v2, v10;
	_ =	sdelay $0x4  }
0x3d8: {  	[tilespmem:v10+s20+$0x0] =	vst.idx.msk $0xffff, v1  }
0x3d9: {  	v10 =	vld [tilespmem:$0x20];
	_ =	sdelay $0x4  }
0x3da: {  	v10 =	vshll.u32 v10, $0x7  }
0x3db: {  	v10 =	vor.u32 v3, v10;
	_ =	sdelay $0x4  }
0x3dc: {  	[tilespmem:v10+s20+$0x0] =	vst.idx.msk $0xffff, v1  }
0x3dd: {  	v10 =	vld [tilespmem:$0x30];
	_ =	sdelay $0x4  }
0x3de: {  	v10 =	vshll.u32 v10, $0x7  }
0x3df: {  	v10 =	vor.u32 v4, v10;
	_ =	sdelay $0x4  }
0x3e0: {  	[tilespmem:v10+s20+$0x0] =	vst.idx.msk $0xffff, v1  }
0x3e1: {  	v10 =	vld [tilespmem:$0x40];
	_ =	sdelay $0x4  }
0x3e2: {  	v10 =	vshll.u32 v10, $0x7  }
0x3e3: {  	v10 =	vor.u32 v5, v10;
	_ =	sdelay $0x4  }
0x3e4: {  	[tilespmem:v10+s20+$0x0] =	vst.idx.msk $0xffff, v1  }
0x3e5: {  	v10 =	vld [tilespmem:$0x50];
	_ =	sdelay $0x4  }
0x3e6: {  	v10 =	vshll.u32 v10, $0x7  }
0x3e7: {  	v10 =	vor.u32 v6, v10;
	_ =	sdelay $0x4  }
0x3e8: {  	[tilespmem:v10+s20+$0x0] =	vst.idx.msk $0xffff, v1  }
0x3e9: {  	v10 =	vld [tilespmem:$0x60];
	_ =	sdelay $0x4  }
0x3ea: {  	v10 =	vshll.u32 v10, $0x7  }
0x3eb: {  	v10 =	vor.u32 v7, v10;
	_ =	sdelay $0x4  }
0x3ec: {  	[tilespmem:v10+s20+$0x0] =	vst.idx.msk $0xffff, v1  }
0x3ed: {  	v10 =	vld [tilespmem:$0x70];
	_ =	sdelay $0x4  }
0x3ee: {  	v10 =	vshll.u32 v10, $0x7  }
0x3ef: {  	v10 =	vor.u32 v8, v10;
	_ =	sdelay $0x4  }
0x3f0: {  	[tilespmem:v10+s20+$0x0] =	vst.idx.msk $0xffff, v1  }
0x3f1: {  	v10 =	vld [tilespmem:$0x80];
	_ =	sdelay $0x4  }
0x3f2: {  	v10 =	vshll.u32 v10, $0x7  }
0x3f3: {  	v10 =	vor.u32 v0, v10;
	_ =	sdelay $0x4  }
0x3f4: {  	[tilespmem:v10+s25+$0x0] =	vst.idx.msk $0xffff, v1  }
0x3f5: {  	v10 =	vld [tilespmem:$0x90];
	_ =	sdelay $0x4  }
0x3f6: {  	v10 =	vshll.u32 v10, $0x7  }
0x3f7: {  	v10 =	vor.u32 v2, v10;
	_ =	sdelay $0x4  }
0x3f8: {  	[tilespmem:v10+s25+$0x0] =	vst.idx.msk $0xffff, v1  }
0x3f9: {  	v10 =	vld [tilespmem:$0xA0];
	_ =	sdelay $0x4  }
0x3fa: {  	v10 =	vshll.u32 v10, $0x7  }
0x3fb: {  	v10 =	vor.u32 v3, v10;
	_ =	sdelay $0x4  }
0x3fc: {  	[tilespmem:v10+s25+$0x0] =	vst.idx.msk $0xffff, v1  }
0x3fd: {  	v10 =	vld [tilespmem:$0xB0];
	_ =	sdelay $0x4  }
0x3fe: {  	v10 =	vshll.u32 v10, $0x7  }
0x3ff: {  	v10 =	vor.u32 v4, v10;
	_ =	sdelay $0x4  }
0x400: {  	[tilespmem:v10+s25+$0x0] =	vst.idx.msk $0xffff, v1  }
0x401: {  	v10 =	vld [tilespmem:$0xC0];
	_ =	sdelay $0x4  }
0x402: {  	v10 =	vshll.u32 v10, $0x7  }
0x403: {  	v10 =	vor.u32 v5, v10;
	_ =	sdelay $0x4  }
0x404: {  	[tilespmem:v10+s25+$0x0] =	vst.idx.msk $0xffff, v1  }
0x405: {  	v10 =	vld [tilespmem:$0xD0];
	_ =	sdelay $0x4  }
0x406: {  	v10 =	vshll.u32 v10, $0x7  }
0x407: {  	v10 =	vor.u32 v6, v10;
	_ =	sdelay $0x4  }
0x408: {  	[tilespmem:v10+s25+$0x0] =	vst.idx.msk $0xffff, v1  }
0x409: {  	v10 =	vld [tilespmem:$0xE0];
	_ =	sdelay $0x4  }
0x40a: {  	v10 =	vshll.u32 v10, $0x7  }
0x40b: {  	v10 =	vor.u32 v7, v10;
	_ =	sdelay $0x4  }
0x40c: {  	[tilespmem:v10+s25+$0x0] =	vst.idx.msk $0xffff, v1  }
0x40d: {  	v10 =	vld [tilespmem:$0xF0];
	_ =	sdelay $0x4  }
0x40e: {  	v10 =	vshll.u32 v10, $0x7  }
0x40f: {  	v10 =	vor.u32 v8, v10;
	_ =	sdelay $0x4  }
0x410: {  	[tilespmem:v10+s25+$0x0] =	vst.idx.msk $0xffff, v1  }
0x411: {  	v10 =	vld [tilespmem:$0x100];
	_ =	sdelay $0x4  }
0x412: {  	v10 =	vshll.u32 v10, $0x7  }
0x413: {  	v10 =	vor.u32 v0, v10;
	_ =	sdelay $0x4  }
0x414: {  	[tilespmem:v10+s26+$0x0] =	vst.idx.msk $0xffff, v1  }
0x415: {  	v10 =	vld [tilespmem:$0x110];
	_ =	sdelay $0x4  }
0x416: {  	v10 =	vshll.u32 v10, $0x7  }
0x417: {  	v10 =	vor.u32 v2, v10;
	_ =	sdelay $0x4  }
0x418: {  	[tilespmem:v10+s26+$0x0] =	vst.idx.msk $0xffff, v1  }
0x419: {  	v10 =	vld [tilespmem:$0x120];
	_ =	sdelay $0x4  }
0x41a: {  	v10 =	vshll.u32 v10, $0x7  }
0x41b: {  	v10 =	vor.u32 v3, v10;
	_ =	sdelay $0x4  }
0x41c: {  	[tilespmem:v10+s26+$0x0] =	vst.idx.msk $0xffff, v1  }
0x41d: {  	v10 =	vld [tilespmem:$0x130];
	_ =	sdelay $0x4  }
0x41e: {  	v10 =	vshll.u32 v10, $0x7  }
0x41f: {  	v10 =	vor.u32 v4, v10;
	_ =	sdelay $0x4  }
0x420: {  	[tilespmem:v10+s26+$0x0] =	vst.idx.msk $0xffff, v1  }
0x421: {  	v10 =	vld [tilespmem:$0x140];
	_ =	sdelay $0x4  }
0x422: {  	v10 =	vshll.u32 v10, $0x7  }
0x423: {  	v10 =	vor.u32 v5, v10;
	_ =	sdelay $0x4  }
0x424: {  	[tilespmem:v10+s26+$0x0] =	vst.idx.msk $0xffff, v1  }
0x425: {  	v10 =	vld [tilespmem:$0x150];
	_ =	sdelay $0x4  }
0x426: {  	v10 =	vshll.u32 v10, $0x7  }
0x427: {  	v10 =	vor.u32 v6, v10;
	_ =	sdelay $0x4  }
0x428: {  	[tilespmem:v10+s26+$0x0] =	vst.idx.msk $0xffff, v1  }
0x429: {  	v10 =	vld [tilespmem:$0x160];
	_ =	sdelay $0x4  }
0x42a: {  	v10 =	vshll.u32 v10, $0x7  }
0x42b: {  	v10 =	vor.u32 v7, v10;
	_ =	sdelay $0x4  }
0x42c: {  	[tilespmem:v10+s26+$0x0] =	vst.idx.msk $0xffff, v1  }
0x42d: {  	v10 =	vld [tilespmem:$0x170];
	_ =	sdelay $0x4  }
0x42e: {  	v10 =	vshll.u32 v10, $0x7  }
0x42f: {  	v10 =	vor.u32 v8, v10;
	_ =	sdelay $0x4  }
0x430: {  	[tilespmem:v10+s26+$0x0] =	vst.idx.msk $0xffff, v1  }
0x431: {  	v10 =	vld [tilespmem:$0x180];
	_ =	sdelay $0x4  }
0x432: {  	v10 =	vshll.u32 v10, $0x7  }
0x433: {  	v10 =	vor.u32 v0, v10;
	_ =	sdelay $0x4  }
0x434: {  	[tilespmem:v10+s28+$0x0] =	vst.idx.msk $0xffff, v1  }
0x435: {  	v10 =	vld [tilespmem:$0x190];
	_ =	sdelay $0x4  }
0x436: {  	v10 =	vshll.u32 v10, $0x7  }
0x437: {  	v10 =	vor.u32 v2, v10;
	_ =	sdelay $0x4  }
0x438: {  	[tilespmem:v10+s28+$0x0] =	vst.idx.msk $0xffff, v1  }
0x439: {  	v10 =	vld [tilespmem:$0x1A0];
	_ =	sdelay $0x4  }
0x43a: {  	v10 =	vshll.u32 v10, $0x7  }
0x43b: {  	v10 =	vor.u32 v3, v10;
	_ =	sdelay $0x4  }
0x43c: {  	[tilespmem:v10+s28+$0x0] =	vst.idx.msk $0xffff, v1  }
0x43d: {  	v10 =	vld [tilespmem:$0x1B0];
	_ =	sdelay $0x4  }
0x43e: {  	v10 =	vshll.u32 v10, $0x7  }
0x43f: {  	v10 =	vor.u32 v4, v10;
	_ =	sdelay $0x4  }
0x440: {  	[tilespmem:v10+s28+$0x0] =	vst.idx.msk $0xffff, v1  }
0x441: {  	v10 =	vld [tilespmem:$0x1C0];
	_ =	sdelay $0x4  }
0x442: {  	v10 =	vshll.u32 v10, $0x7  }
0x443: {  	v10 =	vor.u32 v5, v10;
	_ =	sdelay $0x4  }
0x444: {  	[tilespmem:v10+s28+$0x0] =	vst.idx.msk $0xffff, v1  }
0x445: {  	v10 =	vld [tilespmem:$0x1D0];
	_ =	sdelay $0x4  }
0x446: {  	v10 =	vshll.u32 v10, $0x7  }
0x447: {  	v10 =	vor.u32 v6, v10;
	_ =	sdelay $0x4  }
0x448: {  	[tilespmem:v10+s28+$0x0] =	vst.idx.msk $0xffff, v1  }
0x449: {  	v10 =	vld [tilespmem:$0x1E0];
	_ =	sdelay $0x4  }
0x44a: {  	v10 =	vshll.u32 v10, $0x7  }
0x44b: {  	v10 =	vor.u32 v7, v10;
	_ =	sdelay $0x4  }
0x44c: {  	[tilespmem:v10+s28+$0x0] =	vst.idx.msk $0xffff, v1  }
0x44d: {  	v10 =	vld [tilespmem:$0x1F0];
	_ =	sdelay $0x4  }
0x44e: {  	v10 =	vshll.u32 v10, $0x7  }
0x44f: {  	v10 =	vor.u32 v8, v10;
	_ =	sdelay $0x3  }
0x450: {  	s7 =	sshrl.u32 s16, $0x3  }
0x451: {  	s6 =	sadd.s32 s3, s7;
	[tilespmem:v10+s28+$0x0] =	vst.idx.msk $0xffff, v1  }
0x452: {  	[hbm4b:s6+s18] =	stream.strided.scatter [tilespmem:s20], [sflag:$0x5], $0x8000, s29, s18, $0x38;
	[tilespmem:$0x10800] =	vst v63  }
0x453: {  	_ =	swait.ge [sflag:s23], $0x8000  }
0x454: {  	[sflag:s23] =	ssyncset.done $0x0  }
0x455: {  	[sflag:s23] =	ssyncadd.s32 $0xFFFF8000  }
0x456: {  	v10 =	vld [tilespmem:$0x600];
	_ =	sdelay $0x4  }
0x457: {  	v10 =	vshll.u32 v10, $0x7  }
0x458: {  	v10 =	vor.u32 v0, v10;
	_ =	sdelay $0x4  }
0x459: {  	[tilespmem:v10+s21+$0x0] =	vst.idx.msk $0xffff, v9  }
0x45a: {  	v10 =	vld [tilespmem:$0x610];
	_ =	sdelay $0x4  }
0x45b: {  	v10 =	vshll.u32 v10, $0x7  }
0x45c: {  	v10 =	vor.u32 v2, v10;
	_ =	sdelay $0x4  }
0x45d: {  	[tilespmem:v10+s21+$0x0] =	vst.idx.msk $0xffff, v9  }
0x45e: {  	v10 =	vld [tilespmem:$0x620];
	_ =	sdelay $0x4  }
0x45f: {  	v10 =	vshll.u32 v10, $0x7  }
0x460: {  	v10 =	vor.u32 v3, v10;
	_ =	sdelay $0x4  }
0x461: {  	[tilespmem:v10+s21+$0x0] =	vst.idx.msk $0xffff, v9  }
0x462: {  	v10 =	vld [tilespmem:$0x630];
	_ =	sdelay $0x4  }
0x463: {  	v10 =	vshll.u32 v10, $0x7  }
0x464: {  	v10 =	vor.u32 v4, v10;
	_ =	sdelay $0x4  }
0x465: {  	[tilespmem:v10+s21+$0x0] =	vst.idx.msk $0xffff, v9  }
0x466: {  	v10 =	vld [tilespmem:$0x640];
	_ =	sdelay $0x4  }
0x467: {  	v10 =	vshll.u32 v10, $0x7  }
0x468: {  	v10 =	vor.u32 v5, v10;
	_ =	sdelay $0x4  }
0x469: {  	[tilespmem:v10+s21+$0x0] =	vst.idx.msk $0xffff, v9  }
0x46a: {  	v10 =	vld [tilespmem:$0x650];
	_ =	sdelay $0x4  }
0x46b: {  	v10 =	vshll.u32 v10, $0x7  }
0x46c: {  	v10 =	vor.u32 v6, v10;
	_ =	sdelay $0x4  }
0x46d: {  	[tilespmem:v10+s21+$0x0] =	vst.idx.msk $0xffff, v9  }
0x46e: {  	v10 =	vld [tilespmem:$0x660];
	_ =	sdelay $0x4  }
0x46f: {  	v10 =	vshll.u32 v10, $0x7  }
0x470: {  	v10 =	vor.u32 v7, v10;
	_ =	sdelay $0x4  }
0x471: {  	[tilespmem:v10+s21+$0x0] =	vst.idx.msk $0xffff, v9  }
0x472: {  	v10 =	vld [tilespmem:$0x670];
	_ =	sdelay $0x4  }
0x473: {  	v10 =	vshll.u32 v10, $0x7  }
0x474: {  	v10 =	vor.u32 v8, v10;
	_ =	sdelay $0x4  }
0x475: {  	[tilespmem:v10+s21+$0x0] =	vst.idx.msk $0xffff, v9  }
0x476: {  	v10 =	vld [tilespmem:$0x680];
	_ =	sdelay $0x4  }
0x477: {  	v10 =	vshll.u32 v10, $0x7  }
0x478: {  	v10 =	vor.u32 v0, v10;
	_ =	sdelay $0x4  }
0x479: {  	[tilespmem:v10+s31+$0x0] =	vst.idx.msk $0xffff, v9  }
0x47a: {  	v10 =	vld [tilespmem:$0x690];
	_ =	sdelay $0x4  }
0x47b: {  	v10 =	vshll.u32 v10, $0x7  }
0x47c: {  	v10 =	vor.u32 v2, v10;
	_ =	sdelay $0x4  }
0x47d: {  	[tilespmem:v10+s31+$0x0] =	vst.idx.msk $0xffff, v9  }
0x47e: {  	v10 =	vld [tilespmem:$0x6A0];
	_ =	sdelay $0x4  }
0x47f: {  	v10 =	vshll.u32 v10, $0x7  }
0x480: {  	v10 =	vor.u32 v3, v10;
	_ =	sdelay $0x4  }
0x481: {  	[tilespmem:v10+s31+$0x0] =	vst.idx.msk $0xffff, v9  }
0x482: {  	v10 =	vld [tilespmem:$0x6B0];
	_ =	sdelay $0x4  }
0x483: {  	v10 =	vshll.u32 v10, $0x7  }
0x484: {  	v10 =	vor.u32 v4, v10;
	_ =	sdelay $0x4  }
0x485: {  	[tilespmem:v10+s31+$0x0] =	vst.idx.msk $0xffff, v9  }
0x486: {  	v10 =	vld [tilespmem:$0x6C0];
	_ =	sdelay $0x4  }
0x487: {  	v10 =	vshll.u32 v10, $0x7  }
0x488: {  	v10 =	vor.u32 v5, v10;
	_ =	sdelay $0x4  }
0x489: {  	[tilespmem:v10+s31+$0x0] =	vst.idx.msk $0xffff, v9  }
0x48a: {  	v10 =	vld [tilespmem:$0x6D0];
	_ =	sdelay $0x4  }
0x48b: {  	v10 =	vshll.u32 v10, $0x7  }
0x48c: {  	v10 =	vor.u32 v6, v10;
	_ =	sdelay $0x4  }
0x48d: {  	[tilespmem:v10+s31+$0x0] =	vst.idx.msk $0xffff, v9  }
0x48e: {  	v10 =	vld [tilespmem:$0x6E0];
	_ =	sdelay $0x4  }
0x48f: {  	v10 =	vshll.u32 v10, $0x7  }
0x490: {  	v10 =	vor.u32 v7, v10;
	_ =	sdelay $0x4  }
0x491: {  	[tilespmem:v10+s31+$0x0] =	vst.idx.msk $0xffff, v9  }
0x492: {  	v10 =	vld [tilespmem:$0x6F0];
	_ =	sdelay $0x4  }
0x493: {  	v10 =	vshll.u32 v10, $0x7  }
0x494: {  	v10 =	vor.u32 v8, v10;
	_ =	sdelay $0x4  }
0x495: {  	[tilespmem:v10+s31+$0x0] =	vst.idx.msk $0xffff, v9  }
0x496: {  	v10 =	vld [tilespmem:$0x700];
	_ =	sdelay $0x4  }
0x497: {  	v10 =	vshll.u32 v10, $0x7  }
0x498: {  	v10 =	vor.u32 v0, v10;
	_ =	sdelay $0x4  }
0x499: {  	[tilespmem:v10+s0+$0x0] =	vst.idx.msk $0xffff, v9  }
0x49a: {  	v10 =	vld [tilespmem:$0x710];
	_ =	sdelay $0x4  }
0x49b: {  	v10 =	vshll.u32 v10, $0x7  }
0x49c: {  	v10 =	vor.u32 v2, v10;
	_ =	sdelay $0x4  }
0x49d: {  	[tilespmem:v10+s0+$0x0] =	vst.idx.msk $0xffff, v9  }
0x49e: {  	v10 =	vld [tilespmem:$0x720];
	_ =	sdelay $0x4  }
0x49f: {  	v10 =	vshll.u32 v10, $0x7  }
0x4a0: {  	v10 =	vor.u32 v3, v10;
	_ =	sdelay $0x4  }
0x4a1: {  	[tilespmem:v10+s0+$0x0] =	vst.idx.msk $0xffff, v9  }
0x4a2: {  	v10 =	vld [tilespmem:$0x730];
	_ =	sdelay $0x4  }
0x4a3: {  	v10 =	vshll.u32 v10, $0x7  }
0x4a4: {  	v10 =	vor.u32 v4, v10;
	_ =	sdelay $0x4  }
0x4a5: {  	[tilespmem:v10+s0+$0x0] =	vst.idx.msk $0xffff, v9  }
0x4a6: {  	v10 =	vld [tilespmem:$0x740];
	_ =	sdelay $0x4  }
0x4a7: {  	v10 =	vshll.u32 v10, $0x7  }
0x4a8: {  	v10 =	vor.u32 v5, v10;
	_ =	sdelay $0x4  }
0x4a9: {  	[tilespmem:v10+s0+$0x0] =	vst.idx.msk $0xffff, v9  }
0x4aa: {  	v10 =	vld [tilespmem:$0x750];
	_ =	sdelay $0x4  }
0x4ab: {  	v10 =	vshll.u32 v10, $0x7  }
0x4ac: {  	v10 =	vor.u32 v6, v10;
	_ =	sdelay $0x4  }
0x4ad: {  	[tilespmem:v10+s0+$0x0] =	vst.idx.msk $0xffff, v9  }
0x4ae: {  	v10 =	vld [tilespmem:$0x760];
	_ =	sdelay $0x4  }
0x4af: {  	v10 =	vshll.u32 v10, $0x7  }
0x4b0: {  	v10 =	vor.u32 v7, v10;
	_ =	sdelay $0x4  }
0x4b1: {  	[tilespmem:v10+s0+$0x0] =	vst.idx.msk $0xffff, v9  }
0x4b2: {  	v10 =	vld [tilespmem:$0x770];
	_ =	sdelay $0x4  }
0x4b3: {  	v10 =	vshll.u32 v10, $0x7  }
0x4b4: {  	v10 =	vor.u32 v8, v10;
	_ =	sdelay $0x4  }
0x4b5: {  	[tilespmem:v10+s0+$0x0] =	vst.idx.msk $0xffff, v9  }
0x4b6: {  	v10 =	vld [tilespmem:$0x780];
	_ =	sdelay $0x4  }
0x4b7: {  	v10 =	vshll.u32 v10, $0x7  }
0x4b8: {  	v10 =	vor.u32 v0, v10;
	_ =	sdelay $0x4  }
0x4b9: {  	[tilespmem:v10+s2+$0x0] =	vst.idx.msk $0xffff, v9  }
0x4ba: {  	v10 =	vld [tilespmem:$0x790];
	_ =	sdelay $0x4  }
0x4bb: {  	v10 =	vshll.u32 v10, $0x7  }
0x4bc: {  	v10 =	vor.u32 v2, v10;
	_ =	sdelay $0x4  }
0x4bd: {  	[tilespmem:v10+s2+$0x0] =	vst.idx.msk $0xffff, v9  }
0x4be: {  	v10 =	vld [tilespmem:$0x7A0];
	_ =	sdelay $0x4  }
0x4bf: {  	v10 =	vshll.u32 v10, $0x7  }
0x4c0: {  	v10 =	vor.u32 v3, v10;
	_ =	sdelay $0x4  }
0x4c1: {  	[tilespmem:v10+s2+$0x0] =	vst.idx.msk $0xffff, v9  }
0x4c2: {  	v10 =	vld [tilespmem:$0x7B0];
	_ =	sdelay $0x4  }
0x4c3: {  	v10 =	vshll.u32 v10, $0x7  }
0x4c4: {  	v10 =	vor.u32 v4, v10;
	_ =	sdelay $0x4  }
0x4c5: {  	[tilespmem:v10+s2+$0x0] =	vst.idx.msk $0xffff, v9  }
0x4c6: {  	v10 =	vld [tilespmem:$0x7C0];
	_ =	sdelay $0x4  }
0x4c7: {  	v10 =	vshll.u32 v10, $0x7  }
0x4c8: {  	v10 =	vor.u32 v5, v10;
	_ =	sdelay $0x4  }
0x4c9: {  	[tilespmem:v10+s2+$0x0] =	vst.idx.msk $0xffff, v9  }
0x4ca: {  	v10 =	vld [tilespmem:$0x7D0];
	_ =	sdelay $0x4  }
0x4cb: {  	v10 =	vshll.u32 v10, $0x7  }
0x4cc: {  	v10 =	vor.u32 v6, v10;
	_ =	sdelay $0x4  }
0x4cd: {  	[tilespmem:v10+s2+$0x0] =	vst.idx.msk $0xffff, v9  }
0x4ce: {  	v10 =	vld [tilespmem:$0x7E0];
	_ =	sdelay $0x4  }
0x4cf: {  	v10 =	vshll.u32 v10, $0x7  }
0x4d0: {  	v10 =	vor.u32 v7, v10;
	_ =	sdelay $0x4  }
0x4d1: {  	[tilespmem:v10+s2+$0x0] =	vst.idx.msk $0xffff, v9  }
0x4d2: {  	v10 =	vld [tilespmem:$0x7F0];
	_ =	sdelay $0x4  }
0x4d3: {  	v10 =	vshll.u32 v10, $0x7  }
0x4d4: {  	v10 =	vor.u32 v8, v10  }
0x4d5: {  	s11 =	smin.u32 s14, $0xA8  }
0x4d6: {  	s7 =	sshll.u32 s11, $0xC;
	s6 =	rddreg [dreg:$0x4]  }
0x4d7: {  	s6 =	sadd.s32 s6, s7  }
0x4d8: {  	s6 =	sshrl.u32 s6, $0x3  }
0x4d9: {  	s6 =	sadd.s32 s6, s8;
	[tilespmem:v10+s2+$0x0] =	vst.idx.msk $0xffff, v9  }
0x4da: {  	[tilespmem:s19], [sflag:$0x4] =	stream.linear.gather [hbm4b:s6+s4], $0x200, $0x38;
	[tilespmem:$0x10800] =	vst v63  }
0x4db: {  	_ =	swait.ge [sflag:s30], $0x200  }
0x4dc: {  	[sflag:s30] =	ssyncset.done $0x0  }
0x4dd: {  	[sflag:s30] =	ssyncadd.s32 $0xFFFFFE00  }
0x4de: {  	v10 =	vld [tilespmem:$0x200];
	_ =	sdelay $0x4  }
0x4df: {  	v10 =	vshll.u32 v10, $0x7  }
0x4e0: {  	v10 =	vor.u32 v0, v10;
	_ =	sdelay $0x4  }
0x4e1: {  	[tilespmem:v10+s21+$0x0] =	vst.idx.msk $0xffff, v1  }
0x4e2: {  	v10 =	vld [tilespmem:$0x210];
	_ =	sdelay $0x4  }
0x4e3: {  	v10 =	vshll.u32 v10, $0x7  }
0x4e4: {  	v10 =	vor.u32 v2, v10;
	_ =	sdelay $0x4  }
0x4e5: {  	[tilespmem:v10+s21+$0x0] =	vst.idx.msk $0xffff, v1  }
0x4e6: {  	v10 =	vld [tilespmem:$0x220];
	_ =	sdelay $0x4  }
0x4e7: {  	v10 =	vshll.u32 v10, $0x7  }
0x4e8: {  	v10 =	vor.u32 v3, v10;
	_ =	sdelay $0x4  }
0x4e9: {  	[tilespmem:v10+s21+$0x0] =	vst.idx.msk $0xffff, v1  }
0x4ea: {  	v10 =	vld [tilespmem:$0x230];
	_ =	sdelay $0x4  }
0x4eb: {  	v10 =	vshll.u32 v10, $0x7  }
0x4ec: {  	v10 =	vor.u32 v4, v10;
	_ =	sdelay $0x4  }
0x4ed: {  	[tilespmem:v10+s21+$0x0] =	vst.idx.msk $0xffff, v1  }
0x4ee: {  	v10 =	vld [tilespmem:$0x240];
	_ =	sdelay $0x4  }
0x4ef: {  	v10 =	vshll.u32 v10, $0x7  }
0x4f0: {  	v10 =	vor.u32 v5, v10;
	_ =	sdelay $0x4  }
0x4f1: {  	[tilespmem:v10+s21+$0x0] =	vst.idx.msk $0xffff, v1  }
0x4f2: {  	v10 =	vld [tilespmem:$0x250];
	_ =	sdelay $0x4  }
0x4f3: {  	v10 =	vshll.u32 v10, $0x7  }
0x4f4: {  	v10 =	vor.u32 v6, v10;
	_ =	sdelay $0x4  }
0x4f5: {  	[tilespmem:v10+s21+$0x0] =	vst.idx.msk $0xffff, v1  }
0x4f6: {  	v10 =	vld [tilespmem:$0x260];
	_ =	sdelay $0x4  }
0x4f7: {  	v10 =	vshll.u32 v10, $0x7  }
0x4f8: {  	v10 =	vor.u32 v7, v10;
	_ =	sdelay $0x4  }
0x4f9: {  	[tilespmem:v10+s21+$0x0] =	vst.idx.msk $0xffff, v1  }
0x4fa: {  	v10 =	vld [tilespmem:$0x270];
	_ =	sdelay $0x4  }
0x4fb: {  	v10 =	vshll.u32 v10, $0x7  }
0x4fc: {  	v10 =	vor.u32 v8, v10;
	_ =	sdelay $0x4  }
0x4fd: {  	[tilespmem:v10+s21+$0x0] =	vst.idx.msk $0xffff, v1  }
0x4fe: {  	v10 =	vld [tilespmem:$0x280];
	_ =	sdelay $0x4  }
0x4ff: {  	v10 =	vshll.u32 v10, $0x7  }
0x500: {  	v10 =	vor.u32 v0, v10;
	_ =	sdelay $0x4  }
0x501: {  	[tilespmem:v10+s31+$0x0] =	vst.idx.msk $0xffff, v1  }
0x502: {  	v10 =	vld [tilespmem:$0x290];
	_ =	sdelay $0x4  }
0x503: {  	v10 =	vshll.u32 v10, $0x7  }
0x504: {  	v10 =	vor.u32 v2, v10;
	_ =	sdelay $0x4  }
0x505: {  	[tilespmem:v10+s31+$0x0] =	vst.idx.msk $0xffff, v1  }
0x506: {  	v10 =	vld [tilespmem:$0x2A0];
	_ =	sdelay $0x4  }
0x507: {  	v10 =	vshll.u32 v10, $0x7  }
0x508: {  	v10 =	vor.u32 v3, v10;
	_ =	sdelay $0x4  }
0x509: {  	[tilespmem:v10+s31+$0x0] =	vst.idx.msk $0xffff, v1  }
0x50a: {  	v10 =	vld [tilespmem:$0x2B0];
	_ =	sdelay $0x4  }
0x50b: {  	v10 =	vshll.u32 v10, $0x7  }
0x50c: {  	v10 =	vor.u32 v4, v10;
	_ =	sdelay $0x4  }
0x50d: {  	[tilespmem:v10+s31+$0x0] =	vst.idx.msk $0xffff, v1  }
0x50e: {  	v10 =	vld [tilespmem:$0x2C0];
	_ =	sdelay $0x4  }
0x50f: {  	v10 =	vshll.u32 v10, $0x7  }
0x510: {  	v10 =	vor.u32 v5, v10;
	_ =	sdelay $0x4  }
0x511: {  	[tilespmem:v10+s31+$0x0] =	vst.idx.msk $0xffff, v1  }
0x512: {  	v10 =	vld [tilespmem:$0x2D0];
	_ =	sdelay $0x4  }
0x513: {  	v10 =	vshll.u32 v10, $0x7  }
0x514: {  	v10 =	vor.u32 v6, v10;
	_ =	sdelay $0x4  }
0x515: {  	[tilespmem:v10+s31+$0x0] =	vst.idx.msk $0xffff, v1  }
0x516: {  	v10 =	vld [tilespmem:$0x2E0];
	_ =	sdelay $0x4  }
0x517: {  	v10 =	vshll.u32 v10, $0x7  }
0x518: {  	v10 =	vor.u32 v7, v10;
	_ =	sdelay $0x4  }
0x519: {  	[tilespmem:v10+s31+$0x0] =	vst.idx.msk $0xffff, v1  }
0x51a: {  	v10 =	vld [tilespmem:$0x2F0];
	_ =	sdelay $0x4  }
0x51b: {  	v10 =	vshll.u32 v10, $0x7  }
0x51c: {  	v10 =	vor.u32 v8, v10;
	_ =	sdelay $0x4  }
0x51d: {  	[tilespmem:v10+s31+$0x0] =	vst.idx.msk $0xffff, v1  }
0x51e: {  	v10 =	vld [tilespmem:$0x300];
	_ =	sdelay $0x4  }
0x51f: {  	v10 =	vshll.u32 v10, $0x7  }
0x520: {  	v10 =	vor.u32 v0, v10;
	_ =	sdelay $0x4  }
0x521: {  	[tilespmem:v10+s0+$0x0] =	vst.idx.msk $0xffff, v1  }
0x522: {  	v10 =	vld [tilespmem:$0x310];
	_ =	sdelay $0x4  }
0x523: {  	v10 =	vshll.u32 v10, $0x7  }
0x524: {  	v10 =	vor.u32 v2, v10;
	_ =	sdelay $0x4  }
0x525: {  	[tilespmem:v10+s0+$0x0] =	vst.idx.msk $0xffff, v1  }
0x526: {  	v10 =	vld [tilespmem:$0x320];
	_ =	sdelay $0x4  }
0x527: {  	v10 =	vshll.u32 v10, $0x7  }
0x528: {  	v10 =	vor.u32 v3, v10;
	_ =	sdelay $0x4  }
0x529: {  	[tilespmem:v10+s0+$0x0] =	vst.idx.msk $0xffff, v1  }
0x52a: {  	v10 =	vld [tilespmem:$0x330];
	_ =	sdelay $0x4  }
0x52b: {  	v10 =	vshll.u32 v10, $0x7  }
0x52c: {  	v10 =	vor.u32 v4, v10;
	_ =	sdelay $0x4  }
0x52d: {  	[tilespmem:v10+s0+$0x0] =	vst.idx.msk $0xffff, v1  }
0x52e: {  	v10 =	vld [tilespmem:$0x340];
	_ =	sdelay $0x4  }
0x52f: {  	v10 =	vshll.u32 v10, $0x7  }
0x530: {  	v10 =	vor.u32 v5, v10;
	_ =	sdelay $0x4  }
0x531: {  	[tilespmem:v10+s0+$0x0] =	vst.idx.msk $0xffff, v1  }
0x532: {  	v10 =	vld [tilespmem:$0x350];
	_ =	sdelay $0x4  }
0x533: {  	v10 =	vshll.u32 v10, $0x7  }
0x534: {  	v10 =	vor.u32 v6, v10;
	_ =	sdelay $0x4  }
0x535: {  	[tilespmem:v10+s0+$0x0] =	vst.idx.msk $0xffff, v1  }
0x536: {  	v10 =	vld [tilespmem:$0x360];
	_ =	sdelay $0x4  }
0x537: {  	v10 =	vshll.u32 v10, $0x7  }
0x538: {  	v10 =	vor.u32 v7, v10;
	_ =	sdelay $0x4  }
0x539: {  	[tilespmem:v10+s0+$0x0] =	vst.idx.msk $0xffff, v1  }
0x53a: {  	v10 =	vld [tilespmem:$0x370];
	_ =	sdelay $0x4  }
0x53b: {  	v10 =	vshll.u32 v10, $0x7  }
0x53c: {  	v10 =	vor.u32 v8, v10;
	_ =	sdelay $0x4  }
0x53d: {  	[tilespmem:v10+s0+$0x0] =	vst.idx.msk $0xffff, v1  }
0x53e: {  	v10 =	vld [tilespmem:$0x380];
	_ =	sdelay $0x4  }
0x53f: {  	v10 =	vshll.u32 v10, $0x7  }
0x540: {  	v10 =	vor.u32 v0, v10;
	_ =	sdelay $0x4  }
0x541: {  	[tilespmem:v10+s2+$0x0] =	vst.idx.msk $0xffff, v1  }
0x542: {  	v10 =	vld [tilespmem:$0x390];
	_ =	sdelay $0x4  }
0x543: {  	v10 =	vshll.u32 v10, $0x7  }
0x544: {  	v10 =	vor.u32 v2, v10;
	_ =	sdelay $0x4  }
0x545: {  	[tilespmem:v10+s2+$0x0] =	vst.idx.msk $0xffff, v1  }
0x546: {  	v10 =	vld [tilespmem:$0x3A0];
	_ =	sdelay $0x4  }
0x547: {  	v10 =	vshll.u32 v10, $0x7  }
0x548: {  	v10 =	vor.u32 v3, v10;
	_ =	sdelay $0x4  }
0x549: {  	[tilespmem:v10+s2+$0x0] =	vst.idx.msk $0xffff, v1  }
0x54a: {  	v10 =	vld [tilespmem:$0x3B0];
	_ =	sdelay $0x4  }
0x54b: {  	v10 =	vshll.u32 v10, $0x7  }
0x54c: {  	v10 =	vor.u32 v4, v10;
	_ =	sdelay $0x4  }
0x54d: {  	[tilespmem:v10+s2+$0x0] =	vst.idx.msk $0xffff, v1  }
0x54e: {  	v10 =	vld [tilespmem:$0x3C0];
	_ =	sdelay $0x4  }
0x54f: {  	v10 =	vshll.u32 v10, $0x7  }
0x550: {  	v10 =	vor.u32 v5, v10;
	_ =	sdelay $0x4  }
0x551: {  	[tilespmem:v10+s2+$0x0] =	vst.idx.msk $0xffff, v1  }
0x552: {  	v10 =	vld [tilespmem:$0x3D0];
	_ =	sdelay $0x4  }
0x553: {  	v10 =	vshll.u32 v10, $0x7  }
0x554: {  	v10 =	vor.u32 v6, v10;
	_ =	sdelay $0x4  }
0x555: {  	[tilespmem:v10+s2+$0x0] =	vst.idx.msk $0xffff, v1  }
0x556: {  	v10 =	vld [tilespmem:$0x3E0];
	_ =	sdelay $0x4  }
0x557: {  	v10 =	vshll.u32 v10, $0x7  }
0x558: {  	v10 =	vor.u32 v7, v10;
	_ =	sdelay $0x4  }
0x559: {  	[tilespmem:v10+s2+$0x0] =	vst.idx.msk $0xffff, v1  }
0x55a: {  	v10 =	vld [tilespmem:$0x3F0];
	_ =	sdelay $0x4  }
0x55b: {  	v10 =	vshll.u32 v10, $0x7  }
0x55c: {  	v10 =	vor.u32 v8, v10  }
0x55d: {  	p0 =	sne.s32 s13, $0x580000  }
.Ltmp0:
0x55e: {  	_ = 	snop;
	(pc) =	sbr.rel @p0 .LBB2_2-.Ltmp0, $4  }
0x55f: {  	_ = 	snop  }
0x560: {  	s15 =	sadd.s32 $0x10000, s15;
	s14 =	sadd.s32 $0x10, s14;
	s11 =	rddreg [dreg:$0x5]  }
0x561: {  	s16 =	sadd.s32 $0x400000, s16;
	s6 =	sadd.s32 s13, s11;
	s13 =	sadd.s32 $0x80000, s13;
	[tilespmem:v10+s2+$0x0] =	vst.idx.msk $0xffff, v1  }
0x562: {  	[hbm4b:s6+s18] =	stream.strided.scatter [tilespmem:s21], [sflag:$0x6], $0x8000, s29, s18, $0x38;
	[tilespmem:$0x10800] =	vst v63  }
0x563: {  	_ =	swait.ge [sflag:s22], $0x8000  }
0x564: {  	[sflag:s22] =	ssyncset.done $0x0  }
0x565: {  	[sflag:s22] =	ssyncadd.s32 $0xFFFF8000  }
0x566: {  	_ =	swait.ge [sflag:s23], $0x8000  }
0x567: {  	[sflag:s23] =	ssyncset.done $0x0  }
0x568: {  	[sflag:s23] =	ssyncadd.s32 $0xFFFF8000  }
0x569: {  	_ =	swait.ge [sflag:s9], $0x200  }
0x56a: {  	[sflag:s9] =	ssyncset.done $0x0  }
0x56b: {  	[sflag:s9] =	ssyncadd.s32 $0xFFFFFE00  }
0x56c: {  	_ =	swait.ge [sflag:s10], $0x200  }
0x56d: {  	s7 =	rddreg [dreg:$0xf]  }
0x56e: {  	s6 =	rddreg [dreg:$0xc];
	s7 =	sadd.s32 $0x1, s7  }
0x56f: {  	p0 =	sne.s32 s7, s6  }
.Ltmp1:
0x570: {  	_ = 	snop;
	(pc) =	sbr.rel @p0 .LBB2_1-.Ltmp1, $3  }
0x571: {  	_ =	sdelay $0x1  }
0x572: {  	[sflag:s10] =	ssyncset.done $0x0  }
0x573: {  	[sflag:s10] =	ssyncadd.s32 $0xFFFFFE00  }
0x574: {  	_ =	sfence.sel $0x180000  }
0x575: {  	[bflag:$0x0] =	sbarrier.arrive $0xFFFF  }
0x576: {  	_ =	strace $0x90000047  }
0x577: {  	s0 =	stileid.u32;
	[bflag:$0x2] =	sbarrier.arrive $0xFFFF  }
0x578: {  	p0 =	sne.s32 s0, $0x0;
	s0 =	rddreg [dreg:$0x3]  }
0x579: {  	s0 =	sadd.s32 @!p0 $0x100000, s0  }
0x57a: {  	[sflag:s0] =	ssyncadd.tile.s32 @!p0 $0x1;
	_ =	shalt  }
.Lfunc_end2:
_tile_overlayer_lowered:
.L_overlay_start_2:
0x57b: {  	(tag) =	ssettag $0x2  }
0x57c: {  	s0 =	rddreg [dreg:$0x0];
	s2 =	stileid.u32  }
0x57d: {  	s1 =	rddreg [dreg:$0x1];
	p0 =	sne.s32 s2, $0x0  }
0x57e: {  	s3 =	rddreg [dreg:$0x2];
	[bflag:$0x3] =	sbarrier.arrive $0xFFFF;
	s2 =	simm.s32 @!p0 $0x1C07  }
0x57f: {  	[timem:s3], [sflag:s2] =	dma.local @!p0 [hbm:s0], s1  }
0x580: {  	s0 =	simm.s32 @!p0 $0x7  }
0x581: {  	_ =	swait.ge @!p0 [sflag:s0], s1  }
0x582: {  	s1 =	ssub.s32 @!p0 $0x0, s1;
	[sflag:s0] =	ssyncset.done @!p0 $0x0  }
0x583: {  	[sflag:s0] =	ssyncadd.s32 @!p0 s1  }
0x584: {  	[bflag:$0x3] =	sbarrier.arrive $0xFFFF  }
0x585: {  	_ =	shalt  }

</sc_bundles>
